<compile_context>
chip_gen: v7x
topology: tpu7x:2x2x1
jax: 0.10.2.dev20260603
libtpu: 0.0.44.dev20260713+nightly
codegen_flags: <defaults>
</compile_context>

<pallas_src>
import functools

import jax
import jax.numpy as jnp
from jax import lax
from jax.experimental import pallas as pl
from jax.experimental.pallas import tpu as pltpu
from jax.experimental.pallas import tpu_sc as plsc

N = 10000
E = 320000
G = 64
NPAD = 10240
LANE = 128
EPAD = 327680
CHUNKS = EPAD // LANE
ROWS_PER_TILE = NPAD // 16
BLK = 2048

f32 = jnp.float32
i32 = jnp.int32


def _zero_block(ref):
    def body(r, _):
        for k in range(8):
            ref[r, pl.ds(k * 16, 16)] = jnp.zeros((16,), f32)
        return 0
    lax.fori_loop(0, 128, body, 0)


def _deg_body(edges, degp, dstv, onesv, drainv, degsh):
    c = lax.axis_index("c")
    s = lax.axis_index("s")
    w = c * 16 + s
    nch = EPAD // 32 // LANE

    def init(k, _):
        drainv[pl.ds(k * 16, 16)] = jnp.zeros((16,), f32)
        return 0
    lax.fori_loop(0, ROWS_PER_TILE // 16, init, 0)
    for k in range(LANE // 16):
        onesv[pl.ds(k * 16, 16)] = jnp.ones((16,), f32)
    pltpu.sync_copy(drainv, degsh.at[pl.ds(s * ROWS_PER_TILE, ROWS_PER_TILE)])
    plsc.subcore_barrier()

    pltpu.sync_copy(edges.at[1, pl.ds(w * nch, nch)], dstv)

    def body(j, _):
        pltpu.sync_copy(onesv, degsh.at[dstv.at[j]], add=True)
        return 0
    lax.fori_loop(0, nch, body, 0)
    plsc.subcore_barrier()

    pltpu.sync_copy(degsh.at[pl.ds(s * ROWS_PER_TILE, ROWS_PER_TILE)], drainv)
    pltpu.sync_copy(
        drainv, degp.at[pl.ds(c * NPAD + s * ROWS_PER_TILE, ROWS_PER_TILE)])


STAGE = 40


def _mp_loop(copy_stage, table, srcv, dstv, rbuf, accsh, gs0, gs1, ss0, ss1,
             nstages):
    npairs = STAGE // 2

    def stage_body(st, _):
        copy_stage(st)
        pltpu.async_copy(table.at[srcv.at[0]], rbuf.at[0], gs0)
        pltpu.async_copy(table.at[srcv.at[1]], rbuf.at[1], gs1)

        def pair(j2, _):
            j0 = j2 * 2
            j1 = j0 + 1
            pltpu.make_async_copy(table.at[srcv.at[j0]], rbuf.at[0],
                                  gs0).wait()
            pltpu.async_copy(rbuf.at[0], accsh.at[dstv.at[j0]], ss0,
                             add=True)
            pltpu.make_async_copy(table.at[srcv.at[j1]], rbuf.at[1],
                                  gs1).wait()
            pltpu.async_copy(rbuf.at[1], accsh.at[dstv.at[j1]], ss1,
                             add=True)

            @pl.when(j2 < npairs - 1)
            def _():
                pltpu.make_async_copy(rbuf.at[0], accsh.at[dstv.at[j0]],
                                      ss0).wait()
                pltpu.async_copy(table.at[srcv.at[j0 + 2]], rbuf.at[0], gs0)
                pltpu.make_async_copy(rbuf.at[1], accsh.at[dstv.at[j1]],
                                      ss1).wait()
                pltpu.async_copy(table.at[srcv.at[j1 + 2]], rbuf.at[1], gs1)
            return 0
        lax.fori_loop(0, npairs, pair, 0)
        pltpu.make_async_copy(rbuf.at[0], accsh.at[dstv.at[0]], ss0).wait()
        pltpu.make_async_copy(rbuf.at[1], accsh.at[dstv.at[1]], ss1).wait()
        return 0
    lax.fori_loop(0, nstages, stage_body, 0)


def _mp_prologue(rbuf, accsh, sem, s):
    _zero_block(rbuf.at[0])
    nq = ROWS_PER_TILE // LANE
    descs = []
    for q in range(nq):
        descs.append(pltpu.async_copy(
            rbuf.at[0], accsh.at[pl.ds(s * ROWS_PER_TILE + q * LANE, LANE)],
            sem))
    for d in descs:
        d.wait()
    plsc.subcore_barrier()


def _mp_drain(rbuf, accsh, out, c, s, sem0, sem1):
    plsc.subcore_barrier()
    sems = (sem0, sem1)
    nq = ROWS_PER_TILE // LANE
    descs = [None, None]
    for q in range(nq):
        b = q % 2
        rows = pl.ds(s * ROWS_PER_TILE + q * LANE, LANE)
        if descs[b] is not None:
            descs[b].wait()
        pltpu.sync_copy(accsh.at[rows], rbuf.at[b])
        descs[b] = pltpu.async_copy(rbuf.at[b], out.at[c, rows], sems[b])
    for d in descs:
        if d is not None:
            d.wait()


def _make_mp_body(nch, per_core_edges):
    def body(edges, src_hi, table, acc, srcv, dstv, rbuf, accsh, gs0, gs1,
             ss0, ss1):
        c = lax.axis_index("c")
        s = lax.axis_index("s")
        base = ((c * 16 + s) if per_core_edges else s) * nch
        _mp_prologue(rbuf, accsh, gs0, s)

        def copy_stage(st):
            rows = pl.ds(base + st * STAGE, STAGE)

            @pl.when(c == 0)
            def _():
                pltpu.sync_copy(edges.at[0, rows], srcv)

            @pl.when(c == 1)
            def _():
                pltpu.sync_copy(src_hi.at[rows], srcv)

            pltpu.sync_copy(edges.at[1, rows], dstv)

        _mp_loop(copy_stage, table, srcv, dstv, rbuf, accsh, gs0, gs1,
                 ss0, ss1, nch // STAGE)
        _mp_drain(rbuf, accsh, acc, c, s, gs0, gs1)
    return body


_mp1_body = _make_mp_body(EPAD // 32 // LANE, True)
_mp2_body = _make_mp_body(EPAD // 16 // LANE, False)


def _pool_body(h2, bnds, gout, bndv, cbuf, maccv):
    c = lax.axis_index("c")
    s = lax.axis_index("s")
    t = c * 16 + s
    g0 = t * 2
    pltpu.sync_copy(bnds, bndv)
    bvec = bndv[0, pl.ds(g0, 16)]
    c0, c1, c2 = bvec[0], bvec[1], bvec[2]

    for gi in range(2):
        start = c0 if gi == 0 else c1
        end = c1 if gi == 0 else c2
        minit = tuple(jnp.full((16,), -jnp.inf, f32) for _ in range(16))
        nchunks = (end - start + 63) // 64

        def chunk_body(ch, m):
            pos = start + ch * 64
            cstart = jnp.minimum((pos // 8) * 8, N - 72)
            off = pos - cstart
            pltpu.sync_copy(h2.at[pl.ds(cstart, 72)], cbuf)
            nv = jnp.minimum(64, end - pos)

            def row_body(r, m):
                row = off + r
                return tuple(
                    jnp.maximum(m[cc], cbuf[row, pl.ds(cc * 16, 16)])
                    for cc in range(16))
            return lax.fori_loop(0, nv, row_body, m)

        m = lax.fori_loop(0, nchunks, chunk_body, minit)
        for cc in range(16):
            maccv[pl.ds(cc * 16, 16)] = m[cc]
        pltpu.sync_copy(maccv, gout.at[pl.ds((g0 + gi) * 256, 256)])


@functools.cache
def _sc_kernels():
    mesh = plsc.VectorSubcoreMesh(core_axis_name="c", subcore_axis_name="s")
    deg = pl.kernel(
        _deg_body,
        out_type=jax.ShapeDtypeStruct((2 * NPAD,), f32),
        scratch_types=[
            pltpu.VMEM((EPAD // 32 // LANE, LANE), i32),
            pltpu.VMEM((LANE,), f32),
            pltpu.VMEM((ROWS_PER_TILE,), f32),
            pltpu.VMEM_SHARED((NPAD,), f32),
        ],
        mesh=mesh,
    )
    mp_scratch = [
        pltpu.VMEM((STAGE, LANE), i32),
        pltpu.VMEM((STAGE, LANE), i32),
        pltpu.VMEM((2, LANE, 128), f32),
        pltpu.VMEM_SHARED((NPAD, 128), f32),
        pltpu.SemaphoreType.DMA,
        pltpu.SemaphoreType.DMA,
        pltpu.SemaphoreType.DMA,
        pltpu.SemaphoreType.DMA,
    ]
    mp1 = pl.kernel(
        _mp1_body,
        out_type=jax.ShapeDtypeStruct((2, NPAD, 128), f32),
        scratch_types=list(mp_scratch),
        mesh=mesh,
    )
    mp2 = pl.kernel(
        _mp2_body,
        out_type=jax.ShapeDtypeStruct((2, NPAD, 128), f32),
        scratch_types=list(mp_scratch),
        mesh=mesh,
    )
    pool = pl.kernel(
        _pool_body,
        out_type=jax.ShapeDtypeStruct((G * 256,), f32),
        scratch_types=[
            pltpu.VMEM((1, 128), i32),
            pltpu.VMEM((72, 256), f32),
            pltpu.VMEM((256,), f32),
        ],
        mesh=mesh,
    )
    return deg, mp1, mp2, pool


def _tc1_body(x_ref, w_ref, deg_ref, batch_ref, hs_ref, dinv_ref, bnd_ref):
    d = deg_ref[0, :] + deg_ref[1, :] + 1.0
    dinv = lax.rsqrt(d)
    dinv_ref[0, :] = dinv
    h = jnp.dot(x_ref[...], w_ref[...], preferred_element_type=f32)
    hs_ref[0] = h * dinv[:, None]

    @pl.when(pl.program_id(0) == 0)
    def _():
        b = batch_ref[0, :][:, None]
        gids = lax.broadcasted_iota(i32, (1, 128), 1)
        bnd_ref[...] = jnp.sum((b < gids).astype(i32), axis=0, keepdims=True)


def _tc2_body(acc_ref, hs1_ref, dinv_ref, b1_ref, w2_ref, out_ref):
    dinv = dinv_ref[0, :]
    z = dinv[:, None] * (acc_ref[0] + acc_ref[1] + hs1_ref[0])
    z = jnp.maximum(z + b1_ref[0, :][None, :], 0.0)
    h = jnp.dot(z, w2_ref[...], preferred_element_type=f32) * dinv[:, None]
    out_ref[0] = h[:, :128]
    out_ref[1] = h[:, 128:]


def _tc3_body(acc_ref, hs2_ref, dinv_ref, b2_ref, out_ref):
    dinv = dinv_ref[0, :]
    for half in range(2):
        v = dinv[:, None] * (acc_ref[half] + hs2_ref[half])
        v = jnp.maximum(v + b2_ref[half, :][None, :], 0.0)
        out_ref[:, half * 128:(half + 1) * 128] = v


def _tc4_body(g_ref, w1_ref, b1_ref, w2_ref, b2_ref, out_ref):
    t = jnp.dot(g_ref[...], w1_ref[...], preferred_element_type=f32)
    t = t + b1_ref[0, :][None, :]
    o = jnp.dot(t, w2_ref[...], preferred_element_type=f32)
    out_ref[...] = o + b2_ref[0, :][None, :]


def kernel(x, edge_index, batch, W1, b1, W2, b2, fc1_W, fc1_b, fc2_W, fc2_b):
    pad = EPAD - E
    src = jnp.concatenate(
        [edge_index[0], jnp.arange(pad, dtype=i32) % N])
    dst = jnp.concatenate(
        [edge_index[1], N + (jnp.arange(pad, dtype=i32) % (NPAD - N))])
    edges = jnp.stack([src, dst]).reshape(2, CHUNKS, LANE)
    src_hi = (src + N).reshape(CHUNKS, LANE)

    _deg_kernel, _mp1_kernel, _mp2_kernel, _pool_kernel = _sc_kernels()
    degp = _deg_kernel(edges).reshape(2, NPAD)

    batch_pad = jnp.concatenate(
        [batch, jnp.full((NPAD - N,), G, i32)]).reshape(1, NPAD)

    grid = NPAD // BLK
    hs1, dinv, bnds = pl.pallas_call(
        _tc1_body,
        grid=(grid,),
        in_specs=[
            pl.BlockSpec((BLK, 128), lambda i: (i, 0)),
            pl.BlockSpec((128, 128), lambda i: (0, 0)),
            pl.BlockSpec((2, BLK), lambda i: (0, i)),
            pl.BlockSpec((1, NPAD), lambda i: (0, 0)),
        ],
        out_specs=[
            pl.BlockSpec((1, BLK, 128), lambda i: (0, i, 0)),
            pl.BlockSpec((1, BLK), lambda i: (0, i)),
            pl.BlockSpec((1, 128), lambda i: (0, 0)),
        ],
        out_shape=[
            jax.ShapeDtypeStruct((1, N, 128), f32),
            jax.ShapeDtypeStruct((1, NPAD), f32),
            jax.ShapeDtypeStruct((1, 128), i32),
        ],
    )(x, W1, degp, batch_pad)

    hs1f = hs1.reshape(N, 128)
    acc1 = _mp1_kernel(edges, edges[0].reshape(CHUNKS, LANE), hs1f)

    hs2 = pl.pallas_call(
        _tc2_body,
        grid=(grid,),
        in_specs=[
            pl.BlockSpec((2, BLK, 128), lambda i: (0, i, 0)),
            pl.BlockSpec((1, BLK, 128), lambda i: (0, i, 0)),
            pl.BlockSpec((1, BLK), lambda i: (0, i)),
            pl.BlockSpec((1, 128), lambda i: (0, 0)),
            pl.BlockSpec((128, 256), lambda i: (0, 0)),
        ],
        out_specs=pl.BlockSpec((2, BLK, 128), lambda i: (0, i, 0)),
        out_shape=jax.ShapeDtypeStruct((2, N, 128), f32),
    )(acc1, hs1, dinv, b1.reshape(1, 128), W2)

    hs2f = hs2.reshape(2 * N, 128)
    acc2 = _mp2_kernel(edges, src_hi, hs2f)

    h2 = pl.pallas_call(
        _tc3_body,
        grid=(grid,),
        in_specs=[
            pl.BlockSpec((2, BLK, 128), lambda i: (0, i, 0)),
            pl.BlockSpec((2, BLK, 128), lambda i: (0, i, 0)),
            pl.BlockSpec((1, BLK), lambda i: (0, i)),
            pl.BlockSpec((2, 128), lambda i: (0, 0)),
        ],
        out_specs=pl.BlockSpec((BLK, 256), lambda i: (i, 0)),
        out_shape=jax.ShapeDtypeStruct((N, 256), f32),
    )(acc2, hs2, dinv, b2.reshape(2, 128))

    g = _pool_kernel(h2, bnds).reshape(G, 256)

    out = pl.pallas_call(
        _tc4_body,
        in_specs=[
            pl.BlockSpec((G, 256), lambda: (0, 0)),
            pl.BlockSpec((256, 512), lambda: (0, 0)),
            pl.BlockSpec((1, 512), lambda: (0, 0)),
            pl.BlockSpec((512, 128), lambda: (0, 0)),
            pl.BlockSpec((1, 128), lambda: (0, 0)),
        ],
        out_specs=pl.BlockSpec((G, 128), lambda: (0, 0)),
        out_shape=jax.ShapeDtypeStruct((G, 128), f32),
    )(g, fc1_W, fc1_b.reshape(1, 512), fc2_W, fc2_b.reshape(1, 128))
    return out

# --- scband reference (transcript-rebuilt; emitter-appended) ---
"""Pipeline reference for scband-gcnencoder-25202868093390 (READ-ONLY COPY).

The authoritative reference and input builder live on the scoring server;
editing this copy changes nothing except your own understanding.
"""

import jax, jax.numpy as jnp
import numpy as np

N = 10000
E = 320000
IN_DIM = 128
HID = 128
PROJ = 128
G = 64


def gcn_conv(x, edge_index, W, b):
    n = x.shape[0]
    loop = jnp.arange(n, dtype=edge_index.dtype)
    src = jnp.concatenate([edge_index[0], loop])
    dst = jnp.concatenate([edge_index[1], loop])
    deg = jax.ops.segment_sum(jnp.ones_like(src, dtype=jnp.float32), dst, num_segments=n)
    dinv = jnp.where(deg > 0, jax.lax.rsqrt(jnp.maximum(deg, 1e-12)), 0.0)
    norm = dinv[src] * dinv[dst]
    h = x @ W
    msg = jnp.take(h, src, axis=0) * norm[:, None]
    out = jax.ops.segment_sum(msg, dst, num_segments=n)
    return out + b


def setup_inputs(seed: int = 0) -> dict:
    key = jax.random.key(seed)
    ks = jax.random.split(key, 12)
    x = jax.random.normal(ks[0], (N, IN_DIM), dtype=jnp.float32)
    edge_index = jax.random.randint(ks[1], (2, E), 0, N, dtype=jnp.int32)
    batch = jnp.sort(jax.random.randint(ks[2], (N,), 0, G, dtype=jnp.int32))
    W1 = jax.random.normal(ks[3], (IN_DIM, HID), dtype=jnp.float32) / np.sqrt(IN_DIM)
    b1 = jnp.zeros((HID,), dtype=jnp.float32)
    W2 = jax.random.normal(ks[4], (HID, HID * 2), dtype=jnp.float32) / np.sqrt(HID)
    b2 = jnp.zeros((HID * 2,), dtype=jnp.float32)
    fc1_W = jax.random.normal(ks[5], (HID * 2, 512), dtype=jnp.float32) / np.sqrt(HID * 2)
    fc1_b = jnp.zeros((512,), dtype=jnp.float32)
    fc2_W = jax.random.normal(ks[6], (512, PROJ), dtype=jnp.float32) / np.sqrt(512)
    fc2_b = jnp.zeros((PROJ,), dtype=jnp.float32)
    return {"x": x, "edge_index": edge_index, "batch": batch,
            "W1": W1, "b1": b1, "W2": W2, "b2": b2,
            "fc1_W": fc1_W, "fc1_b": fc1_b, "fc2_W": fc2_W, "fc2_b": fc2_b}


def reference(x, edge_index, batch, W1, b1, W2, b2, fc1_W, fc1_b, fc2_W, fc2_b):
    h = jax.nn.relu(gcn_conv(x, edge_index, W1, b1))
    h = jax.nn.relu(gcn_conv(h, edge_index, W2, b2))
    # global max pool per graph (dropout is identity in eval mode)
    g = jax.ops.segment_max(h, batch, num_segments=G)
    g = g @ fc1_W + fc1_b
    g = g @ fc2_W + fc2_b
    return g

if __name__ == "__main__":
    import jax
    _d = setup_inputs()
    print(jax.jit(kernel)(*tuple(_d.values())))

</pallas_src>

<mosaic_0001>
#map = affine_map<(d0, d1) -> (0, 0, 0)>
#map1 = affine_map<(d0, d1) -> (0)>
module attributes {stable_mosaic.version = 14 : i64} {
  func.func @_deg_body(%arg0: i32, %arg1: i32, %arg2: memref<2x2560x128xi32, #tpu.memory_space<hbm>>, %arg3: memref<20480xf32, #tpu.memory_space<hbm>>, %arg4: memref<80x128xi32, #tpu.memory_space<vmem>>, %arg5: memref<128xf32, #tpu.memory_space<vmem>>, %arg6: memref<640xf32, #tpu.memory_space<vmem>>, %arg7: memref<10240xf32, #tpu.memory_space<vmem_shared>>) attributes {dimension_semantics = [#tpu.dimension_semantics<core_parallel>, #tpu.dimension_semantics<subcore_parallel>], iteration_bounds = array<i64: 2, 16>, scalar_prefetch = 0 : i64, scratch_operands = 4 : i64, tpu.core_type = #tpu.core_type<sc_vector_subcore>, window_params = [{transform_indices = #map}, {transform_indices = #map1}]} {
    %mul3A = arith.constant 16 : i32
    %mul3A_0 = arith.muli %arg0, %mul3A : i32
    %add3A = arith.addi %mul3A_0, %arg1 : i32
    %scan3A = arith.constant 0 : i32
    %scan3A_1 = arith.constant 0 : i32
    %scan3A_2 = arith.constant 40 : i32
    %scan3A_3 = arith.addi %scan3A_1, %scan3A_2 : i32
    %scan3A_4 = arith.constant 1 : i32
    %scan3A_5 = scf.for %scan3A_72 = %scan3A_1 to %scan3A_3 step %scan3A_4 iter_args(%scan3A_73 = %scan3A) -> (i32)  : i32 {
      %broadcast_in_dim3A_74 = arith.constant 0.000000e+00 : f32
      %broadcast_in_dim3A_75 = vector.broadcast %broadcast_in_dim3A_74 : f32 to vector<16xf32>
      %mul3A_76 = arith.constant 16 : i32
      %mul3A_77 = arith.muli %scan3A_72, %mul3A_76 : i32
      %swap3A_78 = arith.index_cast %mul3A_77 : i32 to index
      %swap3A_79 = tpu.vector_load %arg6[%swap3A_78] {strides = array<i32>} : memref<640xf32, #tpu.memory_space<vmem>>, vector<16xf32>,
      %swap3A_80 = vector.shape_cast %swap3A_79 : vector<16xf32> to vector<16xf32>
      %swap3A_81 = vector.shape_cast %broadcast_in_dim3A_75 : vector<16xf32> to vector<16xf32>
      tpu.vector_store %arg6[%swap3A_78], %swap3A_81 {strides = array<i32>} : memref<640xf32, #tpu.memory_space<vmem>>, vector<16xf32>,
      %scan3A_82 = arith.constant 0 : i32
      scf.yield %scan3A_82 : i32
    }
    %scan3A_6 = arith.constant 40 : i32
    %broadcast_in_dim3A = arith.constant 1.000000e+00 : f32
    %broadcast_in_dim3A_7 = vector.broadcast %broadcast_in_dim3A : f32 to vector<16xf32>
    %swap3A = arith.constant 0 : index
    %swap3A_8 = tpu.vector_load %arg5[%swap3A] {strides = array<i32>} : memref<128xf32, #tpu.memory_space<vmem>>, vector<16xf32>,
    %swap3A_9 = vector.shape_cast %swap3A_8 : vector<16xf32> to vector<16xf32>
    %swap3A_10 = vector.shape_cast %broadcast_in_dim3A_7 : vector<16xf32> to vector<16xf32>
    tpu.vector_store %arg5[%swap3A], %swap3A_10 {strides = array<i32>} : memref<128xf32, #tpu.memory_space<vmem>>, vector<16xf32>,
    %broadcast_in_dim3A_11 = arith.constant 1.000000e+00 : f32
    %broadcast_in_dim3A_12 = vector.broadcast %broadcast_in_dim3A_11 : f32 to vector<16xf32>
    %swap3A_13 = arith.constant 16 : index
    %swap3A_14 = tpu.vector_load %arg5[%swap3A_13] {strides = array<i32>} : memref<128xf32, #tpu.memory_space<vmem>>, vector<16xf32>,
    %swap3A_15 = vector.shape_cast %swap3A_14 : vector<16xf32> to vector<16xf32>
    %swap3A_16 = vector.shape_cast %broadcast_in_dim3A_12 : vector<16xf32> to vector<16xf32>
    tpu.vector_store %arg5[%swap3A_13], %swap3A_16 {strides = array<i32>} : memref<128xf32, #tpu.memory_space<vmem>>, vector<16xf32>,
    %broadcast_in_dim3A_17 = arith.constant 1.000000e+00 : f32
    %broadcast_in_dim3A_18 = vector.broadcast %broadcast_in_dim3A_17 : f32 to vector<16xf32>
    %swap3A_19 = arith.constant 32 : index
    %swap3A_20 = tpu.vector_load %arg5[%swap3A_19] {strides = array<i32>} : memref<128xf32, #tpu.memory_space<vmem>>, vector<16xf32>,
    %swap3A_21 = vector.shape_cast %swap3A_20 : vector<16xf32> to vector<16xf32>
    %swap3A_22 = vector.shape_cast %broadcast_in_dim3A_18 : vector<16xf32> to vector<16xf32>
    tpu.vector_store %arg5[%swap3A_19], %swap3A_22 {strides = array<i32>} : memref<128xf32, #tpu.memory_space<vmem>>, vector<16xf32>,
    %broadcast_in_dim3A_23 = arith.constant 1.000000e+00 : f32
    %broadcast_in_dim3A_24 = vector.broadcast %broadcast_in_dim3A_23 : f32 to vector<16xf32>
    %swap3A_25 = arith.constant 48 : index
    %swap3A_26 = tpu.vector_load %arg5[%swap3A_25] {strides = array<i32>} : memref<128xf32, #tpu.memory_space<vmem>>, vector<16xf32>,
    %swap3A_27 = vector.shape_cast %swap3A_26 : vector<16xf32> to vector<16xf32>
    %swap3A_28 = vector.shape_cast %broadcast_in_dim3A_24 : vector<16xf32> to vector<16xf32>
    tpu.vector_store %arg5[%swap3A_25], %swap3A_28 {strides = array<i32>} : memref<128xf32, #tpu.memory_space<vmem>>, vector<16xf32>,
    %broadcast_in_dim3A_29 = arith.constant 1.000000e+00 : f32
    %broadcast_in_dim3A_30 = vector.broadcast %broadcast_in_dim3A_29 : f32 to vector<16xf32>
    %swap3A_31 = arith.constant 64 : index
    %swap3A_32 = tpu.vector_load %arg5[%swap3A_31] {strides = array<i32>} : memref<128xf32, #tpu.memory_space<vmem>>, vector<16xf32>,
    %swap3A_33 = vector.shape_cast %swap3A_32 : vector<16xf32> to vector<16xf32>
    %swap3A_34 = vector.shape_cast %broadcast_in_dim3A_30 : vector<16xf32> to vector<16xf32>
    tpu.vector_store %arg5[%swap3A_31], %swap3A_34 {strides = array<i32>} : memref<128xf32, #tpu.memory_space<vmem>>, vector<16xf32>,
    %broadcast_in_dim3A_35 = arith.constant 1.000000e+00 : f32
    %broadcast_in_dim3A_36 = vector.broadcast %broadcast_in_dim3A_35 : f32 to vector<16xf32>
    %swap3A_37 = arith.constant 80 : index
    %swap3A_38 = tpu.vector_load %arg5[%swap3A_37] {strides = array<i32>} : memref<128xf32, #tpu.memory_space<vmem>>, vector<16xf32>,
    %swap3A_39 = vector.shape_cast %swap3A_38 : vector<16xf32> to vector<16xf32>
    %swap3A_40 = vector.shape_cast %broadcast_in_dim3A_36 : vector<16xf32> to vector<16xf32>
    tpu.vector_store %arg5[%swap3A_37], %swap3A_40 {strides = array<i32>} : memref<128xf32, #tpu.memory_space<vmem>>, vector<16xf32>,
    %broadcast_in_dim3A_41 = arith.constant 1.000000e+00 : f32
    %broadcast_in_dim3A_42 = vector.broadcast %broadcast_in_dim3A_41 : f32 to vector<16xf32>
    %swap3A_43 = arith.constant 96 : index
    %swap3A_44 = tpu.vector_load %arg5[%swap3A_43] {strides = array<i32>} : memref<128xf32, #tpu.memory_space<vmem>>, vector<16xf32>,
    %swap3A_45 = vector.shape_cast %swap3A_44 : vector<16xf32> to vector<16xf32>
    %swap3A_46 = vector.shape_cast %broadcast_in_dim3A_42 : vector<16xf32> to vector<16xf32>
    tpu.vector_store %arg5[%swap3A_43], %swap3A_46 {strides = array<i32>} : memref<128xf32, #tpu.memory_space<vmem>>, vector<16xf32>,
    %broadcast_in_dim3A_47 = arith.constant 1.000000e+00 : f32
    %broadcast_in_dim3A_48 = vector.broadcast %broadcast_in_dim3A_47 : f32 to vector<16xf32>
    %swap3A_49 = arith.constant 112 : index
    %swap3A_50 = tpu.vector_load %arg5[%swap3A_49] {strides = array<i32>} : memref<128xf32, #tpu.memory_space<vmem>>, vector<16xf32>,
    %swap3A_51 = vector.shape_cast %swap3A_50 : vector<16xf32> to vector<16xf32>
    %swap3A_52 = vector.shape_cast %broadcast_in_dim3A_48 : vector<16xf32> to vector<16xf32>
    tpu.vector_store %arg5[%swap3A_49], %swap3A_52 {strides = array<i32>} : memref<128xf32, #tpu.memory_space<vmem>>, vector<16xf32>,
    %mul3A_53 = arith.constant 640 : i32
    %mul3A_54 = arith.muli %arg1, %mul3A_53 : i32
    "tpu.region"() ({
      %run_scoped3A_72 = tpu.sem_alloc : memref<!tpu.dma_semaphore, #tpu.memory_space<semaphore_mem>>
      %dma_start3A = tpu.memref_slice %arg7[%mul3A_54] : memref<10240xf32, #tpu.memory_space<vmem_shared>> -> memref<640xf32, #tpu.memory_space<vmem_shared>>
      %dma_start3A_73 = tpu.memref_slice %arg7[%mul3A_54] : memref<10240xf32, #tpu.memory_space<vmem_shared>> -> memref<640xf32, #tpu.memory_space<vmem_shared>>
      tpu.enqueue_dma source(%arg6 : memref<640xf32, #tpu.memory_space<vmem>>) target(%dma_start3A_73 : memref<640xf32, #tpu.memory_space<vmem_shared>>) target_semaphore(%run_scoped3A_72 : memref<!tpu.dma_semaphore, #tpu.memory_space<semaphore_mem>>)
      %dma_wait3A = tpu.memref_slice %arg7[%mul3A_54] : memref<10240xf32, #tpu.memory_space<vmem_shared>> -> memref<640xf32, #tpu.memory_space<vmem_shared>>
      %dma_wait3A_74 = tpu.memref_slice %arg7[%mul3A_54] : memref<10240xf32, #tpu.memory_space<vmem_shared>> -> memref<640xf32, #tpu.memory_space<vmem_shared>>
      tpu.wait_dma2 semaphore(%run_scoped3A_72 : memref<!tpu.dma_semaphore, #tpu.memory_space<semaphore_mem>>) src(%arg6 : memref<640xf32, #tpu.memory_space<vmem>>) dst(%dma_wait3A_74 : memref<640xf32, #tpu.memory_space<vmem_shared>>)
      tpu.yield
    }) : () -> ()
    %barrier3A = arith.constant 0 : index
    tpu.barrier barrier_id(%barrier3A)
    %mul3A_55 = arith.constant 80 : i32
    %mul3A_56 = arith.muli %add3A, %mul3A_55 : i32
    %run_scoped3A = arith.constant 1 : i32
    "tpu.region"() ({
      %run_scoped3A_72 = tpu.sem_alloc : memref<!tpu.dma_semaphore, #tpu.memory_space<semaphore_mem>>
      %dma_start3A = arith.constant 0 : i32
      %dma_start3A_73 = tpu.memref_slice %arg2[%run_scoped3A, %mul3A_56, %dma_start3A] : memref<2x2560x128xi32, #tpu.memory_space<hbm>> -> memref<1x80x128xi32, #tpu.memory_space<hbm>>
      %dma_start3A_74 = tpu.memref_squeeze %dma_start3A_73 : memref<1x80x128xi32, #tpu.memory_space<hbm>> -> memref<80x128xi32, #tpu.memory_space<hbm>>
      %dma_start3A_75 = arith.constant 0 : i32
      %dma_start3A_76 = tpu.memref_slice %arg2[%run_scoped3A, %mul3A_56, %dma_start3A_75] : memref<2x2560x128xi32, #tpu.memory_space<hbm>> -> memref<1x80x128xi32, #tpu.memory_space<hbm>>
      %dma_start3A_77 = tpu.memref_squeeze %dma_start3A_76 : memref<1x80x128xi32, #tpu.memory_space<hbm>> -> memref<80x128xi32, #tpu.memory_space<hbm>>
      tpu.enqueue_dma source(%dma_start3A_77 : memref<80x128xi32, #tpu.memory_space<hbm>>) target(%arg4 : memref<80x128xi32, #tpu.memory_space<vmem>>) target_semaphore(%run_scoped3A_72 : memref<!tpu.dma_semaphore, #tpu.memory_space<semaphore_mem>>)
      %dma_wait3A = arith.constant 0 : i32
      %dma_wait3A_78 = tpu.memref_slice %arg2[%run_scoped3A, %mul3A_56, %dma_wait3A] : memref<2x2560x128xi32, #tpu.memory_space<hbm>> -> memref<1x80x128xi32, #tpu.memory_space<hbm>>
      %dma_wait3A_79 = tpu.memref_squeeze %dma_wait3A_78 : memref<1x80x128xi32, #tpu.memory_space<hbm>> -> memref<80x128xi32, #tpu.memory_space<hbm>>
      %dma_wait3A_80 = arith.constant 0 : i32
      %dma_wait3A_81 = tpu.memref_slice %arg2[%run_scoped3A, %mul3A_56, %dma_wait3A_80] : memref<2x2560x128xi32, #tpu.memory_space<hbm>> -> memref<1x80x128xi32, #tpu.memory_space<hbm>>
      %dma_wait3A_82 = tpu.memref_squeeze %dma_wait3A_81 : memref<1x80x128xi32, #tpu.memory_space<hbm>> -> memref<80x128xi32, #tpu.memory_space<hbm>>
      tpu.wait_dma2 semaphore(%run_scoped3A_72 : memref<!tpu.dma_semaphore, #tpu.memory_space<semaphore_mem>>) src(%dma_wait3A_82 : memref<80x128xi32, #tpu.memory_space<hbm>>) dst(%arg4 : memref<80x128xi32, #tpu.memory_space<vmem>>)
      tpu.yield
    }) : () -> ()
    %scan3A_57 = arith.constant 0 : i32
    %scan3A_58 = arith.constant 0 : i32
    %scan3A_59 = arith.constant 80 : i32
    %scan3A_60 = arith.addi %scan3A_58, %scan3A_59 : i32
    %scan3A_61 = arith.constant 1 : i32
    %scan3A_62 = scf.for %scan3A_72 = %scan3A_58 to %scan3A_60 step %scan3A_61 iter_args(%scan3A_73 = %scan3A_57) -> (i32)  : i32 {
      "tpu.region"() ({
        %run_scoped3A_75 = tpu.sem_alloc : memref<!tpu.dma_semaphore, #tpu.memory_space<semaphore_mem>>
        %dma_start3A = arith.constant 0 : i32
        %dma_start3A_76 = tpu.memref_slice %arg4[%scan3A_72, %dma_start3A] : memref<80x128xi32, #tpu.memory_space<vmem>> -> memref<1x128xi32, #tpu.memory_space<vmem>>
        %dma_start3A_77 = tpu.memref_squeeze %dma_start3A_76 : memref<1x128xi32, #tpu.memory_space<vmem>> -> memref<128xi32, #tpu.memory_space<vmem>>
        %dma_start3A_78 = arith.constant 0 : i32
        %dma_start3A_79 = tpu.memref_slice %arg7[%dma_start3A_78] : memref<10240xf32, #tpu.memory_space<vmem_shared>> -> memref<10240xf32, #tpu.memory_space<vmem_shared>>
        tpu.enqueue_indirect_dma source(%arg5 : memref<128xf32, #tpu.memory_space<vmem>>) target(%dma_start3A_79 : memref<10240xf32, #tpu.memory_space<vmem_shared>>) offsets(%dma_start3A_77 : memref<128xi32, #tpu.memory_space<vmem>>) semaphore(%run_scoped3A_75 : memref<!tpu.dma_semaphore, #tpu.memory_space<semaphore_mem>>) {add = true}
        %dma_wait3A = arith.constant 0 : i32
        %dma_wait3A_80 = tpu.memref_slice %arg4[%scan3A_72, %dma_wait3A] : memref<80x128xi32, #tpu.memory_space<vmem>> -> memref<1x128xi32, #tpu.memory_space<vmem>>
        %dma_wait3A_81 = tpu.memref_squeeze %dma_wait3A_80 : memref<1x128xi32, #tpu.memory_space<vmem>> -> memref<128xi32, #tpu.memory_space<vmem>>
        %dma_wait3A_82 = arith.constant 0 : i32
        %dma_wait3A_83 = tpu.memref_slice %arg7[%dma_wait3A_82] : memref<10240xf32, #tpu.memory_space<vmem_shared>> -> memref<10240xf32, #tpu.memory_space<vmem_shared>>
        tpu.wait_indirect_dma semaphore(%run_scoped3A_75 : memref<!tpu.dma_semaphore, #tpu.memory_space<semaphore_mem>>) src(%arg5 : memref<128xf32, #tpu.memory_space<vmem>>) dst(%dma_wait3A_83 : memref<10240xf32, #tpu.memory_space<vmem_shared>>)
        tpu.yield
      }) : () -> ()
      %scan3A_74 = arith.constant 0 : i32
      scf.yield %scan3A_74 : i32
    }
    %scan3A_63 = arith.constant 80 : i32
    %barrier3A_64 = arith.constant 0 : index
    tpu.barrier barrier_id(%barrier3A_64)
    %mul3A_65 = arith.constant 640 : i32
    %mul3A_66 = arith.muli %arg1, %mul3A_65 : i32
    "tpu.region"() ({
      %run_scoped3A_72 = tpu.sem_alloc : memref<!tpu.dma_semaphore, #tpu.memory_space<semaphore_mem>>
      %dma_start3A = tpu.memref_slice %arg7[%mul3A_66] : memref<10240xf32, #tpu.memory_space<vmem_shared>> -> memref<640xf32, #tpu.memory_space<vmem_shared>>
      %dma_start3A_73 = tpu.memref_slice %arg7[%mul3A_66] : memref<10240xf32, #tpu.memory_space<vmem_shared>> -> memref<640xf32, #tpu.memory_space<vmem_shared>>
      tpu.enqueue_dma source(%dma_start3A_73 : memref<640xf32, #tpu.memory_space<vmem_shared>>) target(%arg6 : memref<640xf32, #tpu.memory_space<vmem>>) target_semaphore(%run_scoped3A_72 : memref<!tpu.dma_semaphore, #tpu.memory_space<semaphore_mem>>)
      %dma_wait3A = tpu.memref_slice %arg7[%mul3A_66] : memref<10240xf32, #tpu.memory_space<vmem_shared>> -> memref<640xf32, #tpu.memory_space<vmem_shared>>
      %dma_wait3A_74 = tpu.memref_slice %arg7[%mul3A_66] : memref<10240xf32, #tpu.memory_space<vmem_shared>> -> memref<640xf32, #tpu.memory_space<vmem_shared>>
      tpu.wait_dma2 semaphore(%run_scoped3A_72 : memref<!tpu.dma_semaphore, #tpu.memory_space<semaphore_mem>>) src(%dma_wait3A_74 : memref<640xf32, #tpu.memory_space<vmem_shared>>) dst(%arg6 : memref<640xf32, #tpu.memory_space<vmem>>)
      tpu.yield
    }) : () -> ()
    %mul3A_67 = arith.constant 10240 : i32
    %mul3A_68 = arith.muli %arg0, %mul3A_67 : i32
    %mul3A_69 = arith.constant 640 : i32
    %mul3A_70 = arith.muli %arg1, %mul3A_69 : i32
    %add3A_71 = arith.addi %mul3A_68, %mul3A_70 : i32
    "tpu.region"() ({
      %run_scoped3A_72 = tpu.sem_alloc : memref<!tpu.dma_semaphore, #tpu.memory_space<semaphore_mem>>
      %dma_start3A = tpu.memref_slice %arg3[%add3A_71] : memref<20480xf32, #tpu.memory_space<hbm>> -> memref<640xf32, #tpu.memory_space<hbm>>
      %dma_start3A_73 = tpu.memref_slice %arg3[%add3A_71] : memref<20480xf32, #tpu.memory_space<hbm>> -> memref<640xf32, #tpu.memory_space<hbm>>
      tpu.enqueue_dma source(%arg6 : memref<640xf32, #tpu.memory_space<vmem>>) target(%dma_start3A_73 : memref<640xf32, #tpu.memory_space<hbm>>) target_semaphore(%run_scoped3A_72 : memref<!tpu.dma_semaphore, #tpu.memory_space<semaphore_mem>>)
      %dma_wait3A = tpu.memref_slice %arg3[%add3A_71] : memref<20480xf32, #tpu.memory_space<hbm>> -> memref<640xf32, #tpu.memory_space<hbm>>
      %dma_wait3A_74 = tpu.memref_slice %arg3[%add3A_71] : memref<20480xf32, #tpu.memory_space<hbm>> -> memref<640xf32, #tpu.memory_space<hbm>>
      tpu.wait_dma2 semaphore(%run_scoped3A_72 : memref<!tpu.dma_semaphore, #tpu.memory_space<semaphore_mem>>) src(%arg6 : memref<640xf32, #tpu.memory_space<vmem>>) dst(%dma_wait3A_74 : memref<640xf32, #tpu.memory_space<hbm>>)
      tpu.yield
    }) : () -> ()
    return
  }
}

#map = affine_map<(d0, d1) -> (0, 0, 0)>
#map1 = affine_map<(d0, d1) -> (0, 0)>
module attributes {stable_mosaic.version = 14 : i64} {
  func.func @body(%arg0: i32, %arg1: i32, %arg2: memref<2x2560x128xi32, #tpu.memory_space<hbm>>, %arg3: memref<2560x128xi32, #tpu.memory_space<hbm>>, %arg4: memref<10000x128xf32, #tpu.memory_space<hbm>>, %arg5: memref<2x10240x128xf32, #tpu.memory_space<hbm>>, %arg6: memref<40x128xi32, #tpu.memory_space<vmem>>, %arg7: memref<40x128xi32, #tpu.memory_space<vmem>>, %arg8: memref<2x128x128xf32, #tpu.memory_space<vmem>>, %arg9: memref<10240x128xf32, #tpu.memory_space<vmem_shared>>, %arg10: memref<!tpu.dma_semaphore, #tpu.memory_space<semaphore_mem>>, %arg11: memref<!tpu.dma_semaphore, #tpu.memory_space<semaphore_mem>>, %arg12: memref<!tpu.dma_semaphore, #tpu.memory_space<semaphore_mem>>, %arg13: memref<!tpu.dma_semaphore, #tpu.memory_space<semaphore_mem>>) attributes {dimension_semantics = [#tpu.dimension_semantics<core_parallel>, #tpu.dimension_semantics<subcore_parallel>], iteration_bounds = array<i64: 2, 16>, scalar_prefetch = 0 : i64, scratch_operands = 8 : i64, tpu.core_type = #tpu.core_type<sc_vector_subcore>, window_params = [{transform_indices = #map}, {transform_indices = #map1}, {transform_indices = #map1}, {transform_indices = #map}]} {
    %mul3A = arith.constant 16 : i32
    %mul3A_0 = arith.muli %arg0, %mul3A : i32
    %add3A = arith.addi %mul3A_0, %arg1 : i32
    %mul3A_1 = arith.constant 80 : i32
    %mul3A_2 = arith.muli %add3A, %mul3A_1 : i32
    %scan3A = arith.constant 0 : i32
    %scan3A_3 = arith.constant 0 : i32
    %scan3A_4 = arith.constant 0 : i32
    %scan3A_5 = arith.constant 128 : i32
    %scan3A_6 = arith.addi %scan3A_4, %scan3A_5 : i32
    %scan3A_7 = arith.constant 1 : i32
    %scan3A_8 = scf.for %scan3A_340 = %scan3A_4 to %scan3A_6 step %scan3A_7 iter_args(%scan3A_341 = %scan3A_3) -> (i32)  : i32 {
      %broadcast_in_dim3A = arith.constant 0.000000e+00 : f32
      %broadcast_in_dim3A_342 = vector.broadcast %broadcast_in_dim3A : f32 to vector<16xf32>
      %swap3A = arith.constant 0 : i32
      %swap3A_343 = arith.constant 0 : i32
      %swap3A_344 = tpu.memref_slice %arg8[%scan3A, %swap3A, %swap3A_343] : memref<2x128x128xf32, #tpu.memory_space<vmem>> -> memref<1x128x128xf32, #tpu.memory_space<vmem>>
      %swap3A_345 = tpu.memref_squeeze %swap3A_344 : memref<1x128x128xf32, #tpu.memory_space<vmem>> -> memref<128x128xf32, #tpu.memory_space<vmem>>
      %swap3A_346 = arith.index_cast %scan3A_340 : i32 to index
      %swap3A_347 = arith.constant 0 : index
      %swap3A_348 = tpu.vector_load %swap3A_345[%swap3A_346, %swap3A_347] {strides = array<i32>} : memref<128x128xf32, #tpu.memory_space<vmem>>, vector<1x16xf32>,
      %swap3A_349 = vector.shape_cast %swap3A_348 : vector<1x16xf32> to vector<16xf32>
      %swap3A_350 = vector.shape_cast %broadcast_in_dim3A_342 : vector<16xf32> to vector<1x16xf32>
      tpu.vector_store %swap3A_345[%swap3A_346, %swap3A_347], %swap3A_350 {strides = array<i32>} : memref<128x128xf32, #tpu.memory_space<vmem>>, vector<1x16xf32>,
      %broadcast_in_dim3A_351 = arith.constant 0.000000e+00 : f32
      %broadcast_in_dim3A_352 = vector.broadcast %broadcast_in_dim3A_351 : f32 to vector<16xf32>
      %swap3A_353 = arith.constant 0 : i32
      %swap3A_354 = arith.constant 0 : i32
      %swap3A_355 = tpu.memref_slice %arg8[%scan3A, %swap3A_353, %swap3A_354] : memref<2x128x128xf32, #tpu.memory_space<vmem>> -> memref<1x128x128xf32, #tpu.memory_space<vmem>>
      %swap3A_356 = tpu.memref_squeeze %swap3A_355 : memref<1x128x128xf32, #tpu.memory_space<vmem>> -> memref<128x128xf32, #tpu.memory_space<vmem>>
      %swap3A_357 = arith.index_cast %scan3A_340 : i32 to index
      %swap3A_358 = arith.constant 16 : index
      %swap3A_359 = tpu.vector_load %swap3A_356[%swap3A_357, %swap3A_358] {strides = array<i32>} : memref<128x128xf32, #tpu.memory_space<vmem>>, vector<1x16xf32>,
      %swap3A_360 = vector.shape_cast %swap3A_359 : vector<1x16xf32> to vector<16xf32>
      %swap3A_361 = vector.shape_cast %broadcast_in_dim3A_352 : vector<16xf32> to vector<1x16xf32>
      tpu.vector_store %swap3A_356[%swap3A_357, %swap3A_358], %swap3A_361 {strides = array<i32>} : memref<128x128xf32, #tpu.memory_space<vmem>>, vector<1x16xf32>,
      %broadcast_in_dim3A_362 = arith.constant 0.000000e+00 : f32
      %broadcast_in_dim3A_363 = vector.broadcast %broadcast_in_dim3A_362 : f32 to vector<16xf32>
      %swap3A_364 = arith.constant 0 : i32
      %swap3A_365 = arith.constant 0 : i32
      %swap3A_366 = tpu.memref_slice %arg8[%scan3A, %swap3A_364, %swap3A_365] : memref<2x128x128xf32, #tpu.memory_space<vmem>> -> memref<1x128x128xf32, #tpu.memory_space<vmem>>
      %swap3A_367 = tpu.memref_squeeze %swap3A_366 : memref<1x128x128xf32, #tpu.memory_space<vmem>> -> memref<128x128xf32, #tpu.memory_space<vmem>>
      %swap3A_368 = arith.index_cast %scan3A_340 : i32 to index
      %swap3A_369 = arith.constant 32 : index
      %swap3A_370 = tpu.vector_load %swap3A_367[%swap3A_368, %swap3A_369] {strides = array<i32>} : memref<128x128xf32, #tpu.memory_space<vmem>>, vector<1x16xf32>,
      %swap3A_371 = vector.shape_cast %swap3A_370 : vector<1x16xf32> to vector<16xf32>
      %swap3A_372 = vector.shape_cast %broadcast_in_dim3A_363 : vector<16xf32> to vector<1x16xf32>
      tpu.vector_store %swap3A_367[%swap3A_368, %swap3A_369], %swap3A_372 {strides = array<i32>} : memref<128x128xf32, #tpu.memory_space<vmem>>, vector<1x16xf32>,
      %broadcast_in_dim3A_373 = arith.constant 0.000000e+00 : f32
      %broadcast_in_dim3A_374 = vector.broadcast %broadcast_in_dim3A_373 : f32 to vector<16xf32>
      %swap3A_375 = arith.constant 0 : i32
      %swap3A_376 = arith.constant 0 : i32
      %swap3A_377 = tpu.memref_slice %arg8[%scan3A, %swap3A_375, %swap3A_376] : memref<2x128x128xf32, #tpu.memory_space<vmem>> -> memref<1x128x128xf32, #tpu.memory_space<vmem>>
      %swap3A_378 = tpu.memref_squeeze %swap3A_377 : memref<1x128x128xf32, #tpu.memory_space<vmem>> -> memref<128x128xf32, #tpu.memory_space<vmem>>
      %swap3A_379 = arith.index_cast %scan3A_340 : i32 to index
      %swap3A_380 = arith.constant 48 : index
      %swap3A_381 = tpu.vector_load %swap3A_378[%swap3A_379, %swap3A_380] {strides = array<i32>} : memref<128x128xf32, #tpu.memory_space<vmem>>, vector<1x16xf32>,
      %swap3A_382 = vector.shape_cast %swap3A_381 : vector<1x16xf32> to vector<16xf32>
      %swap3A_383 = vector.shape_cast %broadcast_in_dim3A_374 : vector<16xf32> to vector<1x16xf32>
      tpu.vector_store %swap3A_378[%swap3A_379, %swap3A_380], %swap3A_383 {strides = array<i32>} : memref<128x128xf32, #tpu.memory_space<vmem>>, vector<1x16xf32>,
      %broadcast_in_dim3A_384 = arith.constant 0.000000e+00 : f32
      %broadcast_in_dim3A_385 = vector.broadcast %broadcast_in_dim3A_384 : f32 to vector<16xf32>
      %swap3A_386 = arith.constant 0 : i32
      %swap3A_387 = arith.constant 0 : i32
      %swap3A_388 = tpu.memref_slice %arg8[%scan3A, %swap3A_386, %swap3A_387] : memref<2x128x128xf32, #tpu.memory_space<vmem>> -> memref<1x128x128xf32, #tpu.memory_space<vmem>>
      %swap3A_389 = tpu.memref_squeeze %swap3A_388 : memref<1x128x128xf32, #tpu.memory_space<vmem>> -> memref<128x128xf32, #tpu.memory_space<vmem>>
      %swap3A_390 = arith.index_cast %scan3A_340 : i32 to index
      %swap3A_391 = arith.constant 64 : index
      %swap3A_392 = tpu.vector_load %swap3A_389[%swap3A_390, %swap3A_391] {strides = array<i32>} : memref<128x128xf32, #tpu.memory_space<vmem>>, vector<1x16xf32>,
      %swap3A_393 = vector.shape_cast %swap3A_392 : vector<1x16xf32> to vector<16xf32>
      %swap3A_394 = vector.shape_cast %broadcast_in_dim3A_385 : vector<16xf32> to vector<1x16xf32>
      tpu.vector_store %swap3A_389[%swap3A_390, %swap3A_391], %swap3A_394 {strides = array<i32>} : memref<128x128xf32, #tpu.memory_space<vmem>>, vector<1x16xf32>,
      %broadcast_in_dim3A_395 = arith.constant 0.000000e+00 : f32
      %broadcast_in_dim3A_396 = vector.broadcast %broadcast_in_dim3A_395 : f32 to vector<16xf32>
      %swap3A_397 = arith.constant 0 : i32
      %swap3A_398 = arith.constant 0 : i32
      %swap3A_399 = tpu.memref_slice %arg8[%scan3A, %swap3A_397, %swap3A_398] : memref<2x128x128xf32, #tpu.memory_space<vmem>> -> memref<1x128x128xf32, #tpu.memory_space<vmem>>
      %swap3A_400 = tpu.memref_squeeze %swap3A_399 : memref<1x128x128xf32, #tpu.memory_space<vmem>> -> memref<128x128xf32, #tpu.memory_space<vmem>>
      %swap3A_401 = arith.index_cast %scan3A_340 : i32 to index
      %swap3A_402 = arith.constant 80 : index
      %swap3A_403 = tpu.vector_load %swap3A_400[%swap3A_401, %swap3A_402] {strides = array<i32>} : memref<128x128xf32, #tpu.memory_space<vmem>>, vector<1x16xf32>,
      %swap3A_404 = vector.shape_cast %swap3A_403 : vector<1x16xf32> to vector<16xf32>
      %swap3A_405 = vector.shape_cast %broadcast_in_dim3A_396 : vector<16xf32> to vector<1x16xf32>
      tpu.vector_store %swap3A_400[%swap3A_401, %swap3A_402], %swap3A_405 {strides = array<i32>} : memref<128x128xf32, #tpu.memory_space<vmem>>, vector<1x16xf32>,
      %broadcast_in_dim3A_406 = arith.constant 0.000000e+00 : f32
      %broadcast_in_dim3A_407 = vector.broadcast %broadcast_in_dim3A_406 : f32 to vector<16xf32>
      %swap3A_408 = arith.constant 0 : i32
      %swap3A_409 = arith.constant 0 : i32
      %swap3A_410 = tpu.memref_slice %arg8[%scan3A, %swap3A_408, %swap3A_409] : memref<2x128x128xf32, #tpu.memory_space<vmem>> -> memref<1x128x128xf32, #tpu.memory_space<vmem>>
      %swap3A_411 = tpu.memref_squeeze %swap3A_410 : memref<1x128x128xf32, #tpu.memory_space<vmem>> -> memref<128x128xf32, #tpu.memory_space<vmem>>
      %swap3A_412 = arith.index_cast %scan3A_340 : i32 to index
      %swap3A_413 = arith.constant 96 : index
      %swap3A_414 = tpu.vector_load %swap3A_411[%swap3A_412, %swap3A_413] {strides = array<i32>} : memref<128x128xf32, #tpu.memory_space<vmem>>, vector<1x16xf32>,
      %swap3A_415 = vector.shape_cast %swap3A_414 : vector<1x16xf32> to vector<16xf32>
      %swap3A_416 = vector.shape_cast %broadcast_in_dim3A_407 : vector<16xf32> to vector<1x16xf32>
      tpu.vector_store %swap3A_411[%swap3A_412, %swap3A_413], %swap3A_416 {strides = array<i32>} : memref<128x128xf32, #tpu.memory_space<vmem>>, vector<1x16xf32>,
      %broadcast_in_dim3A_417 = arith.constant 0.000000e+00 : f32
      %broadcast_in_dim3A_418 = vector.broadcast %broadcast_in_dim3A_417 : f32 to vector<16xf32>
      %swap3A_419 = arith.constant 0 : i32
      %swap3A_420 = arith.constant 0 : i32
      %swap3A_421 = tpu.memref_slice %arg8[%scan3A, %swap3A_419, %swap3A_420] : memref<2x128x128xf32, #tpu.memory_space<vmem>> -> memref<1x128x128xf32, #tpu.memory_space<vmem>>
      %swap3A_422 = tpu.memref_squeeze %swap3A_421 : memref<1x128x128xf32, #tpu.memory_space<vmem>> -> memref<128x128xf32, #tpu.memory_space<vmem>>
      %swap3A_423 = arith.index_cast %scan3A_340 : i32 to index
      %swap3A_424 = arith.constant 112 : index
      %swap3A_425 = tpu.vector_load %swap3A_422[%swap3A_423, %swap3A_424] {strides = array<i32>} : memref<128x128xf32, #tpu.memory_space<vmem>>, vector<1x16xf32>,
      %swap3A_426 = vector.shape_cast %swap3A_425 : vector<1x16xf32> to vector<16xf32>
      %swap3A_427 = vector.shape_cast %broadcast_in_dim3A_418 : vector<16xf32> to vector<1x16xf32>
      tpu.vector_store %swap3A_422[%swap3A_423, %swap3A_424], %swap3A_427 {strides = array<i32>} : memref<128x128xf32, #tpu.memory_space<vmem>>, vector<1x16xf32>,
      %scan3A_428 = arith.constant 0 : i32
      scf.yield %scan3A_428 : i32
    }
    %scan3A_9 = arith.constant 128 : i32
    %mul3A_10 = arith.constant 640 : i32
    %mul3A_11 = arith.muli %arg1, %mul3A_10 : i32
    %add3A_12 = arith.constant 0 : i32
    %add3A_13 = arith.addi %mul3A_11, %add3A_12 : i32
    %dma_start3A = arith.constant 0 : i32
    %dma_start3A_14 = arith.constant 0 : i32
    %dma_start3A_15 = arith.constant 0 : i32
    %dma_start3A_16 = tpu.memref_slice %arg8[%dma_start3A, %dma_start3A_14, %dma_start3A_15] : memref<2x128x128xf32, #tpu.memory_space<vmem>> -> memref<1x128x128xf32, #tpu.memory_space<vmem>>
    %dma_start3A_17 = tpu.memref_squeeze %dma_start3A_16 : memref<1x128x128xf32, #tpu.memory_space<vmem>> -> memref<128x128xf32, #tpu.memory_space<vmem>>
    %dma_start3A_18 = arith.constant 0 : i32
    %dma_start3A_19 = tpu.memref_slice %arg9[%add3A_13, %dma_start3A_18] : memref<10240x128xf32, #tpu.memory_space<vmem_shared>> -> memref<128x128xf32, #tpu.memory_space<vmem_shared>>
    %dma_start3A_20 = arith.constant 0 : i32
    %dma_start3A_21 = tpu.memref_slice %arg9[%add3A_13, %dma_start3A_20] : memref<10240x128xf32, #tpu.memory_space<vmem_shared>> -> memref<128x128xf32, #tpu.memory_space<vmem_shared>>
    %dma_start3A_22 = arith.constant 0 : i32
    %dma_start3A_23 = arith.constant 0 : i32
    %dma_start3A_24 = tpu.memref_slice %arg8[%dma_start3A, %dma_start3A_22, %dma_start3A_23] : memref<2x128x128xf32, #tpu.memory_space<vmem>> -> memref<1x128x128xf32, #tpu.memory_space<vmem>>
    %dma_start3A_25 = tpu.memref_squeeze %dma_start3A_24 : memref<1x128x128xf32, #tpu.memory_space<vmem>> -> memref<128x128xf32, #tpu.memory_space<vmem>>
    tpu.enqueue_dma source(%dma_start3A_25 : memref<128x128xf32, #tpu.memory_space<vmem>>) target(%dma_start3A_21 : memref<128x128xf32, #tpu.memory_space<vmem_shared>>) target_semaphore(%arg10 : memref<!tpu.dma_semaphore, #tpu.memory_space<semaphore_mem>>)
    %mul3A_26 = arith.constant 640 : i32
    %mul3A_27 = arith.muli %arg1, %mul3A_26 : i32
    %add3A_28 = arith.constant 128 : i32
    %add3A_29 = arith.addi %mul3A_27, %add3A_28 : i32
    %dma_start3A_30 = arith.constant 0 : i32
    %dma_start3A_31 = arith.constant 0 : i32
    %dma_start3A_32 = arith.constant 0 : i32
    %dma_start3A_33 = tpu.memref_slice %arg8[%dma_start3A_30, %dma_start3A_31, %dma_start3A_32] : memref<2x128x128xf32, #tpu.memory_space<vmem>> -> memref<1x128x128xf32, #tpu.memory_space<vmem>>
    %dma_start3A_34 = tpu.memref_squeeze %dma_start3A_33 : memref<1x128x128xf32, #tpu.memory_space<vmem>> -> memref<128x128xf32, #tpu.memory_space<vmem>>
    %dma_start3A_35 = arith.constant 0 : i32
    %dma_start3A_36 = tpu.memref_slice %arg9[%add3A_29, %dma_start3A_35] : memref<10240x128xf32, #tpu.memory_space<vmem_shared>> -> memref<128x128xf32, #tpu.memory_space<vmem_shared>>
    %dma_start3A_37 = arith.constant 0 : i32
    %dma_start3A_38 = tpu.memref_slice %arg9[%add3A_29, %dma_start3A_37] : memref<10240x128xf32, #tpu.memory_space<vmem_shared>> -> memref<128x128xf32, #tpu.memory_space<vmem_shared>>
    %dma_start3A_39 = arith.constant 0 : i32
    %dma_start3A_40 = arith.constant 0 : i32
    %dma_start3A_41 = tpu.memref_slice %arg8[%dma_start3A_30, %dma_start3A_39, %dma_start3A_40] : memref<2x128x128xf32, #tpu.memory_space<vmem>> -> memref<1x128x128xf32, #tpu.memory_space<vmem>>
    %dma_start3A_42 = tpu.memref_squeeze %dma_start3A_41 : memref<1x128x128xf32, #tpu.memory_space<vmem>> -> memref<128x128xf32, #tpu.memory_space<vmem>>
    tpu.enqueue_dma source(%dma_start3A_42 : memref<128x128xf32, #tpu.memory_space<vmem>>) target(%dma_start3A_38 : memref<128x128xf32, #tpu.memory_space<vmem_shared>>) target_semaphore(%arg10 : memref<!tpu.dma_semaphore, #tpu.memory_space<semaphore_mem>>)
    %mul3A_43 = arith.constant 640 : i32
    %mul3A_44 = arith.muli %arg1, %mul3A_43 : i32
    %add3A_45 = arith.constant 256 : i32
    %add3A_46 = arith.addi %mul3A_44, %add3A_45 : i32
    %dma_start3A_47 = arith.constant 0 : i32
    %dma_start3A_48 = arith.constant 0 : i32
    %dma_start3A_49 = arith.constant 0 : i32
    %dma_start3A_50 = tpu.memref_slice %arg8[%dma_start3A_47, %dma_start3A_48, %dma_start3A_49] : memref<2x128x128xf32, #tpu.memory_space<vmem>> -> memref<1x128x128xf32, #tpu.memory_space<vmem>>
    %dma_start3A_51 = tpu.memref_squeeze %dma_start3A_50 : memref<1x128x128xf32, #tpu.memory_space<vmem>> -> memref<128x128xf32, #tpu.memory_space<vmem>>
    %dma_start3A_52 = arith.constant 0 : i32
    %dma_start3A_53 = tpu.memref_slice %arg9[%add3A_46, %dma_start3A_52] : memref<10240x128xf32, #tpu.memory_space<vmem_shared>> -> memref<128x128xf32, #tpu.memory_space<vmem_shared>>
    %dma_start3A_54 = arith.constant 0 : i32
    %dma_start3A_55 = tpu.memref_slice %arg9[%add3A_46, %dma_start3A_54] : memref<10240x128xf32, #tpu.memory_space<vmem_shared>> -> memref<128x128xf32, #tpu.memory_space<vmem_shared>>
    %dma_start3A_56 = arith.constant 0 : i32
    %dma_start3A_57 = arith.constant 0 : i32
    %dma_start3A_58 = tpu.memref_slice %arg8[%dma_start3A_47, %dma_start3A_56, %dma_start3A_57] : memref<2x128x128xf32, #tpu.memory_space<vmem>> -> memref<1x128x128xf32, #tpu.memory_space<vmem>>
    %dma_start3A_59 = tpu.memref_squeeze %dma_start3A_58 : memref<1x128x128xf32, #tpu.memory_space<vmem>> -> memref<128x128xf32, #tpu.memory_space<vmem>>
    tpu.enqueue_dma source(%dma_start3A_59 : memref<128x128xf32, #tpu.memory_space<vmem>>) target(%dma_start3A_55 : memref<128x128xf32, #tpu.memory_space<vmem_shared>>) target_semaphore(%arg10 : memref<!tpu.dma_semaphore, #tpu.memory_space<semaphore_mem>>)
    %mul3A_60 = arith.constant 640 : i32
    %mul3A_61 = arith.muli %arg1, %mul3A_60 : i32
    %add3A_62 = arith.constant 384 : i32
    %add3A_63 = arith.addi %mul3A_61, %add3A_62 : i32
    %dma_start3A_64 = arith.constant 0 : i32
    %dma_start3A_65 = arith.constant 0 : i32
    %dma_start3A_66 = arith.constant 0 : i32
    %dma_start3A_67 = tpu.memref_slice %arg8[%dma_start3A_64, %dma_start3A_65, %dma_start3A_66] : memref<2x128x128xf32, #tpu.memory_space<vmem>> -> memref<1x128x128xf32, #tpu.memory_space<vmem>>
    %dma_start3A_68 = tpu.memref_squeeze %dma_start3A_67 : memref<1x128x128xf32, #tpu.memory_space<vmem>> -> memref<128x128xf32, #tpu.memory_space<vmem>>
    %dma_start3A_69 = arith.constant 0 : i32
    %dma_start3A_70 = tpu.memref_slice %arg9[%add3A_63, %dma_start3A_69] : memref<10240x128xf32, #tpu.memory_space<vmem_shared>> -> memref<128x128xf32, #tpu.memory_space<vmem_shared>>
    %dma_start3A_71 = arith.constant 0 : i32
    %dma_start3A_72 = tpu.memref_slice %arg9[%add3A_63, %dma_start3A_71] : memref<10240x128xf32, #tpu.memory_space<vmem_shared>> -> memref<128x128xf32, #tpu.memory_space<vmem_shared>>
    %dma_start3A_73 = arith.constant 0 : i32
    %dma_start3A_74 = arith.constant 0 : i32
    %dma_start3A_75 = tpu.memref_slice %arg8[%dma_start3A_64, %dma_start3A_73, %dma_start3A_74] : memref<2x128x128xf32, #tpu.memory_space<vmem>> -> memref<1x128x128xf32, #tpu.memory_space<vmem>>
    %dma_start3A_76 = tpu.memref_squeeze %dma_start3A_75 : memref<1x128x128xf32, #tpu.memory_space<vmem>> -> memref<128x128xf32, #tpu.memory_space<vmem>>
    tpu.enqueue_dma source(%dma_start3A_76 : memref<128x128xf32, #tpu.memory_space<vmem>>) target(%dma_start3A_72 : memref<128x128xf32, #tpu.memory_space<vmem_shared>>) target_semaphore(%arg10 : memref<!tpu.dma_semaphore, #tpu.memory_space<semaphore_mem>>)
    %mul3A_77 = arith.constant 640 : i32
    %mul3A_78 = arith.muli %arg1, %mul3A_77 : i32
    %add3A_79 = arith.constant 512 : i32
    %add3A_80 = arith.addi %mul3A_78, %add3A_79 : i32
    %dma_start3A_81 = arith.constant 0 : i32
    %dma_start3A_82 = arith.constant 0 : i32
    %dma_start3A_83 = arith.constant 0 : i32
    %dma_start3A_84 = tpu.memref_slice %arg8[%dma_start3A_81, %dma_start3A_82, %dma_start3A_83] : memref<2x128x128xf32, #tpu.memory_space<vmem>> -> memref<1x128x128xf32, #tpu.memory_space<vmem>>
    %dma_start3A_85 = tpu.memref_squeeze %dma_start3A_84 : memref<1x128x128xf32, #tpu.memory_space<vmem>> -> memref<128x128xf32, #tpu.memory_space<vmem>>
    %dma_start3A_86 = arith.constant 0 : i32
    %dma_start3A_87 = tpu.memref_slice %arg9[%add3A_80, %dma_start3A_86] : memref<10240x128xf32, #tpu.memory_space<vmem_shared>> -> memref<128x128xf32, #tpu.memory_space<vmem_shared>>
    %dma_start3A_88 = arith.constant 0 : i32
    %dma_start3A_89 = tpu.memref_slice %arg9[%add3A_80, %dma_start3A_88] : memref<10240x128xf32, #tpu.memory_space<vmem_shared>> -> memref<128x128xf32, #tpu.memory_space<vmem_shared>>
    %dma_start3A_90 = arith.constant 0 : i32
    %dma_start3A_91 = arith.constant 0 : i32
    %dma_start3A_92 = tpu.memref_slice %arg8[%dma_start3A_81, %dma_start3A_90, %dma_start3A_91] : memref<2x128x128xf32, #tpu.memory_space<vmem>> -> memref<1x128x128xf32, #tpu.memory_space<vmem>>
    %dma_start3A_93 = tpu.memref_squeeze %dma_start3A_92 : memref<1x128x128xf32, #tpu.memory_space<vmem>> -> memref<128x128xf32, #tpu.memory_space<vmem>>
    tpu.enqueue_dma source(%dma_start3A_93 : memref<128x128xf32, #tpu.memory_space<vmem>>) target(%dma_start3A_89 : memref<128x128xf32, #tpu.memory_space<vmem_shared>>) target_semaphore(%arg10 : memref<!tpu.dma_semaphore, #tpu.memory_space<semaphore_mem>>)
    %dma_wait3A = arith.constant 0 : i32
    %dma_wait3A_94 = arith.constant 0 : i32
    %dma_wait3A_95 = arith.constant 0 : i32
    %dma_wait3A_96 = tpu.memref_slice %arg8[%dma_wait3A, %dma_wait3A_94, %dma_wait3A_95] : memref<2x128x128xf32, #tpu.memory_space<vmem>> -> memref<1x128x128xf32, #tpu.memory_space<vmem>>
    %dma_wait3A_97 = tpu.memref_squeeze %dma_wait3A_96 : memref<1x128x128xf32, #tpu.memory_space<vmem>> -> memref<128x128xf32, #tpu.memory_space<vmem>>
    %dma_wait3A_98 = arith.constant 0 : i32
    %dma_wait3A_99 = tpu.memref_slice %arg9[%add3A_13, %dma_wait3A_98] : memref<10240x128xf32, #tpu.memory_space<vmem_shared>> -> memref<128x128xf32, #tpu.memory_space<vmem_shared>>
    %dma_wait3A_100 = arith.constant 0 : i32
    %dma_wait3A_101 = tpu.memref_slice %arg9[%add3A_13, %dma_wait3A_100] : memref<10240x128xf32, #tpu.memory_space<vmem_shared>> -> memref<128x128xf32, #tpu.memory_space<vmem_shared>>
    %dma_wait3A_102 = arith.constant 0 : i32
    %dma_wait3A_103 = arith.constant 0 : i32
    %dma_wait3A_104 = tpu.memref_slice %arg8[%dma_wait3A, %dma_wait3A_102, %dma_wait3A_103] : memref<2x128x128xf32, #tpu.memory_space<vmem>> -> memref<1x128x128xf32, #tpu.memory_space<vmem>>
    %dma_wait3A_105 = tpu.memref_squeeze %dma_wait3A_104 : memref<1x128x128xf32, #tpu.memory_space<vmem>> -> memref<128x128xf32, #tpu.memory_space<vmem>>
    tpu.wait_dma2 semaphore(%arg10 : memref<!tpu.dma_semaphore, #tpu.memory_space<semaphore_mem>>) src(%dma_wait3A_105 : memref<128x128xf32, #tpu.memory_space<vmem>>) dst(%dma_wait3A_101 : memref<128x128xf32, #tpu.memory_space<vmem_shared>>)
    %dma_wait3A_106 = arith.constant 0 : i32
    %dma_wait3A_107 = arith.constant 0 : i32
    %dma_wait3A_108 = arith.constant 0 : i32
    %dma_wait3A_109 = tpu.memref_slice %arg8[%dma_wait3A_106, %dma_wait3A_107, %dma_wait3A_108] : memref<2x128x128xf32, #tpu.memory_space<vmem>> -> memref<1x128x128xf32, #tpu.memory_space<vmem>>
    %dma_wait3A_110 = tpu.memref_squeeze %dma_wait3A_109 : memref<1x128x128xf32, #tpu.memory_space<vmem>> -> memref<128x128xf32, #tpu.memory_space<vmem>>
    %dma_wait3A_111 = arith.constant 0 : i32
    %dma_wait3A_112 = tpu.memref_slice %arg9[%add3A_29, %dma_wait3A_111] : memref<10240x128xf32, #tpu.memory_space<vmem_shared>> -> memref<128x128xf32, #tpu.memory_space<vmem_shared>>
    %dma_wait3A_113 = arith.constant 0 : i32
    %dma_wait3A_114 = tpu.memref_slice %arg9[%add3A_29, %dma_wait3A_113] : memref<10240x128xf32, #tpu.memory_space<vmem_shared>> -> memref<128x128xf32, #tpu.memory_space<vmem_shared>>
    %dma_wait3A_115 = arith.constant 0 : i32
    %dma_wait3A_116 = arith.constant 0 : i32
    %dma_wait3A_117 = tpu.memref_slice %arg8[%dma_wait3A_106, %dma_wait3A_115, %dma_wait3A_116] : memref<2x128x128xf32, #tpu.memory_space<vmem>> -> memref<1x128x128xf32, #tpu.memory_space<vmem>>
    %dma_wait3A_118 = tpu.memref_squeeze %dma_wait3A_117 : memref<1x128x128xf32, #tpu.memory_space<vmem>> -> memref<128x128xf32, #tpu.memory_space<vmem>>
    tpu.wait_dma2 semaphore(%arg10 : memref<!tpu.dma_semaphore, #tpu.memory_space<semaphore_mem>>) src(%dma_wait3A_118 : memref<128x128xf32, #tpu.memory_space<vmem>>) dst(%dma_wait3A_114 : memref<128x128xf32, #tpu.memory_space<vmem_shared>>)
    %dma_wait3A_119 = arith.constant 0 : i32
    %dma_wait3A_120 = arith.constant 0 : i32
    %dma_wait3A_121 = arith.constant 0 : i32
    %dma_wait3A_122 = tpu.memref_slice %arg8[%dma_wait3A_119, %dma_wait3A_120, %dma_wait3A_121] : memref<2x128x128xf32, #tpu.memory_space<vmem>> -> memref<1x128x128xf32, #tpu.memory_space<vmem>>
    %dma_wait3A_123 = tpu.memref_squeeze %dma_wait3A_122 : memref<1x128x128xf32, #tpu.memory_space<vmem>> -> memref<128x128xf32, #tpu.memory_space<vmem>>
    %dma_wait3A_124 = arith.constant 0 : i32
    %dma_wait3A_125 = tpu.memref_slice %arg9[%add3A_46, %dma_wait3A_124] : memref<10240x128xf32, #tpu.memory_space<vmem_shared>> -> memref<128x128xf32, #tpu.memory_space<vmem_shared>>
    %dma_wait3A_126 = arith.constant 0 : i32
    %dma_wait3A_127 = tpu.memref_slice %arg9[%add3A_46, %dma_wait3A_126] : memref<10240x128xf32, #tpu.memory_space<vmem_shared>> -> memref<128x128xf32, #tpu.memory_space<vmem_shared>>
    %dma_wait3A_128 = arith.constant 0 : i32
    %dma_wait3A_129 = arith.constant 0 : i32
    %dma_wait3A_130 = tpu.memref_slice %arg8[%dma_wait3A_119, %dma_wait3A_128, %dma_wait3A_129] : memref<2x128x128xf32, #tpu.memory_space<vmem>> -> memref<1x128x128xf32, #tpu.memory_space<vmem>>
    %dma_wait3A_131 = tpu.memref_squeeze %dma_wait3A_130 : memref<1x128x128xf32, #tpu.memory_space<vmem>> -> memref<128x128xf32, #tpu.memory_space<vmem>>
    tpu.wait_dma2 semaphore(%arg10 : memref<!tpu.dma_semaphore, #tpu.memory_space<semaphore_mem>>) src(%dma_wait3A_131 : memref<128x128xf32, #tpu.memory_space<vmem>>) dst(%dma_wait3A_127 : memref<128x128xf32, #tpu.memory_space<vmem_shared>>)
    %dma_wait3A_132 = arith.constant 0 : i32
    %dma_wait3A_133 = arith.constant 0 : i32
    %dma_wait3A_134 = arith.constant 0 : i32
    %dma_wait3A_135 = tpu.memref_slice %arg8[%dma_wait3A_132, %dma_wait3A_133, %dma_wait3A_134] : memref<2x128x128xf32, #tpu.memory_space<vmem>> -> memref<1x128x128xf32, #tpu.memory_space<vmem>>
    %dma_wait3A_136 = tpu.memref_squeeze %dma_wait3A_135 : memref<1x128x128xf32, #tpu.memory_space<vmem>> -> memref<128x128xf32, #tpu.memory_space<vmem>>
    %dma_wait3A_137 = arith.constant 0 : i32
    %dma_wait3A_138 = tpu.memref_slice %arg9[%add3A_63, %dma_wait3A_137] : memref<10240x128xf32, #tpu.memory_space<vmem_shared>> -> memref<128x128xf32, #tpu.memory_space<vmem_shared>>
    %dma_wait3A_139 = arith.constant 0 : i32
    %dma_wait3A_140 = tpu.memref_slice %arg9[%add3A_63, %dma_wait3A_139] : memref<10240x128xf32, #tpu.memory_space<vmem_shared>> -> memref<128x128xf32, #tpu.memory_space<vmem_shared>>
    %dma_wait3A_141 = arith.constant 0 : i32
    %dma_wait3A_142 = arith.constant 0 : i32
    %dma_wait3A_143 = tpu.memref_slice %arg8[%dma_wait3A_132, %dma_wait3A_141, %dma_wait3A_142] : memref<2x128x128xf32, #tpu.memory_space<vmem>> -> memref<1x128x128xf32, #tpu.memory_space<vmem>>
    %dma_wait3A_144 = tpu.memref_squeeze %dma_wait3A_143 : memref<1x128x128xf32, #tpu.memory_space<vmem>> -> memref<128x128xf32, #tpu.memory_space<vmem>>
    tpu.wait_dma2 semaphore(%arg10 : memref<!tpu.dma_semaphore, #tpu.memory_space<semaphore_mem>>) src(%dma_wait3A_144 : memref<128x128xf32, #tpu.memory_space<vmem>>) dst(%dma_wait3A_140 : memref<128x128xf32, #tpu.memory_space<vmem_shared>>)
    %dma_wait3A_145 = arith.constant 0 : i32
    %dma_wait3A_146 = arith.constant 0 : i32
    %dma_wait3A_147 = arith.constant 0 : i32
    %dma_wait3A_148 = tpu.memref_slice %arg8[%dma_wait3A_145, %dma_wait3A_146, %dma_wait3A_147] : memref<2x128x128xf32, #tpu.memory_space<vmem>> -> memref<1x128x128xf32, #tpu.memory_space<vmem>>
    %dma_wait3A_149 = tpu.memref_squeeze %dma_wait3A_148 : memref<1x128x128xf32, #tpu.memory_space<vmem>> -> memref<128x128xf32, #tpu.memory_space<vmem>>
    %dma_wait3A_150 = arith.constant 0 : i32
    %dma_wait3A_151 = tpu.memref_slice %arg9[%add3A_80, %dma_wait3A_150] : memref<10240x128xf32, #tpu.memory_space<vmem_shared>> -> memref<128x128xf32, #tpu.memory_space<vmem_shared>>
    %dma_wait3A_152 = arith.constant 0 : i32
    %dma_wait3A_153 = tpu.memref_slice %arg9[%add3A_80, %dma_wait3A_152] : memref<10240x128xf32, #tpu.memory_space<vmem_shared>> -> memref<128x128xf32, #tpu.memory_space<vmem_shared>>
    %dma_wait3A_154 = arith.constant 0 : i32
    %dma_wait3A_155 = arith.constant 0 : i32
    %dma_wait3A_156 = tpu.memref_slice %arg8[%dma_wait3A_145, %dma_wait3A_154, %dma_wait3A_155] : memref<2x128x128xf32, #tpu.memory_space<vmem>> -> memref<1x128x128xf32, #tpu.memory_space<vmem>>
    %dma_wait3A_157 = tpu.memref_squeeze %dma_wait3A_156 : memref<1x128x128xf32, #tpu.memory_space<vmem>> -> memref<128x128xf32, #tpu.memory_space<vmem>>
    tpu.wait_dma2 semaphore(%arg10 : memref<!tpu.dma_semaphore, #tpu.memory_space<semaphore_mem>>) src(%dma_wait3A_157 : memref<128x128xf32, #tpu.memory_space<vmem>>) dst(%dma_wait3A_153 : memref<128x128xf32, #tpu.memory_space<vmem_shared>>)
    %barrier3A = arith.constant 0 : index
    tpu.barrier barrier_id(%barrier3A)
    %scan3A_158 = arith.constant 0 : i32
    %scan3A_159 = arith.constant 0 : i32
    %scan3A_160 = arith.constant 2 : i32
    %scan3A_161 = arith.addi %scan3A_159, %scan3A_160 : i32
    %scan3A_162 = arith.constant 1 : i32
    %scan3A_163 = scf.for %scan3A_340 = %scan3A_159 to %scan3A_161 step %scan3A_162 iter_args(%scan3A_341 = %scan3A_158) -> (i32)  : i32 {
      %mul3A_342 = arith.constant 40 : i32
      %mul3A_343 = arith.muli %scan3A_340, %mul3A_342 : i32
      %add3A_344 = arith.addi %mul3A_2, %mul3A_343 : i32
      %eq3A = arith.constant 0 : i32
      %eq3A_345 = arith.cmpi eq, %arg0, %eq3A : i32
      %convert_element_type3A = arith.extui %eq3A_345 : i1 to i32
      %cond3A = arith.constant 0 : i32
      %cond3A_346 = arith.cmpi ne, %convert_element_type3A, %cond3A : i32
      scf.if %cond3A_346 {
        %run_scoped3A_409 = arith.constant 0 : i32
        "tpu.region"() ({
          %run_scoped3A_410 = tpu.sem_alloc : memref<!tpu.dma_semaphore, #tpu.memory_space<semaphore_mem>>
          %dma_start3A_411 = arith.constant 0 : i32
          %dma_start3A_412 = tpu.memref_slice %arg2[%run_scoped3A_409, %add3A_344, %dma_start3A_411] : memref<2x2560x128xi32, #tpu.memory_space<hbm>> -> memref<1x40x128xi32, #tpu.memory_space<hbm>>
          %dma_start3A_413 = tpu.memref_squeeze %dma_start3A_412 : memref<1x40x128xi32, #tpu.memory_space<hbm>> -> memref<40x128xi32, #tpu.memory_space<hbm>>
          %dma_start3A_414 = arith.constant 0 : i32
          %dma_start3A_415 = tpu.memref_slice %arg2[%run_scoped3A_409, %add3A_344, %dma_start3A_414] : memref<2x2560x128xi32, #tpu.memory_space<hbm>> -> memref<1x40x128xi32, #tpu.memory_space<hbm>>
          %dma_start3A_416 = tpu.memref_squeeze %dma_start3A_415 : memref<1x40x128xi32, #tpu.memory_space<hbm>> -> memref<40x128xi32, #tpu.memory_space<hbm>>
          tpu.enqueue_dma source(%dma_start3A_416 : memref<40x128xi32, #tpu.memory_space<hbm>>) target(%arg6 : memref<40x128xi32, #tpu.memory_space<vmem>>) target_semaphore(%run_scoped3A_410 : memref<!tpu.dma_semaphore, #tpu.memory_space<semaphore_mem>>)
          %dma_wait3A_417 = arith.constant 0 : i32
          %dma_wait3A_418 = tpu.memref_slice %arg2[%run_scoped3A_409, %add3A_344, %dma_wait3A_417] : memref<2x2560x128xi32, #tpu.memory_space<hbm>> -> memref<1x40x128xi32, #tpu.memory_space<hbm>>
          %dma_wait3A_419 = tpu.memref_squeeze %dma_wait3A_418 : memref<1x40x128xi32, #tpu.memory_space<hbm>> -> memref<40x128xi32, #tpu.memory_space<hbm>>
          %dma_wait3A_420 = arith.constant 0 : i32
          %dma_wait3A_421 = tpu.memref_slice %arg2[%run_scoped3A_409, %add3A_344, %dma_wait3A_420] : memref<2x2560x128xi32, #tpu.memory_space<hbm>> -> memref<1x40x128xi32, #tpu.memory_space<hbm>>
          %dma_wait3A_422 = tpu.memref_squeeze %dma_wait3A_421 : memref<1x40x128xi32, #tpu.memory_space<hbm>> -> memref<40x128xi32, #tpu.memory_space<hbm>>
          tpu.wait_dma2 semaphore(%run_scoped3A_410 : memref<!tpu.dma_semaphore, #tpu.memory_space<semaphore_mem>>) src(%dma_wait3A_422 : memref<40x128xi32, #tpu.memory_space<hbm>>) dst(%arg6 : memref<40x128xi32, #tpu.memory_space<vmem>>)
          tpu.yield
        }) : () -> ()
      } else {
      }
      %eq3A_347 = arith.constant 1 : i32
      %eq3A_348 = arith.cmpi eq, %arg0, %eq3A_347 : i32
      %convert_element_type3A_349 = arith.extui %eq3A_348 : i1 to i32
      %cond3A_350 = arith.constant 0 : i32
      %cond3A_351 = arith.cmpi ne, %convert_element_type3A_349, %cond3A_350 : i32
      scf.if %cond3A_351 {
        "tpu.region"() ({
          %run_scoped3A_409 = tpu.sem_alloc : memref<!tpu.dma_semaphore, #tpu.memory_space<semaphore_mem>>
          %dma_start3A_410 = arith.constant 0 : i32
          %dma_start3A_411 = tpu.memref_slice %arg3[%add3A_344, %dma_start3A_410] : memref<2560x128xi32, #tpu.memory_space<hbm>> -> memref<40x128xi32, #tpu.memory_space<hbm>>
          %dma_start3A_412 = arith.constant 0 : i32
          %dma_start3A_413 = tpu.memref_slice %arg3[%add3A_344, %dma_start3A_412] : memref<2560x128xi32, #tpu.memory_space<hbm>> -> memref<40x128xi32, #tpu.memory_space<hbm>>
          tpu.enqueue_dma source(%dma_start3A_413 : memref<40x128xi32, #tpu.memory_space<hbm>>) target(%arg6 : memref<40x128xi32, #tpu.memory_space<vmem>>) target_semaphore(%run_scoped3A_409 : memref<!tpu.dma_semaphore, #tpu.memory_space<semaphore_mem>>)
          %dma_wait3A_414 = arith.constant 0 : i32
          %dma_wait3A_415 = tpu.memref_slice %arg3[%add3A_344, %dma_wait3A_414] : memref<2560x128xi32, #tpu.memory_space<hbm>> -> memref<40x128xi32, #tpu.memory_space<hbm>>
          %dma_wait3A_416 = arith.constant 0 : i32
          %dma_wait3A_417 = tpu.memref_slice %arg3[%add3A_344, %dma_wait3A_416] : memref<2560x128xi32, #tpu.memory_space<hbm>> -> memref<40x128xi32, #tpu.memory_space<hbm>>
          tpu.wait_dma2 semaphore(%run_scoped3A_409 : memref<!tpu.dma_semaphore, #tpu.memory_space<semaphore_mem>>) src(%dma_wait3A_417 : memref<40x128xi32, #tpu.memory_space<hbm>>) dst(%arg6 : memref<40x128xi32, #tpu.memory_space<vmem>>)
          tpu.yield
        }) : () -> ()
      } else {
      }
      %run_scoped3A_352 = arith.constant 1 : i32
      "tpu.region"() ({
        %run_scoped3A_409 = tpu.sem_alloc : memref<!tpu.dma_semaphore, #tpu.memory_space<semaphore_mem>>
        %dma_start3A_410 = arith.constant 0 : i32
        %dma_start3A_411 = tpu.memref_slice %arg2[%run_scoped3A_352, %add3A_344, %dma_start3A_410] : memref<2x2560x128xi32, #tpu.memory_space<hbm>> -> memref<1x40x128xi32, #tpu.memory_space<hbm>>
        %dma_start3A_412 = tpu.memref_squeeze %dma_start3A_411 : memref<1x40x128xi32, #tpu.memory_space<hbm>> -> memref<40x128xi32, #tpu.memory_space<hbm>>
        %dma_start3A_413 = arith.constant 0 : i32
        %dma_start3A_414 = tpu.memref_slice %arg2[%run_scoped3A_352, %add3A_344, %dma_start3A_413] : memref<2x2560x128xi32, #tpu.memory_space<hbm>> -> memref<1x40x128xi32, #tpu.memory_space<hbm>>
        %dma_start3A_415 = tpu.memref_squeeze %dma_start3A_414 : memref<1x40x128xi32, #tpu.memory_space<hbm>> -> memref<40x128xi32, #tpu.memory_space<hbm>>
        tpu.enqueue_dma source(%dma_start3A_415 : memref<40x128xi32, #tpu.memory_space<hbm>>) target(%arg7 : memref<40x128xi32, #tpu.memory_space<vmem>>) target_semaphore(%run_scoped3A_409 : memref<!tpu.dma_semaphore, #tpu.memory_space<semaphore_mem>>)
        %dma_wait3A_416 = arith.constant 0 : i32
        %dma_wait3A_417 = tpu.memref_slice %arg2[%run_scoped3A_352, %add3A_344, %dma_wait3A_416] : memref<2x2560x128xi32, #tpu.memory_space<hbm>> -> memref<1x40x128xi32, #tpu.memory_space<hbm>>
        %dma_wait3A_418 = tpu.memref_squeeze %dma_wait3A_417 : memref<1x40x128xi32, #tpu.memory_space<hbm>> -> memref<40x128xi32, #tpu.memory_space<hbm>>
        %dma_wait3A_419 = arith.constant 0 : i32
        %dma_wait3A_420 = tpu.memref_slice %arg2[%run_scoped3A_352, %add3A_344, %dma_wait3A_419] : memref<2x2560x128xi32, #tpu.memory_space<hbm>> -> memref<1x40x128xi32, #tpu.memory_space<hbm>>
        %dma_wait3A_421 = tpu.memref_squeeze %dma_wait3A_420 : memref<1x40x128xi32, #tpu.memory_space<hbm>> -> memref<40x128xi32, #tpu.memory_space<hbm>>
        tpu.wait_dma2 semaphore(%run_scoped3A_409 : memref<!tpu.dma_semaphore, #tpu.memory_space<semaphore_mem>>) src(%dma_wait3A_421 : memref<40x128xi32, #tpu.memory_space<hbm>>) dst(%arg7 : memref<40x128xi32, #tpu.memory_space<vmem>>)
        tpu.yield
      }) : () -> ()
      %dma_start3A_353 = arith.constant 0 : i32
      %dma_start3A_354 = arith.constant 0 : i32
      %dma_start3A_355 = arith.constant 0 : i32
      %dma_start3A_356 = arith.constant 0 : i32
      %dma_start3A_357 = tpu.memref_slice %arg8[%dma_start3A_354, %dma_start3A_355, %dma_start3A_356] : memref<2x128x128xf32, #tpu.memory_space<vmem>> -> memref<1x128x128xf32, #tpu.memory_space<vmem>>
      %dma_start3A_358 = tpu.memref_squeeze %dma_start3A_357 : memref<1x128x128xf32, #tpu.memory_space<vmem>> -> memref<128x128xf32, #tpu.memory_space<vmem>>
      %dma_start3A_359 = arith.constant 0 : i32
      %dma_start3A_360 = tpu.memref_slice %arg6[%dma_start3A_353, %dma_start3A_359] : memref<40x128xi32, #tpu.memory_space<vmem>> -> memref<1x128xi32, #tpu.memory_space<vmem>>
      %dma_start3A_361 = tpu.memref_squeeze %dma_start3A_360 : memref<1x128xi32, #tpu.memory_space<vmem>> -> memref<128xi32, #tpu.memory_space<vmem>>
      %dma_start3A_362 = arith.constant 0 : i32
      %dma_start3A_363 = arith.constant 0 : i32
      %dma_start3A_364 = tpu.memref_slice %arg4[%dma_start3A_362, %dma_start3A_363] : memref<10000x128xf32, #tpu.memory_space<hbm>> -> memref<10000x128xf32, #tpu.memory_space<hbm>>
      tpu.enqueue_indirect_dma source(%dma_start3A_364 : memref<10000x128xf32, #tpu.memory_space<hbm>>) target(%dma_start3A_358 : memref<128x128xf32, #tpu.memory_space<vmem>>) offsets(%dma_start3A_361 : memref<128xi32, #tpu.memory_space<vmem>>) semaphore(%arg10 : memref<!tpu.dma_semaphore, #tpu.memory_space<semaphore_mem>>)
      %dma_start3A_365 = arith.constant 1 : i32
      %dma_start3A_366 = arith.constant 1 : i32
      %dma_start3A_367 = arith.constant 0 : i32
      %dma_start3A_368 = arith.constant 0 : i32
      %dma_start3A_369 = tpu.memref_slice %arg8[%dma_start3A_366, %dma_start3A_367, %dma_start3A_368] : memref<2x128x128xf32, #tpu.memory_space<vmem>> -> memref<1x128x128xf32, #tpu.memory_space<vmem>>
      %dma_start3A_370 = tpu.memref_squeeze %dma_start3A_369 : memref<1x128x128xf32, #tpu.memory_space<vmem>> -> memref<128x128xf32, #tpu.memory_space<vmem>>
      %dma_start3A_371 = arith.constant 0 : i32
      %dma_start3A_372 = tpu.memref_slice %arg6[%dma_start3A_365, %dma_start3A_371] : memref<40x128xi32, #tpu.memory_space<vmem>> -> memref<1x128xi32, #tpu.memory_space<vmem>>
      %dma_start3A_373 = tpu.memref_squeeze %dma_start3A_372 : memref<1x128xi32, #tpu.memory_space<vmem>> -> memref<128xi32, #tpu.memory_space<vmem>>
      %dma_start3A_374 = arith.constant 0 : i32
      %dma_start3A_375 = arith.constant 0 : i32
      %dma_start3A_376 = tpu.memref_slice %arg4[%dma_start3A_374, %dma_start3A_375] : memref<10000x128xf32, #tpu.memory_space<hbm>> -> memref<10000x128xf32, #tpu.memory_space<hbm>>
      tpu.enqueue_indirect_dma source(%dma_start3A_376 : memref<10000x128xf32, #tpu.memory_space<hbm>>) target(%dma_start3A_370 : memref<128x128xf32, #tpu.memory_space<vmem>>) offsets(%dma_start3A_373 : memref<128xi32, #tpu.memory_space<vmem>>) semaphore(%arg11 : memref<!tpu.dma_semaphore, #tpu.memory_space<semaphore_mem>>)
      %scan3A_377 = arith.constant 0 : i32
      %scan3A_378 = arith.constant 0 : i32
      %scan3A_379 = arith.constant 20 : i32
      %scan3A_380 = arith.addi %scan3A_378, %scan3A_379 : i32
      %scan3A_381 = arith.constant 1 : i32
      %scan3A_382 = scf.for %scan3A_409 = %scan3A_378 to %scan3A_380 step %scan3A_381 iter_args(%scan3A_410 = %scan3A_377) -> (i32)  : i32 {
        %mul3A_411 = arith.constant 2 : i32
        %mul3A_412 = arith.muli %scan3A_409, %mul3A_411 : i32
        %add3A_413 = arith.constant 1 : i32
        %add3A_414 = arith.addi %mul3A_412, %add3A_413 : i32
        %dma_wait3A_415 = arith.constant 0 : i32
        %dma_wait3A_416 = arith.constant 0 : i32
        %dma_wait3A_417 = arith.constant 0 : i32
        %dma_wait3A_418 = tpu.memref_slice %arg8[%dma_wait3A_415, %dma_wait3A_416, %dma_wait3A_417] : memref<2x128x128xf32, #tpu.memory_space<vmem>> -> memref<1x128x128xf32, #tpu.memory_space<vmem>>
        %dma_wait3A_419 = tpu.memref_squeeze %dma_wait3A_418 : memref<1x128x128xf32, #tpu.memory_space<vmem>> -> memref<128x128xf32, #tpu.memory_space<vmem>>
        %dma_wait3A_420 = arith.constant 0 : i32
        %dma_wait3A_421 = tpu.memref_slice %arg6[%mul3A_412, %dma_wait3A_420] : memref<40x128xi32, #tpu.memory_space<vmem>> -> memref<1x128xi32, #tpu.memory_space<vmem>>
        %dma_wait3A_422 = tpu.memref_squeeze %dma_wait3A_421 : memref<1x128xi32, #tpu.memory_space<vmem>> -> memref<128xi32, #tpu.memory_space<vmem>>
        %dma_wait3A_423 = arith.constant 0 : i32
        %dma_wait3A_424 = arith.constant 0 : i32
        %dma_wait3A_425 = tpu.memref_slice %arg4[%dma_wait3A_423, %dma_wait3A_424] : memref<10000x128xf32, #tpu.memory_space<hbm>> -> memref<10000x128xf32, #tpu.memory_space<hbm>>
        tpu.wait_indirect_dma semaphore(%arg10 : memref<!tpu.dma_semaphore, #tpu.memory_space<semaphore_mem>>) src(%dma_wait3A_425 : memref<10000x128xf32, #tpu.memory_space<hbm>>) dst(%dma_wait3A_419 : memref<128x128xf32, #tpu.memory_space<vmem>>)
        %dma_start3A_426 = arith.constant 0 : i32
        %dma_start3A_427 = arith.constant 0 : i32
        %dma_start3A_428 = arith.constant 0 : i32
        %dma_start3A_429 = tpu.memref_slice %arg8[%dma_start3A_426, %dma_start3A_427, %dma_start3A_428] : memref<2x128x128xf32, #tpu.memory_space<vmem>> -> memref<1x128x128xf32, #tpu.memory_space<vmem>>
        %dma_start3A_430 = tpu.memref_squeeze %dma_start3A_429 : memref<1x128x128xf32, #tpu.memory_space<vmem>> -> memref<128x128xf32, #tpu.memory_space<vmem>>
        %dma_start3A_431 = arith.constant 0 : i32
        %dma_start3A_432 = tpu.memref_slice %arg7[%mul3A_412, %dma_start3A_431] : memref<40x128xi32, #tpu.memory_space<vmem>> -> memref<1x128xi32, #tpu.memory_space<vmem>>
        %dma_start3A_433 = tpu.memref_squeeze %dma_start3A_432 : memref<1x128xi32, #tpu.memory_space<vmem>> -> memref<128xi32, #tpu.memory_space<vmem>>
        %dma_start3A_434 = arith.constant 0 : i32
        %dma_start3A_435 = arith.constant 0 : i32
        %dma_start3A_436 = tpu.memref_slice %arg9[%dma_start3A_434, %dma_start3A_435] : memref<10240x128xf32, #tpu.memory_space<vmem_shared>> -> memref<10240x128xf32, #tpu.memory_space<vmem_shared>>
        tpu.enqueue_indirect_dma source(%dma_start3A_430 : memref<128x128xf32, #tpu.memory_space<vmem>>) target(%dma_start3A_436 : memref<10240x128xf32, #tpu.memory_space<vmem_shared>>) offsets(%dma_start3A_433 : memref<128xi32, #tpu.memory_space<vmem>>) semaphore(%arg12 : memref<!tpu.dma_semaphore, #tpu.memory_space<semaphore_mem>>) {add = true}
        %dma_wait3A_437 = arith.constant 1 : i32
        %dma_wait3A_438 = arith.constant 0 : i32
        %dma_wait3A_439 = arith.constant 0 : i32
        %dma_wait3A_440 = tpu.memref_slice %arg8[%dma_wait3A_437, %dma_wait3A_438, %dma_wait3A_439] : memref<2x128x128xf32, #tpu.memory_space<vmem>> -> memref<1x128x128xf32, #tpu.memory_space<vmem>>
        %dma_wait3A_441 = tpu.memref_squeeze %dma_wait3A_440 : memref<1x128x128xf32, #tpu.memory_space<vmem>> -> memref<128x128xf32, #tpu.memory_space<vmem>>
        %dma_wait3A_442 = arith.constant 0 : i32
        %dma_wait3A_443 = tpu.memref_slice %arg6[%add3A_414, %dma_wait3A_442] : memref<40x128xi32, #tpu.memory_space<vmem>> -> memref<1x128xi32, #tpu.memory_space<vmem>>
        %dma_wait3A_444 = tpu.memref_squeeze %dma_wait3A_443 : memref<1x128xi32, #tpu.memory_space<vmem>> -> memref<128xi32, #tpu.memory_space<vmem>>
        %dma_wait3A_445 = arith.constant 0 : i32
        %dma_wait3A_446 = arith.constant 0 : i32
        %dma_wait3A_447 = tpu.memref_slice %arg4[%dma_wait3A_445, %dma_wait3A_446] : memref<10000x128xf32, #tpu.memory_space<hbm>> -> memref<10000x128xf32, #tpu.memory_space<hbm>>
        tpu.wait_indirect_dma semaphore(%arg11 : memref<!tpu.dma_semaphore, #tpu.memory_space<semaphore_mem>>) src(%dma_wait3A_447 : memref<10000x128xf32, #tpu.memory_space<hbm>>) dst(%dma_wait3A_441 : memref<128x128xf32, #tpu.memory_space<vmem>>)
        %dma_start3A_448 = arith.constant 1 : i32
        %dma_start3A_449 = arith.constant 0 : i32
        %dma_start3A_450 = arith.constant 0 : i32
        %dma_start3A_451 = tpu.memref_slice %arg8[%dma_start3A_448, %dma_start3A_449, %dma_start3A_450] : memref<2x128x128xf32, #tpu.memory_space<vmem>> -> memref<1x128x128xf32, #tpu.memory_space<vmem>>
        %dma_start3A_452 = tpu.memref_squeeze %dma_start3A_451 : memref<1x128x128xf32, #tpu.memory_space<vmem>> -> memref<128x128xf32, #tpu.memory_space<vmem>>
        %dma_start3A_453 = arith.constant 0 : i32
        %dma_start3A_454 = tpu.memref_slice %arg7[%add3A_414, %dma_start3A_453] : memref<40x128xi32, #tpu.memory_space<vmem>> -> memref<1x128xi32, #tpu.memory_space<vmem>>
        %dma_start3A_455 = tpu.memref_squeeze %dma_start3A_454 : memref<1x128xi32, #tpu.memory_space<vmem>> -> memref<128xi32, #tpu.memory_space<vmem>>
        %dma_start3A_456 = arith.constant 0 : i32
        %dma_start3A_457 = arith.constant 0 : i32
        %dma_start3A_458 = tpu.memref_slice %arg9[%dma_start3A_456, %dma_start3A_457] : memref<10240x128xf32, #tpu.memory_space<vmem_shared>> -> memref<10240x128xf32, #tpu.memory_space<vmem_shared>>
        tpu.enqueue_indirect_dma source(%dma_start3A_452 : memref<128x128xf32, #tpu.memory_space<vmem>>) target(%dma_start3A_458 : memref<10240x128xf32, #tpu.memory_space<vmem_shared>>) offsets(%dma_start3A_455 : memref<128xi32, #tpu.memory_space<vmem>>) semaphore(%arg13 : memref<!tpu.dma_semaphore, #tpu.memory_space<semaphore_mem>>) {add = true}
        %lt3A = arith.constant 19 : i32
        %lt3A_459 = arith.cmpi slt, %scan3A_409, %lt3A : i32
        %convert_element_type3A_460 = arith.extui %lt3A_459 : i1 to i32
        %cond3A_461 = arith.constant 0 : i32
        %cond3A_462 = arith.cmpi ne, %convert_element_type3A_460, %cond3A_461 : i32
        scf.if %cond3A_462 {
          %dma_wait3A_464 = arith.constant 0 : i32
          %dma_wait3A_465 = arith.constant 0 : i32
          %dma_wait3A_466 = arith.constant 0 : i32
          %dma_wait3A_467 = tpu.memref_slice %arg8[%dma_wait3A_464, %dma_wait3A_465, %dma_wait3A_466] : memref<2x128x128xf32, #tpu.memory_space<vmem>> -> memref<1x128x128xf32, #tpu.memory_space<vmem>>
          %dma_wait3A_468 = tpu.memref_squeeze %dma_wait3A_467 : memref<1x128x128xf32, #tpu.memory_space<vmem>> -> memref<128x128xf32, #tpu.memory_space<vmem>>
          %dma_wait3A_469 = arith.constant 0 : i32
          %dma_wait3A_470 = tpu.memref_slice %arg7[%mul3A_412, %dma_wait3A_469] : memref<40x128xi32, #tpu.memory_space<vmem>> -> memref<1x128xi32, #tpu.memory_space<vmem>>
          %dma_wait3A_471 = tpu.memref_squeeze %dma_wait3A_470 : memref<1x128xi32, #tpu.memory_space<vmem>> -> memref<128xi32, #tpu.memory_space<vmem>>
          %dma_wait3A_472 = arith.constant 0 : i32
          %dma_wait3A_473 = arith.constant 0 : i32
          %dma_wait3A_474 = tpu.memref_slice %arg9[%dma_wait3A_472, %dma_wait3A_473] : memref<10240x128xf32, #tpu.memory_space<vmem_shared>> -> memref<10240x128xf32, #tpu.memory_space<vmem_shared>>
          tpu.wait_indirect_dma semaphore(%arg12 : memref<!tpu.dma_semaphore, #tpu.memory_space<semaphore_mem>>) src(%dma_wait3A_468 : memref<128x128xf32, #tpu.memory_space<vmem>>) dst(%dma_wait3A_474 : memref<10240x128xf32, #tpu.memory_space<vmem_shared>>)
          %add3A_475 = arith.constant 2 : i32
          %add3A_476 = arith.addi %mul3A_412, %add3A_475 : i32
          %dma_start3A_477 = arith.constant 0 : i32
          %dma_start3A_478 = arith.constant 0 : i32
          %dma_start3A_479 = arith.constant 0 : i32
          %dma_start3A_480 = tpu.memref_slice %arg8[%dma_start3A_477, %dma_start3A_478, %dma_start3A_479] : memref<2x128x128xf32, #tpu.memory_space<vmem>> -> memref<1x128x128xf32, #tpu.memory_space<vmem>>
          %dma_start3A_481 = tpu.memref_squeeze %dma_start3A_480 : memref<1x128x128xf32, #tpu.memory_space<vmem>> -> memref<128x128xf32, #tpu.memory_space<vmem>>
          %dma_start3A_482 = arith.constant 0 : i32
          %dma_start3A_483 = tpu.memref_slice %arg6[%add3A_476, %dma_start3A_482] : memref<40x128xi32, #tpu.memory_space<vmem>> -> memref<1x128xi32, #tpu.memory_space<vmem>>
          %dma_start3A_484 = tpu.memref_squeeze %dma_start3A_483 : memref<1x128xi32, #tpu.memory_space<vmem>> -> memref<128xi32, #tpu.memory_space<vmem>>
          %dma_start3A_485 = arith.constant 0 : i32
          %dma_start3A_486 = arith.constant 0 : i32
          %dma_start3A_487 = tpu.memref_slice %arg4[%dma_start3A_485, %dma_start3A_486] : memref<10000x128xf32, #tpu.memory_space<hbm>> -> memref<10000x128xf32, #tpu.memory_space<hbm>>
          tpu.enqueue_indirect_dma source(%dma_start3A_487 : memref<10000x128xf32, #tpu.memory_space<hbm>>) target(%dma_start3A_481 : memref<128x128xf32, #tpu.memory_space<vmem>>) offsets(%dma_start3A_484 : memref<128xi32, #tpu.memory_space<vmem>>) semaphore(%arg10 : memref<!tpu.dma_semaphore, #tpu.memory_space<semaphore_mem>>)
          %dma_wait3A_488 = arith.constant 1 : i32
          %dma_wait3A_489 = arith.constant 0 : i32
          %dma_wait3A_490 = arith.constant 0 : i32
          %dma_wait3A_491 = tpu.memref_slice %arg8[%dma_wait3A_488, %dma_wait3A_489, %dma_wait3A_490] : memref<2x128x128xf32, #tpu.memory_space<vmem>> -> memref<1x128x128xf32, #tpu.memory_space<vmem>>
          %dma_wait3A_492 = tpu.memref_squeeze %dma_wait3A_491 : memref<1x128x128xf32, #tpu.memory_space<vmem>> -> memref<128x128xf32, #tpu.memory_space<vmem>>
          %dma_wait3A_493 = arith.constant 0 : i32
          %dma_wait3A_494 = tpu.memref_slice %arg7[%add3A_414, %dma_wait3A_493] : memref<40x128xi32, #tpu.memory_space<vmem>> -> memref<1x128xi32, #tpu.memory_space<vmem>>
          %dma_wait3A_495 = tpu.memref_squeeze %dma_wait3A_494 : memref<1x128xi32, #tpu.memory_space<vmem>> -> memref<128xi32, #tpu.memory_space<vmem>>
          %dma_wait3A_496 = arith.constant 0 : i32
          %dma_wait3A_497 = arith.constant 0 : i32
          %dma_wait3A_498 = tpu.memref_slice %arg9[%dma_wait3A_496, %dma_wait3A_497] : memref<10240x128xf32, #tpu.memory_space<vmem_shared>> -> memref<10240x128xf32, #tpu.memory_space<vmem_shared>>
          tpu.wait_indirect_dma semaphore(%arg13 : memref<!tpu.dma_semaphore, #tpu.memory_space<semaphore_mem>>) src(%dma_wait3A_492 : memref<128x128xf32, #tpu.memory_space<vmem>>) dst(%dma_wait3A_498 : memref<10240x128xf32, #tpu.memory_space<vmem_shared>>)
          %add3A_499 = arith.constant 2 : i32
          %add3A_500 = arith.addi %add3A_414, %add3A_499 : i32
          %dma_start3A_501 = arith.constant 1 : i32
          %dma_start3A_502 = arith.constant 0 : i32
          %dma_start3A_503 = arith.constant 0 : i32
          %dma_start3A_504 = tpu.memref_slice %arg8[%dma_start3A_501, %dma_start3A_502, %dma_start3A_503] : memref<2x128x128xf32, #tpu.memory_space<vmem>> -> memref<1x128x128xf32, #tpu.memory_space<vmem>>
          %dma_start3A_505 = tpu.memref_squeeze %dma_start3A_504 : memref<1x128x128xf32, #tpu.memory_space<vmem>> -> memref<128x128xf32, #tpu.memory_space<vmem>>
          %dma_start3A_506 = arith.constant 0 : i32
          %dma_start3A_507 = tpu.memref_slice %arg6[%add3A_500, %dma_start3A_506] : memref<40x128xi32, #tpu.memory_space<vmem>> -> memref<1x128xi32, #tpu.memory_space<vmem>>
          %dma_start3A_508 = tpu.memref_squeeze %dma_start3A_507 : memref<1x128xi32, #tpu.memory_space<vmem>> -> memref<128xi32, #tpu.memory_space<vmem>>
          %dma_start3A_509 = arith.constant 0 : i32
          %dma_start3A_510 = arith.constant 0 : i32
          %dma_start3A_511 = tpu.memref_slice %arg4[%dma_start3A_509, %dma_start3A_510] : memref<10000x128xf32, #tpu.memory_space<hbm>> -> memref<10000x128xf32, #tpu.memory_space<hbm>>
          tpu.enqueue_indirect_dma source(%dma_start3A_511 : memref<10000x128xf32, #tpu.memory_space<hbm>>) target(%dma_start3A_505 : memref<128x128xf32, #tpu.memory_space<vmem>>) offsets(%dma_start3A_508 : memref<128xi32, #tpu.memory_space<vmem>>) semaphore(%arg11 : memref<!tpu.dma_semaphore, #tpu.memory_space<semaphore_mem>>)
        } else {
        }
        %scan3A_463 = arith.constant 0 : i32
        scf.yield %scan3A_463 : i32
      }
      %scan3A_383 = arith.constant 20 : i32
      %dma_wait3A_384 = arith.constant 0 : i32
      %dma_wait3A_385 = arith.constant 0 : i32
      %dma_wait3A_386 = arith.constant 0 : i32
      %dma_wait3A_387 = arith.constant 0 : i32
      %dma_wait3A_388 = tpu.memref_slice %arg8[%dma_wait3A_384, %dma_wait3A_386, %dma_wait3A_387] : memref<2x128x128xf32, #tpu.memory_space<vmem>> -> memref<1x128x128xf32, #tpu.memory_space<vmem>>
      %dma_wait3A_389 = tpu.memref_squeeze %dma_wait3A_388 : memref<1x128x128xf32, #tpu.memory_space<vmem>> -> memref<128x128xf32, #tpu.memory_space<vmem>>
      %dma_wait3A_390 = arith.constant 0 : i32
      %dma_wait3A_391 = tpu.memref_slice %arg7[%dma_wait3A_385, %dma_wait3A_390] : memref<40x128xi32, #tpu.memory_space<vmem>> -> memref<1x128xi32, #tpu.memory_space<vmem>>
      %dma_wait3A_392 = tpu.memref_squeeze %dma_wait3A_391 : memref<1x128xi32, #tpu.memory_space<vmem>> -> memref<128xi32, #tpu.memory_space<vmem>>
      %dma_wait3A_393 = arith.constant 0 : i32
      %dma_wait3A_394 = arith.constant 0 : i32
      %dma_wait3A_395 = tpu.memref_slice %arg9[%dma_wait3A_393, %dma_wait3A_394] : memref<10240x128xf32, #tpu.memory_space<vmem_shared>> -> memref<10240x128xf32, #tpu.memory_space<vmem_shared>>
      tpu.wait_indirect_dma semaphore(%arg12 : memref<!tpu.dma_semaphore, #tpu.memory_space<semaphore_mem>>) src(%dma_wait3A_389 : memref<128x128xf32, #tpu.memory_space<vmem>>) dst(%dma_wait3A_395 : memref<10240x128xf32, #tpu.memory_space<vmem_shared>>)
      %dma_wait3A_396 = arith.constant 1 : i32
      %dma_wait3A_397 = arith.constant 1 : i32
      %dma_wait3A_398 = arith.constant 0 : i32
      %dma_wait3A_399 = arith.constant 0 : i32
      %dma_wait3A_400 = tpu.memref_slice %arg8[%dma_wait3A_396, %dma_wait3A_398, %dma_wait3A_399] : memref<2x128x128xf32, #tpu.memory_space<vmem>> -> memref<1x128x128xf32, #tpu.memory_space<vmem>>
      %dma_wait3A_401 = tpu.memref_squeeze %dma_wait3A_400 : memref<1x128x128xf32, #tpu.memory_space<vmem>> -> memref<128x128xf32, #tpu.memory_space<vmem>>
      %dma_wait3A_402 = arith.constant 0 : i32
      %dma_wait3A_403 = tpu.memref_slice %arg7[%dma_wait3A_397, %dma_wait3A_402] : memref<40x128xi32, #tpu.memory_space<vmem>> -> memref<1x128xi32, #tpu.memory_space<vmem>>
      %dma_wait3A_404 = tpu.memref_squeeze %dma_wait3A_403 : memref<1x128xi32, #tpu.memory_space<vmem>> -> memref<128xi32, #tpu.memory_space<vmem>>
      %dma_wait3A_405 = arith.constant 0 : i32
      %dma_wait3A_406 = arith.constant 0 : i32
      %dma_wait3A_407 = tpu.memref_slice %arg9[%dma_wait3A_405, %dma_wait3A_406] : memref<10240x128xf32, #tpu.memory_space<vmem_shared>> -> memref<10240x128xf32, #tpu.memory_space<vmem_shared>>
      tpu.wait_indirect_dma semaphore(%arg13 : memref<!tpu.dma_semaphore, #tpu.memory_space<semaphore_mem>>) src(%dma_wait3A_401 : memref<128x128xf32, #tpu.memory_space<vmem>>) dst(%dma_wait3A_407 : memref<10240x128xf32, #tpu.memory_space<vmem_shared>>)
      %scan3A_408 = arith.constant 0 : i32
      scf.yield %scan3A_408 : i32
    }
    %scan3A_164 = arith.constant 2 : i32
    %barrier3A_165 = arith.constant 0 : index
    tpu.barrier barrier_id(%barrier3A_165)
    %mul3A_166 = arith.constant 640 : i32
    %mul3A_167 = arith.muli %arg1, %mul3A_166 : i32
    %add3A_168 = arith.constant 0 : i32
    %add3A_169 = arith.addi %mul3A_167, %add3A_168 : i32
    %run_scoped3A = arith.constant 0 : i32
    "tpu.region"() ({
      %run_scoped3A_340 = tpu.sem_alloc : memref<!tpu.dma_semaphore, #tpu.memory_space<semaphore_mem>>
      %dma_start3A_341 = arith.constant 0 : i32
      %dma_start3A_342 = arith.constant 0 : i32
      %dma_start3A_343 = tpu.memref_slice %arg8[%run_scoped3A, %dma_start3A_341, %dma_start3A_342] : memref<2x128x128xf32, #tpu.memory_space<vmem>> -> memref<1x128x128xf32, #tpu.memory_space<vmem>>
      %dma_start3A_344 = tpu.memref_squeeze %dma_start3A_343 : memref<1x128x128xf32, #tpu.memory_space<vmem>> -> memref<128x128xf32, #tpu.memory_space<vmem>>
      %dma_start3A_345 = arith.constant 0 : i32
      %dma_start3A_346 = tpu.memref_slice %arg9[%add3A_169, %dma_start3A_345] : memref<10240x128xf32, #tpu.memory_space<vmem_shared>> -> memref<128x128xf32, #tpu.memory_space<vmem_shared>>
      %dma_start3A_347 = arith.constant 0 : i32
      %dma_start3A_348 = arith.constant 0 : i32
      %dma_start3A_349 = tpu.memref_slice %arg8[%run_scoped3A, %dma_start3A_347, %dma_start3A_348] : memref<2x128x128xf32, #tpu.memory_space<vmem>> -> memref<1x128x128xf32, #tpu.memory_space<vmem>>
      %dma_start3A_350 = tpu.memref_squeeze %dma_start3A_349 : memref<1x128x128xf32, #tpu.memory_space<vmem>> -> memref<128x128xf32, #tpu.memory_space<vmem>>
      %dma_start3A_351 = arith.constant 0 : i32
      %dma_start3A_352 = tpu.memref_slice %arg9[%add3A_169, %dma_start3A_351] : memref<10240x128xf32, #tpu.memory_space<vmem_shared>> -> memref<128x128xf32, #tpu.memory_space<vmem_shared>>
      tpu.enqueue_dma source(%dma_start3A_352 : memref<128x128xf32, #tpu.memory_space<vmem_shared>>) target(%dma_start3A_350 : memref<128x128xf32, #tpu.memory_space<vmem>>) target_semaphore(%run_scoped3A_340 : memref<!tpu.dma_semaphore, #tpu.memory_space<semaphore_mem>>)
      %dma_wait3A_353 = arith.constant 0 : i32
      %dma_wait3A_354 = arith.constant 0 : i32
      %dma_wait3A_355 = tpu.memref_slice %arg8[%run_scoped3A, %dma_wait3A_353, %dma_wait3A_354] : memref<2x128x128xf32, #tpu.memory_space<vmem>> -> memref<1x128x128xf32, #tpu.memory_space<vmem>>
      %dma_wait3A_356 = tpu.memref_squeeze %dma_wait3A_355 : memref<1x128x128xf32, #tpu.memory_space<vmem>> -> memref<128x128xf32, #tpu.memory_space<vmem>>
      %dma_wait3A_357 = arith.constant 0 : i32
      %dma_wait3A_358 = tpu.memref_slice %arg9[%add3A_169, %dma_wait3A_357] : memref<10240x128xf32, #tpu.memory_space<vmem_shared>> -> memref<128x128xf32, #tpu.memory_space<vmem_shared>>
      %dma_wait3A_359 = arith.constant 0 : i32
      %dma_wait3A_360 = arith.constant 0 : i32
      %dma_wait3A_361 = tpu.memref_slice %arg8[%run_scoped3A, %dma_wait3A_359, %dma_wait3A_360] : memref<2x128x128xf32, #tpu.memory_space<vmem>> -> memref<1x128x128xf32, #tpu.memory_space<vmem>>
      %dma_wait3A_362 = tpu.memref_squeeze %dma_wait3A_361 : memref<1x128x128xf32, #tpu.memory_space<vmem>> -> memref<128x128xf32, #tpu.memory_space<vmem>>
      %dma_wait3A_363 = arith.constant 0 : i32
      %dma_wait3A_364 = tpu.memref_slice %arg9[%add3A_169, %dma_wait3A_363] : memref<10240x128xf32, #tpu.memory_space<vmem_shared>> -> memref<128x128xf32, #tpu.memory_space<vmem_shared>>
      tpu.wait_dma2 semaphore(%run_scoped3A_340 : memref<!tpu.dma_semaphore, #tpu.memory_space<semaphore_mem>>) src(%dma_wait3A_364 : memref<128x128xf32, #tpu.memory_space<vmem_shared>>) dst(%dma_wait3A_362 : memref<128x128xf32, #tpu.memory_space<vmem>>)
      tpu.yield
    }) : () -> ()
    %dma_start3A_170 = arith.constant 0 : i32
    %dma_start3A_171 = arith.constant 0 : i32
    %dma_start3A_172 = arith.constant 0 : i32
    %dma_start3A_173 = tpu.memref_slice %arg8[%dma_start3A_170, %dma_start3A_171, %dma_start3A_172] : memref<2x128x128xf32, #tpu.memory_space<vmem>> -> memref<1x128x128xf32, #tpu.memory_space<vmem>>
    %dma_start3A_174 = tpu.memref_squeeze %dma_start3A_173 : memref<1x128x128xf32, #tpu.memory_space<vmem>> -> memref<128x128xf32, #tpu.memory_space<vmem>>
    %dma_start3A_175 = arith.constant 0 : i32
    %dma_start3A_176 = tpu.memref_slice %arg5[%arg0, %add3A_169, %dma_start3A_175] : memref<2x10240x128xf32, #tpu.memory_space<hbm>> -> memref<1x128x128xf32, #tpu.memory_space<hbm>>
    %dma_start3A_177 = tpu.memref_squeeze %dma_start3A_176 : memref<1x128x128xf32, #tpu.memory_space<hbm>> -> memref<128x128xf32, #tpu.memory_space<hbm>>
    %dma_start3A_178 = arith.constant 0 : i32
    %dma_start3A_179 = tpu.memref_slice %arg5[%arg0, %add3A_169, %dma_start3A_178] : memref<2x10240x128xf32, #tpu.memory_space<hbm>> -> memref<1x128x128xf32, #tpu.memory_space<hbm>>
    %dma_start3A_180 = tpu.memref_squeeze %dma_start3A_179 : memref<1x128x128xf32, #tpu.memory_space<hbm>> -> memref<128x128xf32, #tpu.memory_space<hbm>>
    %dma_start3A_181 = arith.constant 0 : i32
    %dma_start3A_182 = arith.constant 0 : i32
    %dma_start3A_183 = tpu.memref_slice %arg8[%dma_start3A_170, %dma_start3A_181, %dma_start3A_182] : memref<2x128x128xf32, #tpu.memory_space<vmem>> -> memref<1x128x128xf32, #tpu.memory_space<vmem>>
    %dma_start3A_184 = tpu.memref_squeeze %dma_start3A_183 : memref<1x128x128xf32, #tpu.memory_space<vmem>> -> memref<128x128xf32, #tpu.memory_space<vmem>>
    tpu.enqueue_dma source(%dma_start3A_184 : memref<128x128xf32, #tpu.memory_space<vmem>>) target(%dma_start3A_180 : memref<128x128xf32, #tpu.memory_space<hbm>>) target_semaphore(%arg10 : memref<!tpu.dma_semaphore, #tpu.memory_space<semaphore_mem>>)
    %mul3A_185 = arith.constant 640 : i32
    %mul3A_186 = arith.muli %arg1, %mul3A_185 : i32
    %add3A_187 = arith.constant 128 : i32
    %add3A_188 = arith.addi %mul3A_186, %add3A_187 : i32
    %run_scoped3A_189 = arith.constant 1 : i32
    "tpu.region"() ({
      %run_scoped3A_340 = tpu.sem_alloc : memref<!tpu.dma_semaphore, #tpu.memory_space<semaphore_mem>>
      %dma_start3A_341 = arith.constant 0 : i32
      %dma_start3A_342 = arith.constant 0 : i32
      %dma_start3A_343 = tpu.memref_slice %arg8[%run_scoped3A_189, %dma_start3A_341, %dma_start3A_342] : memref<2x128x128xf32, #tpu.memory_space<vmem>> -> memref<1x128x128xf32, #tpu.memory_space<vmem>>
      %dma_start3A_344 = tpu.memref_squeeze %dma_start3A_343 : memref<1x128x128xf32, #tpu.memory_space<vmem>> -> memref<128x128xf32, #tpu.memory_space<vmem>>
      %dma_start3A_345 = arith.constant 0 : i32
      %dma_start3A_346 = tpu.memref_slice %arg9[%add3A_188, %dma_start3A_345] : memref<10240x128xf32, #tpu.memory_space<vmem_shared>> -> memref<128x128xf32, #tpu.memory_space<vmem_shared>>
      %dma_start3A_347 = arith.constant 0 : i32
      %dma_start3A_348 = arith.constant 0 : i32
      %dma_start3A_349 = tpu.memref_slice %arg8[%run_scoped3A_189, %dma_start3A_347, %dma_start3A_348] : memref<2x128x128xf32, #tpu.memory_space<vmem>> -> memref<1x128x128xf32, #tpu.memory_space<vmem>>
      %dma_start3A_350 = tpu.memref_squeeze %dma_start3A_349 : memref<1x128x128xf32, #tpu.memory_space<vmem>> -> memref<128x128xf32, #tpu.memory_space<vmem>>
      %dma_start3A_351 = arith.constant 0 : i32
      %dma_start3A_352 = tpu.memref_slice %arg9[%add3A_188, %dma_start3A_351] : memref<10240x128xf32, #tpu.memory_space<vmem_shared>> -> memref<128x128xf32, #tpu.memory_space<vmem_shared>>
      tpu.enqueue_dma source(%dma_start3A_352 : memref<128x128xf32, #tpu.memory_space<vmem_shared>>) target(%dma_start3A_350 : memref<128x128xf32, #tpu.memory_space<vmem>>) target_semaphore(%run_scoped3A_340 : memref<!tpu.dma_semaphore, #tpu.memory_space<semaphore_mem>>)
      %dma_wait3A_353 = arith.constant 0 : i32
      %dma_wait3A_354 = arith.constant 0 : i32
      %dma_wait3A_355 = tpu.memref_slice %arg8[%run_scoped3A_189, %dma_wait3A_353, %dma_wait3A_354] : memref<2x128x128xf32, #tpu.memory_space<vmem>> -> memref<1x128x128xf32, #tpu.memory_space<vmem>>
      %dma_wait3A_356 = tpu.memref_squeeze %dma_wait3A_355 : memref<1x128x128xf32, #tpu.memory_space<vmem>> -> memref<128x128xf32, #tpu.memory_space<vmem>>
      %dma_wait3A_357 = arith.constant 0 : i32
      %dma_wait3A_358 = tpu.memref_slice %arg9[%add3A_188, %dma_wait3A_357] : memref<10240x128xf32, #tpu.memory_space<vmem_shared>> -> memref<128x128xf32, #tpu.memory_space<vmem_shared>>
      %dma_wait3A_359 = arith.constant 0 : i32
      %dma_wait3A_360 = arith.constant 0 : i32
      %dma_wait3A_361 = tpu.memref_slice %arg8[%run_scoped3A_189, %dma_wait3A_359, %dma_wait3A_360] : memref<2x128x128xf32, #tpu.memory_space<vmem>> -> memref<1x128x128xf32, #tpu.memory_space<vmem>>
      %dma_wait3A_362 = tpu.memref_squeeze %dma_wait3A_361 : memref<1x128x128xf32, #tpu.memory_space<vmem>> -> memref<128x128xf32, #tpu.memory_space<vmem>>
      %dma_wait3A_363 = arith.constant 0 : i32
      %dma_wait3A_364 = tpu.memref_slice %arg9[%add3A_188, %dma_wait3A_363] : memref<10240x128xf32, #tpu.memory_space<vmem_shared>> -> memref<128x128xf32, #tpu.memory_space<vmem_shared>>
      tpu.wait_dma2 semaphore(%run_scoped3A_340 : memref<!tpu.dma_semaphore, #tpu.memory_space<semaphore_mem>>) src(%dma_wait3A_364 : memref<128x128xf32, #tpu.memory_space<vmem_shared>>) dst(%dma_wait3A_362 : memref<128x128xf32, #tpu.memory_space<vmem>>)
      tpu.yield
    }) : () -> ()
    %dma_start3A_190 = arith.constant 1 : i32
    %dma_start3A_191 = arith.constant 0 : i32
    %dma_start3A_192 = arith.constant 0 : i32
    %dma_start3A_193 = tpu.memref_slice %arg8[%dma_start3A_190, %dma_start3A_191, %dma_start3A_192] : memref<2x128x128xf32, #tpu.memory_space<vmem>> -> memref<1x128x128xf32, #tpu.memory_space<vmem>>
    %dma_start3A_194 = tpu.memref_squeeze %dma_start3A_193 : memref<1x128x128xf32, #tpu.memory_space<vmem>> -> memref<128x128xf32, #tpu.memory_space<vmem>>
    %dma_start3A_195 = arith.constant 0 : i32
    %dma_start3A_196 = tpu.memref_slice %arg5[%arg0, %add3A_188, %dma_start3A_195] : memref<2x10240x128xf32, #tpu.memory_space<hbm>> -> memref<1x128x128xf32, #tpu.memory_space<hbm>>
    %dma_start3A_197 = tpu.memref_squeeze %dma_start3A_196 : memref<1x128x128xf32, #tpu.memory_space<hbm>> -> memref<128x128xf32, #tpu.memory_space<hbm>>
    %dma_start3A_198 = arith.constant 0 : i32
    %dma_start3A_199 = tpu.memref_slice %arg5[%arg0, %add3A_188, %dma_start3A_198] : memref<2x10240x128xf32, #tpu.memory_space<hbm>> -> memref<1x128x128xf32, #tpu.memory_space<hbm>>
    %dma_start3A_200 = tpu.memref_squeeze %dma_start3A_199 : memref<1x128x128xf32, #tpu.memory_space<hbm>> -> memref<128x128xf32, #tpu.memory_space<hbm>>
    %dma_start3A_201 = arith.constant 0 : i32
    %dma_start3A_202 = arith.constant 0 : i32
    %dma_start3A_203 = tpu.memref_slice %arg8[%dma_start3A_190, %dma_start3A_201, %dma_start3A_202] : memref<2x128x128xf32, #tpu.memory_space<vmem>> -> memref<1x128x128xf32, #tpu.memory_space<vmem>>
    %dma_start3A_204 = tpu.memref_squeeze %dma_start3A_203 : memref<1x128x128xf32, #tpu.memory_space<vmem>> -> memref<128x128xf32, #tpu.memory_space<vmem>>
    tpu.enqueue_dma source(%dma_start3A_204 : memref<128x128xf32, #tpu.memory_space<vmem>>) target(%dma_start3A_200 : memref<128x128xf32, #tpu.memory_space<hbm>>) target_semaphore(%arg11 : memref<!tpu.dma_semaphore, #tpu.memory_space<semaphore_mem>>)
    %mul3A_205 = arith.constant 640 : i32
    %mul3A_206 = arith.muli %arg1, %mul3A_205 : i32
    %add3A_207 = arith.constant 256 : i32
    %add3A_208 = arith.addi %mul3A_206, %add3A_207 : i32
    %dma_wait3A_209 = arith.constant 0 : i32
    %dma_wait3A_210 = arith.constant 0 : i32
    %dma_wait3A_211 = arith.constant 0 : i32
    %dma_wait3A_212 = tpu.memref_slice %arg8[%dma_wait3A_209, %dma_wait3A_210, %dma_wait3A_211] : memref<2x128x128xf32, #tpu.memory_space<vmem>> -> memref<1x128x128xf32, #tpu.memory_space<vmem>>
    %dma_wait3A_213 = tpu.memref_squeeze %dma_wait3A_212 : memref<1x128x128xf32, #tpu.memory_space<vmem>> -> memref<128x128xf32, #tpu.memory_space<vmem>>
    %dma_wait3A_214 = arith.constant 0 : i32
    %dma_wait3A_215 = tpu.memref_slice %arg5[%arg0, %add3A_169, %dma_wait3A_214] : memref<2x10240x128xf32, #tpu.memory_space<hbm>> -> memref<1x128x128xf32, #tpu.memory_space<hbm>>
    %dma_wait3A_216 = tpu.memref_squeeze %dma_wait3A_215 : memref<1x128x128xf32, #tpu.memory_space<hbm>> -> memref<128x128xf32, #tpu.memory_space<hbm>>
    %dma_wait3A_217 = arith.constant 0 : i32
    %dma_wait3A_218 = tpu.memref_slice %arg5[%arg0, %add3A_169, %dma_wait3A_217] : memref<2x10240x128xf32, #tpu.memory_space<hbm>> -> memref<1x128x128xf32, #tpu.memory_space<hbm>>
    %dma_wait3A_219 = tpu.memref_squeeze %dma_wait3A_218 : memref<1x128x128xf32, #tpu.memory_space<hbm>> -> memref<128x128xf32, #tpu.memory_space<hbm>>
    %dma_wait3A_220 = arith.constant 0 : i32
    %dma_wait3A_221 = arith.constant 0 : i32
    %dma_wait3A_222 = tpu.memref_slice %arg8[%dma_wait3A_209, %dma_wait3A_220, %dma_wait3A_221] : memref<2x128x128xf32, #tpu.memory_space<vmem>> -> memref<1x128x128xf32, #tpu.memory_space<vmem>>
    %dma_wait3A_223 = tpu.memref_squeeze %dma_wait3A_222 : memref<1x128x128xf32, #tpu.memory_space<vmem>> -> memref<128x128xf32, #tpu.memory_space<vmem>>
    tpu.wait_dma2 semaphore(%arg10 : memref<!tpu.dma_semaphore, #tpu.memory_space<semaphore_mem>>) src(%dma_wait3A_223 : memref<128x128xf32, #tpu.memory_space<vmem>>) dst(%dma_wait3A_219 : memref<128x128xf32, #tpu.memory_space<hbm>>)
    %run_scoped3A_224 = arith.constant 0 : i32
    "tpu.region"() ({
      %run_scoped3A_340 = tpu.sem_alloc : memref<!tpu.dma_semaphore, #tpu.memory_space<semaphore_mem>>
      %dma_start3A_341 = arith.constant 0 : i32
      %dma_start3A_342 = arith.constant 0 : i32
      %dma_start3A_343 = tpu.memref_slice %arg8[%run_scoped3A_224, %dma_start3A_341, %dma_start3A_342] : memref<2x128x128xf32, #tpu.memory_space<vmem>> -> memref<1x128x128xf32, #tpu.memory_space<vmem>>
      %dma_start3A_344 = tpu.memref_squeeze %dma_start3A_343 : memref<1x128x128xf32, #tpu.memory_space<vmem>> -> memref<128x128xf32, #tpu.memory_space<vmem>>
      %dma_start3A_345 = arith.constant 0 : i32
      %dma_start3A_346 = tpu.memref_slice %arg9[%add3A_208, %dma_start3A_345] : memref<10240x128xf32, #tpu.memory_space<vmem_shared>> -> memref<128x128xf32, #tpu.memory_space<vmem_shared>>
      %dma_start3A_347 = arith.constant 0 : i32
      %dma_start3A_348 = arith.constant 0 : i32
      %dma_start3A_349 = tpu.memref_slice %arg8[%run_scoped3A_224, %dma_start3A_347, %dma_start3A_348] : memref<2x128x128xf32, #tpu.memory_space<vmem>> -> memref<1x128x128xf32, #tpu.memory_space<vmem>>
      %dma_start3A_350 = tpu.memref_squeeze %dma_start3A_349 : memref<1x128x128xf32, #tpu.memory_space<vmem>> -> memref<128x128xf32, #tpu.memory_space<vmem>>
      %dma_start3A_351 = arith.constant 0 : i32
      %dma_start3A_352 = tpu.memref_slice %arg9[%add3A_208, %dma_start3A_351] : memref<10240x128xf32, #tpu.memory_space<vmem_shared>> -> memref<128x128xf32, #tpu.memory_space<vmem_shared>>
      tpu.enqueue_dma source(%dma_start3A_352 : memref<128x128xf32, #tpu.memory_space<vmem_shared>>) target(%dma_start3A_350 : memref<128x128xf32, #tpu.memory_space<vmem>>) target_semaphore(%run_scoped3A_340 : memref<!tpu.dma_semaphore, #tpu.memory_space<semaphore_mem>>)
      %dma_wait3A_353 = arith.constant 0 : i32
      %dma_wait3A_354 = arith.constant 0 : i32
      %dma_wait3A_355 = tpu.memref_slice %arg8[%run_scoped3A_224, %dma_wait3A_353, %dma_wait3A_354] : memref<2x128x128xf32, #tpu.memory_space<vmem>> -> memref<1x128x128xf32, #tpu.memory_space<vmem>>
      %dma_wait3A_356 = tpu.memref_squeeze %dma_wait3A_355 : memref<1x128x128xf32, #tpu.memory_space<vmem>> -> memref<128x128xf32, #tpu.memory_space<vmem>>
      %dma_wait3A_357 = arith.constant 0 : i32
      %dma_wait3A_358 = tpu.memref_slice %arg9[%add3A_208, %dma_wait3A_357] : memref<10240x128xf32, #tpu.memory_space<vmem_shared>> -> memref<128x128xf32, #tpu.memory_space<vmem_shared>>
      %dma_wait3A_359 = arith.constant 0 : i32
      %dma_wait3A_360 = arith.constant 0 : i32
      %dma_wait3A_361 = tpu.memref_slice %arg8[%run_scoped3A_224, %dma_wait3A_359, %dma_wait3A_360] : memref<2x128x128xf32, #tpu.memory_space<vmem>> -> memref<1x128x128xf32, #tpu.memory_space<vmem>>
      %dma_wait3A_362 = tpu.memref_squeeze %dma_wait3A_361 : memref<1x128x128xf32, #tpu.memory_space<vmem>> -> memref<128x128xf32, #tpu.memory_space<vmem>>
      %dma_wait3A_363 = arith.constant 0 : i32
      %dma_wait3A_364 = tpu.memref_slice %arg9[%add3A_208, %dma_wait3A_363] : memref<10240x128xf32, #tpu.memory_space<vmem_shared>> -> memref<128x128xf32, #tpu.memory_space<vmem_shared>>
      tpu.wait_dma2 semaphore(%run_scoped3A_340 : memref<!tpu.dma_semaphore, #tpu.memory_space<semaphore_mem>>) src(%dma_wait3A_364 : memref<128x128xf32, #tpu.memory_space<vmem_shared>>) dst(%dma_wait3A_362 : memref<128x128xf32, #tpu.memory_space<vmem>>)
      tpu.yield
    }) : () -> ()
    %dma_start3A_225 = arith.constant 0 : i32
    %dma_start3A_226 = arith.constant 0 : i32
    %dma_start3A_227 = arith.constant 0 : i32
    %dma_start3A_228 = tpu.memref_slice %arg8[%dma_start3A_225, %dma_start3A_226, %dma_start3A_227] : memref<2x128x128xf32, #tpu.memory_space<vmem>> -> memref<1x128x128xf32, #tpu.memory_space<vmem>>
    %dma_start3A_229 = tpu.memref_squeeze %dma_start3A_228 : memref<1x128x128xf32, #tpu.memory_space<vmem>> -> memref<128x128xf32, #tpu.memory_space<vmem>>
    %dma_start3A_230 = arith.constant 0 : i32
    %dma_start3A_231 = tpu.memref_slice %arg5[%arg0, %add3A_208, %dma_start3A_230] : memref<2x10240x128xf32, #tpu.memory_space<hbm>> -> memref<1x128x128xf32, #tpu.memory_space<hbm>>
    %dma_start3A_232 = tpu.memref_squeeze %dma_start3A_231 : memref<1x128x128xf32, #tpu.memory_space<hbm>> -> memref<128x128xf32, #tpu.memory_space<hbm>>
    %dma_start3A_233 = arith.constant 0 : i32
    %dma_start3A_234 = tpu.memref_slice %arg5[%arg0, %add3A_208, %dma_start3A_233] : memref<2x10240x128xf32, #tpu.memory_space<hbm>> -> memref<1x128x128xf32, #tpu.memory_space<hbm>>
    %dma_start3A_235 = tpu.memref_squeeze %dma_start3A_234 : memref<1x128x128xf32, #tpu.memory_space<hbm>> -> memref<128x128xf32, #tpu.memory_space<hbm>>
    %dma_start3A_236 = arith.constant 0 : i32
    %dma_start3A_237 = arith.constant 0 : i32
    %dma_start3A_238 = tpu.memref_slice %arg8[%dma_start3A_225, %dma_start3A_236, %dma_start3A_237] : memref<2x128x128xf32, #tpu.memory_space<vmem>> -> memref<1x128x128xf32, #tpu.memory_space<vmem>>
    %dma_start3A_239 = tpu.memref_squeeze %dma_start3A_238 : memref<1x128x128xf32, #tpu.memory_space<vmem>> -> memref<128x128xf32, #tpu.memory_space<vmem>>
    tpu.enqueue_dma source(%dma_start3A_239 : memref<128x128xf32, #tpu.memory_space<vmem>>) target(%dma_start3A_235 : memref<128x128xf32, #tpu.memory_space<hbm>>) target_semaphore(%arg10 : memref<!tpu.dma_semaphore, #tpu.memory_space<semaphore_mem>>)
    %mul3A_240 = arith.constant 640 : i32
    %mul3A_241 = arith.muli %arg1, %mul3A_240 : i32
    %add3A_242 = arith.constant 384 : i32
    %add3A_243 = arith.addi %mul3A_241, %add3A_242 : i32
    %dma_wait3A_244 = arith.constant 1 : i32
    %dma_wait3A_245 = arith.constant 0 : i32
    %dma_wait3A_246 = arith.constant 0 : i32
    %dma_wait3A_247 = tpu.memref_slice %arg8[%dma_wait3A_244, %dma_wait3A_245, %dma_wait3A_246] : memref<2x128x128xf32, #tpu.memory_space<vmem>> -> memref<1x128x128xf32, #tpu.memory_space<vmem>>
    %dma_wait3A_248 = tpu.memref_squeeze %dma_wait3A_247 : memref<1x128x128xf32, #tpu.memory_space<vmem>> -> memref<128x128xf32, #tpu.memory_space<vmem>>
    %dma_wait3A_249 = arith.constant 0 : i32
    %dma_wait3A_250 = tpu.memref_slice %arg5[%arg0, %add3A_188, %dma_wait3A_249] : memref<2x10240x128xf32, #tpu.memory_space<hbm>> -> memref<1x128x128xf32, #tpu.memory_space<hbm>>
    %dma_wait3A_251 = tpu.memref_squeeze %dma_wait3A_250 : memref<1x128x128xf32, #tpu.memory_space<hbm>> -> memref<128x128xf32, #tpu.memory_space<hbm>>
    %dma_wait3A_252 = arith.constant 0 : i32
    %dma_wait3A_253 = tpu.memref_slice %arg5[%arg0, %add3A_188, %dma_wait3A_252] : memref<2x10240x128xf32, #tpu.memory_space<hbm>> -> memref<1x128x128xf32, #tpu.memory_space<hbm>>
    %dma_wait3A_254 = tpu.memref_squeeze %dma_wait3A_253 : memref<1x128x128xf32, #tpu.memory_space<hbm>> -> memref<128x128xf32, #tpu.memory_space<hbm>>
    %dma_wait3A_255 = arith.constant 0 : i32
    %dma_wait3A_256 = arith.constant 0 : i32
    %dma_wait3A_257 = tpu.memref_slice %arg8[%dma_wait3A_244, %dma_wait3A_255, %dma_wait3A_256] : memref<2x128x128xf32, #tpu.memory_space<vmem>> -> memref<1x128x128xf32, #tpu.memory_space<vmem>>
    %dma_wait3A_258 = tpu.memref_squeeze %dma_wait3A_257 : memref<1x128x128xf32, #tpu.memory_space<vmem>> -> memref<128x128xf32, #tpu.memory_space<vmem>>
    tpu.wait_dma2 semaphore(%arg11 : memref<!tpu.dma_semaphore, #tpu.memory_space<semaphore_mem>>) src(%dma_wait3A_258 : memref<128x128xf32, #tpu.memory_space<vmem>>) dst(%dma_wait3A_254 : memref<128x128xf32, #tpu.memory_space<hbm>>)
    %run_scoped3A_259 = arith.constant 1 : i32
    "tpu.region"() ({
      %run_scoped3A_340 = tpu.sem_alloc : memref<!tpu.dma_semaphore, #tpu.memory_space<semaphore_mem>>
      %dma_start3A_341 = arith.constant 0 : i32
      %dma_start3A_342 = arith.constant 0 : i32
      %dma_start3A_343 = tpu.memref_slice %arg8[%run_scoped3A_259, %dma_start3A_341, %dma_start3A_342] : memref<2x128x128xf32, #tpu.memory_space<vmem>> -> memref<1x128x128xf32, #tpu.memory_space<vmem>>
      %dma_start3A_344 = tpu.memref_squeeze %dma_start3A_343 : memref<1x128x128xf32, #tpu.memory_space<vmem>> -> memref<128x128xf32, #tpu.memory_space<vmem>>
      %dma_start3A_345 = arith.constant 0 : i32
      %dma_start3A_346 = tpu.memref_slice %arg9[%add3A_243, %dma_start3A_345] : memref<10240x128xf32, #tpu.memory_space<vmem_shared>> -> memref<128x128xf32, #tpu.memory_space<vmem_shared>>
      %dma_start3A_347 = arith.constant 0 : i32
      %dma_start3A_348 = arith.constant 0 : i32
      %dma_start3A_349 = tpu.memref_slice %arg8[%run_scoped3A_259, %dma_start3A_347, %dma_start3A_348] : memref<2x128x128xf32, #tpu.memory_space<vmem>> -> memref<1x128x128xf32, #tpu.memory_space<vmem>>
      %dma_start3A_350 = tpu.memref_squeeze %dma_start3A_349 : memref<1x128x128xf32, #tpu.memory_space<vmem>> -> memref<128x128xf32, #tpu.memory_space<vmem>>
      %dma_start3A_351 = arith.constant 0 : i32
      %dma_start3A_352 = tpu.memref_slice %arg9[%add3A_243, %dma_start3A_351] : memref<10240x128xf32, #tpu.memory_space<vmem_shared>> -> memref<128x128xf32, #tpu.memory_space<vmem_shared>>
      tpu.enqueue_dma source(%dma_start3A_352 : memref<128x128xf32, #tpu.memory_space<vmem_shared>>) target(%dma_start3A_350 : memref<128x128xf32, #tpu.memory_space<vmem>>) target_semaphore(%run_scoped3A_340 : memref<!tpu.dma_semaphore, #tpu.memory_space<semaphore_mem>>)
      %dma_wait3A_353 = arith.constant 0 : i32
      %dma_wait3A_354 = arith.constant 0 : i32
      %dma_wait3A_355 = tpu.memref_slice %arg8[%run_scoped3A_259, %dma_wait3A_353, %dma_wait3A_354] : memref<2x128x128xf32, #tpu.memory_space<vmem>> -> memref<1x128x128xf32, #tpu.memory_space<vmem>>
      %dma_wait3A_356 = tpu.memref_squeeze %dma_wait3A_355 : memref<1x128x128xf32, #tpu.memory_space<vmem>> -> memref<128x128xf32, #tpu.memory_space<vmem>>
      %dma_wait3A_357 = arith.constant 0 : i32
      %dma_wait3A_358 = tpu.memref_slice %arg9[%add3A_243, %dma_wait3A_357] : memref<10240x128xf32, #tpu.memory_space<vmem_shared>> -> memref<128x128xf32, #tpu.memory_space<vmem_shared>>
      %dma_wait3A_359 = arith.constant 0 : i32
      %dma_wait3A_360 = arith.constant 0 : i32
      %dma_wait3A_361 = tpu.memref_slice %arg8[%run_scoped3A_259, %dma_wait3A_359, %dma_wait3A_360] : memref<2x128x128xf32, #tpu.memory_space<vmem>> -> memref<1x128x128xf32, #tpu.memory_space<vmem>>
      %dma_wait3A_362 = tpu.memref_squeeze %dma_wait3A_361 : memref<1x128x128xf32, #tpu.memory_space<vmem>> -> memref<128x128xf32, #tpu.memory_space<vmem>>
      %dma_wait3A_363 = arith.constant 0 : i32
      %dma_wait3A_364 = tpu.memref_slice %arg9[%add3A_243, %dma_wait3A_363] : memref<10240x128xf32, #tpu.memory_space<vmem_shared>> -> memref<128x128xf32, #tpu.memory_space<vmem_shared>>
      tpu.wait_dma2 semaphore(%run_scoped3A_340 : memref<!tpu.dma_semaphore, #tpu.memory_space<semaphore_mem>>) src(%dma_wait3A_364 : memref<128x128xf32, #tpu.memory_space<vmem_shared>>) dst(%dma_wait3A_362 : memref<128x128xf32, #tpu.memory_space<vmem>>)
      tpu.yield
    }) : () -> ()
    %dma_start3A_260 = arith.constant 1 : i32
    %dma_start3A_261 = arith.constant 0 : i32
    %dma_start3A_262 = arith.constant 0 : i32
    %dma_start3A_263 = tpu.memref_slice %arg8[%dma_start3A_260, %dma_start3A_261, %dma_start3A_262] : memref<2x128x128xf32, #tpu.memory_space<vmem>> -> memref<1x128x128xf32, #tpu.memory_space<vmem>>
    %dma_start3A_264 = tpu.memref_squeeze %dma_start3A_263 : memref<1x128x128xf32, #tpu.memory_space<vmem>> -> memref<128x128xf32, #tpu.memory_space<vmem>>
    %dma_start3A_265 = arith.constant 0 : i32
    %dma_start3A_266 = tpu.memref_slice %arg5[%arg0, %add3A_243, %dma_start3A_265] : memref<2x10240x128xf32, #tpu.memory_space<hbm>> -> memref<1x128x128xf32, #tpu.memory_space<hbm>>
    %dma_start3A_267 = tpu.memref_squeeze %dma_start3A_266 : memref<1x128x128xf32, #tpu.memory_space<hbm>> -> memref<128x128xf32, #tpu.memory_space<hbm>>
    %dma_start3A_268 = arith.constant 0 : i32
    %dma_start3A_269 = tpu.memref_slice %arg5[%arg0, %add3A_243, %dma_start3A_268] : memref<2x10240x128xf32, #tpu.memory_space<hbm>> -> memref<1x128x128xf32, #tpu.memory_space<hbm>>
    %dma_start3A_270 = tpu.memref_squeeze %dma_start3A_269 : memref<1x128x128xf32, #tpu.memory_space<hbm>> -> memref<128x128xf32, #tpu.memory_space<hbm>>
    %dma_start3A_271 = arith.constant 0 : i32
    %dma_start3A_272 = arith.constant 0 : i32
    %dma_start3A_273 = tpu.memref_slice %arg8[%dma_start3A_260, %dma_start3A_271, %dma_start3A_272] : memref<2x128x128xf32, #tpu.memory_space<vmem>> -> memref<1x128x128xf32, #tpu.memory_space<vmem>>
    %dma_start3A_274 = tpu.memref_squeeze %dma_start3A_273 : memref<1x128x128xf32, #tpu.memory_space<vmem>> -> memref<128x128xf32, #tpu.memory_space<vmem>>
    tpu.enqueue_dma source(%dma_start3A_274 : memref<128x128xf32, #tpu.memory_space<vmem>>) target(%dma_start3A_270 : memref<128x128xf32, #tpu.memory_space<hbm>>) target_semaphore(%arg11 : memref<!tpu.dma_semaphore, #tpu.memory_space<semaphore_mem>>)
    %mul3A_275 = arith.constant 640 : i32
    %mul3A_276 = arith.muli %arg1, %mul3A_275 : i32
    %add3A_277 = arith.constant 512 : i32
    %add3A_278 = arith.addi %mul3A_276, %add3A_277 : i32
    %dma_wait3A_279 = arith.constant 0 : i32
    %dma_wait3A_280 = arith.constant 0 : i32
    %dma_wait3A_281 = arith.constant 0 : i32
    %dma_wait3A_282 = tpu.memref_slice %arg8[%dma_wait3A_279, %dma_wait3A_280, %dma_wait3A_281] : memref<2x128x128xf32, #tpu.memory_space<vmem>> -> memref<1x128x128xf32, #tpu.memory_space<vmem>>
    %dma_wait3A_283 = tpu.memref_squeeze %dma_wait3A_282 : memref<1x128x128xf32, #tpu.memory_space<vmem>> -> memref<128x128xf32, #tpu.memory_space<vmem>>
    %dma_wait3A_284 = arith.constant 0 : i32
    %dma_wait3A_285 = tpu.memref_slice %arg5[%arg0, %add3A_208, %dma_wait3A_284] : memref<2x10240x128xf32, #tpu.memory_space<hbm>> -> memref<1x128x128xf32, #tpu.memory_space<hbm>>
    %dma_wait3A_286 = tpu.memref_squeeze %dma_wait3A_285 : memref<1x128x128xf32, #tpu.memory_space<hbm>> -> memref<128x128xf32, #tpu.memory_space<hbm>>
    %dma_wait3A_287 = arith.constant 0 : i32
    %dma_wait3A_288 = tpu.memref_slice %arg5[%arg0, %add3A_208, %dma_wait3A_287] : memref<2x10240x128xf32, #tpu.memory_space<hbm>> -> memref<1x128x128xf32, #tpu.memory_space<hbm>>
    %dma_wait3A_289 = tpu.memref_squeeze %dma_wait3A_288 : memref<1x128x128xf32, #tpu.memory_space<hbm>> -> memref<128x128xf32, #tpu.memory_space<hbm>>
    %dma_wait3A_290 = arith.constant 0 : i32
    %dma_wait3A_291 = arith.constant 0 : i32
    %dma_wait3A_292 = tpu.memref_slice %arg8[%dma_wait3A_279, %dma_wait3A_290, %dma_wait3A_291] : memref<2x128x128xf32, #tpu.memory_space<vmem>> -> memref<1x128x128xf32, #tpu.memory_space<vmem>>
    %dma_wait3A_293 = tpu.memref_squeeze %dma_wait3A_292 : memref<1x128x128xf32, #tpu.memory_space<vmem>> -> memref<128x128xf32, #tpu.memory_space<vmem>>
    tpu.wait_dma2 semaphore(%arg10 : memref<!tpu.dma_semaphore, #tpu.memory_space<semaphore_mem>>) src(%dma_wait3A_293 : memref<128x128xf32, #tpu.memory_space<vmem>>) dst(%dma_wait3A_289 : memref<128x128xf32, #tpu.memory_space<hbm>>)
    %run_scoped3A_294 = arith.constant 0 : i32
    "tpu.region"() ({
      %run_scoped3A_340 = tpu.sem_alloc : memref<!tpu.dma_semaphore, #tpu.memory_space<semaphore_mem>>
      %dma_start3A_341 = arith.constant 0 : i32
      %dma_start3A_342 = arith.constant 0 : i32
      %dma_start3A_343 = tpu.memref_slice %arg8[%run_scoped3A_294, %dma_start3A_341, %dma_start3A_342] : memref<2x128x128xf32, #tpu.memory_space<vmem>> -> memref<1x128x128xf32, #tpu.memory_space<vmem>>
      %dma_start3A_344 = tpu.memref_squeeze %dma_start3A_343 : memref<1x128x128xf32, #tpu.memory_space<vmem>> -> memref<128x128xf32, #tpu.memory_space<vmem>>
      %dma_start3A_345 = arith.constant 0 : i32
      %dma_start3A_346 = tpu.memref_slice %arg9[%add3A_278, %dma_start3A_345] : memref<10240x128xf32, #tpu.memory_space<vmem_shared>> -> memref<128x128xf32, #tpu.memory_space<vmem_shared>>
      %dma_start3A_347 = arith.constant 0 : i32
      %dma_start3A_348 = arith.constant 0 : i32
      %dma_start3A_349 = tpu.memref_slice %arg8[%run_scoped3A_294, %dma_start3A_347, %dma_start3A_348] : memref<2x128x128xf32, #tpu.memory_space<vmem>> -> memref<1x128x128xf32, #tpu.memory_space<vmem>>
      %dma_start3A_350 = tpu.memref_squeeze %dma_start3A_349 : memref<1x128x128xf32, #tpu.memory_space<vmem>> -> memref<128x128xf32, #tpu.memory_space<vmem>>
      %dma_start3A_351 = arith.constant 0 : i32
      %dma_start3A_352 = tpu.memref_slice %arg9[%add3A_278, %dma_start3A_351] : memref<10240x128xf32, #tpu.memory_space<vmem_shared>> -> memref<128x128xf32, #tpu.memory_space<vmem_shared>>
      tpu.enqueue_dma source(%dma_start3A_352 : memref<128x128xf32, #tpu.memory_space<vmem_shared>>) target(%dma_start3A_350 : memref<128x128xf32, #tpu.memory_space<vmem>>) target_semaphore(%run_scoped3A_340 : memref<!tpu.dma_semaphore, #tpu.memory_space<semaphore_mem>>)
      %dma_wait3A_353 = arith.constant 0 : i32
      %dma_wait3A_354 = arith.constant 0 : i32
      %dma_wait3A_355 = tpu.memref_slice %arg8[%run_scoped3A_294, %dma_wait3A_353, %dma_wait3A_354] : memref<2x128x128xf32, #tpu.memory_space<vmem>> -> memref<1x128x128xf32, #tpu.memory_space<vmem>>
      %dma_wait3A_356 = tpu.memref_squeeze %dma_wait3A_355 : memref<1x128x128xf32, #tpu.memory_space<vmem>> -> memref<128x128xf32, #tpu.memory_space<vmem>>
      %dma_wait3A_357 = arith.constant 0 : i32
      %dma_wait3A_358 = tpu.memref_slice %arg9[%add3A_278, %dma_wait3A_357] : memref<10240x128xf32, #tpu.memory_space<vmem_shared>> -> memref<128x128xf32, #tpu.memory_space<vmem_shared>>
      %dma_wait3A_359 = arith.constant 0 : i32
      %dma_wait3A_360 = arith.constant 0 : i32
      %dma_wait3A_361 = tpu.memref_slice %arg8[%run_scoped3A_294, %dma_wait3A_359, %dma_wait3A_360] : memref<2x128x128xf32, #tpu.memory_space<vmem>> -> memref<1x128x128xf32, #tpu.memory_space<vmem>>
      %dma_wait3A_362 = tpu.memref_squeeze %dma_wait3A_361 : memref<1x128x128xf32, #tpu.memory_space<vmem>> -> memref<128x128xf32, #tpu.memory_space<vmem>>
      %dma_wait3A_363 = arith.constant 0 : i32
      %dma_wait3A_364 = tpu.memref_slice %arg9[%add3A_278, %dma_wait3A_363] : memref<10240x128xf32, #tpu.memory_space<vmem_shared>> -> memref<128x128xf32, #tpu.memory_space<vmem_shared>>
      tpu.wait_dma2 semaphore(%run_scoped3A_340 : memref<!tpu.dma_semaphore, #tpu.memory_space<semaphore_mem>>) src(%dma_wait3A_364 : memref<128x128xf32, #tpu.memory_space<vmem_shared>>) dst(%dma_wait3A_362 : memref<128x128xf32, #tpu.memory_space<vmem>>)
      tpu.yield
    }) : () -> ()
    %dma_start3A_295 = arith.constant 0 : i32
    %dma_start3A_296 = arith.constant 0 : i32
    %dma_start3A_297 = arith.constant 0 : i32
    %dma_start3A_298 = tpu.memref_slice %arg8[%dma_start3A_295, %dma_start3A_296, %dma_start3A_297] : memref<2x128x128xf32, #tpu.memory_space<vmem>> -> memref<1x128x128xf32, #tpu.memory_space<vmem>>
    %dma_start3A_299 = tpu.memref_squeeze %dma_start3A_298 : memref<1x128x128xf32, #tpu.memory_space<vmem>> -> memref<128x128xf32, #tpu.memory_space<vmem>>
    %dma_start3A_300 = arith.constant 0 : i32
    %dma_start3A_301 = tpu.memref_slice %arg5[%arg0, %add3A_278, %dma_start3A_300] : memref<2x10240x128xf32, #tpu.memory_space<hbm>> -> memref<1x128x128xf32, #tpu.memory_space<hbm>>
    %dma_start3A_302 = tpu.memref_squeeze %dma_start3A_301 : memref<1x128x128xf32, #tpu.memory_space<hbm>> -> memref<128x128xf32, #tpu.memory_space<hbm>>
    %dma_start3A_303 = arith.constant 0 : i32
    %dma_start3A_304 = tpu.memref_slice %arg5[%arg0, %add3A_278, %dma_start3A_303] : memref<2x10240x128xf32, #tpu.memory_space<hbm>> -> memref<1x128x128xf32, #tpu.memory_space<hbm>>
    %dma_start3A_305 = tpu.memref_squeeze %dma_start3A_304 : memref<1x128x128xf32, #tpu.memory_space<hbm>> -> memref<128x128xf32, #tpu.memory_space<hbm>>
    %dma_start3A_306 = arith.constant 0 : i32
    %dma_start3A_307 = arith.constant 0 : i32
    %dma_start3A_308 = tpu.memref_slice %arg8[%dma_start3A_295, %dma_start3A_306, %dma_start3A_307] : memref<2x128x128xf32, #tpu.memory_space<vmem>> -> memref<1x128x128xf32, #tpu.memory_space<vmem>>
    %dma_start3A_309 = tpu.memref_squeeze %dma_start3A_308 : memref<1x128x128xf32, #tpu.memory_space<vmem>> -> memref<128x128xf32, #tpu.memory_space<vmem>>
    tpu.enqueue_dma source(%dma_start3A_309 : memref<128x128xf32, #tpu.memory_space<vmem>>) target(%dma_start3A_305 : memref<128x128xf32, #tpu.memory_space<hbm>>) target_semaphore(%arg10 : memref<!tpu.dma_semaphore, #tpu.memory_space<semaphore_mem>>)
    %dma_wait3A_310 = arith.constant 0 : i32
    %dma_wait3A_311 = arith.constant 0 : i32
    %dma_wait3A_312 = arith.constant 0 : i32
    %dma_wait3A_313 = tpu.memref_slice %arg8[%dma_wait3A_310, %dma_wait3A_311, %dma_wait3A_312] : memref<2x128x128xf32, #tpu.memory_space<vmem>> -> memref<1x128x128xf32, #tpu.memory_space<vmem>>
    %dma_wait3A_314 = tpu.memref_squeeze %dma_wait3A_313 : memref<1x128x128xf32, #tpu.memory_space<vmem>> -> memref<128x128xf32, #tpu.memory_space<vmem>>
    %dma_wait3A_315 = arith.constant 0 : i32
    %dma_wait3A_316 = tpu.memref_slice %arg5[%arg0, %add3A_278, %dma_wait3A_315] : memref<2x10240x128xf32, #tpu.memory_space<hbm>> -> memref<1x128x128xf32, #tpu.memory_space<hbm>>
    %dma_wait3A_317 = tpu.memref_squeeze %dma_wait3A_316 : memref<1x128x128xf32, #tpu.memory_space<hbm>> -> memref<128x128xf32, #tpu.memory_space<hbm>>
    %dma_wait3A_318 = arith.constant 0 : i32
    %dma_wait3A_319 = tpu.memref_slice %arg5[%arg0, %add3A_278, %dma_wait3A_318] : memref<2x10240x128xf32, #tpu.memory_space<hbm>> -> memref<1x128x128xf32, #tpu.memory_space<hbm>>
    %dma_wait3A_320 = tpu.memref_squeeze %dma_wait3A_319 : memref<1x128x128xf32, #tpu.memory_space<hbm>> -> memref<128x128xf32, #tpu.memory_space<hbm>>
    %dma_wait3A_321 = arith.constant 0 : i32
    %dma_wait3A_322 = arith.constant 0 : i32
    %dma_wait3A_323 = tpu.memref_slice %arg8[%dma_wait3A_310, %dma_wait3A_321, %dma_wait3A_322] : memref<2x128x128xf32, #tpu.memory_space<vmem>> -> memref<1x128x128xf32, #tpu.memory_space<vmem>>
    %dma_wait3A_324 = tpu.memref_squeeze %dma_wait3A_323 : memref<1x128x128xf32, #tpu.memory_space<vmem>> -> memref<128x128xf32, #tpu.memory_space<vmem>>
    tpu.wait_dma2 semaphore(%arg10 : memref<!tpu.dma_semaphore, #tpu.memory_space<semaphore_mem>>) src(%dma_wait3A_324 : memref<128x128xf32, #tpu.memory_space<vmem>>) dst(%dma_wait3A_320 : memref<128x128xf32, #tpu.memory_space<hbm>>)
    %dma_wait3A_325 = arith.constant 1 : i32
    %dma_wait3A_326 = arith.constant 0 : i32
    %dma_wait3A_327 = arith.constant 0 : i32
    %dma_wait3A_328 = tpu.memref_slice %arg8[%dma_wait3A_325, %dma_wait3A_326, %dma_wait3A_327] : memref<2x128x128xf32, #tpu.memory_space<vmem>> -> memref<1x128x128xf32, #tpu.memory_space<vmem>>
    %dma_wait3A_329 = tpu.memref_squeeze %dma_wait3A_328 : memref<1x128x128xf32, #tpu.memory_space<vmem>> -> memref<128x128xf32, #tpu.memory_space<vmem>>
    %dma_wait3A_330 = arith.constant 0 : i32
    %dma_wait3A_331 = tpu.memref_slice %arg5[%arg0, %add3A_243, %dma_wait3A_330] : memref<2x10240x128xf32, #tpu.memory_space<hbm>> -> memref<1x128x128xf32, #tpu.memory_space<hbm>>
    %dma_wait3A_332 = tpu.memref_squeeze %dma_wait3A_331 : memref<1x128x128xf32, #tpu.memory_space<hbm>> -> memref<128x128xf32, #tpu.memory_space<hbm>>
    %dma_wait3A_333 = arith.constant 0 : i32
    %dma_wait3A_334 = tpu.memref_slice %arg5[%arg0, %add3A_243, %dma_wait3A_333] : memref<2x10240x128xf32, #tpu.memory_space<hbm>> -> memref<1x128x128xf32, #tpu.memory_space<hbm>>
    %dma_wait3A_335 = tpu.memref_squeeze %dma_wait3A_334 : memref<1x128x128xf32, #tpu.memory_space<hbm>> -> memref<128x128xf32, #tpu.memory_space<hbm>>
    %dma_wait3A_336 = arith.constant 0 : i32
    %dma_wait3A_337 = arith.constant 0 : i32
    %dma_wait3A_338 = tpu.memref_slice %arg8[%dma_wait3A_325, %dma_wait3A_336, %dma_wait3A_337] : memref<2x128x128xf32, #tpu.memory_space<vmem>> -> memref<1x128x128xf32, #tpu.memory_space<vmem>>
    %dma_wait3A_339 = tpu.memref_squeeze %dma_wait3A_338 : memref<1x128x128xf32, #tpu.memory_space<vmem>> -> memref<128x128xf32, #tpu.memory_space<vmem>>
    tpu.wait_dma2 semaphore(%arg11 : memref<!tpu.dma_semaphore, #tpu.memory_space<semaphore_mem>>) src(%dma_wait3A_339 : memref<128x128xf32, #tpu.memory_space<vmem>>) dst(%dma_wait3A_335 : memref<128x128xf32, #tpu.memory_space<hbm>>)
    return
  }
}

#map = affine_map<(d0, d1) -> (0, 0)>
#map1 = affine_map<(d0, d1) -> (0)>
module attributes {stable_mosaic.version = 14 : i64} {
  func.func @_pool_body(%arg0: i32, %arg1: i32, %arg2: memref<10000x256xf32, #tpu.memory_space<hbm>>, %arg3: memref<1x128xi32, #tpu.memory_space<hbm>>, %arg4: memref<16384xf32, #tpu.memory_space<hbm>>, %arg5: memref<1x128xi32, #tpu.memory_space<vmem>>, %arg6: memref<72x256xf32, #tpu.memory_space<vmem>>, %arg7: memref<256xf32, #tpu.memory_space<vmem>>) attributes {dimension_semantics = [#tpu.dimension_semantics<core_parallel>, #tpu.dimension_semantics<subcore_parallel>], iteration_bounds = array<i64: 2, 16>, scalar_prefetch = 0 : i64, scratch_operands = 3 : i64, tpu.core_type = #tpu.core_type<sc_vector_subcore>, window_params = [{transform_indices = #map}, {transform_indices = #map}, {transform_indices = #map1}]} {
    %mul3A = arith.constant 16 : i32
    %mul3A_0 = arith.muli %arg0, %mul3A : i32
    %add3A = arith.addi %mul3A_0, %arg1 : i32
    %mul3A_1 = arith.constant 2 : i32
    %mul3A_2 = arith.muli %add3A, %mul3A_1 : i32
    "tpu.region"() ({
      %run_scoped3A = tpu.sem_alloc : memref<!tpu.dma_semaphore, #tpu.memory_space<semaphore_mem>>
      tpu.enqueue_dma source(%arg3 : memref<1x128xi32, #tpu.memory_space<hbm>>) target(%arg5 : memref<1x128xi32, #tpu.memory_space<vmem>>) target_semaphore(%run_scoped3A : memref<!tpu.dma_semaphore, #tpu.memory_space<semaphore_mem>>)
      tpu.wait_dma2 semaphore(%run_scoped3A : memref<!tpu.dma_semaphore, #tpu.memory_space<semaphore_mem>>) src(%arg3 : memref<1x128xi32, #tpu.memory_space<hbm>>) dst(%arg5 : memref<1x128xi32, #tpu.memory_space<vmem>>)
      tpu.yield
    }) : () -> ()
    %get3A = arith.constant 0 : i32
    %get3A_3 = arith.index_cast %get3A : i32 to index
    %get3A_4 = arith.index_cast %mul3A_2 : i32 to index
    %get3A_5 = tpu.vector_load %arg5[%get3A_3, %get3A_4] {strides = array<i32>} : memref<1x128xi32, #tpu.memory_space<vmem>>, vector<1x16xi32>,
    %get3A_6 = vector.shape_cast %get3A_5 : vector<1x16xi32> to vector<16xi32>
    %slice3A = vector.extract_strided_slice %get3A_6 {offsets = [0], sizes = [1], strides = [1]} : vector<16xi32> to vector<1xi32>
    %squeeze3A = vector.extract %slice3A[0] : i32 from vector<1xi32>
    %slice3A_7 = vector.extract_strided_slice %get3A_6 {offsets = [1], sizes = [1], strides = [1]} : vector<16xi32> to vector<1xi32>
    %squeeze3A_8 = vector.extract %slice3A_7[0] : i32 from vector<1xi32>
    %slice3A_9 = vector.extract_strided_slice %get3A_6 {offsets = [2], sizes = [1], strides = [1]} : vector<16xi32> to vector<1xi32>
    %squeeze3A_10 = vector.extract %slice3A_9[0] : i32 from vector<1xi32>
    %broadcast_in_dim3A = arith.constant 0xFF800000 : f32
    %broadcast_in_dim3A_11 = vector.broadcast %broadcast_in_dim3A : f32 to vector<16xf32>
    %broadcast_in_dim3A_12 = arith.constant 0xFF800000 : f32
    %broadcast_in_dim3A_13 = vector.broadcast %broadcast_in_dim3A_12 : f32 to vector<16xf32>
    %broadcast_in_dim3A_14 = arith.constant 0xFF800000 : f32
    %broadcast_in_dim3A_15 = vector.broadcast %broadcast_in_dim3A_14 : f32 to vector<16xf32>
    %broadcast_in_dim3A_16 = arith.constant 0xFF800000 : f32
    %broadcast_in_dim3A_17 = vector.broadcast %broadcast_in_dim3A_16 : f32 to vector<16xf32>
    %broadcast_in_dim3A_18 = arith.constant 0xFF800000 : f32
    %broadcast_in_dim3A_19 = vector.broadcast %broadcast_in_dim3A_18 : f32 to vector<16xf32>
    %broadcast_in_dim3A_20 = arith.constant 0xFF800000 : f32
    %broadcast_in_dim3A_21 = vector.broadcast %broadcast_in_dim3A_20 : f32 to vector<16xf32>
    %broadcast_in_dim3A_22 = arith.constant 0xFF800000 : f32
    %broadcast_in_dim3A_23 = vector.broadcast %broadcast_in_dim3A_22 : f32 to vector<16xf32>
    %broadcast_in_dim3A_24 = arith.constant 0xFF800000 : f32
    %broadcast_in_dim3A_25 = vector.broadcast %broadcast_in_dim3A_24 : f32 to vector<16xf32>
    %broadcast_in_dim3A_26 = arith.constant 0xFF800000 : f32
    %broadcast_in_dim3A_27 = vector.broadcast %broadcast_in_dim3A_26 : f32 to vector<16xf32>
    %broadcast_in_dim3A_28 = arith.constant 0xFF800000 : f32
    %broadcast_in_dim3A_29 = vector.broadcast %broadcast_in_dim3A_28 : f32 to vector<16xf32>
    %broadcast_in_dim3A_30 = arith.constant 0xFF800000 : f32
    %broadcast_in_dim3A_31 = vector.broadcast %broadcast_in_dim3A_30 : f32 to vector<16xf32>
    %broadcast_in_dim3A_32 = arith.constant 0xFF800000 : f32
    %broadcast_in_dim3A_33 = vector.broadcast %broadcast_in_dim3A_32 : f32 to vector<16xf32>
    %broadcast_in_dim3A_34 = arith.constant 0xFF800000 : f32
    %broadcast_in_dim3A_35 = vector.broadcast %broadcast_in_dim3A_34 : f32 to vector<16xf32>
    %broadcast_in_dim3A_36 = arith.constant 0xFF800000 : f32
    %broadcast_in_dim3A_37 = vector.broadcast %broadcast_in_dim3A_36 : f32 to vector<16xf32>
    %broadcast_in_dim3A_38 = arith.constant 0xFF800000 : f32
    %broadcast_in_dim3A_39 = vector.broadcast %broadcast_in_dim3A_38 : f32 to vector<16xf32>
    %broadcast_in_dim3A_40 = arith.constant 0xFF800000 : f32
    %broadcast_in_dim3A_41 = vector.broadcast %broadcast_in_dim3A_40 : f32 to vector<16xf32>
    %sub3A = arith.subi %squeeze3A_8, %squeeze3A : i32
    %add3A_42 = arith.constant 63 : i32
    %add3A_43 = arith.addi %sub3A, %add3A_42 : i32
    %jit3A = arith.constant 64 : i32
    %div3A = arith.divsi %add3A_43, %jit3A : i32
    %sign3A = arith.constant 0 : i32
    %sign3A_44 = arith.cmpi sgt, %add3A_43, %sign3A : i32
    %sign3A_45 = arith.extui %sign3A_44 : i1 to i32
    %sign3A_46 = arith.constant 0 : i32
    %sign3A_47 = arith.cmpi slt, %add3A_43, %sign3A_46 : i32
    %sign3A_48 = arith.extui %sign3A_47 : i1 to i32
    %sign3A_49 = arith.subi %sign3A_45, %sign3A_48 : i32
    %sign3A_50 = arith.constant 0 : i32
    %sign3A_51 = arith.cmpi sgt, %jit3A, %sign3A_50 : i32
    %sign3A_52 = arith.extui %sign3A_51 : i1 to i32
    %sign3A_53 = arith.constant 0 : i32
    %sign3A_54 = arith.cmpi slt, %jit3A, %sign3A_53 : i32
    %sign3A_55 = arith.extui %sign3A_54 : i1 to i32
    %sign3A_56 = arith.subi %sign3A_52, %sign3A_55 : i32
    %ne3A = arith.cmpi ne, %sign3A_49, %sign3A_56 : i32
    %rem3A = arith.remsi %add3A_43, %jit3A : i32
    %ne3A_57 = arith.constant 0 : i32
    %ne3A_58 = arith.cmpi ne, %rem3A, %ne3A_57 : i32
    %and3A = arith.andi %ne3A, %ne3A_58 : i1
    %sub3A_59 = arith.constant 1 : i32
    %sub3A_60 = arith.subi %div3A, %sub3A_59 : i32
    %select_n3A = arith.select %and3A, %sub3A_60, %div3A : i32
    %while3A = arith.constant 0 : i32
    %while3A_61 = arith.subi %select_n3A, %while3A : i32
    %while3A_62 = arith.addi %while3A, %while3A_61 : i32
    %while3A_63 = arith.constant 1 : i32
    %while3A_64 = arith.divsi %while3A_61, %while3A_63 : i32
    %while3A_65 = arith.muli %while3A_64, %while3A_63 : i32
    %while3A_66 = arith.addi %while3A, %while3A_65 : i32
    %while3A_67 = arith.constant 1 : i32
    %while3A_68:16 = scf.for %while3A_276 = %while3A to %while3A_66 step %while3A_67 iter_args(%while3A_277 = %broadcast_in_dim3A_11, %while3A_278 = %broadcast_in_dim3A_13, %while3A_279 = %broadcast_in_dim3A_15, %while3A_280 = %broadcast_in_dim3A_17, %while3A_281 = %broadcast_in_dim3A_19, %while3A_282 = %broadcast_in_dim3A_21, %while3A_283 = %broadcast_in_dim3A_23, %while3A_284 = %broadcast_in_dim3A_25, %while3A_285 = %broadcast_in_dim3A_27, %while3A_286 = %broadcast_in_dim3A_29, %while3A_287 = %broadcast_in_dim3A_31, %while3A_288 = %broadcast_in_dim3A_33, %while3A_289 = %broadcast_in_dim3A_35, %while3A_290 = %broadcast_in_dim3A_37, %while3A_291 = %broadcast_in_dim3A_39, %while3A_292 = %broadcast_in_dim3A_41) -> (vector<16xf32>, vector<16xf32>, vector<16xf32>, vector<16xf32>, vector<16xf32>, vector<16xf32>, vector<16xf32>, vector<16xf32>, vector<16xf32>, vector<16xf32>, vector<16xf32>, vector<16xf32>, vector<16xf32>, vector<16xf32>, vector<16xf32>, vector<16xf32>)  : i32 {
      %mul3A_293 = arith.constant 64 : i32
      %mul3A_294 = arith.muli %while3A_276, %mul3A_293 : i32
      %add3A_295 = arith.addi %squeeze3A, %mul3A_294 : i32
      %jit3A_296 = arith.constant 8 : i32
      %div3A_297 = arith.divsi %add3A_295, %jit3A_296 : i32
      %sign3A_298 = arith.constant 0 : i32
      %sign3A_299 = arith.cmpi sgt, %add3A_295, %sign3A_298 : i32
      %sign3A_300 = arith.extui %sign3A_299 : i1 to i32
      %sign3A_301 = arith.constant 0 : i32
      %sign3A_302 = arith.cmpi slt, %add3A_295, %sign3A_301 : i32
      %sign3A_303 = arith.extui %sign3A_302 : i1 to i32
      %sign3A_304 = arith.subi %sign3A_300, %sign3A_303 : i32
      %sign3A_305 = arith.constant 0 : i32
      %sign3A_306 = arith.cmpi sgt, %jit3A_296, %sign3A_305 : i32
      %sign3A_307 = arith.extui %sign3A_306 : i1 to i32
      %sign3A_308 = arith.constant 0 : i32
      %sign3A_309 = arith.cmpi slt, %jit3A_296, %sign3A_308 : i32
      %sign3A_310 = arith.extui %sign3A_309 : i1 to i32
      %sign3A_311 = arith.subi %sign3A_307, %sign3A_310 : i32
      %ne3A_312 = arith.cmpi ne, %sign3A_304, %sign3A_311 : i32
      %rem3A_313 = arith.remsi %add3A_295, %jit3A_296 : i32
      %ne3A_314 = arith.constant 0 : i32
      %ne3A_315 = arith.cmpi ne, %rem3A_313, %ne3A_314 : i32
      %and3A_316 = arith.andi %ne3A_312, %ne3A_315 : i1
      %sub3A_317 = arith.constant 1 : i32
      %sub3A_318 = arith.subi %div3A_297, %sub3A_317 : i32
      %select_n3A_319 = arith.select %and3A_316, %sub3A_318, %div3A_297 : i32
      %mul3A_320 = arith.constant 8 : i32
      %mul3A_321 = arith.muli %select_n3A_319, %mul3A_320 : i32
      %min3A = arith.constant 9928 : i32
      %min3A_322 = arith.minsi %mul3A_321, %min3A : i32
      %sub3A_323 = arith.subi %add3A_295, %min3A_322 : i32
      "tpu.region"() ({
        %run_scoped3A = tpu.sem_alloc : memref<!tpu.dma_semaphore, #tpu.memory_space<semaphore_mem>>
        %dma_start3A = arith.constant 0 : i32
        %dma_start3A_338 = tpu.memref_slice %arg2[%min3A_322, %dma_start3A] : memref<10000x256xf32, #tpu.memory_space<hbm>> -> memref<72x256xf32, #tpu.memory_space<hbm>>
        %dma_start3A_339 = arith.constant 0 : i32
        %dma_start3A_340 = tpu.memref_slice %arg2[%min3A_322, %dma_start3A_339] : memref<10000x256xf32, #tpu.memory_space<hbm>> -> memref<72x256xf32, #tpu.memory_space<hbm>>
        tpu.enqueue_dma source(%dma_start3A_340 : memref<72x256xf32, #tpu.memory_space<hbm>>) target(%arg6 : memref<72x256xf32, #tpu.memory_space<vmem>>) target_semaphore(%run_scoped3A : memref<!tpu.dma_semaphore, #tpu.memory_space<semaphore_mem>>)
        %dma_wait3A = arith.constant 0 : i32
        %dma_wait3A_341 = tpu.memref_slice %arg2[%min3A_322, %dma_wait3A] : memref<10000x256xf32, #tpu.memory_space<hbm>> -> memref<72x256xf32, #tpu.memory_space<hbm>>
        %dma_wait3A_342 = arith.constant 0 : i32
        %dma_wait3A_343 = tpu.memref_slice %arg2[%min3A_322, %dma_wait3A_342] : memref<10000x256xf32, #tpu.memory_space<hbm>> -> memref<72x256xf32, #tpu.memory_space<hbm>>
        tpu.wait_dma2 semaphore(%run_scoped3A : memref<!tpu.dma_semaphore, #tpu.memory_space<semaphore_mem>>) src(%dma_wait3A_343 : memref<72x256xf32, #tpu.memory_space<hbm>>) dst(%arg6 : memref<72x256xf32, #tpu.memory_space<vmem>>)
        tpu.yield
      }) : () -> ()
      %sub3A_324 = arith.subi %squeeze3A_8, %add3A_295 : i32
      %min3A_325 = arith.constant 64 : i32
      %min3A_326 = arith.minsi %min3A_325, %sub3A_324 : i32
      %while3A_327 = arith.constant 0 : i32
      %while3A_328 = arith.subi %min3A_326, %while3A_327 : i32
      %while3A_329 = arith.addi %while3A_327, %while3A_328 : i32
      %while3A_330 = arith.constant 1 : i32
      %while3A_331 = arith.divsi %while3A_328, %while3A_330 : i32
      %while3A_332 = arith.muli %while3A_331, %while3A_330 : i32
      %while3A_333 = arith.addi %while3A_327, %while3A_332 : i32
      %while3A_334 = arith.constant 1 : i32
      %while3A_335:16 = scf.for %while3A_338 = %while3A_327 to %while3A_333 step %while3A_334 iter_args(%while3A_339 = %while3A_277, %while3A_340 = %while3A_278, %while3A_341 = %while3A_279, %while3A_342 = %while3A_280, %while3A_343 = %while3A_281, %while3A_344 = %while3A_282, %while3A_345 = %while3A_283, %while3A_346 = %while3A_284, %while3A_347 = %while3A_285, %while3A_348 = %while3A_286, %while3A_349 = %while3A_287, %while3A_350 = %while3A_288, %while3A_351 = %while3A_289, %while3A_352 = %while3A_290, %while3A_353 = %while3A_291, %while3A_354 = %while3A_292) -> (vector<16xf32>, vector<16xf32>, vector<16xf32>, vector<16xf32>, vector<16xf32>, vector<16xf32>, vector<16xf32>, vector<16xf32>, vector<16xf32>, vector<16xf32>, vector<16xf32>, vector<16xf32>, vector<16xf32>, vector<16xf32>, vector<16xf32>, vector<16xf32>)  : i32 {
        %add3A_355 = arith.addi %sub3A_323, %while3A_338 : i32
        %get3A_356 = arith.index_cast %add3A_355 : i32 to index
        %get3A_357 = arith.constant 0 : index
        %get3A_358 = tpu.vector_load %arg6[%get3A_356, %get3A_357] {strides = array<i32>} : memref<72x256xf32, #tpu.memory_space<vmem>>, vector<1x16xf32>,
        %get3A_359 = vector.shape_cast %get3A_358 : vector<1x16xf32> to vector<16xf32>
        %max3A = arith.maximumf %while3A_339, %get3A_359 : vector<16xf32>
        %get3A_360 = arith.index_cast %add3A_355 : i32 to index
        %get3A_361 = arith.constant 16 : index
        %get3A_362 = tpu.vector_load %arg6[%get3A_360, %get3A_361] {strides = array<i32>} : memref<72x256xf32, #tpu.memory_space<vmem>>, vector<1x16xf32>,
        %get3A_363 = vector.shape_cast %get3A_362 : vector<1x16xf32> to vector<16xf32>
        %max3A_364 = arith.maximumf %while3A_340, %get3A_363 : vector<16xf32>
        %get3A_365 = arith.index_cast %add3A_355 : i32 to index
        %get3A_366 = arith.constant 32 : index
        %get3A_367 = tpu.vector_load %arg6[%get3A_365, %get3A_366] {strides = array<i32>} : memref<72x256xf32, #tpu.memory_space<vmem>>, vector<1x16xf32>,
        %get3A_368 = vector.shape_cast %get3A_367 : vector<1x16xf32> to vector<16xf32>
        %max3A_369 = arith.maximumf %while3A_341, %get3A_368 : vector<16xf32>
        %get3A_370 = arith.index_cast %add3A_355 : i32 to index
        %get3A_371 = arith.constant 48 : index
        %get3A_372 = tpu.vector_load %arg6[%get3A_370, %get3A_371] {strides = array<i32>} : memref<72x256xf32, #tpu.memory_space<vmem>>, vector<1x16xf32>,
        %get3A_373 = vector.shape_cast %get3A_372 : vector<1x16xf32> to vector<16xf32>
        %max3A_374 = arith.maximumf %while3A_342, %get3A_373 : vector<16xf32>
        %get3A_375 = arith.index_cast %add3A_355 : i32 to index
        %get3A_376 = arith.constant 64 : index
        %get3A_377 = tpu.vector_load %arg6[%get3A_375, %get3A_376] {strides = array<i32>} : memref<72x256xf32, #tpu.memory_space<vmem>>, vector<1x16xf32>,
        %get3A_378 = vector.shape_cast %get3A_377 : vector<1x16xf32> to vector<16xf32>
        %max3A_379 = arith.maximumf %while3A_343, %get3A_378 : vector<16xf32>
        %get3A_380 = arith.index_cast %add3A_355 : i32 to index
        %get3A_381 = arith.constant 80 : index
        %get3A_382 = tpu.vector_load %arg6[%get3A_380, %get3A_381] {strides = array<i32>} : memref<72x256xf32, #tpu.memory_space<vmem>>, vector<1x16xf32>,
        %get3A_383 = vector.shape_cast %get3A_382 : vector<1x16xf32> to vector<16xf32>
        %max3A_384 = arith.maximumf %while3A_344, %get3A_383 : vector<16xf32>
        %get3A_385 = arith.index_cast %add3A_355 : i32 to index
        %get3A_386 = arith.constant 96 : index
        %get3A_387 = tpu.vector_load %arg6[%get3A_385, %get3A_386] {strides = array<i32>} : memref<72x256xf32, #tpu.memory_space<vmem>>, vector<1x16xf32>,
        %get3A_388 = vector.shape_cast %get3A_387 : vector<1x16xf32> to vector<16xf32>
        %max3A_389 = arith.maximumf %while3A_345, %get3A_388 : vector<16xf32>
        %get3A_390 = arith.index_cast %add3A_355 : i32 to index
        %get3A_391 = arith.constant 112 : index
        %get3A_392 = tpu.vector_load %arg6[%get3A_390, %get3A_391] {strides = array<i32>} : memref<72x256xf32, #tpu.memory_space<vmem>>, vector<1x16xf32>,
        %get3A_393 = vector.shape_cast %get3A_392 : vector<1x16xf32> to vector<16xf32>
        %max3A_394 = arith.maximumf %while3A_346, %get3A_393 : vector<16xf32>
        %get3A_395 = arith.index_cast %add3A_355 : i32 to index
        %get3A_396 = arith.constant 128 : index
        %get3A_397 = tpu.vector_load %arg6[%get3A_395, %get3A_396] {strides = array<i32>} : memref<72x256xf32, #tpu.memory_space<vmem>>, vector<1x16xf32>,
        %get3A_398 = vector.shape_cast %get3A_397 : vector<1x16xf32> to vector<16xf32>
        %max3A_399 = arith.maximumf %while3A_347, %get3A_398 : vector<16xf32>
        %get3A_400 = arith.index_cast %add3A_355 : i32 to index
        %get3A_401 = arith.constant 144 : index
        %get3A_402 = tpu.vector_load %arg6[%get3A_400, %get3A_401] {strides = array<i32>} : memref<72x256xf32, #tpu.memory_space<vmem>>, vector<1x16xf32>,
        %get3A_403 = vector.shape_cast %get3A_402 : vector<1x16xf32> to vector<16xf32>
        %max3A_404 = arith.maximumf %while3A_348, %get3A_403 : vector<16xf32>
        %get3A_405 = arith.index_cast %add3A_355 : i32 to index
        %get3A_406 = arith.constant 160 : index
        %get3A_407 = tpu.vector_load %arg6[%get3A_405, %get3A_406] {strides = array<i32>} : memref<72x256xf32, #tpu.memory_space<vmem>>, vector<1x16xf32>,
        %get3A_408 = vector.shape_cast %get3A_407 : vector<1x16xf32> to vector<16xf32>
        %max3A_409 = arith.maximumf %while3A_349, %get3A_408 : vector<16xf32>
        %get3A_410 = arith.index_cast %add3A_355 : i32 to index
        %get3A_411 = arith.constant 176 : index
        %get3A_412 = tpu.vector_load %arg6[%get3A_410, %get3A_411] {strides = array<i32>} : memref<72x256xf32, #tpu.memory_space<vmem>>, vector<1x16xf32>,
        %get3A_413 = vector.shape_cast %get3A_412 : vector<1x16xf32> to vector<16xf32>
        %max3A_414 = arith.maximumf %while3A_350, %get3A_413 : vector<16xf32>
        %get3A_415 = arith.index_cast %add3A_355 : i32 to index
        %get3A_416 = arith.constant 192 : index
        %get3A_417 = tpu.vector_load %arg6[%get3A_415, %get3A_416] {strides = array<i32>} : memref<72x256xf32, #tpu.memory_space<vmem>>, vector<1x16xf32>,
        %get3A_418 = vector.shape_cast %get3A_417 : vector<1x16xf32> to vector<16xf32>
        %max3A_419 = arith.maximumf %while3A_351, %get3A_418 : vector<16xf32>
        %get3A_420 = arith.index_cast %add3A_355 : i32 to index
        %get3A_421 = arith.constant 208 : index
        %get3A_422 = tpu.vector_load %arg6[%get3A_420, %get3A_421] {strides = array<i32>} : memref<72x256xf32, #tpu.memory_space<vmem>>, vector<1x16xf32>,
        %get3A_423 = vector.shape_cast %get3A_422 : vector<1x16xf32> to vector<16xf32>
        %max3A_424 = arith.maximumf %while3A_352, %get3A_423 : vector<16xf32>
        %get3A_425 = arith.index_cast %add3A_355 : i32 to index
        %get3A_426 = arith.constant 224 : index
        %get3A_427 = tpu.vector_load %arg6[%get3A_425, %get3A_426] {strides = array<i32>} : memref<72x256xf32, #tpu.memory_space<vmem>>, vector<1x16xf32>,
        %get3A_428 = vector.shape_cast %get3A_427 : vector<1x16xf32> to vector<16xf32>
        %max3A_429 = arith.maximumf %while3A_353, %get3A_428 : vector<16xf32>
        %get3A_430 = arith.index_cast %add3A_355 : i32 to index
        %get3A_431 = arith.constant 240 : index
        %get3A_432 = tpu.vector_load %arg6[%get3A_430, %get3A_431] {strides = array<i32>} : memref<72x256xf32, #tpu.memory_space<vmem>>, vector<1x16xf32>,
        %get3A_433 = vector.shape_cast %get3A_432 : vector<1x16xf32> to vector<16xf32>
        %max3A_434 = arith.maximumf %while3A_354, %get3A_433 : vector<16xf32>
        scf.yield %max3A, %max3A_364, %max3A_369, %max3A_374, %max3A_379, %max3A_384, %max3A_389, %max3A_394, %max3A_399, %max3A_404, %max3A_409, %max3A_414, %max3A_419, %max3A_424, %max3A_429, %max3A_434 : vector<16xf32>, vector<16xf32>, vector<16xf32>, vector<16xf32>, vector<16xf32>, vector<16xf32>, vector<16xf32>, vector<16xf32>, vector<16xf32>, vector<16xf32>, vector<16xf32>, vector<16xf32>, vector<16xf32>, vector<16xf32>, vector<16xf32>, vector<16xf32>
      }
      %while3A_336 = arith.constant 1 : i32
      %while3A_337:16 = scf.for %while3A_338 = %while3A_333 to %while3A_329 step %while3A_336 iter_args(%while3A_339 = %while3A_335#0, %while3A_340 = %while3A_335#1, %while3A_341 = %while3A_335#2, %while3A_342 = %while3A_335#3, %while3A_343 = %while3A_335#4, %while3A_344 = %while3A_335#5, %while3A_345 = %while3A_335#6, %while3A_346 = %while3A_335#7, %while3A_347 = %while3A_335#8, %while3A_348 = %while3A_335#9, %while3A_349 = %while3A_335#10, %while3A_350 = %while3A_335#11, %while3A_351 = %while3A_335#12, %while3A_352 = %while3A_335#13, %while3A_353 = %while3A_335#14, %while3A_354 = %while3A_335#15) -> (vector<16xf32>, vector<16xf32>, vector<16xf32>, vector<16xf32>, vector<16xf32>, vector<16xf32>, vector<16xf32>, vector<16xf32>, vector<16xf32>, vector<16xf32>, vector<16xf32>, vector<16xf32>, vector<16xf32>, vector<16xf32>, vector<16xf32>, vector<16xf32>)  : i32 {
        %add3A_355 = arith.addi %sub3A_323, %while3A_338 : i32
        %get3A_356 = arith.index_cast %add3A_355 : i32 to index
        %get3A_357 = arith.constant 0 : index
        %get3A_358 = tpu.vector_load %arg6[%get3A_356, %get3A_357] {strides = array<i32>} : memref<72x256xf32, #tpu.memory_space<vmem>>, vector<1x16xf32>,
        %get3A_359 = vector.shape_cast %get3A_358 : vector<1x16xf32> to vector<16xf32>
        %max3A = arith.maximumf %while3A_339, %get3A_359 : vector<16xf32>
        %get3A_360 = arith.index_cast %add3A_355 : i32 to index
        %get3A_361 = arith.constant 16 : index
        %get3A_362 = tpu.vector_load %arg6[%get3A_360, %get3A_361] {strides = array<i32>} : memref<72x256xf32, #tpu.memory_space<vmem>>, vector<1x16xf32>,
        %get3A_363 = vector.shape_cast %get3A_362 : vector<1x16xf32> to vector<16xf32>
        %max3A_364 = arith.maximumf %while3A_340, %get3A_363 : vector<16xf32>
        %get3A_365 = arith.index_cast %add3A_355 : i32 to index
        %get3A_366 = arith.constant 32 : index
        %get3A_367 = tpu.vector_load %arg6[%get3A_365, %get3A_366] {strides = array<i32>} : memref<72x256xf32, #tpu.memory_space<vmem>>, vector<1x16xf32>,
        %get3A_368 = vector.shape_cast %get3A_367 : vector<1x16xf32> to vector<16xf32>
        %max3A_369 = arith.maximumf %while3A_341, %get3A_368 : vector<16xf32>
        %get3A_370 = arith.index_cast %add3A_355 : i32 to index
        %get3A_371 = arith.constant 48 : index
        %get3A_372 = tpu.vector_load %arg6[%get3A_370, %get3A_371] {strides = array<i32>} : memref<72x256xf32, #tpu.memory_space<vmem>>, vector<1x16xf32>,
        %get3A_373 = vector.shape_cast %get3A_372 : vector<1x16xf32> to vector<16xf32>
        %max3A_374 = arith.maximumf %while3A_342, %get3A_373 : vector<16xf32>
        %get3A_375 = arith.index_cast %add3A_355 : i32 to index
        %get3A_376 = arith.constant 64 : index
        %get3A_377 = tpu.vector_load %arg6[%get3A_375, %get3A_376] {strides = array<i32>} : memref<72x256xf32, #tpu.memory_space<vmem>>, vector<1x16xf32>,
        %get3A_378 = vector.shape_cast %get3A_377 : vector<1x16xf32> to vector<16xf32>
        %max3A_379 = arith.maximumf %while3A_343, %get3A_378 : vector<16xf32>
        %get3A_380 = arith.index_cast %add3A_355 : i32 to index
        %get3A_381 = arith.constant 80 : index
        %get3A_382 = tpu.vector_load %arg6[%get3A_380, %get3A_381] {strides = array<i32>} : memref<72x256xf32, #tpu.memory_space<vmem>>, vector<1x16xf32>,
        %get3A_383 = vector.shape_cast %get3A_382 : vector<1x16xf32> to vector<16xf32>
        %max3A_384 = arith.maximumf %while3A_344, %get3A_383 : vector<16xf32>
        %get3A_385 = arith.index_cast %add3A_355 : i32 to index
        %get3A_386 = arith.constant 96 : index
        %get3A_387 = tpu.vector_load %arg6[%get3A_385, %get3A_386] {strides = array<i32>} : memref<72x256xf32, #tpu.memory_space<vmem>>, vector<1x16xf32>,
        %get3A_388 = vector.shape_cast %get3A_387 : vector<1x16xf32> to vector<16xf32>
        %max3A_389 = arith.maximumf %while3A_345, %get3A_388 : vector<16xf32>
        %get3A_390 = arith.index_cast %add3A_355 : i32 to index
        %get3A_391 = arith.constant 112 : index
        %get3A_392 = tpu.vector_load %arg6[%get3A_390, %get3A_391] {strides = array<i32>} : memref<72x256xf32, #tpu.memory_space<vmem>>, vector<1x16xf32>,
        %get3A_393 = vector.shape_cast %get3A_392 : vector<1x16xf32> to vector<16xf32>
        %max3A_394 = arith.maximumf %while3A_346, %get3A_393 : vector<16xf32>
        %get3A_395 = arith.index_cast %add3A_355 : i32 to index
        %get3A_396 = arith.constant 128 : index
        %get3A_397 = tpu.vector_load %arg6[%get3A_395, %get3A_396] {strides = array<i32>} : memref<72x256xf32, #tpu.memory_space<vmem>>, vector<1x16xf32>,
        %get3A_398 = vector.shape_cast %get3A_397 : vector<1x16xf32> to vector<16xf32>
        %max3A_399 = arith.maximumf %while3A_347, %get3A_398 : vector<16xf32>
        %get3A_400 = arith.index_cast %add3A_355 : i32 to index
        %get3A_401 = arith.constant 144 : index
        %get3A_402 = tpu.vector_load %arg6[%get3A_400, %get3A_401] {strides = array<i32>} : memref<72x256xf32, #tpu.memory_space<vmem>>, vector<1x16xf32>,
        %get3A_403 = vector.shape_cast %get3A_402 : vector<1x16xf32> to vector<16xf32>
        %max3A_404 = arith.maximumf %while3A_348, %get3A_403 : vector<16xf32>
        %get3A_405 = arith.index_cast %add3A_355 : i32 to index
        %get3A_406 = arith.constant 160 : index
        %get3A_407 = tpu.vector_load %arg6[%get3A_405, %get3A_406] {strides = array<i32>} : memref<72x256xf32, #tpu.memory_space<vmem>>, vector<1x16xf32>,
        %get3A_408 = vector.shape_cast %get3A_407 : vector<1x16xf32> to vector<16xf32>
        %max3A_409 = arith.maximumf %while3A_349, %get3A_408 : vector<16xf32>
        %get3A_410 = arith.index_cast %add3A_355 : i32 to index
        %get3A_411 = arith.constant 176 : index
        %get3A_412 = tpu.vector_load %arg6[%get3A_410, %get3A_411] {strides = array<i32>} : memref<72x256xf32, #tpu.memory_space<vmem>>, vector<1x16xf32>,
        %get3A_413 = vector.shape_cast %get3A_412 : vector<1x16xf32> to vector<16xf32>
        %max3A_414 = arith.maximumf %while3A_350, %get3A_413 : vector<16xf32>
        %get3A_415 = arith.index_cast %add3A_355 : i32 to index
        %get3A_416 = arith.constant 192 : index
        %get3A_417 = tpu.vector_load %arg6[%get3A_415, %get3A_416] {strides = array<i32>} : memref<72x256xf32, #tpu.memory_space<vmem>>, vector<1x16xf32>,
        %get3A_418 = vector.shape_cast %get3A_417 : vector<1x16xf32> to vector<16xf32>
        %max3A_419 = arith.maximumf %while3A_351, %get3A_418 : vector<16xf32>
        %get3A_420 = arith.index_cast %add3A_355 : i32 to index
        %get3A_421 = arith.constant 208 : index
        %get3A_422 = tpu.vector_load %arg6[%get3A_420, %get3A_421] {strides = array<i32>} : memref<72x256xf32, #tpu.memory_space<vmem>>, vector<1x16xf32>,
        %get3A_423 = vector.shape_cast %get3A_422 : vector<1x16xf32> to vector<16xf32>
        %max3A_424 = arith.maximumf %while3A_352, %get3A_423 : vector<16xf32>
        %get3A_425 = arith.index_cast %add3A_355 : i32 to index
        %get3A_426 = arith.constant 224 : index
        %get3A_427 = tpu.vector_load %arg6[%get3A_425, %get3A_426] {strides = array<i32>} : memref<72x256xf32, #tpu.memory_space<vmem>>, vector<1x16xf32>,
        %get3A_428 = vector.shape_cast %get3A_427 : vector<1x16xf32> to vector<16xf32>
        %max3A_429 = arith.maximumf %while3A_353, %get3A_428 : vector<16xf32>
        %get3A_430 = arith.index_cast %add3A_355 : i32 to index
        %get3A_431 = arith.constant 240 : index
        %get3A_432 = tpu.vector_load %arg6[%get3A_430, %get3A_431] {strides = array<i32>} : memref<72x256xf32, #tpu.memory_space<vmem>>, vector<1x16xf32>,
        %get3A_433 = vector.shape_cast %get3A_432 : vector<1x16xf32> to vector<16xf32>
        %max3A_434 = arith.maximumf %while3A_354, %get3A_433 : vector<16xf32>
        scf.yield %max3A, %max3A_364, %max3A_369, %max3A_374, %max3A_379, %max3A_384, %max3A_389, %max3A_394, %max3A_399, %max3A_404, %max3A_409, %max3A_414, %max3A_419, %max3A_424, %max3A_429, %max3A_434 : vector<16xf32>, vector<16xf32>, vector<16xf32>, vector<16xf32>, vector<16xf32>, vector<16xf32>, vector<16xf32>, vector<16xf32>, vector<16xf32>, vector<16xf32>, vector<16xf32>, vector<16xf32>, vector<16xf32>, vector<16xf32>, vector<16xf32>, vector<16xf32>
      }
      scf.yield %while3A_337#0, %while3A_337#1, %while3A_337#2, %while3A_337#3, %while3A_337#4, %while3A_337#5, %while3A_337#6, %while3A_337#7, %while3A_337#8, %while3A_337#9, %while3A_337#10, %while3A_337#11, %while3A_337#12, %while3A_337#13, %while3A_337#14, %while3A_337#15 : vector<16xf32>, vector<16xf32>, vector<16xf32>, vector<16xf32>, vector<16xf32>, vector<16xf32>, vector<16xf32>, vector<16xf32>, vector<16xf32>, vector<16xf32>, vector<16xf32>, vector<16xf32>, vector<16xf32>, vector<16xf32>, vector<16xf32>, vector<16xf32>
    }
    %while3A_69 = arith.constant 1 : i32
    %while3A_70:16 = scf.for %while3A_276 = %while3A_66 to %while3A_62 step %while3A_69 iter_args(%while3A_277 = %while3A_68#0, %while3A_278 = %while3A_68#1, %while3A_279 = %while3A_68#2, %while3A_280 = %while3A_68#3, %while3A_281 = %while3A_68#4, %while3A_282 = %while3A_68#5, %while3A_283 = %while3A_68#6, %while3A_284 = %while3A_68#7, %while3A_285 = %while3A_68#8, %while3A_286 = %while3A_68#9, %while3A_287 = %while3A_68#10, %while3A_288 = %while3A_68#11, %while3A_289 = %while3A_68#12, %while3A_290 = %while3A_68#13, %while3A_291 = %while3A_68#14, %while3A_292 = %while3A_68#15) -> (vector<16xf32>, vector<16xf32>, vector<16xf32>, vector<16xf32>, vector<16xf32>, vector<16xf32>, vector<16xf32>, vector<16xf32>, vector<16xf32>, vector<16xf32>, vector<16xf32>, vector<16xf32>, vector<16xf32>, vector<16xf32>, vector<16xf32>, vector<16xf32>)  : i32 {
      %mul3A_293 = arith.constant 64 : i32
      %mul3A_294 = arith.muli %while3A_276, %mul3A_293 : i32
      %add3A_295 = arith.addi %squeeze3A, %mul3A_294 : i32
      %jit3A_296 = arith.constant 8 : i32
      %div3A_297 = arith.divsi %add3A_295, %jit3A_296 : i32
      %sign3A_298 = arith.constant 0 : i32
      %sign3A_299 = arith.cmpi sgt, %add3A_295, %sign3A_298 : i32
      %sign3A_300 = arith.extui %sign3A_299 : i1 to i32
      %sign3A_301 = arith.constant 0 : i32
      %sign3A_302 = arith.cmpi slt, %add3A_295, %sign3A_301 : i32
      %sign3A_303 = arith.extui %sign3A_302 : i1 to i32
      %sign3A_304 = arith.subi %sign3A_300, %sign3A_303 : i32
      %sign3A_305 = arith.constant 0 : i32
      %sign3A_306 = arith.cmpi sgt, %jit3A_296, %sign3A_305 : i32
      %sign3A_307 = arith.extui %sign3A_306 : i1 to i32
      %sign3A_308 = arith.constant 0 : i32
      %sign3A_309 = arith.cmpi slt, %jit3A_296, %sign3A_308 : i32
      %sign3A_310 = arith.extui %sign3A_309 : i1 to i32
      %sign3A_311 = arith.subi %sign3A_307, %sign3A_310 : i32
      %ne3A_312 = arith.cmpi ne, %sign3A_304, %sign3A_311 : i32
      %rem3A_313 = arith.remsi %add3A_295, %jit3A_296 : i32
      %ne3A_314 = arith.constant 0 : i32
      %ne3A_315 = arith.cmpi ne, %rem3A_313, %ne3A_314 : i32
      %and3A_316 = arith.andi %ne3A_312, %ne3A_315 : i1
      %sub3A_317 = arith.constant 1 : i32
      %sub3A_318 = arith.subi %div3A_297, %sub3A_317 : i32
      %select_n3A_319 = arith.select %and3A_316, %sub3A_318, %div3A_297 : i32
      %mul3A_320 = arith.constant 8 : i32
      %mul3A_321 = arith.muli %select_n3A_319, %mul3A_320 : i32
      %min3A = arith.constant 9928 : i32
      %min3A_322 = arith.minsi %mul3A_321, %min3A : i32
      %sub3A_323 = arith.subi %add3A_295, %min3A_322 : i32
      "tpu.region"() ({
        %run_scoped3A = tpu.sem_alloc : memref<!tpu.dma_semaphore, #tpu.memory_space<semaphore_mem>>
        %dma_start3A = arith.constant 0 : i32
        %dma_start3A_338 = tpu.memref_slice %arg2[%min3A_322, %dma_start3A] : memref<10000x256xf32, #tpu.memory_space<hbm>> -> memref<72x256xf32, #tpu.memory_space<hbm>>
        %dma_start3A_339 = arith.constant 0 : i32
        %dma_start3A_340 = tpu.memref_slice %arg2[%min3A_322, %dma_start3A_339] : memref<10000x256xf32, #tpu.memory_space<hbm>> -> memref<72x256xf32, #tpu.memory_space<hbm>>
        tpu.enqueue_dma source(%dma_start3A_340 : memref<72x256xf32, #tpu.memory_space<hbm>>) target(%arg6 : memref<72x256xf32, #tpu.memory_space<vmem>>) target_semaphore(%run_scoped3A : memref<!tpu.dma_semaphore, #tpu.memory_space<semaphore_mem>>)
        %dma_wait3A = arith.constant 0 : i32
        %dma_wait3A_341 = tpu.memref_slice %arg2[%min3A_322, %dma_wait3A] : memref<10000x256xf32, #tpu.memory_space<hbm>> -> memref<72x256xf32, #tpu.memory_space<hbm>>
        %dma_wait3A_342 = arith.constant 0 : i32
        %dma_wait3A_343 = tpu.memref_slice %arg2[%min3A_322, %dma_wait3A_342] : memref<10000x256xf32, #tpu.memory_space<hbm>> -> memref<72x256xf32, #tpu.memory_space<hbm>>
        tpu.wait_dma2 semaphore(%run_scoped3A : memref<!tpu.dma_semaphore, #tpu.memory_space<semaphore_mem>>) src(%dma_wait3A_343 : memref<72x256xf32, #tpu.memory_space<hbm>>) dst(%arg6 : memref<72x256xf32, #tpu.memory_space<vmem>>)
        tpu.yield
      }) : () -> ()
      %sub3A_324 = arith.subi %squeeze3A_8, %add3A_295 : i32
      %min3A_325 = arith.constant 64 : i32
      %min3A_326 = arith.minsi %min3A_325, %sub3A_324 : i32
      %while3A_327 = arith.constant 0 : i32
      %while3A_328 = arith.subi %min3A_326, %while3A_327 : i32
      %while3A_329 = arith.addi %while3A_327, %while3A_328 : i32
      %while3A_330 = arith.constant 1 : i32
      %while3A_331 = arith.divsi %while3A_328, %while3A_330 : i32
      %while3A_332 = arith.muli %while3A_331, %while3A_330 : i32
      %while3A_333 = arith.addi %while3A_327, %while3A_332 : i32
      %while3A_334 = arith.constant 1 : i32
      %while3A_335:16 = scf.for %while3A_338 = %while3A_327 to %while3A_333 step %while3A_334 iter_args(%while3A_339 = %while3A_277, %while3A_340 = %while3A_278, %while3A_341 = %while3A_279, %while3A_342 = %while3A_280, %while3A_343 = %while3A_281, %while3A_344 = %while3A_282, %while3A_345 = %while3A_283, %while3A_346 = %while3A_284, %while3A_347 = %while3A_285, %while3A_348 = %while3A_286, %while3A_349 = %while3A_287, %while3A_350 = %while3A_288, %while3A_351 = %while3A_289, %while3A_352 = %while3A_290, %while3A_353 = %while3A_291, %while3A_354 = %while3A_292) -> (vector<16xf32>, vector<16xf32>, vector<16xf32>, vector<16xf32>, vector<16xf32>, vector<16xf32>, vector<16xf32>, vector<16xf32>, vector<16xf32>, vector<16xf32>, vector<16xf32>, vector<16xf32>, vector<16xf32>, vector<16xf32>, vector<16xf32>, vector<16xf32>)  : i32 {
        %add3A_355 = arith.addi %sub3A_323, %while3A_338 : i32
        %get3A_356 = arith.index_cast %add3A_355 : i32 to index
        %get3A_357 = arith.constant 0 : index
        %get3A_358 = tpu.vector_load %arg6[%get3A_356, %get3A_357] {strides = array<i32>} : memref<72x256xf32, #tpu.memory_space<vmem>>, vector<1x16xf32>,
        %get3A_359 = vector.shape_cast %get3A_358 : vector<1x16xf32> to vector<16xf32>
        %max3A = arith.maximumf %while3A_339, %get3A_359 : vector<16xf32>
        %get3A_360 = arith.index_cast %add3A_355 : i32 to index
        %get3A_361 = arith.constant 16 : index
        %get3A_362 = tpu.vector_load %arg6[%get3A_360, %get3A_361] {strides = array<i32>} : memref<72x256xf32, #tpu.memory_space<vmem>>, vector<1x16xf32>,
        %get3A_363 = vector.shape_cast %get3A_362 : vector<1x16xf32> to vector<16xf32>
        %max3A_364 = arith.maximumf %while3A_340, %get3A_363 : vector<16xf32>
        %get3A_365 = arith.index_cast %add3A_355 : i32 to index
        %get3A_366 = arith.constant 32 : index
        %get3A_367 = tpu.vector_load %arg6[%get3A_365, %get3A_366] {strides = array<i32>} : memref<72x256xf32, #tpu.memory_space<vmem>>, vector<1x16xf32>,
        %get3A_368 = vector.shape_cast %get3A_367 : vector<1x16xf32> to vector<16xf32>
        %max3A_369 = arith.maximumf %while3A_341, %get3A_368 : vector<16xf32>
        %get3A_370 = arith.index_cast %add3A_355 : i32 to index
        %get3A_371 = arith.constant 48 : index
        %get3A_372 = tpu.vector_load %arg6[%get3A_370, %get3A_371] {strides = array<i32>} : memref<72x256xf32, #tpu.memory_space<vmem>>, vector<1x16xf32>,
        %get3A_373 = vector.shape_cast %get3A_372 : vector<1x16xf32> to vector<16xf32>
        %max3A_374 = arith.maximumf %while3A_342, %get3A_373 : vector<16xf32>
        %get3A_375 = arith.index_cast %add3A_355 : i32 to index
        %get3A_376 = arith.constant 64 : index
        %get3A_377 = tpu.vector_load %arg6[%get3A_375, %get3A_376] {strides = array<i32>} : memref<72x256xf32, #tpu.memory_space<vmem>>, vector<1x16xf32>,
        %get3A_378 = vector.shape_cast %get3A_377 : vector<1x16xf32> to vector<16xf32>
        %max3A_379 = arith.maximumf %while3A_343, %get3A_378 : vector<16xf32>
        %get3A_380 = arith.index_cast %add3A_355 : i32 to index
        %get3A_381 = arith.constant 80 : index
        %get3A_382 = tpu.vector_load %arg6[%get3A_380, %get3A_381] {strides = array<i32>} : memref<72x256xf32, #tpu.memory_space<vmem>>, vector<1x16xf32>,
        %get3A_383 = vector.shape_cast %get3A_382 : vector<1x16xf32> to vector<16xf32>
        %max3A_384 = arith.maximumf %while3A_344, %get3A_383 : vector<16xf32>
        %get3A_385 = arith.index_cast %add3A_355 : i32 to index
        %get3A_386 = arith.constant 96 : index
        %get3A_387 = tpu.vector_load %arg6[%get3A_385, %get3A_386] {strides = array<i32>} : memref<72x256xf32, #tpu.memory_space<vmem>>, vector<1x16xf32>,
        %get3A_388 = vector.shape_cast %get3A_387 : vector<1x16xf32> to vector<16xf32>
        %max3A_389 = arith.maximumf %while3A_345, %get3A_388 : vector<16xf32>
        %get3A_390 = arith.index_cast %add3A_355 : i32 to index
        %get3A_391 = arith.constant 112 : index
        %get3A_392 = tpu.vector_load %arg6[%get3A_390, %get3A_391] {strides = array<i32>} : memref<72x256xf32, #tpu.memory_space<vmem>>, vector<1x16xf32>,
        %get3A_393 = vector.shape_cast %get3A_392 : vector<1x16xf32> to vector<16xf32>
        %max3A_394 = arith.maximumf %while3A_346, %get3A_393 : vector<16xf32>
        %get3A_395 = arith.index_cast %add3A_355 : i32 to index
        %get3A_396 = arith.constant 128 : index
        %get3A_397 = tpu.vector_load %arg6[%get3A_395, %get3A_396] {strides = array<i32>} : memref<72x256xf32, #tpu.memory_space<vmem>>, vector<1x16xf32>,
        %get3A_398 = vector.shape_cast %get3A_397 : vector<1x16xf32> to vector<16xf32>
        %max3A_399 = arith.maximumf %while3A_347, %get3A_398 : vector<16xf32>
        %get3A_400 = arith.index_cast %add3A_355 : i32 to index
        %get3A_401 = arith.constant 144 : index
        %get3A_402 = tpu.vector_load %arg6[%get3A_400, %get3A_401] {strides = array<i32>} : memref<72x256xf32, #tpu.memory_space<vmem>>, vector<1x16xf32>,
        %get3A_403 = vector.shape_cast %get3A_402 : vector<1x16xf32> to vector<16xf32>
        %max3A_404 = arith.maximumf %while3A_348, %get3A_403 : vector<16xf32>
        %get3A_405 = arith.index_cast %add3A_355 : i32 to index
        %get3A_406 = arith.constant 160 : index
        %get3A_407 = tpu.vector_load %arg6[%get3A_405, %get3A_406] {strides = array<i32>} : memref<72x256xf32, #tpu.memory_space<vmem>>, vector<1x16xf32>,
        %get3A_408 = vector.shape_cast %get3A_407 : vector<1x16xf32> to vector<16xf32>
        %max3A_409 = arith.maximumf %while3A_349, %get3A_408 : vector<16xf32>
        %get3A_410 = arith.index_cast %add3A_355 : i32 to index
        %get3A_411 = arith.constant 176 : index
        %get3A_412 = tpu.vector_load %arg6[%get3A_410, %get3A_411] {strides = array<i32>} : memref<72x256xf32, #tpu.memory_space<vmem>>, vector<1x16xf32>,
        %get3A_413 = vector.shape_cast %get3A_412 : vector<1x16xf32> to vector<16xf32>
        %max3A_414 = arith.maximumf %while3A_350, %get3A_413 : vector<16xf32>
        %get3A_415 = arith.index_cast %add3A_355 : i32 to index
        %get3A_416 = arith.constant 192 : index
        %get3A_417 = tpu.vector_load %arg6[%get3A_415, %get3A_416] {strides = array<i32>} : memref<72x256xf32, #tpu.memory_space<vmem>>, vector<1x16xf32>,
        %get3A_418 = vector.shape_cast %get3A_417 : vector<1x16xf32> to vector<16xf32>
        %max3A_419 = arith.maximumf %while3A_351, %get3A_418 : vector<16xf32>
        %get3A_420 = arith.index_cast %add3A_355 : i32 to index
        %get3A_421 = arith.constant 208 : index
        %get3A_422 = tpu.vector_load %arg6[%get3A_420, %get3A_421] {strides = array<i32>} : memref<72x256xf32, #tpu.memory_space<vmem>>, vector<1x16xf32>,
        %get3A_423 = vector.shape_cast %get3A_422 : vector<1x16xf32> to vector<16xf32>
        %max3A_424 = arith.maximumf %while3A_352, %get3A_423 : vector<16xf32>
        %get3A_425 = arith.index_cast %add3A_355 : i32 to index
        %get3A_426 = arith.constant 224 : index
        %get3A_427 = tpu.vector_load %arg6[%get3A_425, %get3A_426] {strides = array<i32>} : memref<72x256xf32, #tpu.memory_space<vmem>>, vector<1x16xf32>,
        %get3A_428 = vector.shape_cast %get3A_427 : vector<1x16xf32> to vector<16xf32>
        %max3A_429 = arith.maximumf %while3A_353, %get3A_428 : vector<16xf32>
        %get3A_430 = arith.index_cast %add3A_355 : i32 to index
        %get3A_431 = arith.constant 240 : index
        %get3A_432 = tpu.vector_load %arg6[%get3A_430, %get3A_431] {strides = array<i32>} : memref<72x256xf32, #tpu.memory_space<vmem>>, vector<1x16xf32>,
        %get3A_433 = vector.shape_cast %get3A_432 : vector<1x16xf32> to vector<16xf32>
        %max3A_434 = arith.maximumf %while3A_354, %get3A_433 : vector<16xf32>
        scf.yield %max3A, %max3A_364, %max3A_369, %max3A_374, %max3A_379, %max3A_384, %max3A_389, %max3A_394, %max3A_399, %max3A_404, %max3A_409, %max3A_414, %max3A_419, %max3A_424, %max3A_429, %max3A_434 : vector<16xf32>, vector<16xf32>, vector<16xf32>, vector<16xf32>, vector<16xf32>, vector<16xf32>, vector<16xf32>, vector<16xf32>, vector<16xf32>, vector<16xf32>, vector<16xf32>, vector<16xf32>, vector<16xf32>, vector<16xf32>, vector<16xf32>, vector<16xf32>
      }
      %while3A_336 = arith.constant 1 : i32
      %while3A_337:16 = scf.for %while3A_338 = %while3A_333 to %while3A_329 step %while3A_336 iter_args(%while3A_339 = %while3A_335#0, %while3A_340 = %while3A_335#1, %while3A_341 = %while3A_335#2, %while3A_342 = %while3A_335#3, %while3A_343 = %while3A_335#4, %while3A_344 = %while3A_335#5, %while3A_345 = %while3A_335#6, %while3A_346 = %while3A_335#7, %while3A_347 = %while3A_335#8, %while3A_348 = %while3A_335#9, %while3A_349 = %while3A_335#10, %while3A_350 = %while3A_335#11, %while3A_351 = %while3A_335#12, %while3A_352 = %while3A_335#13, %while3A_353 = %while3A_335#14, %while3A_354 = %while3A_335#15) -> (vector<16xf32>, vector<16xf32>, vector<16xf32>, vector<16xf32>, vector<16xf32>, vector<16xf32>, vector<16xf32>, vector<16xf32>, vector<16xf32>, vector<16xf32>, vector<16xf32>, vector<16xf32>, vector<16xf32>, vector<16xf32>, vector<16xf32>, vector<16xf32>)  : i32 {
        %add3A_355 = arith.addi %sub3A_323, %while3A_338 : i32
        %get3A_356 = arith.index_cast %add3A_355 : i32 to index
        %get3A_357 = arith.constant 0 : index
        %get3A_358 = tpu.vector_load %arg6[%get3A_356, %get3A_357] {strides = array<i32>} : memref<72x256xf32, #tpu.memory_space<vmem>>, vector<1x16xf32>,
        %get3A_359 = vector.shape_cast %get3A_358 : vector<1x16xf32> to vector<16xf32>
        %max3A = arith.maximumf %while3A_339, %get3A_359 : vector<16xf32>
        %get3A_360 = arith.index_cast %add3A_355 : i32 to index
        %get3A_361 = arith.constant 16 : index
        %get3A_362 = tpu.vector_load %arg6[%get3A_360, %get3A_361] {strides = array<i32>} : memref<72x256xf32, #tpu.memory_space<vmem>>, vector<1x16xf32>,
        %get3A_363 = vector.shape_cast %get3A_362 : vector<1x16xf32> to vector<16xf32>
        %max3A_364 = arith.maximumf %while3A_340, %get3A_363 : vector<16xf32>
        %get3A_365 = arith.index_cast %add3A_355 : i32 to index
        %get3A_366 = arith.constant 32 : index
        %get3A_367 = tpu.vector_load %arg6[%get3A_365, %get3A_366] {strides = array<i32>} : memref<72x256xf32, #tpu.memory_space<vmem>>, vector<1x16xf32>,
        %get3A_368 = vector.shape_cast %get3A_367 : vector<1x16xf32> to vector<16xf32>
        %max3A_369 = arith.maximumf %while3A_341, %get3A_368 : vector<16xf32>
        %get3A_370 = arith.index_cast %add3A_355 : i32 to index
        %get3A_371 = arith.constant 48 : index
        %get3A_372 = tpu.vector_load %arg6[%get3A_370, %get3A_371] {strides = array<i32>} : memref<72x256xf32, #tpu.memory_space<vmem>>, vector<1x16xf32>,
        %get3A_373 = vector.shape_cast %get3A_372 : vector<1x16xf32> to vector<16xf32>
        %max3A_374 = arith.maximumf %while3A_342, %get3A_373 : vector<16xf32>
        %get3A_375 = arith.index_cast %add3A_355 : i32 to index
        %get3A_376 = arith.constant 64 : index
        %get3A_377 = tpu.vector_load %arg6[%get3A_375, %get3A_376] {strides = array<i32>} : memref<72x256xf32, #tpu.memory_space<vmem>>, vector<1x16xf32>,
        %get3A_378 = vector.shape_cast %get3A_377 : vector<1x16xf32> to vector<16xf32>
        %max3A_379 = arith.maximumf %while3A_343, %get3A_378 : vector<16xf32>
        %get3A_380 = arith.index_cast %add3A_355 : i32 to index
        %get3A_381 = arith.constant 80 : index
        %get3A_382 = tpu.vector_load %arg6[%get3A_380, %get3A_381] {strides = array<i32>} : memref<72x256xf32, #tpu.memory_space<vmem>>, vector<1x16xf32>,
        %get3A_383 = vector.shape_cast %get3A_382 : vector<1x16xf32> to vector<16xf32>
        %max3A_384 = arith.maximumf %while3A_344, %get3A_383 : vector<16xf32>
        %get3A_385 = arith.index_cast %add3A_355 : i32 to index
        %get3A_386 = arith.constant 96 : index
        %get3A_387 = tpu.vector_load %arg6[%get3A_385, %get3A_386] {strides = array<i32>} : memref<72x256xf32, #tpu.memory_space<vmem>>, vector<1x16xf32>,
        %get3A_388 = vector.shape_cast %get3A_387 : vector<1x16xf32> to vector<16xf32>
        %max3A_389 = arith.maximumf %while3A_345, %get3A_388 : vector<16xf32>
        %get3A_390 = arith.index_cast %add3A_355 : i32 to index
        %get3A_391 = arith.constant 112 : index
        %get3A_392 = tpu.vector_load %arg6[%get3A_390, %get3A_391] {strides = array<i32>} : memref<72x256xf32, #tpu.memory_space<vmem>>, vector<1x16xf32>,
        %get3A_393 = vector.shape_cast %get3A_392 : vector<1x16xf32> to vector<16xf32>
        %max3A_394 = arith.maximumf %while3A_346, %get3A_393 : vector<16xf32>
        %get3A_395 = arith.index_cast %add3A_355 : i32 to index
        %get3A_396 = arith.constant 128 : index
        %get3A_397 = tpu.vector_load %arg6[%get3A_395, %get3A_396] {strides = array<i32>} : memref<72x256xf32, #tpu.memory_space<vmem>>, vector<1x16xf32>,
        %get3A_398 = vector.shape_cast %get3A_397 : vector<1x16xf32> to vector<16xf32>
        %max3A_399 = arith.maximumf %while3A_347, %get3A_398 : vector<16xf32>
        %get3A_400 = arith.index_cast %add3A_355 : i32 to index
        %get3A_401 = arith.constant 144 : index
        %get3A_402 = tpu.vector_load %arg6[%get3A_400, %get3A_401] {strides = array<i32>} : memref<72x256xf32, #tpu.memory_space<vmem>>, vector<1x16xf32>,
        %get3A_403 = vector.shape_cast %get3A_402 : vector<1x16xf32> to vector<16xf32>
        %max3A_404 = arith.maximumf %while3A_348, %get3A_403 : vector<16xf32>
        %get3A_405 = arith.index_cast %add3A_355 : i32 to index
        %get3A_406 = arith.constant 160 : index
        %get3A_407 = tpu.vector_load %arg6[%get3A_405, %get3A_406] {strides = array<i32>} : memref<72x256xf32, #tpu.memory_space<vmem>>, vector<1x16xf32>,
        %get3A_408 = vector.shape_cast %get3A_407 : vector<1x16xf32> to vector<16xf32>
        %max3A_409 = arith.maximumf %while3A_349, %get3A_408 : vector<16xf32>
        %get3A_410 = arith.index_cast %add3A_355 : i32 to index
        %get3A_411 = arith.constant 176 : index
        %get3A_412 = tpu.vector_load %arg6[%get3A_410, %get3A_411] {strides = array<i32>} : memref<72x256xf32, #tpu.memory_space<vmem>>, vector<1x16xf32>,
        %get3A_413 = vector.shape_cast %get3A_412 : vector<1x16xf32> to vector<16xf32>
        %max3A_414 = arith.maximumf %while3A_350, %get3A_413 : vector<16xf32>
        %get3A_415 = arith.index_cast %add3A_355 : i32 to index
        %get3A_416 = arith.constant 192 : index
        %get3A_417 = tpu.vector_load %arg6[%get3A_415, %get3A_416] {strides = array<i32>} : memref<72x256xf32, #tpu.memory_space<vmem>>, vector<1x16xf32>,
        %get3A_418 = vector.shape_cast %get3A_417 : vector<1x16xf32> to vector<16xf32>
        %max3A_419 = arith.maximumf %while3A_351, %get3A_418 : vector<16xf32>
        %get3A_420 = arith.index_cast %add3A_355 : i32 to index
        %get3A_421 = arith.constant 208 : index
        %get3A_422 = tpu.vector_load %arg6[%get3A_420, %get3A_421] {strides = array<i32>} : memref<72x256xf32, #tpu.memory_space<vmem>>, vector<1x16xf32>,
        %get3A_423 = vector.shape_cast %get3A_422 : vector<1x16xf32> to vector<16xf32>
        %max3A_424 = arith.maximumf %while3A_352, %get3A_423 : vector<16xf32>
        %get3A_425 = arith.index_cast %add3A_355 : i32 to index
        %get3A_426 = arith.constant 224 : index
        %get3A_427 = tpu.vector_load %arg6[%get3A_425, %get3A_426] {strides = array<i32>} : memref<72x256xf32, #tpu.memory_space<vmem>>, vector<1x16xf32>,
        %get3A_428 = vector.shape_cast %get3A_427 : vector<1x16xf32> to vector<16xf32>
        %max3A_429 = arith.maximumf %while3A_353, %get3A_428 : vector<16xf32>
        %get3A_430 = arith.index_cast %add3A_355 : i32 to index
        %get3A_431 = arith.constant 240 : index
        %get3A_432 = tpu.vector_load %arg6[%get3A_430, %get3A_431] {strides = array<i32>} : memref<72x256xf32, #tpu.memory_space<vmem>>, vector<1x16xf32>,
        %get3A_433 = vector.shape_cast %get3A_432 : vector<1x16xf32> to vector<16xf32>
        %max3A_434 = arith.maximumf %while3A_354, %get3A_433 : vector<16xf32>
        scf.yield %max3A, %max3A_364, %max3A_369, %max3A_374, %max3A_379, %max3A_384, %max3A_389, %max3A_394, %max3A_399, %max3A_404, %max3A_409, %max3A_414, %max3A_419, %max3A_424, %max3A_429, %max3A_434 : vector<16xf32>, vector<16xf32>, vector<16xf32>, vector<16xf32>, vector<16xf32>, vector<16xf32>, vector<16xf32>, vector<16xf32>, vector<16xf32>, vector<16xf32>, vector<16xf32>, vector<16xf32>, vector<16xf32>, vector<16xf32>, vector<16xf32>, vector<16xf32>
      }
      scf.yield %while3A_337#0, %while3A_337#1, %while3A_337#2, %while3A_337#3, %while3A_337#4, %while3A_337#5, %while3A_337#6, %while3A_337#7, %while3A_337#8, %while3A_337#9, %while3A_337#10, %while3A_337#11, %while3A_337#12, %while3A_337#13, %while3A_337#14, %while3A_337#15 : vector<16xf32>, vector<16xf32>, vector<16xf32>, vector<16xf32>, vector<16xf32>, vector<16xf32>, vector<16xf32>, vector<16xf32>, vector<16xf32>, vector<16xf32>, vector<16xf32>, vector<16xf32>, vector<16xf32>, vector<16xf32>, vector<16xf32>, vector<16xf32>
    }
    %swap3A = arith.constant 0 : index
    %swap3A_71 = tpu.vector_load %arg7[%swap3A] {strides = array<i32>} : memref<256xf32, #tpu.memory_space<vmem>>, vector<16xf32>,
    %swap3A_72 = vector.shape_cast %swap3A_71 : vector<16xf32> to vector<16xf32>
    %swap3A_73 = vector.shape_cast %while3A_70#0 : vector<16xf32> to vector<16xf32>
    tpu.vector_store %arg7[%swap3A], %swap3A_73 {strides = array<i32>} : memref<256xf32, #tpu.memory_space<vmem>>, vector<16xf32>,
    %swap3A_74 = arith.constant 16 : index
    %swap3A_75 = tpu.vector_load %arg7[%swap3A_74] {strides = array<i32>} : memref<256xf32, #tpu.memory_space<vmem>>, vector<16xf32>,
    %swap3A_76 = vector.shape_cast %swap3A_75 : vector<16xf32> to vector<16xf32>
    %swap3A_77 = vector.shape_cast %while3A_70#1 : vector<16xf32> to vector<16xf32>
    tpu.vector_store %arg7[%swap3A_74], %swap3A_77 {strides = array<i32>} : memref<256xf32, #tpu.memory_space<vmem>>, vector<16xf32>,
    %swap3A_78 = arith.constant 32 : index
    %swap3A_79 = tpu.vector_load %arg7[%swap3A_78] {strides = array<i32>} : memref<256xf32, #tpu.memory_space<vmem>>, vector<16xf32>,
    %swap3A_80 = vector.shape_cast %swap3A_79 : vector<16xf32> to vector<16xf32>
    %swap3A_81 = vector.shape_cast %while3A_70#2 : vector<16xf32> to vector<16xf32>
    tpu.vector_store %arg7[%swap3A_78], %swap3A_81 {strides = array<i32>} : memref<256xf32, #tpu.memory_space<vmem>>, vector<16xf32>,
    %swap3A_82 = arith.constant 48 : index
    %swap3A_83 = tpu.vector_load %arg7[%swap3A_82] {strides = array<i32>} : memref<256xf32, #tpu.memory_space<vmem>>, vector<16xf32>,
    %swap3A_84 = vector.shape_cast %swap3A_83 : vector<16xf32> to vector<16xf32>
    %swap3A_85 = vector.shape_cast %while3A_70#3 : vector<16xf32> to vector<16xf32>
    tpu.vector_store %arg7[%swap3A_82], %swap3A_85 {strides = array<i32>} : memref<256xf32, #tpu.memory_space<vmem>>, vector<16xf32>,
    %swap3A_86 = arith.constant 64 : index
    %swap3A_87 = tpu.vector_load %arg7[%swap3A_86] {strides = array<i32>} : memref<256xf32, #tpu.memory_space<vmem>>, vector<16xf32>,
    %swap3A_88 = vector.shape_cast %swap3A_87 : vector<16xf32> to vector<16xf32>
    %swap3A_89 = vector.shape_cast %while3A_70#4 : vector<16xf32> to vector<16xf32>
    tpu.vector_store %arg7[%swap3A_86], %swap3A_89 {strides = array<i32>} : memref<256xf32, #tpu.memory_space<vmem>>, vector<16xf32>,
    %swap3A_90 = arith.constant 80 : index
    %swap3A_91 = tpu.vector_load %arg7[%swap3A_90] {strides = array<i32>} : memref<256xf32, #tpu.memory_space<vmem>>, vector<16xf32>,
    %swap3A_92 = vector.shape_cast %swap3A_91 : vector<16xf32> to vector<16xf32>
    %swap3A_93 = vector.shape_cast %while3A_70#5 : vector<16xf32> to vector<16xf32>
    tpu.vector_store %arg7[%swap3A_90], %swap3A_93 {strides = array<i32>} : memref<256xf32, #tpu.memory_space<vmem>>, vector<16xf32>,
    %swap3A_94 = arith.constant 96 : index
    %swap3A_95 = tpu.vector_load %arg7[%swap3A_94] {strides = array<i32>} : memref<256xf32, #tpu.memory_space<vmem>>, vector<16xf32>,
    %swap3A_96 = vector.shape_cast %swap3A_95 : vector<16xf32> to vector<16xf32>
    %swap3A_97 = vector.shape_cast %while3A_70#6 : vector<16xf32> to vector<16xf32>
    tpu.vector_store %arg7[%swap3A_94], %swap3A_97 {strides = array<i32>} : memref<256xf32, #tpu.memory_space<vmem>>, vector<16xf32>,
    %swap3A_98 = arith.constant 112 : index
    %swap3A_99 = tpu.vector_load %arg7[%swap3A_98] {strides = array<i32>} : memref<256xf32, #tpu.memory_space<vmem>>, vector<16xf32>,
    %swap3A_100 = vector.shape_cast %swap3A_99 : vector<16xf32> to vector<16xf32>
    %swap3A_101 = vector.shape_cast %while3A_70#7 : vector<16xf32> to vector<16xf32>
    tpu.vector_store %arg7[%swap3A_98], %swap3A_101 {strides = array<i32>} : memref<256xf32, #tpu.memory_space<vmem>>, vector<16xf32>,
    %swap3A_102 = arith.constant 128 : index
    %swap3A_103 = tpu.vector_load %arg7[%swap3A_102] {strides = array<i32>} : memref<256xf32, #tpu.memory_space<vmem>>, vector<16xf32>,
    %swap3A_104 = vector.shape_cast %swap3A_103 : vector<16xf32> to vector<16xf32>
    %swap3A_105 = vector.shape_cast %while3A_70#8 : vector<16xf32> to vector<16xf32>
    tpu.vector_store %arg7[%swap3A_102], %swap3A_105 {strides = array<i32>} : memref<256xf32, #tpu.memory_space<vmem>>, vector<16xf32>,
    %swap3A_106 = arith.constant 144 : index
    %swap3A_107 = tpu.vector_load %arg7[%swap3A_106] {strides = array<i32>} : memref<256xf32, #tpu.memory_space<vmem>>, vector<16xf32>,
    %swap3A_108 = vector.shape_cast %swap3A_107 : vector<16xf32> to vector<16xf32>
    %swap3A_109 = vector.shape_cast %while3A_70#9 : vector<16xf32> to vector<16xf32>
    tpu.vector_store %arg7[%swap3A_106], %swap3A_109 {strides = array<i32>} : memref<256xf32, #tpu.memory_space<vmem>>, vector<16xf32>,
    %swap3A_110 = arith.constant 160 : index
    %swap3A_111 = tpu.vector_load %arg7[%swap3A_110] {strides = array<i32>} : memref<256xf32, #tpu.memory_space<vmem>>, vector<16xf32>,
    %swap3A_112 = vector.shape_cast %swap3A_111 : vector<16xf32> to vector<16xf32>
    %swap3A_113 = vector.shape_cast %while3A_70#10 : vector<16xf32> to vector<16xf32>
    tpu.vector_store %arg7[%swap3A_110], %swap3A_113 {strides = array<i32>} : memref<256xf32, #tpu.memory_space<vmem>>, vector<16xf32>,
    %swap3A_114 = arith.constant 176 : index
    %swap3A_115 = tpu.vector_load %arg7[%swap3A_114] {strides = array<i32>} : memref<256xf32, #tpu.memory_space<vmem>>, vector<16xf32>,
    %swap3A_116 = vector.shape_cast %swap3A_115 : vector<16xf32> to vector<16xf32>
    %swap3A_117 = vector.shape_cast %while3A_70#11 : vector<16xf32> to vector<16xf32>
    tpu.vector_store %arg7[%swap3A_114], %swap3A_117 {strides = array<i32>} : memref<256xf32, #tpu.memory_space<vmem>>, vector<16xf32>,
    %swap3A_118 = arith.constant 192 : index
    %swap3A_119 = tpu.vector_load %arg7[%swap3A_118] {strides = array<i32>} : memref<256xf32, #tpu.memory_space<vmem>>, vector<16xf32>,
    %swap3A_120 = vector.shape_cast %swap3A_119 : vector<16xf32> to vector<16xf32>
    %swap3A_121 = vector.shape_cast %while3A_70#12 : vector<16xf32> to vector<16xf32>
    tpu.vector_store %arg7[%swap3A_118], %swap3A_121 {strides = array<i32>} : memref<256xf32, #tpu.memory_space<vmem>>, vector<16xf32>,
    %swap3A_122 = arith.constant 208 : index
    %swap3A_123 = tpu.vector_load %arg7[%swap3A_122] {strides = array<i32>} : memref<256xf32, #tpu.memory_space<vmem>>, vector<16xf32>,
    %swap3A_124 = vector.shape_cast %swap3A_123 : vector<16xf32> to vector<16xf32>
    %swap3A_125 = vector.shape_cast %while3A_70#13 : vector<16xf32> to vector<16xf32>
    tpu.vector_store %arg7[%swap3A_122], %swap3A_125 {strides = array<i32>} : memref<256xf32, #tpu.memory_space<vmem>>, vector<16xf32>,
    %swap3A_126 = arith.constant 224 : index
    %swap3A_127 = tpu.vector_load %arg7[%swap3A_126] {strides = array<i32>} : memref<256xf32, #tpu.memory_space<vmem>>, vector<16xf32>,
    %swap3A_128 = vector.shape_cast %swap3A_127 : vector<16xf32> to vector<16xf32>
    %swap3A_129 = vector.shape_cast %while3A_70#14 : vector<16xf32> to vector<16xf32>
    tpu.vector_store %arg7[%swap3A_126], %swap3A_129 {strides = array<i32>} : memref<256xf32, #tpu.memory_space<vmem>>, vector<16xf32>,
    %swap3A_130 = arith.constant 240 : index
    %swap3A_131 = tpu.vector_load %arg7[%swap3A_130] {strides = array<i32>} : memref<256xf32, #tpu.memory_space<vmem>>, vector<16xf32>,
    %swap3A_132 = vector.shape_cast %swap3A_131 : vector<16xf32> to vector<16xf32>
    %swap3A_133 = vector.shape_cast %while3A_70#15 : vector<16xf32> to vector<16xf32>
    tpu.vector_store %arg7[%swap3A_130], %swap3A_133 {strides = array<i32>} : memref<256xf32, #tpu.memory_space<vmem>>, vector<16xf32>,
    %add3A_134 = arith.constant 0 : i32
    %add3A_135 = arith.addi %mul3A_2, %add3A_134 : i32
    %mul3A_136 = arith.constant 256 : i32
    %mul3A_137 = arith.muli %add3A_135, %mul3A_136 : i32
    "tpu.region"() ({
      %run_scoped3A = tpu.sem_alloc : memref<!tpu.dma_semaphore, #tpu.memory_space<semaphore_mem>>
      %dma_start3A = tpu.memref_slice %arg4[%mul3A_137] : memref<16384xf32, #tpu.memory_space<hbm>> -> memref<256xf32, #tpu.memory_space<hbm>>
      %dma_start3A_276 = tpu.memref_slice %arg4[%mul3A_137] : memref<16384xf32, #tpu.memory_space<hbm>> -> memref<256xf32, #tpu.memory_space<hbm>>
      tpu.enqueue_dma source(%arg7 : memref<256xf32, #tpu.memory_space<vmem>>) target(%dma_start3A_276 : memref<256xf32, #tpu.memory_space<hbm>>) target_semaphore(%run_scoped3A : memref<!tpu.dma_semaphore, #tpu.memory_space<semaphore_mem>>)
      %dma_wait3A = tpu.memref_slice %arg4[%mul3A_137] : memref<16384xf32, #tpu.memory_space<hbm>> -> memref<256xf32, #tpu.memory_space<hbm>>
      %dma_wait3A_277 = tpu.memref_slice %arg4[%mul3A_137] : memref<16384xf32, #tpu.memory_space<hbm>> -> memref<256xf32, #tpu.memory_space<hbm>>
      tpu.wait_dma2 semaphore(%run_scoped3A : memref<!tpu.dma_semaphore, #tpu.memory_space<semaphore_mem>>) src(%arg7 : memref<256xf32, #tpu.memory_space<vmem>>) dst(%dma_wait3A_277 : memref<256xf32, #tpu.memory_space<hbm>>)
      tpu.yield
    }) : () -> ()
    %broadcast_in_dim3A_138 = arith.constant 0xFF800000 : f32
    %broadcast_in_dim3A_139 = vector.broadcast %broadcast_in_dim3A_138 : f32 to vector<16xf32>
    %broadcast_in_dim3A_140 = arith.constant 0xFF800000 : f32
    %broadcast_in_dim3A_141 = vector.broadcast %broadcast_in_dim3A_140 : f32 to vector<16xf32>
    %broadcast_in_dim3A_142 = arith.constant 0xFF800000 : f32
    %broadcast_in_dim3A_143 = vector.broadcast %broadcast_in_dim3A_142 : f32 to vector<16xf32>
    %broadcast_in_dim3A_144 = arith.constant 0xFF800000 : f32
    %broadcast_in_dim3A_145 = vector.broadcast %broadcast_in_dim3A_144 : f32 to vector<16xf32>
    %broadcast_in_dim3A_146 = arith.constant 0xFF800000 : f32
    %broadcast_in_dim3A_147 = vector.broadcast %broadcast_in_dim3A_146 : f32 to vector<16xf32>
    %broadcast_in_dim3A_148 = arith.constant 0xFF800000 : f32
    %broadcast_in_dim3A_149 = vector.broadcast %broadcast_in_dim3A_148 : f32 to vector<16xf32>
    %broadcast_in_dim3A_150 = arith.constant 0xFF800000 : f32
    %broadcast_in_dim3A_151 = vector.broadcast %broadcast_in_dim3A_150 : f32 to vector<16xf32>
    %broadcast_in_dim3A_152 = arith.constant 0xFF800000 : f32
    %broadcast_in_dim3A_153 = vector.broadcast %broadcast_in_dim3A_152 : f32 to vector<16xf32>
    %broadcast_in_dim3A_154 = arith.constant 0xFF800000 : f32
    %broadcast_in_dim3A_155 = vector.broadcast %broadcast_in_dim3A_154 : f32 to vector<16xf32>
    %broadcast_in_dim3A_156 = arith.constant 0xFF800000 : f32
    %broadcast_in_dim3A_157 = vector.broadcast %broadcast_in_dim3A_156 : f32 to vector<16xf32>
    %broadcast_in_dim3A_158 = arith.constant 0xFF800000 : f32
    %broadcast_in_dim3A_159 = vector.broadcast %broadcast_in_dim3A_158 : f32 to vector<16xf32>
    %broadcast_in_dim3A_160 = arith.constant 0xFF800000 : f32
    %broadcast_in_dim3A_161 = vector.broadcast %broadcast_in_dim3A_160 : f32 to vector<16xf32>
    %broadcast_in_dim3A_162 = arith.constant 0xFF800000 : f32
    %broadcast_in_dim3A_163 = vector.broadcast %broadcast_in_dim3A_162 : f32 to vector<16xf32>
    %broadcast_in_dim3A_164 = arith.constant 0xFF800000 : f32
    %broadcast_in_dim3A_165 = vector.broadcast %broadcast_in_dim3A_164 : f32 to vector<16xf32>
    %broadcast_in_dim3A_166 = arith.constant 0xFF800000 : f32
    %broadcast_in_dim3A_167 = vector.broadcast %broadcast_in_dim3A_166 : f32 to vector<16xf32>
    %broadcast_in_dim3A_168 = arith.constant 0xFF800000 : f32
    %broadcast_in_dim3A_169 = vector.broadcast %broadcast_in_dim3A_168 : f32 to vector<16xf32>
    %sub3A_170 = arith.subi %squeeze3A_10, %squeeze3A_8 : i32
    %add3A_171 = arith.constant 63 : i32
    %add3A_172 = arith.addi %sub3A_170, %add3A_171 : i32
    %jit3A_173 = arith.constant 64 : i32
    %div3A_174 = arith.divsi %add3A_172, %jit3A_173 : i32
    %sign3A_175 = arith.constant 0 : i32
    %sign3A_176 = arith.cmpi sgt, %add3A_172, %sign3A_175 : i32
    %sign3A_177 = arith.extui %sign3A_176 : i1 to i32
    %sign3A_178 = arith.constant 0 : i32
    %sign3A_179 = arith.cmpi slt, %add3A_172, %sign3A_178 : i32
    %sign3A_180 = arith.extui %sign3A_179 : i1 to i32
    %sign3A_181 = arith.subi %sign3A_177, %sign3A_180 : i32
    %sign3A_182 = arith.constant 0 : i32
    %sign3A_183 = arith.cmpi sgt, %jit3A_173, %sign3A_182 : i32
    %sign3A_184 = arith.extui %sign3A_183 : i1 to i32
    %sign3A_185 = arith.constant 0 : i32
    %sign3A_186 = arith.cmpi slt, %jit3A_173, %sign3A_185 : i32
    %sign3A_187 = arith.extui %sign3A_186 : i1 to i32
    %sign3A_188 = arith.subi %sign3A_184, %sign3A_187 : i32
    %ne3A_189 = arith.cmpi ne, %sign3A_181, %sign3A_188 : i32
    %rem3A_190 = arith.remsi %add3A_172, %jit3A_173 : i32
    %ne3A_191 = arith.constant 0 : i32
    %ne3A_192 = arith.cmpi ne, %rem3A_190, %ne3A_191 : i32
    %and3A_193 = arith.andi %ne3A_189, %ne3A_192 : i1
    %sub3A_194 = arith.constant 1 : i32
    %sub3A_195 = arith.subi %div3A_174, %sub3A_194 : i32
    %select_n3A_196 = arith.select %and3A_193, %sub3A_195, %div3A_174 : i32
    %while3A_197 = arith.constant 0 : i32
    %while3A_198 = arith.subi %select_n3A_196, %while3A_197 : i32
    %while3A_199 = arith.addi %while3A_197, %while3A_198 : i32
    %while3A_200 = arith.constant 1 : i32
    %while3A_201 = arith.divsi %while3A_198, %while3A_200 : i32
    %while3A_202 = arith.muli %while3A_201, %while3A_200 : i32
    %while3A_203 = arith.addi %while3A_197, %while3A_202 : i32
    %while3A_204 = arith.constant 1 : i32
    %while3A_205:16 = scf.for %while3A_276 = %while3A_197 to %while3A_203 step %while3A_204 iter_args(%while3A_277 = %broadcast_in_dim3A_139, %while3A_278 = %broadcast_in_dim3A_141, %while3A_279 = %broadcast_in_dim3A_143, %while3A_280 = %broadcast_in_dim3A_145, %while3A_281 = %broadcast_in_dim3A_147, %while3A_282 = %broadcast_in_dim3A_149, %while3A_283 = %broadcast_in_dim3A_151, %while3A_284 = %broadcast_in_dim3A_153, %while3A_285 = %broadcast_in_dim3A_155, %while3A_286 = %broadcast_in_dim3A_157, %while3A_287 = %broadcast_in_dim3A_159, %while3A_288 = %broadcast_in_dim3A_161, %while3A_289 = %broadcast_in_dim3A_163, %while3A_290 = %broadcast_in_dim3A_165, %while3A_291 = %broadcast_in_dim3A_167, %while3A_292 = %broadcast_in_dim3A_169) -> (vector<16xf32>, vector<16xf32>, vector<16xf32>, vector<16xf32>, vector<16xf32>, vector<16xf32>, vector<16xf32>, vector<16xf32>, vector<16xf32>, vector<16xf32>, vector<16xf32>, vector<16xf32>, vector<16xf32>, vector<16xf32>, vector<16xf32>, vector<16xf32>)  : i32 {
      %mul3A_293 = arith.constant 64 : i32
      %mul3A_294 = arith.muli %while3A_276, %mul3A_293 : i32
      %add3A_295 = arith.addi %squeeze3A_8, %mul3A_294 : i32
      %jit3A_296 = arith.constant 8 : i32
      %div3A_297 = arith.divsi %add3A_295, %jit3A_296 : i32
      %sign3A_298 = arith.constant 0 : i32
      %sign3A_299 = arith.cmpi sgt, %add3A_295, %sign3A_298 : i32
      %sign3A_300 = arith.extui %sign3A_299 : i1 to i32
      %sign3A_301 = arith.constant 0 : i32
      %sign3A_302 = arith.cmpi slt, %add3A_295, %sign3A_301 : i32
      %sign3A_303 = arith.extui %sign3A_302 : i1 to i32
      %sign3A_304 = arith.subi %sign3A_300, %sign3A_303 : i32
      %sign3A_305 = arith.constant 0 : i32
      %sign3A_306 = arith.cmpi sgt, %jit3A_296, %sign3A_305 : i32
      %sign3A_307 = arith.extui %sign3A_306 : i1 to i32
      %sign3A_308 = arith.constant 0 : i32
      %sign3A_309 = arith.cmpi slt, %jit3A_296, %sign3A_308 : i32
      %sign3A_310 = arith.extui %sign3A_309 : i1 to i32
      %sign3A_311 = arith.subi %sign3A_307, %sign3A_310 : i32
      %ne3A_312 = arith.cmpi ne, %sign3A_304, %sign3A_311 : i32
      %rem3A_313 = arith.remsi %add3A_295, %jit3A_296 : i32
      %ne3A_314 = arith.constant 0 : i32
      %ne3A_315 = arith.cmpi ne, %rem3A_313, %ne3A_314 : i32
      %and3A_316 = arith.andi %ne3A_312, %ne3A_315 : i1
      %sub3A_317 = arith.constant 1 : i32
      %sub3A_318 = arith.subi %div3A_297, %sub3A_317 : i32
      %select_n3A_319 = arith.select %and3A_316, %sub3A_318, %div3A_297 : i32
      %mul3A_320 = arith.constant 8 : i32
      %mul3A_321 = arith.muli %select_n3A_319, %mul3A_320 : i32
      %min3A = arith.constant 9928 : i32
      %min3A_322 = arith.minsi %mul3A_321, %min3A : i32
      %sub3A_323 = arith.subi %add3A_295, %min3A_322 : i32
      "tpu.region"() ({
        %run_scoped3A = tpu.sem_alloc : memref<!tpu.dma_semaphore, #tpu.memory_space<semaphore_mem>>
        %dma_start3A = arith.constant 0 : i32
        %dma_start3A_338 = tpu.memref_slice %arg2[%min3A_322, %dma_start3A] : memref<10000x256xf32, #tpu.memory_space<hbm>> -> memref<72x256xf32, #tpu.memory_space<hbm>>
        %dma_start3A_339 = arith.constant 0 : i32
        %dma_start3A_340 = tpu.memref_slice %arg2[%min3A_322, %dma_start3A_339] : memref<10000x256xf32, #tpu.memory_space<hbm>> -> memref<72x256xf32, #tpu.memory_space<hbm>>
        tpu.enqueue_dma source(%dma_start3A_340 : memref<72x256xf32, #tpu.memory_space<hbm>>) target(%arg6 : memref<72x256xf32, #tpu.memory_space<vmem>>) target_semaphore(%run_scoped3A : memref<!tpu.dma_semaphore, #tpu.memory_space<semaphore_mem>>)
        %dma_wait3A = arith.constant 0 : i32
        %dma_wait3A_341 = tpu.memref_slice %arg2[%min3A_322, %dma_wait3A] : memref<10000x256xf32, #tpu.memory_space<hbm>> -> memref<72x256xf32, #tpu.memory_space<hbm>>
        %dma_wait3A_342 = arith.constant 0 : i32
        %dma_wait3A_343 = tpu.memref_slice %arg2[%min3A_322, %dma_wait3A_342] : memref<10000x256xf32, #tpu.memory_space<hbm>> -> memref<72x256xf32, #tpu.memory_space<hbm>>
        tpu.wait_dma2 semaphore(%run_scoped3A : memref<!tpu.dma_semaphore, #tpu.memory_space<semaphore_mem>>) src(%dma_wait3A_343 : memref<72x256xf32, #tpu.memory_space<hbm>>) dst(%arg6 : memref<72x256xf32, #tpu.memory_space<vmem>>)
        tpu.yield
      }) : () -> ()
      %sub3A_324 = arith.subi %squeeze3A_10, %add3A_295 : i32
      %min3A_325 = arith.constant 64 : i32
      %min3A_326 = arith.minsi %min3A_325, %sub3A_324 : i32
      %while3A_327 = arith.constant 0 : i32
      %while3A_328 = arith.subi %min3A_326, %while3A_327 : i32
      %while3A_329 = arith.addi %while3A_327, %while3A_328 : i32
      %while3A_330 = arith.constant 1 : i32
      %while3A_331 = arith.divsi %while3A_328, %while3A_330 : i32
      %while3A_332 = arith.muli %while3A_331, %while3A_330 : i32
      %while3A_333 = arith.addi %while3A_327, %while3A_332 : i32
      %while3A_334 = arith.constant 1 : i32
      %while3A_335:16 = scf.for %while3A_338 = %while3A_327 to %while3A_333 step %while3A_334 iter_args(%while3A_339 = %while3A_277, %while3A_340 = %while3A_278, %while3A_341 = %while3A_279, %while3A_342 = %while3A_280, %while3A_343 = %while3A_281, %while3A_344 = %while3A_282, %while3A_345 = %while3A_283, %while3A_346 = %while3A_284, %while3A_347 = %while3A_285, %while3A_348 = %while3A_286, %while3A_349 = %while3A_287, %while3A_350 = %while3A_288, %while3A_351 = %while3A_289, %while3A_352 = %while3A_290, %while3A_353 = %while3A_291, %while3A_354 = %while3A_292) -> (vector<16xf32>, vector<16xf32>, vector<16xf32>, vector<16xf32>, vector<16xf32>, vector<16xf32>, vector<16xf32>, vector<16xf32>, vector<16xf32>, vector<16xf32>, vector<16xf32>, vector<16xf32>, vector<16xf32>, vector<16xf32>, vector<16xf32>, vector<16xf32>)  : i32 {
        %add3A_355 = arith.addi %sub3A_323, %while3A_338 : i32
        %get3A_356 = arith.index_cast %add3A_355 : i32 to index
        %get3A_357 = arith.constant 0 : index
        %get3A_358 = tpu.vector_load %arg6[%get3A_356, %get3A_357] {strides = array<i32>} : memref<72x256xf32, #tpu.memory_space<vmem>>, vector<1x16xf32>,
        %get3A_359 = vector.shape_cast %get3A_358 : vector<1x16xf32> to vector<16xf32>
        %max3A = arith.maximumf %while3A_339, %get3A_359 : vector<16xf32>
        %get3A_360 = arith.index_cast %add3A_355 : i32 to index
        %get3A_361 = arith.constant 16 : index
        %get3A_362 = tpu.vector_load %arg6[%get3A_360, %get3A_361] {strides = array<i32>} : memref<72x256xf32, #tpu.memory_space<vmem>>, vector<1x16xf32>,
        %get3A_363 = vector.shape_cast %get3A_362 : vector<1x16xf32> to vector<16xf32>
        %max3A_364 = arith.maximumf %while3A_340, %get3A_363 : vector<16xf32>
        %get3A_365 = arith.index_cast %add3A_355 : i32 to index
        %get3A_366 = arith.constant 32 : index
        %get3A_367 = tpu.vector_load %arg6[%get3A_365, %get3A_366] {strides = array<i32>} : memref<72x256xf32, #tpu.memory_space<vmem>>, vector<1x16xf32>,
        %get3A_368 = vector.shape_cast %get3A_367 : vector<1x16xf32> to vector<16xf32>
        %max3A_369 = arith.maximumf %while3A_341, %get3A_368 : vector<16xf32>
        %get3A_370 = arith.index_cast %add3A_355 : i32 to index
        %get3A_371 = arith.constant 48 : index
        %get3A_372 = tpu.vector_load %arg6[%get3A_370, %get3A_371] {strides = array<i32>} : memref<72x256xf32, #tpu.memory_space<vmem>>, vector<1x16xf32>,
        %get3A_373 = vector.shape_cast %get3A_372 : vector<1x16xf32> to vector<16xf32>
        %max3A_374 = arith.maximumf %while3A_342, %get3A_373 : vector<16xf32>
        %get3A_375 = arith.index_cast %add3A_355 : i32 to index
        %get3A_376 = arith.constant 64 : index
        %get3A_377 = tpu.vector_load %arg6[%get3A_375, %get3A_376] {strides = array<i32>} : memref<72x256xf32, #tpu.memory_space<vmem>>, vector<1x16xf32>,
        %get3A_378 = vector.shape_cast %get3A_377 : vector<1x16xf32> to vector<16xf32>
        %max3A_379 = arith.maximumf %while3A_343, %get3A_378 : vector<16xf32>
        %get3A_380 = arith.index_cast %add3A_355 : i32 to index
        %get3A_381 = arith.constant 80 : index
        %get3A_382 = tpu.vector_load %arg6[%get3A_380, %get3A_381] {strides = array<i32>} : memref<72x256xf32, #tpu.memory_space<vmem>>, vector<1x16xf32>,
        %get3A_383 = vector.shape_cast %get3A_382 : vector<1x16xf32> to vector<16xf32>
        %max3A_384 = arith.maximumf %while3A_344, %get3A_383 : vector<16xf32>
        %get3A_385 = arith.index_cast %add3A_355 : i32 to index
        %get3A_386 = arith.constant 96 : index
        %get3A_387 = tpu.vector_load %arg6[%get3A_385, %get3A_386] {strides = array<i32>} : memref<72x256xf32, #tpu.memory_space<vmem>>, vector<1x16xf32>,
        %get3A_388 = vector.shape_cast %get3A_387 : vector<1x16xf32> to vector<16xf32>
        %max3A_389 = arith.maximumf %while3A_345, %get3A_388 : vector<16xf32>
        %get3A_390 = arith.index_cast %add3A_355 : i32 to index
        %get3A_391 = arith.constant 112 : index
        %get3A_392 = tpu.vector_load %arg6[%get3A_390, %get3A_391] {strides = array<i32>} : memref<72x256xf32, #tpu.memory_space<vmem>>, vector<1x16xf32>,
        %get3A_393 = vector.shape_cast %get3A_392 : vector<1x16xf32> to vector<16xf32>
        %max3A_394 = arith.maximumf %while3A_346, %get3A_393 : vector<16xf32>
        %get3A_395 = arith.index_cast %add3A_355 : i32 to index
        %get3A_396 = arith.constant 128 : index
        %get3A_397 = tpu.vector_load %arg6[%get3A_395, %get3A_396] {strides = array<i32>} : memref<72x256xf32, #tpu.memory_space<vmem>>, vector<1x16xf32>,
        %get3A_398 = vector.shape_cast %get3A_397 : vector<1x16xf32> to vector<16xf32>
        %max3A_399 = arith.maximumf %while3A_347, %get3A_398 : vector<16xf32>
        %get3A_400 = arith.index_cast %add3A_355 : i32 to index
        %get3A_401 = arith.constant 144 : index
        %get3A_402 = tpu.vector_load %arg6[%get3A_400, %get3A_401] {strides = array<i32>} : memref<72x256xf32, #tpu.memory_space<vmem>>, vector<1x16xf32>,
        %get3A_403 = vector.shape_cast %get3A_402 : vector<1x16xf32> to vector<16xf32>
        %max3A_404 = arith.maximumf %while3A_348, %get3A_403 : vector<16xf32>
        %get3A_405 = arith.index_cast %add3A_355 : i32 to index
        %get3A_406 = arith.constant 160 : index
        %get3A_407 = tpu.vector_load %arg6[%get3A_405, %get3A_406] {strides = array<i32>} : memref<72x256xf32, #tpu.memory_space<vmem>>, vector<1x16xf32>,
        %get3A_408 = vector.shape_cast %get3A_407 : vector<1x16xf32> to vector<16xf32>
        %max3A_409 = arith.maximumf %while3A_349, %get3A_408 : vector<16xf32>
        %get3A_410 = arith.index_cast %add3A_355 : i32 to index
        %get3A_411 = arith.constant 176 : index
        %get3A_412 = tpu.vector_load %arg6[%get3A_410, %get3A_411] {strides = array<i32>} : memref<72x256xf32, #tpu.memory_space<vmem>>, vector<1x16xf32>,
        %get3A_413 = vector.shape_cast %get3A_412 : vector<1x16xf32> to vector<16xf32>
        %max3A_414 = arith.maximumf %while3A_350, %get3A_413 : vector<16xf32>
        %get3A_415 = arith.index_cast %add3A_355 : i32 to index
        %get3A_416 = arith.constant 192 : index
        %get3A_417 = tpu.vector_load %arg6[%get3A_415, %get3A_416] {strides = array<i32>} : memref<72x256xf32, #tpu.memory_space<vmem>>, vector<1x16xf32>,
        %get3A_418 = vector.shape_cast %get3A_417 : vector<1x16xf32> to vector<16xf32>
        %max3A_419 = arith.maximumf %while3A_351, %get3A_418 : vector<16xf32>
        %get3A_420 = arith.index_cast %add3A_355 : i32 to index
        %get3A_421 = arith.constant 208 : index
        %get3A_422 = tpu.vector_load %arg6[%get3A_420, %get3A_421] {strides = array<i32>} : memref<72x256xf32, #tpu.memory_space<vmem>>, vector<1x16xf32>,
        %get3A_423 = vector.shape_cast %get3A_422 : vector<1x16xf32> to vector<16xf32>
        %max3A_424 = arith.maximumf %while3A_352, %get3A_423 : vector<16xf32>
        %get3A_425 = arith.index_cast %add3A_355 : i32 to index
        %get3A_426 = arith.constant 224 : index
        %get3A_427 = tpu.vector_load %arg6[%get3A_425, %get3A_426] {strides = array<i32>} : memref<72x256xf32, #tpu.memory_space<vmem>>, vector<1x16xf32>,
        %get3A_428 = vector.shape_cast %get3A_427 : vector<1x16xf32> to vector<16xf32>
        %max3A_429 = arith.maximumf %while3A_353, %get3A_428 : vector<16xf32>
        %get3A_430 = arith.index_cast %add3A_355 : i32 to index
        %get3A_431 = arith.constant 240 : index
        %get3A_432 = tpu.vector_load %arg6[%get3A_430, %get3A_431] {strides = array<i32>} : memref<72x256xf32, #tpu.memory_space<vmem>>, vector<1x16xf32>,
        %get3A_433 = vector.shape_cast %get3A_432 : vector<1x16xf32> to vector<16xf32>
        %max3A_434 = arith.maximumf %while3A_354, %get3A_433 : vector<16xf32>
        scf.yield %max3A, %max3A_364, %max3A_369, %max3A_374, %max3A_379, %max3A_384, %max3A_389, %max3A_394, %max3A_399, %max3A_404, %max3A_409, %max3A_414, %max3A_419, %max3A_424, %max3A_429, %max3A_434 : vector<16xf32>, vector<16xf32>, vector<16xf32>, vector<16xf32>, vector<16xf32>, vector<16xf32>, vector<16xf32>, vector<16xf32>, vector<16xf32>, vector<16xf32>, vector<16xf32>, vector<16xf32>, vector<16xf32>, vector<16xf32>, vector<16xf32>, vector<16xf32>
      }
      %while3A_336 = arith.constant 1 : i32
      %while3A_337:16 = scf.for %while3A_338 = %while3A_333 to %while3A_329 step %while3A_336 iter_args(%while3A_339 = %while3A_335#0, %while3A_340 = %while3A_335#1, %while3A_341 = %while3A_335#2, %while3A_342 = %while3A_335#3, %while3A_343 = %while3A_335#4, %while3A_344 = %while3A_335#5, %while3A_345 = %while3A_335#6, %while3A_346 = %while3A_335#7, %while3A_347 = %while3A_335#8, %while3A_348 = %while3A_335#9, %while3A_349 = %while3A_335#10, %while3A_350 = %while3A_335#11, %while3A_351 = %while3A_335#12, %while3A_352 = %while3A_335#13, %while3A_353 = %while3A_335#14, %while3A_354 = %while3A_335#15) -> (vector<16xf32>, vector<16xf32>, vector<16xf32>, vector<16xf32>, vector<16xf32>, vector<16xf32>, vector<16xf32>, vector<16xf32>, vector<16xf32>, vector<16xf32>, vector<16xf32>, vector<16xf32>, vector<16xf32>, vector<16xf32>, vector<16xf32>, vector<16xf32>)  : i32 {
        %add3A_355 = arith.addi %sub3A_323, %while3A_338 : i32
        %get3A_356 = arith.index_cast %add3A_355 : i32 to index
        %get3A_357 = arith.constant 0 : index
        %get3A_358 = tpu.vector_load %arg6[%get3A_356, %get3A_357] {strides = array<i32>} : memref<72x256xf32, #tpu.memory_space<vmem>>, vector<1x16xf32>,
        %get3A_359 = vector.shape_cast %get3A_358 : vector<1x16xf32> to vector<16xf32>
        %max3A = arith.maximumf %while3A_339, %get3A_359 : vector<16xf32>
        %get3A_360 = arith.index_cast %add3A_355 : i32 to index
        %get3A_361 = arith.constant 16 : index
        %get3A_362 = tpu.vector_load %arg6[%get3A_360, %get3A_361] {strides = array<i32>} : memref<72x256xf32, #tpu.memory_space<vmem>>, vector<1x16xf32>,
        %get3A_363 = vector.shape_cast %get3A_362 : vector<1x16xf32> to vector<16xf32>
        %max3A_364 = arith.maximumf %while3A_340, %get3A_363 : vector<16xf32>
        %get3A_365 = arith.index_cast %add3A_355 : i32 to index
        %get3A_366 = arith.constant 32 : index
        %get3A_367 = tpu.vector_load %arg6[%get3A_365, %get3A_366] {strides = array<i32>} : memref<72x256xf32, #tpu.memory_space<vmem>>, vector<1x16xf32>,
        %get3A_368 = vector.shape_cast %get3A_367 : vector<1x16xf32> to vector<16xf32>
        %max3A_369 = arith.maximumf %while3A_341, %get3A_368 : vector<16xf32>
        %get3A_370 = arith.index_cast %add3A_355 : i32 to index
        %get3A_371 = arith.constant 48 : index
        %get3A_372 = tpu.vector_load %arg6[%get3A_370, %get3A_371] {strides = array<i32>} : memref<72x256xf32, #tpu.memory_space<vmem>>, vector<1x16xf32>,
        %get3A_373 = vector.shape_cast %get3A_372 : vector<1x16xf32> to vector<16xf32>
        %max3A_374 = arith.maximumf %while3A_342, %get3A_373 : vector<16xf32>
        %get3A_375 = arith.index_cast %add3A_355 : i32 to index
        %get3A_376 = arith.constant 64 : index
        %get3A_377 = tpu.vector_load %arg6[%get3A_375, %get3A_376] {strides = array<i32>} : memref<72x256xf32, #tpu.memory_space<vmem>>, vector<1x16xf32>,
        %get3A_378 = vector.shape_cast %get3A_377 : vector<1x16xf32> to vector<16xf32>
        %max3A_379 = arith.maximumf %while3A_343, %get3A_378 : vector<16xf32>
        %get3A_380 = arith.index_cast %add3A_355 : i32 to index
        %get3A_381 = arith.constant 80 : index
        %get3A_382 = tpu.vector_load %arg6[%get3A_380, %get3A_381] {strides = array<i32>} : memref<72x256xf32, #tpu.memory_space<vmem>>, vector<1x16xf32>,
        %get3A_383 = vector.shape_cast %get3A_382 : vector<1x16xf32> to vector<16xf32>
        %max3A_384 = arith.maximumf %while3A_344, %get3A_383 : vector<16xf32>
        %get3A_385 = arith.index_cast %add3A_355 : i32 to index
        %get3A_386 = arith.constant 96 : index
        %get3A_387 = tpu.vector_load %arg6[%get3A_385, %get3A_386] {strides = array<i32>} : memref<72x256xf32, #tpu.memory_space<vmem>>, vector<1x16xf32>,
        %get3A_388 = vector.shape_cast %get3A_387 : vector<1x16xf32> to vector<16xf32>
        %max3A_389 = arith.maximumf %while3A_345, %get3A_388 : vector<16xf32>
        %get3A_390 = arith.index_cast %add3A_355 : i32 to index
        %get3A_391 = arith.constant 112 : index
        %get3A_392 = tpu.vector_load %arg6[%get3A_390, %get3A_391] {strides = array<i32>} : memref<72x256xf32, #tpu.memory_space<vmem>>, vector<1x16xf32>,
        %get3A_393 = vector.shape_cast %get3A_392 : vector<1x16xf32> to vector<16xf32>
        %max3A_394 = arith.maximumf %while3A_346, %get3A_393 : vector<16xf32>
        %get3A_395 = arith.index_cast %add3A_355 : i32 to index
        %get3A_396 = arith.constant 128 : index
        %get3A_397 = tpu.vector_load %arg6[%get3A_395, %get3A_396] {strides = array<i32>} : memref<72x256xf32, #tpu.memory_space<vmem>>, vector<1x16xf32>,
        %get3A_398 = vector.shape_cast %get3A_397 : vector<1x16xf32> to vector<16xf32>
        %max3A_399 = arith.maximumf %while3A_347, %get3A_398 : vector<16xf32>
        %get3A_400 = arith.index_cast %add3A_355 : i32 to index
        %get3A_401 = arith.constant 144 : index
        %get3A_402 = tpu.vector_load %arg6[%get3A_400, %get3A_401] {strides = array<i32>} : memref<72x256xf32, #tpu.memory_space<vmem>>, vector<1x16xf32>,
        %get3A_403 = vector.shape_cast %get3A_402 : vector<1x16xf32> to vector<16xf32>
        %max3A_404 = arith.maximumf %while3A_348, %get3A_403 : vector<16xf32>
        %get3A_405 = arith.index_cast %add3A_355 : i32 to index
        %get3A_406 = arith.constant 160 : index
        %get3A_407 = tpu.vector_load %arg6[%get3A_405, %get3A_406] {strides = array<i32>} : memref<72x256xf32, #tpu.memory_space<vmem>>, vector<1x16xf32>,
        %get3A_408 = vector.shape_cast %get3A_407 : vector<1x16xf32> to vector<16xf32>
        %max3A_409 = arith.maximumf %while3A_349, %get3A_408 : vector<16xf32>
        %get3A_410 = arith.index_cast %add3A_355 : i32 to index
        %get3A_411 = arith.constant 176 : index
        %get3A_412 = tpu.vector_load %arg6[%get3A_410, %get3A_411] {strides = array<i32>} : memref<72x256xf32, #tpu.memory_space<vmem>>, vector<1x16xf32>,
        %get3A_413 = vector.shape_cast %get3A_412 : vector<1x16xf32> to vector<16xf32>
        %max3A_414 = arith.maximumf %while3A_350, %get3A_413 : vector<16xf32>
        %get3A_415 = arith.index_cast %add3A_355 : i32 to index
        %get3A_416 = arith.constant 192 : index
        %get3A_417 = tpu.vector_load %arg6[%get3A_415, %get3A_416] {strides = array<i32>} : memref<72x256xf32, #tpu.memory_space<vmem>>, vector<1x16xf32>,
        %get3A_418 = vector.shape_cast %get3A_417 : vector<1x16xf32> to vector<16xf32>
        %max3A_419 = arith.maximumf %while3A_351, %get3A_418 : vector<16xf32>
        %get3A_420 = arith.index_cast %add3A_355 : i32 to index
        %get3A_421 = arith.constant 208 : index
        %get3A_422 = tpu.vector_load %arg6[%get3A_420, %get3A_421] {strides = array<i32>} : memref<72x256xf32, #tpu.memory_space<vmem>>, vector<1x16xf32>,
        %get3A_423 = vector.shape_cast %get3A_422 : vector<1x16xf32> to vector<16xf32>
        %max3A_424 = arith.maximumf %while3A_352, %get3A_423 : vector<16xf32>
        %get3A_425 = arith.index_cast %add3A_355 : i32 to index
        %get3A_426 = arith.constant 224 : index
        %get3A_427 = tpu.vector_load %arg6[%get3A_425, %get3A_426] {strides = array<i32>} : memref<72x256xf32, #tpu.memory_space<vmem>>, vector<1x16xf32>,
        %get3A_428 = vector.shape_cast %get3A_427 : vector<1x16xf32> to vector<16xf32>
        %max3A_429 = arith.maximumf %while3A_353, %get3A_428 : vector<16xf32>
        %get3A_430 = arith.index_cast %add3A_355 : i32 to index
        %get3A_431 = arith.constant 240 : index
        %get3A_432 = tpu.vector_load %arg6[%get3A_430, %get3A_431] {strides = array<i32>} : memref<72x256xf32, #tpu.memory_space<vmem>>, vector<1x16xf32>,
        %get3A_433 = vector.shape_cast %get3A_432 : vector<1x16xf32> to vector<16xf32>
        %max3A_434 = arith.maximumf %while3A_354, %get3A_433 : vector<16xf32>
        scf.yield %max3A, %max3A_364, %max3A_369, %max3A_374, %max3A_379, %max3A_384, %max3A_389, %max3A_394, %max3A_399, %max3A_404, %max3A_409, %max3A_414, %max3A_419, %max3A_424, %max3A_429, %max3A_434 : vector<16xf32>, vector<16xf32>, vector<16xf32>, vector<16xf32>, vector<16xf32>, vector<16xf32>, vector<16xf32>, vector<16xf32>, vector<16xf32>, vector<16xf32>, vector<16xf32>, vector<16xf32>, vector<16xf32>, vector<16xf32>, vector<16xf32>, vector<16xf32>
      }
      scf.yield %while3A_337#0, %while3A_337#1, %while3A_337#2, %while3A_337#3, %while3A_337#4, %while3A_337#5, %while3A_337#6, %while3A_337#7, %while3A_337#8, %while3A_337#9, %while3A_337#10, %while3A_337#11, %while3A_337#12, %while3A_337#13, %while3A_337#14, %while3A_337#15 : vector<16xf32>, vector<16xf32>, vector<16xf32>, vector<16xf32>, vector<16xf32>, vector<16xf32>, vector<16xf32>, vector<16xf32>, vector<16xf32>, vector<16xf32>, vector<16xf32>, vector<16xf32>, vector<16xf32>, vector<16xf32>, vector<16xf32>, vector<16xf32>
    }
    %while3A_206 = arith.constant 1 : i32
    %while3A_207:16 = scf.for %while3A_276 = %while3A_203 to %while3A_199 step %while3A_206 iter_args(%while3A_277 = %while3A_205#0, %while3A_278 = %while3A_205#1, %while3A_279 = %while3A_205#2, %while3A_280 = %while3A_205#3, %while3A_281 = %while3A_205#4, %while3A_282 = %while3A_205#5, %while3A_283 = %while3A_205#6, %while3A_284 = %while3A_205#7, %while3A_285 = %while3A_205#8, %while3A_286 = %while3A_205#9, %while3A_287 = %while3A_205#10, %while3A_288 = %while3A_205#11, %while3A_289 = %while3A_205#12, %while3A_290 = %while3A_205#13, %while3A_291 = %while3A_205#14, %while3A_292 = %while3A_205#15) -> (vector<16xf32>, vector<16xf32>, vector<16xf32>, vector<16xf32>, vector<16xf32>, vector<16xf32>, vector<16xf32>, vector<16xf32>, vector<16xf32>, vector<16xf32>, vector<16xf32>, vector<16xf32>, vector<16xf32>, vector<16xf32>, vector<16xf32>, vector<16xf32>)  : i32 {
      %mul3A_293 = arith.constant 64 : i32
      %mul3A_294 = arith.muli %while3A_276, %mul3A_293 : i32
      %add3A_295 = arith.addi %squeeze3A_8, %mul3A_294 : i32
      %jit3A_296 = arith.constant 8 : i32
      %div3A_297 = arith.divsi %add3A_295, %jit3A_296 : i32
      %sign3A_298 = arith.constant 0 : i32
      %sign3A_299 = arith.cmpi sgt, %add3A_295, %sign3A_298 : i32
      %sign3A_300 = arith.extui %sign3A_299 : i1 to i32
      %sign3A_301 = arith.constant 0 : i32
      %sign3A_302 = arith.cmpi slt, %add3A_295, %sign3A_301 : i32
      %sign3A_303 = arith.extui %sign3A_302 : i1 to i32
      %sign3A_304 = arith.subi %sign3A_300, %sign3A_303 : i32
      %sign3A_305 = arith.constant 0 : i32
      %sign3A_306 = arith.cmpi sgt, %jit3A_296, %sign3A_305 : i32
      %sign3A_307 = arith.extui %sign3A_306 : i1 to i32
      %sign3A_308 = arith.constant 0 : i32
      %sign3A_309 = arith.cmpi slt, %jit3A_296, %sign3A_308 : i32
      %sign3A_310 = arith.extui %sign3A_309 : i1 to i32
      %sign3A_311 = arith.subi %sign3A_307, %sign3A_310 : i32
      %ne3A_312 = arith.cmpi ne, %sign3A_304, %sign3A_311 : i32
      %rem3A_313 = arith.remsi %add3A_295, %jit3A_296 : i32
      %ne3A_314 = arith.constant 0 : i32
      %ne3A_315 = arith.cmpi ne, %rem3A_313, %ne3A_314 : i32
      %and3A_316 = arith.andi %ne3A_312, %ne3A_315 : i1
      %sub3A_317 = arith.constant 1 : i32
      %sub3A_318 = arith.subi %div3A_297, %sub3A_317 : i32
      %select_n3A_319 = arith.select %and3A_316, %sub3A_318, %div3A_297 : i32
      %mul3A_320 = arith.constant 8 : i32
      %mul3A_321 = arith.muli %select_n3A_319, %mul3A_320 : i32
      %min3A = arith.constant 9928 : i32
      %min3A_322 = arith.minsi %mul3A_321, %min3A : i32
      %sub3A_323 = arith.subi %add3A_295, %min3A_322 : i32
      "tpu.region"() ({
        %run_scoped3A = tpu.sem_alloc : memref<!tpu.dma_semaphore, #tpu.memory_space<semaphore_mem>>
        %dma_start3A = arith.constant 0 : i32
        %dma_start3A_338 = tpu.memref_slice %arg2[%min3A_322, %dma_start3A] : memref<10000x256xf32, #tpu.memory_space<hbm>> -> memref<72x256xf32, #tpu.memory_space<hbm>>
        %dma_start3A_339 = arith.constant 0 : i32
        %dma_start3A_340 = tpu.memref_slice %arg2[%min3A_322, %dma_start3A_339] : memref<10000x256xf32, #tpu.memory_space<hbm>> -> memref<72x256xf32, #tpu.memory_space<hbm>>
        tpu.enqueue_dma source(%dma_start3A_340 : memref<72x256xf32, #tpu.memory_space<hbm>>) target(%arg6 : memref<72x256xf32, #tpu.memory_space<vmem>>) target_semaphore(%run_scoped3A : memref<!tpu.dma_semaphore, #tpu.memory_space<semaphore_mem>>)
        %dma_wait3A = arith.constant 0 : i32
        %dma_wait3A_341 = tpu.memref_slice %arg2[%min3A_322, %dma_wait3A] : memref<10000x256xf32, #tpu.memory_space<hbm>> -> memref<72x256xf32, #tpu.memory_space<hbm>>
        %dma_wait3A_342 = arith.constant 0 : i32
        %dma_wait3A_343 = tpu.memref_slice %arg2[%min3A_322, %dma_wait3A_342] : memref<10000x256xf32, #tpu.memory_space<hbm>> -> memref<72x256xf32, #tpu.memory_space<hbm>>
        tpu.wait_dma2 semaphore(%run_scoped3A : memref<!tpu.dma_semaphore, #tpu.memory_space<semaphore_mem>>) src(%dma_wait3A_343 : memref<72x256xf32, #tpu.memory_space<hbm>>) dst(%arg6 : memref<72x256xf32, #tpu.memory_space<vmem>>)
        tpu.yield
      }) : () -> ()
      %sub3A_324 = arith.subi %squeeze3A_10, %add3A_295 : i32
      %min3A_325 = arith.constant 64 : i32
      %min3A_326 = arith.minsi %min3A_325, %sub3A_324 : i32
      %while3A_327 = arith.constant 0 : i32
      %while3A_328 = arith.subi %min3A_326, %while3A_327 : i32
      %while3A_329 = arith.addi %while3A_327, %while3A_328 : i32
      %while3A_330 = arith.constant 1 : i32
      %while3A_331 = arith.divsi %while3A_328, %while3A_330 : i32
      %while3A_332 = arith.muli %while3A_331, %while3A_330 : i32
      %while3A_333 = arith.addi %while3A_327, %while3A_332 : i32
      %while3A_334 = arith.constant 1 : i32
      %while3A_335:16 = scf.for %while3A_338 = %while3A_327 to %while3A_333 step %while3A_334 iter_args(%while3A_339 = %while3A_277, %while3A_340 = %while3A_278, %while3A_341 = %while3A_279, %while3A_342 = %while3A_280, %while3A_343 = %while3A_281, %while3A_344 = %while3A_282, %while3A_345 = %while3A_283, %while3A_346 = %while3A_284, %while3A_347 = %while3A_285, %while3A_348 = %while3A_286, %while3A_349 = %while3A_287, %while3A_350 = %while3A_288, %while3A_351 = %while3A_289, %while3A_352 = %while3A_290, %while3A_353 = %while3A_291, %while3A_354 = %while3A_292) -> (vector<16xf32>, vector<16xf32>, vector<16xf32>, vector<16xf32>, vector<16xf32>, vector<16xf32>, vector<16xf32>, vector<16xf32>, vector<16xf32>, vector<16xf32>, vector<16xf32>, vector<16xf32>, vector<16xf32>, vector<16xf32>, vector<16xf32>, vector<16xf32>)  : i32 {
        %add3A_355 = arith.addi %sub3A_323, %while3A_338 : i32
        %get3A_356 = arith.index_cast %add3A_355 : i32 to index
        %get3A_357 = arith.constant 0 : index
        %get3A_358 = tpu.vector_load %arg6[%get3A_356, %get3A_357] {strides = array<i32>} : memref<72x256xf32, #tpu.memory_space<vmem>>, vector<1x16xf32>,
        %get3A_359 = vector.shape_cast %get3A_358 : vector<1x16xf32> to vector<16xf32>
        %max3A = arith.maximumf %while3A_339, %get3A_359 : vector<16xf32>
        %get3A_360 = arith.index_cast %add3A_355 : i32 to index
        %get3A_361 = arith.constant 16 : index
        %get3A_362 = tpu.vector_load %arg6[%get3A_360, %get3A_361] {strides = array<i32>} : memref<72x256xf32, #tpu.memory_space<vmem>>, vector<1x16xf32>,
        %get3A_363 = vector.shape_cast %get3A_362 : vector<1x16xf32> to vector<16xf32>
        %max3A_364 = arith.maximumf %while3A_340, %get3A_363 : vector<16xf32>
        %get3A_365 = arith.index_cast %add3A_355 : i32 to index
        %get3A_366 = arith.constant 32 : index
        %get3A_367 = tpu.vector_load %arg6[%get3A_365, %get3A_366] {strides = array<i32>} : memref<72x256xf32, #tpu.memory_space<vmem>>, vector<1x16xf32>,
        %get3A_368 = vector.shape_cast %get3A_367 : vector<1x16xf32> to vector<16xf32>
        %max3A_369 = arith.maximumf %while3A_341, %get3A_368 : vector<16xf32>
        %get3A_370 = arith.index_cast %add3A_355 : i32 to index
        %get3A_371 = arith.constant 48 : index
        %get3A_372 = tpu.vector_load %arg6[%get3A_370, %get3A_371] {strides = array<i32>} : memref<72x256xf32, #tpu.memory_space<vmem>>, vector<1x16xf32>,
        %get3A_373 = vector.shape_cast %get3A_372 : vector<1x16xf32> to vector<16xf32>
        %max3A_374 = arith.maximumf %while3A_342, %get3A_373 : vector<16xf32>
        %get3A_375 = arith.index_cast %add3A_355 : i32 to index
        %get3A_376 = arith.constant 64 : index
        %get3A_377 = tpu.vector_load %arg6[%get3A_375, %get3A_376] {strides = array<i32>} : memref<72x256xf32, #tpu.memory_space<vmem>>, vector<1x16xf32>,
        %get3A_378 = vector.shape_cast %get3A_377 : vector<1x16xf32> to vector<16xf32>
        %max3A_379 = arith.maximumf %while3A_343, %get3A_378 : vector<16xf32>
        %get3A_380 = arith.index_cast %add3A_355 : i32 to index
        %get3A_381 = arith.constant 80 : index
        %get3A_382 = tpu.vector_load %arg6[%get3A_380, %get3A_381] {strides = array<i32>} : memref<72x256xf32, #tpu.memory_space<vmem>>, vector<1x16xf32>,
        %get3A_383 = vector.shape_cast %get3A_382 : vector<1x16xf32> to vector<16xf32>
        %max3A_384 = arith.maximumf %while3A_344, %get3A_383 : vector<16xf32>
        %get3A_385 = arith.index_cast %add3A_355 : i32 to index
        %get3A_386 = arith.constant 96 : index
        %get3A_387 = tpu.vector_load %arg6[%get3A_385, %get3A_386] {strides = array<i32>} : memref<72x256xf32, #tpu.memory_space<vmem>>, vector<1x16xf32>,
        %get3A_388 = vector.shape_cast %get3A_387 : vector<1x16xf32> to vector<16xf32>
        %max3A_389 = arith.maximumf %while3A_345, %get3A_388 : vector<16xf32>
        %get3A_390 = arith.index_cast %add3A_355 : i32 to index
        %get3A_391 = arith.constant 112 : index
        %get3A_392 = tpu.vector_load %arg6[%get3A_390, %get3A_391] {strides = array<i32>} : memref<72x256xf32, #tpu.memory_space<vmem>>, vector<1x16xf32>,
        %get3A_393 = vector.shape_cast %get3A_392 : vector<1x16xf32> to vector<16xf32>
        %max3A_394 = arith.maximumf %while3A_346, %get3A_393 : vector<16xf32>
        %get3A_395 = arith.index_cast %add3A_355 : i32 to index
        %get3A_396 = arith.constant 128 : index
        %get3A_397 = tpu.vector_load %arg6[%get3A_395, %get3A_396] {strides = array<i32>} : memref<72x256xf32, #tpu.memory_space<vmem>>, vector<1x16xf32>,
        %get3A_398 = vector.shape_cast %get3A_397 : vector<1x16xf32> to vector<16xf32>
        %max3A_399 = arith.maximumf %while3A_347, %get3A_398 : vector<16xf32>
        %get3A_400 = arith.index_cast %add3A_355 : i32 to index
        %get3A_401 = arith.constant 144 : index
        %get3A_402 = tpu.vector_load %arg6[%get3A_400, %get3A_401] {strides = array<i32>} : memref<72x256xf32, #tpu.memory_space<vmem>>, vector<1x16xf32>,
        %get3A_403 = vector.shape_cast %get3A_402 : vector<1x16xf32> to vector<16xf32>
        %max3A_404 = arith.maximumf %while3A_348, %get3A_403 : vector<16xf32>
        %get3A_405 = arith.index_cast %add3A_355 : i32 to index
        %get3A_406 = arith.constant 160 : index
        %get3A_407 = tpu.vector_load %arg6[%get3A_405, %get3A_406] {strides = array<i32>} : memref<72x256xf32, #tpu.memory_space<vmem>>, vector<1x16xf32>,
        %get3A_408 = vector.shape_cast %get3A_407 : vector<1x16xf32> to vector<16xf32>
        %max3A_409 = arith.maximumf %while3A_349, %get3A_408 : vector<16xf32>
        %get3A_410 = arith.index_cast %add3A_355 : i32 to index
        %get3A_411 = arith.constant 176 : index
        %get3A_412 = tpu.vector_load %arg6[%get3A_410, %get3A_411] {strides = array<i32>} : memref<72x256xf32, #tpu.memory_space<vmem>>, vector<1x16xf32>,
        %get3A_413 = vector.shape_cast %get3A_412 : vector<1x16xf32> to vector<16xf32>
        %max3A_414 = arith.maximumf %while3A_350, %get3A_413 : vector<16xf32>
        %get3A_415 = arith.index_cast %add3A_355 : i32 to index
        %get3A_416 = arith.constant 192 : index
        %get3A_417 = tpu.vector_load %arg6[%get3A_415, %get3A_416] {strides = array<i32>} : memref<72x256xf32, #tpu.memory_space<vmem>>, vector<1x16xf32>,
        %get3A_418 = vector.shape_cast %get3A_417 : vector<1x16xf32> to vector<16xf32>
        %max3A_419 = arith.maximumf %while3A_351, %get3A_418 : vector<16xf32>
        %get3A_420 = arith.index_cast %add3A_355 : i32 to index
        %get3A_421 = arith.constant 208 : index
        %get3A_422 = tpu.vector_load %arg6[%get3A_420, %get3A_421] {strides = array<i32>} : memref<72x256xf32, #tpu.memory_space<vmem>>, vector<1x16xf32>,
        %get3A_423 = vector.shape_cast %get3A_422 : vector<1x16xf32> to vector<16xf32>
        %max3A_424 = arith.maximumf %while3A_352, %get3A_423 : vector<16xf32>
        %get3A_425 = arith.index_cast %add3A_355 : i32 to index
        %get3A_426 = arith.constant 224 : index
        %get3A_427 = tpu.vector_load %arg6[%get3A_425, %get3A_426] {strides = array<i32>} : memref<72x256xf32, #tpu.memory_space<vmem>>, vector<1x16xf32>,
        %get3A_428 = vector.shape_cast %get3A_427 : vector<1x16xf32> to vector<16xf32>
        %max3A_429 = arith.maximumf %while3A_353, %get3A_428 : vector<16xf32>
        %get3A_430 = arith.index_cast %add3A_355 : i32 to index
        %get3A_431 = arith.constant 240 : index
        %get3A_432 = tpu.vector_load %arg6[%get3A_430, %get3A_431] {strides = array<i32>} : memref<72x256xf32, #tpu.memory_space<vmem>>, vector<1x16xf32>,
        %get3A_433 = vector.shape_cast %get3A_432 : vector<1x16xf32> to vector<16xf32>
        %max3A_434 = arith.maximumf %while3A_354, %get3A_433 : vector<16xf32>
        scf.yield %max3A, %max3A_364, %max3A_369, %max3A_374, %max3A_379, %max3A_384, %max3A_389, %max3A_394, %max3A_399, %max3A_404, %max3A_409, %max3A_414, %max3A_419, %max3A_424, %max3A_429, %max3A_434 : vector<16xf32>, vector<16xf32>, vector<16xf32>, vector<16xf32>, vector<16xf32>, vector<16xf32>, vector<16xf32>, vector<16xf32>, vector<16xf32>, vector<16xf32>, vector<16xf32>, vector<16xf32>, vector<16xf32>, vector<16xf32>, vector<16xf32>, vector<16xf32>
      }
      %while3A_336 = arith.constant 1 : i32
      %while3A_337:16 = scf.for %while3A_338 = %while3A_333 to %while3A_329 step %while3A_336 iter_args(%while3A_339 = %while3A_335#0, %while3A_340 = %while3A_335#1, %while3A_341 = %while3A_335#2, %while3A_342 = %while3A_335#3, %while3A_343 = %while3A_335#4, %while3A_344 = %while3A_335#5, %while3A_345 = %while3A_335#6, %while3A_346 = %while3A_335#7, %while3A_347 = %while3A_335#8, %while3A_348 = %while3A_335#9, %while3A_349 = %while3A_335#10, %while3A_350 = %while3A_335#11, %while3A_351 = %while3A_335#12, %while3A_352 = %while3A_335#13, %while3A_353 = %while3A_335#14, %while3A_354 = %while3A_335#15) -> (vector<16xf32>, vector<16xf32>, vector<16xf32>, vector<16xf32>, vector<16xf32>, vector<16xf32>, vector<16xf32>, vector<16xf32>, vector<16xf32>, vector<16xf32>, vector<16xf32>, vector<16xf32>, vector<16xf32>, vector<16xf32>, vector<16xf32>, vector<16xf32>)  : i32 {
        %add3A_355 = arith.addi %sub3A_323, %while3A_338 : i32
        %get3A_356 = arith.index_cast %add3A_355 : i32 to index
        %get3A_357 = arith.constant 0 : index
        %get3A_358 = tpu.vector_load %arg6[%get3A_356, %get3A_357] {strides = array<i32>} : memref<72x256xf32, #tpu.memory_space<vmem>>, vector<1x16xf32>,
        %get3A_359 = vector.shape_cast %get3A_358 : vector<1x16xf32> to vector<16xf32>
        %max3A = arith.maximumf %while3A_339, %get3A_359 : vector<16xf32>
        %get3A_360 = arith.index_cast %add3A_355 : i32 to index
        %get3A_361 = arith.constant 16 : index
        %get3A_362 = tpu.vector_load %arg6[%get3A_360, %get3A_361] {strides = array<i32>} : memref<72x256xf32, #tpu.memory_space<vmem>>, vector<1x16xf32>,
        %get3A_363 = vector.shape_cast %get3A_362 : vector<1x16xf32> to vector<16xf32>
        %max3A_364 = arith.maximumf %while3A_340, %get3A_363 : vector<16xf32>
        %get3A_365 = arith.index_cast %add3A_355 : i32 to index
        %get3A_366 = arith.constant 32 : index
        %get3A_367 = tpu.vector_load %arg6[%get3A_365, %get3A_366] {strides = array<i32>} : memref<72x256xf32, #tpu.memory_space<vmem>>, vector<1x16xf32>,
        %get3A_368 = vector.shape_cast %get3A_367 : vector<1x16xf32> to vector<16xf32>
        %max3A_369 = arith.maximumf %while3A_341, %get3A_368 : vector<16xf32>
        %get3A_370 = arith.index_cast %add3A_355 : i32 to index
        %get3A_371 = arith.constant 48 : index
        %get3A_372 = tpu.vector_load %arg6[%get3A_370, %get3A_371] {strides = array<i32>} : memref<72x256xf32, #tpu.memory_space<vmem>>, vector<1x16xf32>,
        %get3A_373 = vector.shape_cast %get3A_372 : vector<1x16xf32> to vector<16xf32>
        %max3A_374 = arith.maximumf %while3A_342, %get3A_373 : vector<16xf32>
        %get3A_375 = arith.index_cast %add3A_355 : i32 to index
        %get3A_376 = arith.constant 64 : index
        %get3A_377 = tpu.vector_load %arg6[%get3A_375, %get3A_376] {strides = array<i32>} : memref<72x256xf32, #tpu.memory_space<vmem>>, vector<1x16xf32>,
        %get3A_378 = vector.shape_cast %get3A_377 : vector<1x16xf32> to vector<16xf32>
        %max3A_379 = arith.maximumf %while3A_343, %get3A_378 : vector<16xf32>
        %get3A_380 = arith.index_cast %add3A_355 : i32 to index
        %get3A_381 = arith.constant 80 : index
        %get3A_382 = tpu.vector_load %arg6[%get3A_380, %get3A_381] {strides = array<i32>} : memref<72x256xf32, #tpu.memory_space<vmem>>, vector<1x16xf32>,
        %get3A_383 = vector.shape_cast %get3A_382 : vector<1x16xf32> to vector<16xf32>
        %max3A_384 = arith.maximumf %while3A_344, %get3A_383 : vector<16xf32>
        %get3A_385 = arith.index_cast %add3A_355 : i32 to index
        %get3A_386 = arith.constant 96 : index
        %get3A_387 = tpu.vector_load %arg6[%get3A_385, %get3A_386] {strides = array<i32>} : memref<72x256xf32, #tpu.memory_space<vmem>>, vector<1x16xf32>,
        %get3A_388 = vector.shape_cast %get3A_387 : vector<1x16xf32> to vector<16xf32>
        %max3A_389 = arith.maximumf %while3A_345, %get3A_388 : vector<16xf32>
        %get3A_390 = arith.index_cast %add3A_355 : i32 to index
        %get3A_391 = arith.constant 112 : index
        %get3A_392 = tpu.vector_load %arg6[%get3A_390, %get3A_391] {strides = array<i32>} : memref<72x256xf32, #tpu.memory_space<vmem>>, vector<1x16xf32>,
        %get3A_393 = vector.shape_cast %get3A_392 : vector<1x16xf32> to vector<16xf32>
        %max3A_394 = arith.maximumf %while3A_346, %get3A_393 : vector<16xf32>
        %get3A_395 = arith.index_cast %add3A_355 : i32 to index
        %get3A_396 = arith.constant 128 : index
        %get3A_397 = tpu.vector_load %arg6[%get3A_395, %get3A_396] {strides = array<i32>} : memref<72x256xf32, #tpu.memory_space<vmem>>, vector<1x16xf32>,
        %get3A_398 = vector.shape_cast %get3A_397 : vector<1x16xf32> to vector<16xf32>
        %max3A_399 = arith.maximumf %while3A_347, %get3A_398 : vector<16xf32>
        %get3A_400 = arith.index_cast %add3A_355 : i32 to index
        %get3A_401 = arith.constant 144 : index
        %get3A_402 = tpu.vector_load %arg6[%get3A_400, %get3A_401] {strides = array<i32>} : memref<72x256xf32, #tpu.memory_space<vmem>>, vector<1x16xf32>,
        %get3A_403 = vector.shape_cast %get3A_402 : vector<1x16xf32> to vector<16xf32>
        %max3A_404 = arith.maximumf %while3A_348, %get3A_403 : vector<16xf32>
        %get3A_405 = arith.index_cast %add3A_355 : i32 to index
        %get3A_406 = arith.constant 160 : index
        %get3A_407 = tpu.vector_load %arg6[%get3A_405, %get3A_406] {strides = array<i32>} : memref<72x256xf32, #tpu.memory_space<vmem>>, vector<1x16xf32>,
        %get3A_408 = vector.shape_cast %get3A_407 : vector<1x16xf32> to vector<16xf32>
        %max3A_409 = arith.maximumf %while3A_349, %get3A_408 : vector<16xf32>
        %get3A_410 = arith.index_cast %add3A_355 : i32 to index
        %get3A_411 = arith.constant 176 : index
        %get3A_412 = tpu.vector_load %arg6[%get3A_410, %get3A_411] {strides = array<i32>} : memref<72x256xf32, #tpu.memory_space<vmem>>, vector<1x16xf32>,
        %get3A_413 = vector.shape_cast %get3A_412 : vector<1x16xf32> to vector<16xf32>
        %max3A_414 = arith.maximumf %while3A_350, %get3A_413 : vector<16xf32>
        %get3A_415 = arith.index_cast %add3A_355 : i32 to index
        %get3A_416 = arith.constant 192 : index
        %get3A_417 = tpu.vector_load %arg6[%get3A_415, %get3A_416] {strides = array<i32>} : memref<72x256xf32, #tpu.memory_space<vmem>>, vector<1x16xf32>,
        %get3A_418 = vector.shape_cast %get3A_417 : vector<1x16xf32> to vector<16xf32>
        %max3A_419 = arith.maximumf %while3A_351, %get3A_418 : vector<16xf32>
        %get3A_420 = arith.index_cast %add3A_355 : i32 to index
        %get3A_421 = arith.constant 208 : index
        %get3A_422 = tpu.vector_load %arg6[%get3A_420, %get3A_421] {strides = array<i32>} : memref<72x256xf32, #tpu.memory_space<vmem>>, vector<1x16xf32>,
        %get3A_423 = vector.shape_cast %get3A_422 : vector<1x16xf32> to vector<16xf32>
        %max3A_424 = arith.maximumf %while3A_352, %get3A_423 : vector<16xf32>
        %get3A_425 = arith.index_cast %add3A_355 : i32 to index
        %get3A_426 = arith.constant 224 : index
        %get3A_427 = tpu.vector_load %arg6[%get3A_425, %get3A_426] {strides = array<i32>} : memref<72x256xf32, #tpu.memory_space<vmem>>, vector<1x16xf32>,
        %get3A_428 = vector.shape_cast %get3A_427 : vector<1x16xf32> to vector<16xf32>
        %max3A_429 = arith.maximumf %while3A_353, %get3A_428 : vector<16xf32>
        %get3A_430 = arith.index_cast %add3A_355 : i32 to index
        %get3A_431 = arith.constant 240 : index
        %get3A_432 = tpu.vector_load %arg6[%get3A_430, %get3A_431] {strides = array<i32>} : memref<72x256xf32, #tpu.memory_space<vmem>>, vector<1x16xf32>,
        %get3A_433 = vector.shape_cast %get3A_432 : vector<1x16xf32> to vector<16xf32>
        %max3A_434 = arith.maximumf %while3A_354, %get3A_433 : vector<16xf32>
        scf.yield %max3A, %max3A_364, %max3A_369, %max3A_374, %max3A_379, %max3A_384, %max3A_389, %max3A_394, %max3A_399, %max3A_404, %max3A_409, %max3A_414, %max3A_419, %max3A_424, %max3A_429, %max3A_434 : vector<16xf32>, vector<16xf32>, vector<16xf32>, vector<16xf32>, vector<16xf32>, vector<16xf32>, vector<16xf32>, vector<16xf32>, vector<16xf32>, vector<16xf32>, vector<16xf32>, vector<16xf32>, vector<16xf32>, vector<16xf32>, vector<16xf32>, vector<16xf32>
      }
      scf.yield %while3A_337#0, %while3A_337#1, %while3A_337#2, %while3A_337#3, %while3A_337#4, %while3A_337#5, %while3A_337#6, %while3A_337#7, %while3A_337#8, %while3A_337#9, %while3A_337#10, %while3A_337#11, %while3A_337#12, %while3A_337#13, %while3A_337#14, %while3A_337#15 : vector<16xf32>, vector<16xf32>, vector<16xf32>, vector<16xf32>, vector<16xf32>, vector<16xf32>, vector<16xf32>, vector<16xf32>, vector<16xf32>, vector<16xf32>, vector<16xf32>, vector<16xf32>, vector<16xf32>, vector<16xf32>, vector<16xf32>, vector<16xf32>
    }
    %swap3A_208 = arith.constant 0 : index
    %swap3A_209 = tpu.vector_load %arg7[%swap3A_208] {strides = array<i32>} : memref<256xf32, #tpu.memory_space<vmem>>, vector<16xf32>,
    %swap3A_210 = vector.shape_cast %swap3A_209 : vector<16xf32> to vector<16xf32>
    %swap3A_211 = vector.shape_cast %while3A_207#0 : vector<16xf32> to vector<16xf32>
    tpu.vector_store %arg7[%swap3A_208], %swap3A_211 {strides = array<i32>} : memref<256xf32, #tpu.memory_space<vmem>>, vector<16xf32>,
    %swap3A_212 = arith.constant 16 : index
    %swap3A_213 = tpu.vector_load %arg7[%swap3A_212] {strides = array<i32>} : memref<256xf32, #tpu.memory_space<vmem>>, vector<16xf32>,
    %swap3A_214 = vector.shape_cast %swap3A_213 : vector<16xf32> to vector<16xf32>
    %swap3A_215 = vector.shape_cast %while3A_207#1 : vector<16xf32> to vector<16xf32>
    tpu.vector_store %arg7[%swap3A_212], %swap3A_215 {strides = array<i32>} : memref<256xf32, #tpu.memory_space<vmem>>, vector<16xf32>,
    %swap3A_216 = arith.constant 32 : index
    %swap3A_217 = tpu.vector_load %arg7[%swap3A_216] {strides = array<i32>} : memref<256xf32, #tpu.memory_space<vmem>>, vector<16xf32>,
    %swap3A_218 = vector.shape_cast %swap3A_217 : vector<16xf32> to vector<16xf32>
    %swap3A_219 = vector.shape_cast %while3A_207#2 : vector<16xf32> to vector<16xf32>
    tpu.vector_store %arg7[%swap3A_216], %swap3A_219 {strides = array<i32>} : memref<256xf32, #tpu.memory_space<vmem>>, vector<16xf32>,
    %swap3A_220 = arith.constant 48 : index
    %swap3A_221 = tpu.vector_load %arg7[%swap3A_220] {strides = array<i32>} : memref<256xf32, #tpu.memory_space<vmem>>, vector<16xf32>,
    %swap3A_222 = vector.shape_cast %swap3A_221 : vector<16xf32> to vector<16xf32>
    %swap3A_223 = vector.shape_cast %while3A_207#3 : vector<16xf32> to vector<16xf32>
    tpu.vector_store %arg7[%swap3A_220], %swap3A_223 {strides = array<i32>} : memref<256xf32, #tpu.memory_space<vmem>>, vector<16xf32>,
    %swap3A_224 = arith.constant 64 : index
    %swap3A_225 = tpu.vector_load %arg7[%swap3A_224] {strides = array<i32>} : memref<256xf32, #tpu.memory_space<vmem>>, vector<16xf32>,
    %swap3A_226 = vector.shape_cast %swap3A_225 : vector<16xf32> to vector<16xf32>
    %swap3A_227 = vector.shape_cast %while3A_207#4 : vector<16xf32> to vector<16xf32>
    tpu.vector_store %arg7[%swap3A_224], %swap3A_227 {strides = array<i32>} : memref<256xf32, #tpu.memory_space<vmem>>, vector<16xf32>,
    %swap3A_228 = arith.constant 80 : index
    %swap3A_229 = tpu.vector_load %arg7[%swap3A_228] {strides = array<i32>} : memref<256xf32, #tpu.memory_space<vmem>>, vector<16xf32>,
    %swap3A_230 = vector.shape_cast %swap3A_229 : vector<16xf32> to vector<16xf32>
    %swap3A_231 = vector.shape_cast %while3A_207#5 : vector<16xf32> to vector<16xf32>
    tpu.vector_store %arg7[%swap3A_228], %swap3A_231 {strides = array<i32>} : memref<256xf32, #tpu.memory_space<vmem>>, vector<16xf32>,
    %swap3A_232 = arith.constant 96 : index
    %swap3A_233 = tpu.vector_load %arg7[%swap3A_232] {strides = array<i32>} : memref<256xf32, #tpu.memory_space<vmem>>, vector<16xf32>,
    %swap3A_234 = vector.shape_cast %swap3A_233 : vector<16xf32> to vector<16xf32>
    %swap3A_235 = vector.shape_cast %while3A_207#6 : vector<16xf32> to vector<16xf32>
    tpu.vector_store %arg7[%swap3A_232], %swap3A_235 {strides = array<i32>} : memref<256xf32, #tpu.memory_space<vmem>>, vector<16xf32>,
    %swap3A_236 = arith.constant 112 : index
    %swap3A_237 = tpu.vector_load %arg7[%swap3A_236] {strides = array<i32>} : memref<256xf32, #tpu.memory_space<vmem>>, vector<16xf32>,
    %swap3A_238 = vector.shape_cast %swap3A_237 : vector<16xf32> to vector<16xf32>
    %swap3A_239 = vector.shape_cast %while3A_207#7 : vector<16xf32> to vector<16xf32>
    tpu.vector_store %arg7[%swap3A_236], %swap3A_239 {strides = array<i32>} : memref<256xf32, #tpu.memory_space<vmem>>, vector<16xf32>,
    %swap3A_240 = arith.constant 128 : index
    %swap3A_241 = tpu.vector_load %arg7[%swap3A_240] {strides = array<i32>} : memref<256xf32, #tpu.memory_space<vmem>>, vector<16xf32>,
    %swap3A_242 = vector.shape_cast %swap3A_241 : vector<16xf32> to vector<16xf32>
    %swap3A_243 = vector.shape_cast %while3A_207#8 : vector<16xf32> to vector<16xf32>
    tpu.vector_store %arg7[%swap3A_240], %swap3A_243 {strides = array<i32>} : memref<256xf32, #tpu.memory_space<vmem>>, vector<16xf32>,
    %swap3A_244 = arith.constant 144 : index
    %swap3A_245 = tpu.vector_load %arg7[%swap3A_244] {strides = array<i32>} : memref<256xf32, #tpu.memory_space<vmem>>, vector<16xf32>,
    %swap3A_246 = vector.shape_cast %swap3A_245 : vector<16xf32> to vector<16xf32>
    %swap3A_247 = vector.shape_cast %while3A_207#9 : vector<16xf32> to vector<16xf32>
    tpu.vector_store %arg7[%swap3A_244], %swap3A_247 {strides = array<i32>} : memref<256xf32, #tpu.memory_space<vmem>>, vector<16xf32>,
    %swap3A_248 = arith.constant 160 : index
    %swap3A_249 = tpu.vector_load %arg7[%swap3A_248] {strides = array<i32>} : memref<256xf32, #tpu.memory_space<vmem>>, vector<16xf32>,
    %swap3A_250 = vector.shape_cast %swap3A_249 : vector<16xf32> to vector<16xf32>
    %swap3A_251 = vector.shape_cast %while3A_207#10 : vector<16xf32> to vector<16xf32>
    tpu.vector_store %arg7[%swap3A_248], %swap3A_251 {strides = array<i32>} : memref<256xf32, #tpu.memory_space<vmem>>, vector<16xf32>,
    %swap3A_252 = arith.constant 176 : index
    %swap3A_253 = tpu.vector_load %arg7[%swap3A_252] {strides = array<i32>} : memref<256xf32, #tpu.memory_space<vmem>>, vector<16xf32>,
    %swap3A_254 = vector.shape_cast %swap3A_253 : vector<16xf32> to vector<16xf32>
    %swap3A_255 = vector.shape_cast %while3A_207#11 : vector<16xf32> to vector<16xf32>
    tpu.vector_store %arg7[%swap3A_252], %swap3A_255 {strides = array<i32>} : memref<256xf32, #tpu.memory_space<vmem>>, vector<16xf32>,
    %swap3A_256 = arith.constant 192 : index
    %swap3A_257 = tpu.vector_load %arg7[%swap3A_256] {strides = array<i32>} : memref<256xf32, #tpu.memory_space<vmem>>, vector<16xf32>,
    %swap3A_258 = vector.shape_cast %swap3A_257 : vector<16xf32> to vector<16xf32>
    %swap3A_259 = vector.shape_cast %while3A_207#12 : vector<16xf32> to vector<16xf32>
    tpu.vector_store %arg7[%swap3A_256], %swap3A_259 {strides = array<i32>} : memref<256xf32, #tpu.memory_space<vmem>>, vector<16xf32>,
    %swap3A_260 = arith.constant 208 : index
    %swap3A_261 = tpu.vector_load %arg7[%swap3A_260] {strides = array<i32>} : memref<256xf32, #tpu.memory_space<vmem>>, vector<16xf32>,
    %swap3A_262 = vector.shape_cast %swap3A_261 : vector<16xf32> to vector<16xf32>
    %swap3A_263 = vector.shape_cast %while3A_207#13 : vector<16xf32> to vector<16xf32>
    tpu.vector_store %arg7[%swap3A_260], %swap3A_263 {strides = array<i32>} : memref<256xf32, #tpu.memory_space<vmem>>, vector<16xf32>,
    %swap3A_264 = arith.constant 224 : index
    %swap3A_265 = tpu.vector_load %arg7[%swap3A_264] {strides = array<i32>} : memref<256xf32, #tpu.memory_space<vmem>>, vector<16xf32>,
    %swap3A_266 = vector.shape_cast %swap3A_265 : vector<16xf32> to vector<16xf32>
    %swap3A_267 = vector.shape_cast %while3A_207#14 : vector<16xf32> to vector<16xf32>
    tpu.vector_store %arg7[%swap3A_264], %swap3A_267 {strides = array<i32>} : memref<256xf32, #tpu.memory_space<vmem>>, vector<16xf32>,
    %swap3A_268 = arith.constant 240 : index
    %swap3A_269 = tpu.vector_load %arg7[%swap3A_268] {strides = array<i32>} : memref<256xf32, #tpu.memory_space<vmem>>, vector<16xf32>,
    %swap3A_270 = vector.shape_cast %swap3A_269 : vector<16xf32> to vector<16xf32>
    %swap3A_271 = vector.shape_cast %while3A_207#15 : vector<16xf32> to vector<16xf32>
    tpu.vector_store %arg7[%swap3A_268], %swap3A_271 {strides = array<i32>} : memref<256xf32, #tpu.memory_space<vmem>>, vector<16xf32>,
    %add3A_272 = arith.constant 1 : i32
    %add3A_273 = arith.addi %mul3A_2, %add3A_272 : i32
    %mul3A_274 = arith.constant 256 : i32
    %mul3A_275 = arith.muli %add3A_273, %mul3A_274 : i32
    "tpu.region"() ({
      %run_scoped3A = tpu.sem_alloc : memref<!tpu.dma_semaphore, #tpu.memory_space<semaphore_mem>>
      %dma_start3A = tpu.memref_slice %arg4[%mul3A_275] : memref<16384xf32, #tpu.memory_space<hbm>> -> memref<256xf32, #tpu.memory_space<hbm>>
      %dma_start3A_276 = tpu.memref_slice %arg4[%mul3A_275] : memref<16384xf32, #tpu.memory_space<hbm>> -> memref<256xf32, #tpu.memory_space<hbm>>
      tpu.enqueue_dma source(%arg7 : memref<256xf32, #tpu.memory_space<vmem>>) target(%dma_start3A_276 : memref<256xf32, #tpu.memory_space<hbm>>) target_semaphore(%run_scoped3A : memref<!tpu.dma_semaphore, #tpu.memory_space<semaphore_mem>>)
      %dma_wait3A = tpu.memref_slice %arg4[%mul3A_275] : memref<16384xf32, #tpu.memory_space<hbm>> -> memref<256xf32, #tpu.memory_space<hbm>>
      %dma_wait3A_277 = tpu.memref_slice %arg4[%mul3A_275] : memref<16384xf32, #tpu.memory_space<hbm>> -> memref<256xf32, #tpu.memory_space<hbm>>
      tpu.wait_dma2 semaphore(%run_scoped3A : memref<!tpu.dma_semaphore, #tpu.memory_space<semaphore_mem>>) src(%arg7 : memref<256xf32, #tpu.memory_space<vmem>>) dst(%dma_wait3A_277 : memref<256xf32, #tpu.memory_space<hbm>>)
      tpu.yield
    }) : () -> ()
    return
  }
}

#map = affine_map<(d0, d1) -> (0, 0, 0)>
#map1 = affine_map<(d0, d1) -> (0, 0)>
module attributes {stable_mosaic.version = 14 : i64} {
  func.func @body(%arg0: i32, %arg1: i32, %arg2: memref<2x2560x128xi32, #tpu.memory_space<hbm>>, %arg3: memref<2560x128xi32, #tpu.memory_space<hbm>>, %arg4: memref<20000x128xf32, #tpu.memory_space<hbm>>, %arg5: memref<2x10240x128xf32, #tpu.memory_space<hbm>>, %arg6: memref<40x128xi32, #tpu.memory_space<vmem>>, %arg7: memref<40x128xi32, #tpu.memory_space<vmem>>, %arg8: memref<2x128x128xf32, #tpu.memory_space<vmem>>, %arg9: memref<10240x128xf32, #tpu.memory_space<vmem_shared>>, %arg10: memref<!tpu.dma_semaphore, #tpu.memory_space<semaphore_mem>>, %arg11: memref<!tpu.dma_semaphore, #tpu.memory_space<semaphore_mem>>, %arg12: memref<!tpu.dma_semaphore, #tpu.memory_space<semaphore_mem>>, %arg13: memref<!tpu.dma_semaphore, #tpu.memory_space<semaphore_mem>>) attributes {dimension_semantics = [#tpu.dimension_semantics<core_parallel>, #tpu.dimension_semantics<subcore_parallel>], iteration_bounds = array<i64: 2, 16>, scalar_prefetch = 0 : i64, scratch_operands = 8 : i64, tpu.core_type = #tpu.core_type<sc_vector_subcore>, window_params = [{transform_indices = #map}, {transform_indices = #map1}, {transform_indices = #map1}, {transform_indices = #map}]} {
    %mul3A = arith.constant 160 : i32
    %mul3A_0 = arith.muli %arg1, %mul3A : i32
    %scan3A = arith.constant 0 : i32
    %scan3A_1 = arith.constant 0 : i32
    %scan3A_2 = arith.constant 0 : i32
    %scan3A_3 = arith.constant 128 : i32
    %scan3A_4 = arith.addi %scan3A_2, %scan3A_3 : i32
    %scan3A_5 = arith.constant 1 : i32
    %scan3A_6 = scf.for %scan3A_337 = %scan3A_2 to %scan3A_4 step %scan3A_5 iter_args(%scan3A_338 = %scan3A_1) -> (i32)  : i32 {
      %broadcast_in_dim3A = arith.constant 0.000000e+00 : f32
      %broadcast_in_dim3A_339 = vector.broadcast %broadcast_in_dim3A : f32 to vector<16xf32>
      %swap3A = arith.constant 0 : i32
      %swap3A_340 = arith.constant 0 : i32
      %swap3A_341 = tpu.memref_slice %arg8[%scan3A, %swap3A, %swap3A_340] : memref<2x128x128xf32, #tpu.memory_space<vmem>> -> memref<1x128x128xf32, #tpu.memory_space<vmem>>
      %swap3A_342 = tpu.memref_squeeze %swap3A_341 : memref<1x128x128xf32, #tpu.memory_space<vmem>> -> memref<128x128xf32, #tpu.memory_space<vmem>>
      %swap3A_343 = arith.index_cast %scan3A_337 : i32 to index
      %swap3A_344 = arith.constant 0 : index
      %swap3A_345 = tpu.vector_load %swap3A_342[%swap3A_343, %swap3A_344] {strides = array<i32>} : memref<128x128xf32, #tpu.memory_space<vmem>>, vector<1x16xf32>,
      %swap3A_346 = vector.shape_cast %swap3A_345 : vector<1x16xf32> to vector<16xf32>
      %swap3A_347 = vector.shape_cast %broadcast_in_dim3A_339 : vector<16xf32> to vector<1x16xf32>
      tpu.vector_store %swap3A_342[%swap3A_343, %swap3A_344], %swap3A_347 {strides = array<i32>} : memref<128x128xf32, #tpu.memory_space<vmem>>, vector<1x16xf32>,
      %broadcast_in_dim3A_348 = arith.constant 0.000000e+00 : f32
      %broadcast_in_dim3A_349 = vector.broadcast %broadcast_in_dim3A_348 : f32 to vector<16xf32>
      %swap3A_350 = arith.constant 0 : i32
      %swap3A_351 = arith.constant 0 : i32
      %swap3A_352 = tpu.memref_slice %arg8[%scan3A, %swap3A_350, %swap3A_351] : memref<2x128x128xf32, #tpu.memory_space<vmem>> -> memref<1x128x128xf32, #tpu.memory_space<vmem>>
      %swap3A_353 = tpu.memref_squeeze %swap3A_352 : memref<1x128x128xf32, #tpu.memory_space<vmem>> -> memref<128x128xf32, #tpu.memory_space<vmem>>
      %swap3A_354 = arith.index_cast %scan3A_337 : i32 to index
      %swap3A_355 = arith.constant 16 : index
      %swap3A_356 = tpu.vector_load %swap3A_353[%swap3A_354, %swap3A_355] {strides = array<i32>} : memref<128x128xf32, #tpu.memory_space<vmem>>, vector<1x16xf32>,
      %swap3A_357 = vector.shape_cast %swap3A_356 : vector<1x16xf32> to vector<16xf32>
      %swap3A_358 = vector.shape_cast %broadcast_in_dim3A_349 : vector<16xf32> to vector<1x16xf32>
      tpu.vector_store %swap3A_353[%swap3A_354, %swap3A_355], %swap3A_358 {strides = array<i32>} : memref<128x128xf32, #tpu.memory_space<vmem>>, vector<1x16xf32>,
      %broadcast_in_dim3A_359 = arith.constant 0.000000e+00 : f32
      %broadcast_in_dim3A_360 = vector.broadcast %broadcast_in_dim3A_359 : f32 to vector<16xf32>
      %swap3A_361 = arith.constant 0 : i32
      %swap3A_362 = arith.constant 0 : i32
      %swap3A_363 = tpu.memref_slice %arg8[%scan3A, %swap3A_361, %swap3A_362] : memref<2x128x128xf32, #tpu.memory_space<vmem>> -> memref<1x128x128xf32, #tpu.memory_space<vmem>>
      %swap3A_364 = tpu.memref_squeeze %swap3A_363 : memref<1x128x128xf32, #tpu.memory_space<vmem>> -> memref<128x128xf32, #tpu.memory_space<vmem>>
      %swap3A_365 = arith.index_cast %scan3A_337 : i32 to index
      %swap3A_366 = arith.constant 32 : index
      %swap3A_367 = tpu.vector_load %swap3A_364[%swap3A_365, %swap3A_366] {strides = array<i32>} : memref<128x128xf32, #tpu.memory_space<vmem>>, vector<1x16xf32>,
      %swap3A_368 = vector.shape_cast %swap3A_367 : vector<1x16xf32> to vector<16xf32>
      %swap3A_369 = vector.shape_cast %broadcast_in_dim3A_360 : vector<16xf32> to vector<1x16xf32>
      tpu.vector_store %swap3A_364[%swap3A_365, %swap3A_366], %swap3A_369 {strides = array<i32>} : memref<128x128xf32, #tpu.memory_space<vmem>>, vector<1x16xf32>,
      %broadcast_in_dim3A_370 = arith.constant 0.000000e+00 : f32
      %broadcast_in_dim3A_371 = vector.broadcast %broadcast_in_dim3A_370 : f32 to vector<16xf32>
      %swap3A_372 = arith.constant 0 : i32
      %swap3A_373 = arith.constant 0 : i32
      %swap3A_374 = tpu.memref_slice %arg8[%scan3A, %swap3A_372, %swap3A_373] : memref<2x128x128xf32, #tpu.memory_space<vmem>> -> memref<1x128x128xf32, #tpu.memory_space<vmem>>
      %swap3A_375 = tpu.memref_squeeze %swap3A_374 : memref<1x128x128xf32, #tpu.memory_space<vmem>> -> memref<128x128xf32, #tpu.memory_space<vmem>>
      %swap3A_376 = arith.index_cast %scan3A_337 : i32 to index
      %swap3A_377 = arith.constant 48 : index
      %swap3A_378 = tpu.vector_load %swap3A_375[%swap3A_376, %swap3A_377] {strides = array<i32>} : memref<128x128xf32, #tpu.memory_space<vmem>>, vector<1x16xf32>,
      %swap3A_379 = vector.shape_cast %swap3A_378 : vector<1x16xf32> to vector<16xf32>
      %swap3A_380 = vector.shape_cast %broadcast_in_dim3A_371 : vector<16xf32> to vector<1x16xf32>
      tpu.vector_store %swap3A_375[%swap3A_376, %swap3A_377], %swap3A_380 {strides = array<i32>} : memref<128x128xf32, #tpu.memory_space<vmem>>, vector<1x16xf32>,
      %broadcast_in_dim3A_381 = arith.constant 0.000000e+00 : f32
      %broadcast_in_dim3A_382 = vector.broadcast %broadcast_in_dim3A_381 : f32 to vector<16xf32>
      %swap3A_383 = arith.constant 0 : i32
      %swap3A_384 = arith.constant 0 : i32
      %swap3A_385 = tpu.memref_slice %arg8[%scan3A, %swap3A_383, %swap3A_384] : memref<2x128x128xf32, #tpu.memory_space<vmem>> -> memref<1x128x128xf32, #tpu.memory_space<vmem>>
      %swap3A_386 = tpu.memref_squeeze %swap3A_385 : memref<1x128x128xf32, #tpu.memory_space<vmem>> -> memref<128x128xf32, #tpu.memory_space<vmem>>
      %swap3A_387 = arith.index_cast %scan3A_337 : i32 to index
      %swap3A_388 = arith.constant 64 : index
      %swap3A_389 = tpu.vector_load %swap3A_386[%swap3A_387, %swap3A_388] {strides = array<i32>} : memref<128x128xf32, #tpu.memory_space<vmem>>, vector<1x16xf32>,
      %swap3A_390 = vector.shape_cast %swap3A_389 : vector<1x16xf32> to vector<16xf32>
      %swap3A_391 = vector.shape_cast %broadcast_in_dim3A_382 : vector<16xf32> to vector<1x16xf32>
      tpu.vector_store %swap3A_386[%swap3A_387, %swap3A_388], %swap3A_391 {strides = array<i32>} : memref<128x128xf32, #tpu.memory_space<vmem>>, vector<1x16xf32>,
      %broadcast_in_dim3A_392 = arith.constant 0.000000e+00 : f32
      %broadcast_in_dim3A_393 = vector.broadcast %broadcast_in_dim3A_392 : f32 to vector<16xf32>
      %swap3A_394 = arith.constant 0 : i32
      %swap3A_395 = arith.constant 0 : i32
      %swap3A_396 = tpu.memref_slice %arg8[%scan3A, %swap3A_394, %swap3A_395] : memref<2x128x128xf32, #tpu.memory_space<vmem>> -> memref<1x128x128xf32, #tpu.memory_space<vmem>>
      %swap3A_397 = tpu.memref_squeeze %swap3A_396 : memref<1x128x128xf32, #tpu.memory_space<vmem>> -> memref<128x128xf32, #tpu.memory_space<vmem>>
      %swap3A_398 = arith.index_cast %scan3A_337 : i32 to index
      %swap3A_399 = arith.constant 80 : index
      %swap3A_400 = tpu.vector_load %swap3A_397[%swap3A_398, %swap3A_399] {strides = array<i32>} : memref<128x128xf32, #tpu.memory_space<vmem>>, vector<1x16xf32>,
      %swap3A_401 = vector.shape_cast %swap3A_400 : vector<1x16xf32> to vector<16xf32>
      %swap3A_402 = vector.shape_cast %broadcast_in_dim3A_393 : vector<16xf32> to vector<1x16xf32>
      tpu.vector_store %swap3A_397[%swap3A_398, %swap3A_399], %swap3A_402 {strides = array<i32>} : memref<128x128xf32, #tpu.memory_space<vmem>>, vector<1x16xf32>,
      %broadcast_in_dim3A_403 = arith.constant 0.000000e+00 : f32
      %broadcast_in_dim3A_404 = vector.broadcast %broadcast_in_dim3A_403 : f32 to vector<16xf32>
      %swap3A_405 = arith.constant 0 : i32
      %swap3A_406 = arith.constant 0 : i32
      %swap3A_407 = tpu.memref_slice %arg8[%scan3A, %swap3A_405, %swap3A_406] : memref<2x128x128xf32, #tpu.memory_space<vmem>> -> memref<1x128x128xf32, #tpu.memory_space<vmem>>
      %swap3A_408 = tpu.memref_squeeze %swap3A_407 : memref<1x128x128xf32, #tpu.memory_space<vmem>> -> memref<128x128xf32, #tpu.memory_space<vmem>>
      %swap3A_409 = arith.index_cast %scan3A_337 : i32 to index
      %swap3A_410 = arith.constant 96 : index
      %swap3A_411 = tpu.vector_load %swap3A_408[%swap3A_409, %swap3A_410] {strides = array<i32>} : memref<128x128xf32, #tpu.memory_space<vmem>>, vector<1x16xf32>,
      %swap3A_412 = vector.shape_cast %swap3A_411 : vector<1x16xf32> to vector<16xf32>
      %swap3A_413 = vector.shape_cast %broadcast_in_dim3A_404 : vector<16xf32> to vector<1x16xf32>
      tpu.vector_store %swap3A_408[%swap3A_409, %swap3A_410], %swap3A_413 {strides = array<i32>} : memref<128x128xf32, #tpu.memory_space<vmem>>, vector<1x16xf32>,
      %broadcast_in_dim3A_414 = arith.constant 0.000000e+00 : f32
      %broadcast_in_dim3A_415 = vector.broadcast %broadcast_in_dim3A_414 : f32 to vector<16xf32>
      %swap3A_416 = arith.constant 0 : i32
      %swap3A_417 = arith.constant 0 : i32
      %swap3A_418 = tpu.memref_slice %arg8[%scan3A, %swap3A_416, %swap3A_417] : memref<2x128x128xf32, #tpu.memory_space<vmem>> -> memref<1x128x128xf32, #tpu.memory_space<vmem>>
      %swap3A_419 = tpu.memref_squeeze %swap3A_418 : memref<1x128x128xf32, #tpu.memory_space<vmem>> -> memref<128x128xf32, #tpu.memory_space<vmem>>
      %swap3A_420 = arith.index_cast %scan3A_337 : i32 to index
      %swap3A_421 = arith.constant 112 : index
      %swap3A_422 = tpu.vector_load %swap3A_419[%swap3A_420, %swap3A_421] {strides = array<i32>} : memref<128x128xf32, #tpu.memory_space<vmem>>, vector<1x16xf32>,
      %swap3A_423 = vector.shape_cast %swap3A_422 : vector<1x16xf32> to vector<16xf32>
      %swap3A_424 = vector.shape_cast %broadcast_in_dim3A_415 : vector<16xf32> to vector<1x16xf32>
      tpu.vector_store %swap3A_419[%swap3A_420, %swap3A_421], %swap3A_424 {strides = array<i32>} : memref<128x128xf32, #tpu.memory_space<vmem>>, vector<1x16xf32>,
      %scan3A_425 = arith.constant 0 : i32
      scf.yield %scan3A_425 : i32
    }
    %scan3A_7 = arith.constant 128 : i32
    %mul3A_8 = arith.constant 640 : i32
    %mul3A_9 = arith.muli %arg1, %mul3A_8 : i32
    %add3A = arith.constant 0 : i32
    %add3A_10 = arith.addi %mul3A_9, %add3A : i32
    %dma_start3A = arith.constant 0 : i32
    %dma_start3A_11 = arith.constant 0 : i32
    %dma_start3A_12 = arith.constant 0 : i32
    %dma_start3A_13 = tpu.memref_slice %arg8[%dma_start3A, %dma_start3A_11, %dma_start3A_12] : memref<2x128x128xf32, #tpu.memory_space<vmem>> -> memref<1x128x128xf32, #tpu.memory_space<vmem>>
    %dma_start3A_14 = tpu.memref_squeeze %dma_start3A_13 : memref<1x128x128xf32, #tpu.memory_space<vmem>> -> memref<128x128xf32, #tpu.memory_space<vmem>>
    %dma_start3A_15 = arith.constant 0 : i32
    %dma_start3A_16 = tpu.memref_slice %arg9[%add3A_10, %dma_start3A_15] : memref<10240x128xf32, #tpu.memory_space<vmem_shared>> -> memref<128x128xf32, #tpu.memory_space<vmem_shared>>
    %dma_start3A_17 = arith.constant 0 : i32
    %dma_start3A_18 = tpu.memref_slice %arg9[%add3A_10, %dma_start3A_17] : memref<10240x128xf32, #tpu.memory_space<vmem_shared>> -> memref<128x128xf32, #tpu.memory_space<vmem_shared>>
    %dma_start3A_19 = arith.constant 0 : i32
    %dma_start3A_20 = arith.constant 0 : i32
    %dma_start3A_21 = tpu.memref_slice %arg8[%dma_start3A, %dma_start3A_19, %dma_start3A_20] : memref<2x128x128xf32, #tpu.memory_space<vmem>> -> memref<1x128x128xf32, #tpu.memory_space<vmem>>
    %dma_start3A_22 = tpu.memref_squeeze %dma_start3A_21 : memref<1x128x128xf32, #tpu.memory_space<vmem>> -> memref<128x128xf32, #tpu.memory_space<vmem>>
    tpu.enqueue_dma source(%dma_start3A_22 : memref<128x128xf32, #tpu.memory_space<vmem>>) target(%dma_start3A_18 : memref<128x128xf32, #tpu.memory_space<vmem_shared>>) target_semaphore(%arg10 : memref<!tpu.dma_semaphore, #tpu.memory_space<semaphore_mem>>)
    %mul3A_23 = arith.constant 640 : i32
    %mul3A_24 = arith.muli %arg1, %mul3A_23 : i32
    %add3A_25 = arith.constant 128 : i32
    %add3A_26 = arith.addi %mul3A_24, %add3A_25 : i32
    %dma_start3A_27 = arith.constant 0 : i32
    %dma_start3A_28 = arith.constant 0 : i32
    %dma_start3A_29 = arith.constant 0 : i32
    %dma_start3A_30 = tpu.memref_slice %arg8[%dma_start3A_27, %dma_start3A_28, %dma_start3A_29] : memref<2x128x128xf32, #tpu.memory_space<vmem>> -> memref<1x128x128xf32, #tpu.memory_space<vmem>>
    %dma_start3A_31 = tpu.memref_squeeze %dma_start3A_30 : memref<1x128x128xf32, #tpu.memory_space<vmem>> -> memref<128x128xf32, #tpu.memory_space<vmem>>
    %dma_start3A_32 = arith.constant 0 : i32
    %dma_start3A_33 = tpu.memref_slice %arg9[%add3A_26, %dma_start3A_32] : memref<10240x128xf32, #tpu.memory_space<vmem_shared>> -> memref<128x128xf32, #tpu.memory_space<vmem_shared>>
    %dma_start3A_34 = arith.constant 0 : i32
    %dma_start3A_35 = tpu.memref_slice %arg9[%add3A_26, %dma_start3A_34] : memref<10240x128xf32, #tpu.memory_space<vmem_shared>> -> memref<128x128xf32, #tpu.memory_space<vmem_shared>>
    %dma_start3A_36 = arith.constant 0 : i32
    %dma_start3A_37 = arith.constant 0 : i32
    %dma_start3A_38 = tpu.memref_slice %arg8[%dma_start3A_27, %dma_start3A_36, %dma_start3A_37] : memref<2x128x128xf32, #tpu.memory_space<vmem>> -> memref<1x128x128xf32, #tpu.memory_space<vmem>>
    %dma_start3A_39 = tpu.memref_squeeze %dma_start3A_38 : memref<1x128x128xf32, #tpu.memory_space<vmem>> -> memref<128x128xf32, #tpu.memory_space<vmem>>
    tpu.enqueue_dma source(%dma_start3A_39 : memref<128x128xf32, #tpu.memory_space<vmem>>) target(%dma_start3A_35 : memref<128x128xf32, #tpu.memory_space<vmem_shared>>) target_semaphore(%arg10 : memref<!tpu.dma_semaphore, #tpu.memory_space<semaphore_mem>>)
    %mul3A_40 = arith.constant 640 : i32
    %mul3A_41 = arith.muli %arg1, %mul3A_40 : i32
    %add3A_42 = arith.constant 256 : i32
    %add3A_43 = arith.addi %mul3A_41, %add3A_42 : i32
    %dma_start3A_44 = arith.constant 0 : i32
    %dma_start3A_45 = arith.constant 0 : i32
    %dma_start3A_46 = arith.constant 0 : i32
    %dma_start3A_47 = tpu.memref_slice %arg8[%dma_start3A_44, %dma_start3A_45, %dma_start3A_46] : memref<2x128x128xf32, #tpu.memory_space<vmem>> -> memref<1x128x128xf32, #tpu.memory_space<vmem>>
    %dma_start3A_48 = tpu.memref_squeeze %dma_start3A_47 : memref<1x128x128xf32, #tpu.memory_space<vmem>> -> memref<128x128xf32, #tpu.memory_space<vmem>>
    %dma_start3A_49 = arith.constant 0 : i32
    %dma_start3A_50 = tpu.memref_slice %arg9[%add3A_43, %dma_start3A_49] : memref<10240x128xf32, #tpu.memory_space<vmem_shared>> -> memref<128x128xf32, #tpu.memory_space<vmem_shared>>
    %dma_start3A_51 = arith.constant 0 : i32
    %dma_start3A_52 = tpu.memref_slice %arg9[%add3A_43, %dma_start3A_51] : memref<10240x128xf32, #tpu.memory_space<vmem_shared>> -> memref<128x128xf32, #tpu.memory_space<vmem_shared>>
    %dma_start3A_53 = arith.constant 0 : i32
    %dma_start3A_54 = arith.constant 0 : i32
    %dma_start3A_55 = tpu.memref_slice %arg8[%dma_start3A_44, %dma_start3A_53, %dma_start3A_54] : memref<2x128x128xf32, #tpu.memory_space<vmem>> -> memref<1x128x128xf32, #tpu.memory_space<vmem>>
    %dma_start3A_56 = tpu.memref_squeeze %dma_start3A_55 : memref<1x128x128xf32, #tpu.memory_space<vmem>> -> memref<128x128xf32, #tpu.memory_space<vmem>>
    tpu.enqueue_dma source(%dma_start3A_56 : memref<128x128xf32, #tpu.memory_space<vmem>>) target(%dma_start3A_52 : memref<128x128xf32, #tpu.memory_space<vmem_shared>>) target_semaphore(%arg10 : memref<!tpu.dma_semaphore, #tpu.memory_space<semaphore_mem>>)
    %mul3A_57 = arith.constant 640 : i32
    %mul3A_58 = arith.muli %arg1, %mul3A_57 : i32
    %add3A_59 = arith.constant 384 : i32
    %add3A_60 = arith.addi %mul3A_58, %add3A_59 : i32
    %dma_start3A_61 = arith.constant 0 : i32
    %dma_start3A_62 = arith.constant 0 : i32
    %dma_start3A_63 = arith.constant 0 : i32
    %dma_start3A_64 = tpu.memref_slice %arg8[%dma_start3A_61, %dma_start3A_62, %dma_start3A_63] : memref<2x128x128xf32, #tpu.memory_space<vmem>> -> memref<1x128x128xf32, #tpu.memory_space<vmem>>
    %dma_start3A_65 = tpu.memref_squeeze %dma_start3A_64 : memref<1x128x128xf32, #tpu.memory_space<vmem>> -> memref<128x128xf32, #tpu.memory_space<vmem>>
    %dma_start3A_66 = arith.constant 0 : i32
    %dma_start3A_67 = tpu.memref_slice %arg9[%add3A_60, %dma_start3A_66] : memref<10240x128xf32, #tpu.memory_space<vmem_shared>> -> memref<128x128xf32, #tpu.memory_space<vmem_shared>>
    %dma_start3A_68 = arith.constant 0 : i32
    %dma_start3A_69 = tpu.memref_slice %arg9[%add3A_60, %dma_start3A_68] : memref<10240x128xf32, #tpu.memory_space<vmem_shared>> -> memref<128x128xf32, #tpu.memory_space<vmem_shared>>
    %dma_start3A_70 = arith.constant 0 : i32
    %dma_start3A_71 = arith.constant 0 : i32
    %dma_start3A_72 = tpu.memref_slice %arg8[%dma_start3A_61, %dma_start3A_70, %dma_start3A_71] : memref<2x128x128xf32, #tpu.memory_space<vmem>> -> memref<1x128x128xf32, #tpu.memory_space<vmem>>
    %dma_start3A_73 = tpu.memref_squeeze %dma_start3A_72 : memref<1x128x128xf32, #tpu.memory_space<vmem>> -> memref<128x128xf32, #tpu.memory_space<vmem>>
    tpu.enqueue_dma source(%dma_start3A_73 : memref<128x128xf32, #tpu.memory_space<vmem>>) target(%dma_start3A_69 : memref<128x128xf32, #tpu.memory_space<vmem_shared>>) target_semaphore(%arg10 : memref<!tpu.dma_semaphore, #tpu.memory_space<semaphore_mem>>)
    %mul3A_74 = arith.constant 640 : i32
    %mul3A_75 = arith.muli %arg1, %mul3A_74 : i32
    %add3A_76 = arith.constant 512 : i32
    %add3A_77 = arith.addi %mul3A_75, %add3A_76 : i32
    %dma_start3A_78 = arith.constant 0 : i32
    %dma_start3A_79 = arith.constant 0 : i32
    %dma_start3A_80 = arith.constant 0 : i32
    %dma_start3A_81 = tpu.memref_slice %arg8[%dma_start3A_78, %dma_start3A_79, %dma_start3A_80] : memref<2x128x128xf32, #tpu.memory_space<vmem>> -> memref<1x128x128xf32, #tpu.memory_space<vmem>>
    %dma_start3A_82 = tpu.memref_squeeze %dma_start3A_81 : memref<1x128x128xf32, #tpu.memory_space<vmem>> -> memref<128x128xf32, #tpu.memory_space<vmem>>
    %dma_start3A_83 = arith.constant 0 : i32
    %dma_start3A_84 = tpu.memref_slice %arg9[%add3A_77, %dma_start3A_83] : memref<10240x128xf32, #tpu.memory_space<vmem_shared>> -> memref<128x128xf32, #tpu.memory_space<vmem_shared>>
    %dma_start3A_85 = arith.constant 0 : i32
    %dma_start3A_86 = tpu.memref_slice %arg9[%add3A_77, %dma_start3A_85] : memref<10240x128xf32, #tpu.memory_space<vmem_shared>> -> memref<128x128xf32, #tpu.memory_space<vmem_shared>>
    %dma_start3A_87 = arith.constant 0 : i32
    %dma_start3A_88 = arith.constant 0 : i32
    %dma_start3A_89 = tpu.memref_slice %arg8[%dma_start3A_78, %dma_start3A_87, %dma_start3A_88] : memref<2x128x128xf32, #tpu.memory_space<vmem>> -> memref<1x128x128xf32, #tpu.memory_space<vmem>>
    %dma_start3A_90 = tpu.memref_squeeze %dma_start3A_89 : memref<1x128x128xf32, #tpu.memory_space<vmem>> -> memref<128x128xf32, #tpu.memory_space<vmem>>
    tpu.enqueue_dma source(%dma_start3A_90 : memref<128x128xf32, #tpu.memory_space<vmem>>) target(%dma_start3A_86 : memref<128x128xf32, #tpu.memory_space<vmem_shared>>) target_semaphore(%arg10 : memref<!tpu.dma_semaphore, #tpu.memory_space<semaphore_mem>>)
    %dma_wait3A = arith.constant 0 : i32
    %dma_wait3A_91 = arith.constant 0 : i32
    %dma_wait3A_92 = arith.constant 0 : i32
    %dma_wait3A_93 = tpu.memref_slice %arg8[%dma_wait3A, %dma_wait3A_91, %dma_wait3A_92] : memref<2x128x128xf32, #tpu.memory_space<vmem>> -> memref<1x128x128xf32, #tpu.memory_space<vmem>>
    %dma_wait3A_94 = tpu.memref_squeeze %dma_wait3A_93 : memref<1x128x128xf32, #tpu.memory_space<vmem>> -> memref<128x128xf32, #tpu.memory_space<vmem>>
    %dma_wait3A_95 = arith.constant 0 : i32
    %dma_wait3A_96 = tpu.memref_slice %arg9[%add3A_10, %dma_wait3A_95] : memref<10240x128xf32, #tpu.memory_space<vmem_shared>> -> memref<128x128xf32, #tpu.memory_space<vmem_shared>>
    %dma_wait3A_97 = arith.constant 0 : i32
    %dma_wait3A_98 = tpu.memref_slice %arg9[%add3A_10, %dma_wait3A_97] : memref<10240x128xf32, #tpu.memory_space<vmem_shared>> -> memref<128x128xf32, #tpu.memory_space<vmem_shared>>
    %dma_wait3A_99 = arith.constant 0 : i32
    %dma_wait3A_100 = arith.constant 0 : i32
    %dma_wait3A_101 = tpu.memref_slice %arg8[%dma_wait3A, %dma_wait3A_99, %dma_wait3A_100] : memref<2x128x128xf32, #tpu.memory_space<vmem>> -> memref<1x128x128xf32, #tpu.memory_space<vmem>>
    %dma_wait3A_102 = tpu.memref_squeeze %dma_wait3A_101 : memref<1x128x128xf32, #tpu.memory_space<vmem>> -> memref<128x128xf32, #tpu.memory_space<vmem>>
    tpu.wait_dma2 semaphore(%arg10 : memref<!tpu.dma_semaphore, #tpu.memory_space<semaphore_mem>>) src(%dma_wait3A_102 : memref<128x128xf32, #tpu.memory_space<vmem>>) dst(%dma_wait3A_98 : memref<128x128xf32, #tpu.memory_space<vmem_shared>>)
    %dma_wait3A_103 = arith.constant 0 : i32
    %dma_wait3A_104 = arith.constant 0 : i32
    %dma_wait3A_105 = arith.constant 0 : i32
    %dma_wait3A_106 = tpu.memref_slice %arg8[%dma_wait3A_103, %dma_wait3A_104, %dma_wait3A_105] : memref<2x128x128xf32, #tpu.memory_space<vmem>> -> memref<1x128x128xf32, #tpu.memory_space<vmem>>
    %dma_wait3A_107 = tpu.memref_squeeze %dma_wait3A_106 : memref<1x128x128xf32, #tpu.memory_space<vmem>> -> memref<128x128xf32, #tpu.memory_space<vmem>>
    %dma_wait3A_108 = arith.constant 0 : i32
    %dma_wait3A_109 = tpu.memref_slice %arg9[%add3A_26, %dma_wait3A_108] : memref<10240x128xf32, #tpu.memory_space<vmem_shared>> -> memref<128x128xf32, #tpu.memory_space<vmem_shared>>
    %dma_wait3A_110 = arith.constant 0 : i32
    %dma_wait3A_111 = tpu.memref_slice %arg9[%add3A_26, %dma_wait3A_110] : memref<10240x128xf32, #tpu.memory_space<vmem_shared>> -> memref<128x128xf32, #tpu.memory_space<vmem_shared>>
    %dma_wait3A_112 = arith.constant 0 : i32
    %dma_wait3A_113 = arith.constant 0 : i32
    %dma_wait3A_114 = tpu.memref_slice %arg8[%dma_wait3A_103, %dma_wait3A_112, %dma_wait3A_113] : memref<2x128x128xf32, #tpu.memory_space<vmem>> -> memref<1x128x128xf32, #tpu.memory_space<vmem>>
    %dma_wait3A_115 = tpu.memref_squeeze %dma_wait3A_114 : memref<1x128x128xf32, #tpu.memory_space<vmem>> -> memref<128x128xf32, #tpu.memory_space<vmem>>
    tpu.wait_dma2 semaphore(%arg10 : memref<!tpu.dma_semaphore, #tpu.memory_space<semaphore_mem>>) src(%dma_wait3A_115 : memref<128x128xf32, #tpu.memory_space<vmem>>) dst(%dma_wait3A_111 : memref<128x128xf32, #tpu.memory_space<vmem_shared>>)
    %dma_wait3A_116 = arith.constant 0 : i32
    %dma_wait3A_117 = arith.constant 0 : i32
    %dma_wait3A_118 = arith.constant 0 : i32
    %dma_wait3A_119 = tpu.memref_slice %arg8[%dma_wait3A_116, %dma_wait3A_117, %dma_wait3A_118] : memref<2x128x128xf32, #tpu.memory_space<vmem>> -> memref<1x128x128xf32, #tpu.memory_space<vmem>>
    %dma_wait3A_120 = tpu.memref_squeeze %dma_wait3A_119 : memref<1x128x128xf32, #tpu.memory_space<vmem>> -> memref<128x128xf32, #tpu.memory_space<vmem>>
    %dma_wait3A_121 = arith.constant 0 : i32
    %dma_wait3A_122 = tpu.memref_slice %arg9[%add3A_43, %dma_wait3A_121] : memref<10240x128xf32, #tpu.memory_space<vmem_shared>> -> memref<128x128xf32, #tpu.memory_space<vmem_shared>>
    %dma_wait3A_123 = arith.constant 0 : i32
    %dma_wait3A_124 = tpu.memref_slice %arg9[%add3A_43, %dma_wait3A_123] : memref<10240x128xf32, #tpu.memory_space<vmem_shared>> -> memref<128x128xf32, #tpu.memory_space<vmem_shared>>
    %dma_wait3A_125 = arith.constant 0 : i32
    %dma_wait3A_126 = arith.constant 0 : i32
    %dma_wait3A_127 = tpu.memref_slice %arg8[%dma_wait3A_116, %dma_wait3A_125, %dma_wait3A_126] : memref<2x128x128xf32, #tpu.memory_space<vmem>> -> memref<1x128x128xf32, #tpu.memory_space<vmem>>
    %dma_wait3A_128 = tpu.memref_squeeze %dma_wait3A_127 : memref<1x128x128xf32, #tpu.memory_space<vmem>> -> memref<128x128xf32, #tpu.memory_space<vmem>>
    tpu.wait_dma2 semaphore(%arg10 : memref<!tpu.dma_semaphore, #tpu.memory_space<semaphore_mem>>) src(%dma_wait3A_128 : memref<128x128xf32, #tpu.memory_space<vmem>>) dst(%dma_wait3A_124 : memref<128x128xf32, #tpu.memory_space<vmem_shared>>)
    %dma_wait3A_129 = arith.constant 0 : i32
    %dma_wait3A_130 = arith.constant 0 : i32
    %dma_wait3A_131 = arith.constant 0 : i32
    %dma_wait3A_132 = tpu.memref_slice %arg8[%dma_wait3A_129, %dma_wait3A_130, %dma_wait3A_131] : memref<2x128x128xf32, #tpu.memory_space<vmem>> -> memref<1x128x128xf32, #tpu.memory_space<vmem>>
    %dma_wait3A_133 = tpu.memref_squeeze %dma_wait3A_132 : memref<1x128x128xf32, #tpu.memory_space<vmem>> -> memref<128x128xf32, #tpu.memory_space<vmem>>
    %dma_wait3A_134 = arith.constant 0 : i32
    %dma_wait3A_135 = tpu.memref_slice %arg9[%add3A_60, %dma_wait3A_134] : memref<10240x128xf32, #tpu.memory_space<vmem_shared>> -> memref<128x128xf32, #tpu.memory_space<vmem_shared>>
    %dma_wait3A_136 = arith.constant 0 : i32
    %dma_wait3A_137 = tpu.memref_slice %arg9[%add3A_60, %dma_wait3A_136] : memref<10240x128xf32, #tpu.memory_space<vmem_shared>> -> memref<128x128xf32, #tpu.memory_space<vmem_shared>>
    %dma_wait3A_138 = arith.constant 0 : i32
    %dma_wait3A_139 = arith.constant 0 : i32
    %dma_wait3A_140 = tpu.memref_slice %arg8[%dma_wait3A_129, %dma_wait3A_138, %dma_wait3A_139] : memref<2x128x128xf32, #tpu.memory_space<vmem>> -> memref<1x128x128xf32, #tpu.memory_space<vmem>>
    %dma_wait3A_141 = tpu.memref_squeeze %dma_wait3A_140 : memref<1x128x128xf32, #tpu.memory_space<vmem>> -> memref<128x128xf32, #tpu.memory_space<vmem>>
    tpu.wait_dma2 semaphore(%arg10 : memref<!tpu.dma_semaphore, #tpu.memory_space<semaphore_mem>>) src(%dma_wait3A_141 : memref<128x128xf32, #tpu.memory_space<vmem>>) dst(%dma_wait3A_137 : memref<128x128xf32, #tpu.memory_space<vmem_shared>>)
    %dma_wait3A_142 = arith.constant 0 : i32
    %dma_wait3A_143 = arith.constant 0 : i32
    %dma_wait3A_144 = arith.constant 0 : i32
    %dma_wait3A_145 = tpu.memref_slice %arg8[%dma_wait3A_142, %dma_wait3A_143, %dma_wait3A_144] : memref<2x128x128xf32, #tpu.memory_space<vmem>> -> memref<1x128x128xf32, #tpu.memory_space<vmem>>
    %dma_wait3A_146 = tpu.memref_squeeze %dma_wait3A_145 : memref<1x128x128xf32, #tpu.memory_space<vmem>> -> memref<128x128xf32, #tpu.memory_space<vmem>>
    %dma_wait3A_147 = arith.constant 0 : i32
    %dma_wait3A_148 = tpu.memref_slice %arg9[%add3A_77, %dma_wait3A_147] : memref<10240x128xf32, #tpu.memory_space<vmem_shared>> -> memref<128x128xf32, #tpu.memory_space<vmem_shared>>
    %dma_wait3A_149 = arith.constant 0 : i32
    %dma_wait3A_150 = tpu.memref_slice %arg9[%add3A_77, %dma_wait3A_149] : memref<10240x128xf32, #tpu.memory_space<vmem_shared>> -> memref<128x128xf32, #tpu.memory_space<vmem_shared>>
    %dma_wait3A_151 = arith.constant 0 : i32
    %dma_wait3A_152 = arith.constant 0 : i32
    %dma_wait3A_153 = tpu.memref_slice %arg8[%dma_wait3A_142, %dma_wait3A_151, %dma_wait3A_152] : memref<2x128x128xf32, #tpu.memory_space<vmem>> -> memref<1x128x128xf32, #tpu.memory_space<vmem>>
    %dma_wait3A_154 = tpu.memref_squeeze %dma_wait3A_153 : memref<1x128x128xf32, #tpu.memory_space<vmem>> -> memref<128x128xf32, #tpu.memory_space<vmem>>
    tpu.wait_dma2 semaphore(%arg10 : memref<!tpu.dma_semaphore, #tpu.memory_space<semaphore_mem>>) src(%dma_wait3A_154 : memref<128x128xf32, #tpu.memory_space<vmem>>) dst(%dma_wait3A_150 : memref<128x128xf32, #tpu.memory_space<vmem_shared>>)
    %barrier3A = arith.constant 0 : index
    tpu.barrier barrier_id(%barrier3A)
    %scan3A_155 = arith.constant 0 : i32
    %scan3A_156 = arith.constant 0 : i32
    %scan3A_157 = arith.constant 4 : i32
    %scan3A_158 = arith.addi %scan3A_156, %scan3A_157 : i32
    %scan3A_159 = arith.constant 1 : i32
    %scan3A_160 = scf.for %scan3A_337 = %scan3A_156 to %scan3A_158 step %scan3A_159 iter_args(%scan3A_338 = %scan3A_155) -> (i32)  : i32 {
      %mul3A_339 = arith.constant 40 : i32
      %mul3A_340 = arith.muli %scan3A_337, %mul3A_339 : i32
      %add3A_341 = arith.addi %mul3A_0, %mul3A_340 : i32
      %eq3A = arith.constant 0 : i32
      %eq3A_342 = arith.cmpi eq, %arg0, %eq3A : i32
      %convert_element_type3A = arith.extui %eq3A_342 : i1 to i32
      %cond3A = arith.constant 0 : i32
      %cond3A_343 = arith.cmpi ne, %convert_element_type3A, %cond3A : i32
      scf.if %cond3A_343 {
        %run_scoped3A_406 = arith.constant 0 : i32
        "tpu.region"() ({
          %run_scoped3A_407 = tpu.sem_alloc : memref<!tpu.dma_semaphore, #tpu.memory_space<semaphore_mem>>
          %dma_start3A_408 = arith.constant 0 : i32
          %dma_start3A_409 = tpu.memref_slice %arg2[%run_scoped3A_406, %add3A_341, %dma_start3A_408] : memref<2x2560x128xi32, #tpu.memory_space<hbm>> -> memref<1x40x128xi32, #tpu.memory_space<hbm>>
          %dma_start3A_410 = tpu.memref_squeeze %dma_start3A_409 : memref<1x40x128xi32, #tpu.memory_space<hbm>> -> memref<40x128xi32, #tpu.memory_space<hbm>>
          %dma_start3A_411 = arith.constant 0 : i32
          %dma_start3A_412 = tpu.memref_slice %arg2[%run_scoped3A_406, %add3A_341, %dma_start3A_411] : memref<2x2560x128xi32, #tpu.memory_space<hbm>> -> memref<1x40x128xi32, #tpu.memory_space<hbm>>
          %dma_start3A_413 = tpu.memref_squeeze %dma_start3A_412 : memref<1x40x128xi32, #tpu.memory_space<hbm>> -> memref<40x128xi32, #tpu.memory_space<hbm>>
          tpu.enqueue_dma source(%dma_start3A_413 : memref<40x128xi32, #tpu.memory_space<hbm>>) target(%arg6 : memref<40x128xi32, #tpu.memory_space<vmem>>) target_semaphore(%run_scoped3A_407 : memref<!tpu.dma_semaphore, #tpu.memory_space<semaphore_mem>>)
          %dma_wait3A_414 = arith.constant 0 : i32
          %dma_wait3A_415 = tpu.memref_slice %arg2[%run_scoped3A_406, %add3A_341, %dma_wait3A_414] : memref<2x2560x128xi32, #tpu.memory_space<hbm>> -> memref<1x40x128xi32, #tpu.memory_space<hbm>>
          %dma_wait3A_416 = tpu.memref_squeeze %dma_wait3A_415 : memref<1x40x128xi32, #tpu.memory_space<hbm>> -> memref<40x128xi32, #tpu.memory_space<hbm>>
          %dma_wait3A_417 = arith.constant 0 : i32
          %dma_wait3A_418 = tpu.memref_slice %arg2[%run_scoped3A_406, %add3A_341, %dma_wait3A_417] : memref<2x2560x128xi32, #tpu.memory_space<hbm>> -> memref<1x40x128xi32, #tpu.memory_space<hbm>>
          %dma_wait3A_419 = tpu.memref_squeeze %dma_wait3A_418 : memref<1x40x128xi32, #tpu.memory_space<hbm>> -> memref<40x128xi32, #tpu.memory_space<hbm>>
          tpu.wait_dma2 semaphore(%run_scoped3A_407 : memref<!tpu.dma_semaphore, #tpu.memory_space<semaphore_mem>>) src(%dma_wait3A_419 : memref<40x128xi32, #tpu.memory_space<hbm>>) dst(%arg6 : memref<40x128xi32, #tpu.memory_space<vmem>>)
          tpu.yield
        }) : () -> ()
      } else {
      }
      %eq3A_344 = arith.constant 1 : i32
      %eq3A_345 = arith.cmpi eq, %arg0, %eq3A_344 : i32
      %convert_element_type3A_346 = arith.extui %eq3A_345 : i1 to i32
      %cond3A_347 = arith.constant 0 : i32
      %cond3A_348 = arith.cmpi ne, %convert_element_type3A_346, %cond3A_347 : i32
      scf.if %cond3A_348 {
        "tpu.region"() ({
          %run_scoped3A_406 = tpu.sem_alloc : memref<!tpu.dma_semaphore, #tpu.memory_space<semaphore_mem>>
          %dma_start3A_407 = arith.constant 0 : i32
          %dma_start3A_408 = tpu.memref_slice %arg3[%add3A_341, %dma_start3A_407] : memref<2560x128xi32, #tpu.memory_space<hbm>> -> memref<40x128xi32, #tpu.memory_space<hbm>>
          %dma_start3A_409 = arith.constant 0 : i32
          %dma_start3A_410 = tpu.memref_slice %arg3[%add3A_341, %dma_start3A_409] : memref<2560x128xi32, #tpu.memory_space<hbm>> -> memref<40x128xi32, #tpu.memory_space<hbm>>
          tpu.enqueue_dma source(%dma_start3A_410 : memref<40x128xi32, #tpu.memory_space<hbm>>) target(%arg6 : memref<40x128xi32, #tpu.memory_space<vmem>>) target_semaphore(%run_scoped3A_406 : memref<!tpu.dma_semaphore, #tpu.memory_space<semaphore_mem>>)
          %dma_wait3A_411 = arith.constant 0 : i32
          %dma_wait3A_412 = tpu.memref_slice %arg3[%add3A_341, %dma_wait3A_411] : memref<2560x128xi32, #tpu.memory_space<hbm>> -> memref<40x128xi32, #tpu.memory_space<hbm>>
          %dma_wait3A_413 = arith.constant 0 : i32
          %dma_wait3A_414 = tpu.memref_slice %arg3[%add3A_341, %dma_wait3A_413] : memref<2560x128xi32, #tpu.memory_space<hbm>> -> memref<40x128xi32, #tpu.memory_space<hbm>>
          tpu.wait_dma2 semaphore(%run_scoped3A_406 : memref<!tpu.dma_semaphore, #tpu.memory_space<semaphore_mem>>) src(%dma_wait3A_414 : memref<40x128xi32, #tpu.memory_space<hbm>>) dst(%arg6 : memref<40x128xi32, #tpu.memory_space<vmem>>)
          tpu.yield
        }) : () -> ()
      } else {
      }
      %run_scoped3A_349 = arith.constant 1 : i32
      "tpu.region"() ({
        %run_scoped3A_406 = tpu.sem_alloc : memref<!tpu.dma_semaphore, #tpu.memory_space<semaphore_mem>>
        %dma_start3A_407 = arith.constant 0 : i32
        %dma_start3A_408 = tpu.memref_slice %arg2[%run_scoped3A_349, %add3A_341, %dma_start3A_407] : memref<2x2560x128xi32, #tpu.memory_space<hbm>> -> memref<1x40x128xi32, #tpu.memory_space<hbm>>
        %dma_start3A_409 = tpu.memref_squeeze %dma_start3A_408 : memref<1x40x128xi32, #tpu.memory_space<hbm>> -> memref<40x128xi32, #tpu.memory_space<hbm>>
        %dma_start3A_410 = arith.constant 0 : i32
        %dma_start3A_411 = tpu.memref_slice %arg2[%run_scoped3A_349, %add3A_341, %dma_start3A_410] : memref<2x2560x128xi32, #tpu.memory_space<hbm>> -> memref<1x40x128xi32, #tpu.memory_space<hbm>>
        %dma_start3A_412 = tpu.memref_squeeze %dma_start3A_411 : memref<1x40x128xi32, #tpu.memory_space<hbm>> -> memref<40x128xi32, #tpu.memory_space<hbm>>
        tpu.enqueue_dma source(%dma_start3A_412 : memref<40x128xi32, #tpu.memory_space<hbm>>) target(%arg7 : memref<40x128xi32, #tpu.memory_space<vmem>>) target_semaphore(%run_scoped3A_406 : memref<!tpu.dma_semaphore, #tpu.memory_space<semaphore_mem>>)
        %dma_wait3A_413 = arith.constant 0 : i32
        %dma_wait3A_414 = tpu.memref_slice %arg2[%run_scoped3A_349, %add3A_341, %dma_wait3A_413] : memref<2x2560x128xi32, #tpu.memory_space<hbm>> -> memref<1x40x128xi32, #tpu.memory_space<hbm>>
        %dma_wait3A_415 = tpu.memref_squeeze %dma_wait3A_414 : memref<1x40x128xi32, #tpu.memory_space<hbm>> -> memref<40x128xi32, #tpu.memory_space<hbm>>
        %dma_wait3A_416 = arith.constant 0 : i32
        %dma_wait3A_417 = tpu.memref_slice %arg2[%run_scoped3A_349, %add3A_341, %dma_wait3A_416] : memref<2x2560x128xi32, #tpu.memory_space<hbm>> -> memref<1x40x128xi32, #tpu.memory_space<hbm>>
        %dma_wait3A_418 = tpu.memref_squeeze %dma_wait3A_417 : memref<1x40x128xi32, #tpu.memory_space<hbm>> -> memref<40x128xi32, #tpu.memory_space<hbm>>
        tpu.wait_dma2 semaphore(%run_scoped3A_406 : memref<!tpu.dma_semaphore, #tpu.memory_space<semaphore_mem>>) src(%dma_wait3A_418 : memref<40x128xi32, #tpu.memory_space<hbm>>) dst(%arg7 : memref<40x128xi32, #tpu.memory_space<vmem>>)
        tpu.yield
      }) : () -> ()
      %dma_start3A_350 = arith.constant 0 : i32
      %dma_start3A_351 = arith.constant 0 : i32
      %dma_start3A_352 = arith.constant 0 : i32
      %dma_start3A_353 = arith.constant 0 : i32
      %dma_start3A_354 = tpu.memref_slice %arg8[%dma_start3A_351, %dma_start3A_352, %dma_start3A_353] : memref<2x128x128xf32, #tpu.memory_space<vmem>> -> memref<1x128x128xf32, #tpu.memory_space<vmem>>
      %dma_start3A_355 = tpu.memref_squeeze %dma_start3A_354 : memref<1x128x128xf32, #tpu.memory_space<vmem>> -> memref<128x128xf32, #tpu.memory_space<vmem>>
      %dma_start3A_356 = arith.constant 0 : i32
      %dma_start3A_357 = tpu.memref_slice %arg6[%dma_start3A_350, %dma_start3A_356] : memref<40x128xi32, #tpu.memory_space<vmem>> -> memref<1x128xi32, #tpu.memory_space<vmem>>
      %dma_start3A_358 = tpu.memref_squeeze %dma_start3A_357 : memref<1x128xi32, #tpu.memory_space<vmem>> -> memref<128xi32, #tpu.memory_space<vmem>>
      %dma_start3A_359 = arith.constant 0 : i32
      %dma_start3A_360 = arith.constant 0 : i32
      %dma_start3A_361 = tpu.memref_slice %arg4[%dma_start3A_359, %dma_start3A_360] : memref<20000x128xf32, #tpu.memory_space<hbm>> -> memref<20000x128xf32, #tpu.memory_space<hbm>>
      tpu.enqueue_indirect_dma source(%dma_start3A_361 : memref<20000x128xf32, #tpu.memory_space<hbm>>) target(%dma_start3A_355 : memref<128x128xf32, #tpu.memory_space<vmem>>) offsets(%dma_start3A_358 : memref<128xi32, #tpu.memory_space<vmem>>) semaphore(%arg10 : memref<!tpu.dma_semaphore, #tpu.memory_space<semaphore_mem>>)
      %dma_start3A_362 = arith.constant 1 : i32
      %dma_start3A_363 = arith.constant 1 : i32
      %dma_start3A_364 = arith.constant 0 : i32
      %dma_start3A_365 = arith.constant 0 : i32
      %dma_start3A_366 = tpu.memref_slice %arg8[%dma_start3A_363, %dma_start3A_364, %dma_start3A_365] : memref<2x128x128xf32, #tpu.memory_space<vmem>> -> memref<1x128x128xf32, #tpu.memory_space<vmem>>
      %dma_start3A_367 = tpu.memref_squeeze %dma_start3A_366 : memref<1x128x128xf32, #tpu.memory_space<vmem>> -> memref<128x128xf32, #tpu.memory_space<vmem>>
      %dma_start3A_368 = arith.constant 0 : i32
      %dma_start3A_369 = tpu.memref_slice %arg6[%dma_start3A_362, %dma_start3A_368] : memref<40x128xi32, #tpu.memory_space<vmem>> -> memref<1x128xi32, #tpu.memory_space<vmem>>
      %dma_start3A_370 = tpu.memref_squeeze %dma_start3A_369 : memref<1x128xi32, #tpu.memory_space<vmem>> -> memref<128xi32, #tpu.memory_space<vmem>>
      %dma_start3A_371 = arith.constant 0 : i32
      %dma_start3A_372 = arith.constant 0 : i32
      %dma_start3A_373 = tpu.memref_slice %arg4[%dma_start3A_371, %dma_start3A_372] : memref<20000x128xf32, #tpu.memory_space<hbm>> -> memref<20000x128xf32, #tpu.memory_space<hbm>>
      tpu.enqueue_indirect_dma source(%dma_start3A_373 : memref<20000x128xf32, #tpu.memory_space<hbm>>) target(%dma_start3A_367 : memref<128x128xf32, #tpu.memory_space<vmem>>) offsets(%dma_start3A_370 : memref<128xi32, #tpu.memory_space<vmem>>) semaphore(%arg11 : memref<!tpu.dma_semaphore, #tpu.memory_space<semaphore_mem>>)
      %scan3A_374 = arith.constant 0 : i32
      %scan3A_375 = arith.constant 0 : i32
      %scan3A_376 = arith.constant 20 : i32
      %scan3A_377 = arith.addi %scan3A_375, %scan3A_376 : i32
      %scan3A_378 = arith.constant 1 : i32
      %scan3A_379 = scf.for %scan3A_406 = %scan3A_375 to %scan3A_377 step %scan3A_378 iter_args(%scan3A_407 = %scan3A_374) -> (i32)  : i32 {
        %mul3A_408 = arith.constant 2 : i32
        %mul3A_409 = arith.muli %scan3A_406, %mul3A_408 : i32
        %add3A_410 = arith.constant 1 : i32
        %add3A_411 = arith.addi %mul3A_409, %add3A_410 : i32
        %dma_wait3A_412 = arith.constant 0 : i32
        %dma_wait3A_413 = arith.constant 0 : i32
        %dma_wait3A_414 = arith.constant 0 : i32
        %dma_wait3A_415 = tpu.memref_slice %arg8[%dma_wait3A_412, %dma_wait3A_413, %dma_wait3A_414] : memref<2x128x128xf32, #tpu.memory_space<vmem>> -> memref<1x128x128xf32, #tpu.memory_space<vmem>>
        %dma_wait3A_416 = tpu.memref_squeeze %dma_wait3A_415 : memref<1x128x128xf32, #tpu.memory_space<vmem>> -> memref<128x128xf32, #tpu.memory_space<vmem>>
        %dma_wait3A_417 = arith.constant 0 : i32
        %dma_wait3A_418 = tpu.memref_slice %arg6[%mul3A_409, %dma_wait3A_417] : memref<40x128xi32, #tpu.memory_space<vmem>> -> memref<1x128xi32, #tpu.memory_space<vmem>>
        %dma_wait3A_419 = tpu.memref_squeeze %dma_wait3A_418 : memref<1x128xi32, #tpu.memory_space<vmem>> -> memref<128xi32, #tpu.memory_space<vmem>>
        %dma_wait3A_420 = arith.constant 0 : i32
        %dma_wait3A_421 = arith.constant 0 : i32
        %dma_wait3A_422 = tpu.memref_slice %arg4[%dma_wait3A_420, %dma_wait3A_421] : memref<20000x128xf32, #tpu.memory_space<hbm>> -> memref<20000x128xf32, #tpu.memory_space<hbm>>
        tpu.wait_indirect_dma semaphore(%arg10 : memref<!tpu.dma_semaphore, #tpu.memory_space<semaphore_mem>>) src(%dma_wait3A_422 : memref<20000x128xf32, #tpu.memory_space<hbm>>) dst(%dma_wait3A_416 : memref<128x128xf32, #tpu.memory_space<vmem>>)
        %dma_start3A_423 = arith.constant 0 : i32
        %dma_start3A_424 = arith.constant 0 : i32
        %dma_start3A_425 = arith.constant 0 : i32
        %dma_start3A_426 = tpu.memref_slice %arg8[%dma_start3A_423, %dma_start3A_424, %dma_start3A_425] : memref<2x128x128xf32, #tpu.memory_space<vmem>> -> memref<1x128x128xf32, #tpu.memory_space<vmem>>
        %dma_start3A_427 = tpu.memref_squeeze %dma_start3A_426 : memref<1x128x128xf32, #tpu.memory_space<vmem>> -> memref<128x128xf32, #tpu.memory_space<vmem>>
        %dma_start3A_428 = arith.constant 0 : i32
        %dma_start3A_429 = tpu.memref_slice %arg7[%mul3A_409, %dma_start3A_428] : memref<40x128xi32, #tpu.memory_space<vmem>> -> memref<1x128xi32, #tpu.memory_space<vmem>>
        %dma_start3A_430 = tpu.memref_squeeze %dma_start3A_429 : memref<1x128xi32, #tpu.memory_space<vmem>> -> memref<128xi32, #tpu.memory_space<vmem>>
        %dma_start3A_431 = arith.constant 0 : i32
        %dma_start3A_432 = arith.constant 0 : i32
        %dma_start3A_433 = tpu.memref_slice %arg9[%dma_start3A_431, %dma_start3A_432] : memref<10240x128xf32, #tpu.memory_space<vmem_shared>> -> memref<10240x128xf32, #tpu.memory_space<vmem_shared>>
        tpu.enqueue_indirect_dma source(%dma_start3A_427 : memref<128x128xf32, #tpu.memory_space<vmem>>) target(%dma_start3A_433 : memref<10240x128xf32, #tpu.memory_space<vmem_shared>>) offsets(%dma_start3A_430 : memref<128xi32, #tpu.memory_space<vmem>>) semaphore(%arg12 : memref<!tpu.dma_semaphore, #tpu.memory_space<semaphore_mem>>) {add = true}
        %dma_wait3A_434 = arith.constant 1 : i32
        %dma_wait3A_435 = arith.constant 0 : i32
        %dma_wait3A_436 = arith.constant 0 : i32
        %dma_wait3A_437 = tpu.memref_slice %arg8[%dma_wait3A_434, %dma_wait3A_435, %dma_wait3A_436] : memref<2x128x128xf32, #tpu.memory_space<vmem>> -> memref<1x128x128xf32, #tpu.memory_space<vmem>>
        %dma_wait3A_438 = tpu.memref_squeeze %dma_wait3A_437 : memref<1x128x128xf32, #tpu.memory_space<vmem>> -> memref<128x128xf32, #tpu.memory_space<vmem>>
        %dma_wait3A_439 = arith.constant 0 : i32
        %dma_wait3A_440 = tpu.memref_slice %arg6[%add3A_411, %dma_wait3A_439] : memref<40x128xi32, #tpu.memory_space<vmem>> -> memref<1x128xi32, #tpu.memory_space<vmem>>
        %dma_wait3A_441 = tpu.memref_squeeze %dma_wait3A_440 : memref<1x128xi32, #tpu.memory_space<vmem>> -> memref<128xi32, #tpu.memory_space<vmem>>
        %dma_wait3A_442 = arith.constant 0 : i32
        %dma_wait3A_443 = arith.constant 0 : i32
        %dma_wait3A_444 = tpu.memref_slice %arg4[%dma_wait3A_442, %dma_wait3A_443] : memref<20000x128xf32, #tpu.memory_space<hbm>> -> memref<20000x128xf32, #tpu.memory_space<hbm>>
        tpu.wait_indirect_dma semaphore(%arg11 : memref<!tpu.dma_semaphore, #tpu.memory_space<semaphore_mem>>) src(%dma_wait3A_444 : memref<20000x128xf32, #tpu.memory_space<hbm>>) dst(%dma_wait3A_438 : memref<128x128xf32, #tpu.memory_space<vmem>>)
        %dma_start3A_445 = arith.constant 1 : i32
        %dma_start3A_446 = arith.constant 0 : i32
        %dma_start3A_447 = arith.constant 0 : i32
        %dma_start3A_448 = tpu.memref_slice %arg8[%dma_start3A_445, %dma_start3A_446, %dma_start3A_447] : memref<2x128x128xf32, #tpu.memory_space<vmem>> -> memref<1x128x128xf32, #tpu.memory_space<vmem>>
        %dma_start3A_449 = tpu.memref_squeeze %dma_start3A_448 : memref<1x128x128xf32, #tpu.memory_space<vmem>> -> memref<128x128xf32, #tpu.memory_space<vmem>>
        %dma_start3A_450 = arith.constant 0 : i32
        %dma_start3A_451 = tpu.memref_slice %arg7[%add3A_411, %dma_start3A_450] : memref<40x128xi32, #tpu.memory_space<vmem>> -> memref<1x128xi32, #tpu.memory_space<vmem>>
        %dma_start3A_452 = tpu.memref_squeeze %dma_start3A_451 : memref<1x128xi32, #tpu.memory_space<vmem>> -> memref<128xi32, #tpu.memory_space<vmem>>
        %dma_start3A_453 = arith.constant 0 : i32
        %dma_start3A_454 = arith.constant 0 : i32
        %dma_start3A_455 = tpu.memref_slice %arg9[%dma_start3A_453, %dma_start3A_454] : memref<10240x128xf32, #tpu.memory_space<vmem_shared>> -> memref<10240x128xf32, #tpu.memory_space<vmem_shared>>
        tpu.enqueue_indirect_dma source(%dma_start3A_449 : memref<128x128xf32, #tpu.memory_space<vmem>>) target(%dma_start3A_455 : memref<10240x128xf32, #tpu.memory_space<vmem_shared>>) offsets(%dma_start3A_452 : memref<128xi32, #tpu.memory_space<vmem>>) semaphore(%arg13 : memref<!tpu.dma_semaphore, #tpu.memory_space<semaphore_mem>>) {add = true}
        %lt3A = arith.constant 19 : i32
        %lt3A_456 = arith.cmpi slt, %scan3A_406, %lt3A : i32
        %convert_element_type3A_457 = arith.extui %lt3A_456 : i1 to i32
        %cond3A_458 = arith.constant 0 : i32
        %cond3A_459 = arith.cmpi ne, %convert_element_type3A_457, %cond3A_458 : i32
        scf.if %cond3A_459 {
          %dma_wait3A_461 = arith.constant 0 : i32
          %dma_wait3A_462 = arith.constant 0 : i32
          %dma_wait3A_463 = arith.constant 0 : i32
          %dma_wait3A_464 = tpu.memref_slice %arg8[%dma_wait3A_461, %dma_wait3A_462, %dma_wait3A_463] : memref<2x128x128xf32, #tpu.memory_space<vmem>> -> memref<1x128x128xf32, #tpu.memory_space<vmem>>
          %dma_wait3A_465 = tpu.memref_squeeze %dma_wait3A_464 : memref<1x128x128xf32, #tpu.memory_space<vmem>> -> memref<128x128xf32, #tpu.memory_space<vmem>>
          %dma_wait3A_466 = arith.constant 0 : i32
          %dma_wait3A_467 = tpu.memref_slice %arg7[%mul3A_409, %dma_wait3A_466] : memref<40x128xi32, #tpu.memory_space<vmem>> -> memref<1x128xi32, #tpu.memory_space<vmem>>
          %dma_wait3A_468 = tpu.memref_squeeze %dma_wait3A_467 : memref<1x128xi32, #tpu.memory_space<vmem>> -> memref<128xi32, #tpu.memory_space<vmem>>
          %dma_wait3A_469 = arith.constant 0 : i32
          %dma_wait3A_470 = arith.constant 0 : i32
          %dma_wait3A_471 = tpu.memref_slice %arg9[%dma_wait3A_469, %dma_wait3A_470] : memref<10240x128xf32, #tpu.memory_space<vmem_shared>> -> memref<10240x128xf32, #tpu.memory_space<vmem_shared>>
          tpu.wait_indirect_dma semaphore(%arg12 : memref<!tpu.dma_semaphore, #tpu.memory_space<semaphore_mem>>) src(%dma_wait3A_465 : memref<128x128xf32, #tpu.memory_space<vmem>>) dst(%dma_wait3A_471 : memref<10240x128xf32, #tpu.memory_space<vmem_shared>>)
          %add3A_472 = arith.constant 2 : i32
          %add3A_473 = arith.addi %mul3A_409, %add3A_472 : i32
          %dma_start3A_474 = arith.constant 0 : i32
          %dma_start3A_475 = arith.constant 0 : i32
          %dma_start3A_476 = arith.constant 0 : i32
          %dma_start3A_477 = tpu.memref_slice %arg8[%dma_start3A_474, %dma_start3A_475, %dma_start3A_476] : memref<2x128x128xf32, #tpu.memory_space<vmem>> -> memref<1x128x128xf32, #tpu.memory_space<vmem>>
          %dma_start3A_478 = tpu.memref_squeeze %dma_start3A_477 : memref<1x128x128xf32, #tpu.memory_space<vmem>> -> memref<128x128xf32, #tpu.memory_space<vmem>>
          %dma_start3A_479 = arith.constant 0 : i32
          %dma_start3A_480 = tpu.memref_slice %arg6[%add3A_473, %dma_start3A_479] : memref<40x128xi32, #tpu.memory_space<vmem>> -> memref<1x128xi32, #tpu.memory_space<vmem>>
          %dma_start3A_481 = tpu.memref_squeeze %dma_start3A_480 : memref<1x128xi32, #tpu.memory_space<vmem>> -> memref<128xi32, #tpu.memory_space<vmem>>
          %dma_start3A_482 = arith.constant 0 : i32
          %dma_start3A_483 = arith.constant 0 : i32
          %dma_start3A_484 = tpu.memref_slice %arg4[%dma_start3A_482, %dma_start3A_483] : memref<20000x128xf32, #tpu.memory_space<hbm>> -> memref<20000x128xf32, #tpu.memory_space<hbm>>
          tpu.enqueue_indirect_dma source(%dma_start3A_484 : memref<20000x128xf32, #tpu.memory_space<hbm>>) target(%dma_start3A_478 : memref<128x128xf32, #tpu.memory_space<vmem>>) offsets(%dma_start3A_481 : memref<128xi32, #tpu.memory_space<vmem>>) semaphore(%arg10 : memref<!tpu.dma_semaphore, #tpu.memory_space<semaphore_mem>>)
          %dma_wait3A_485 = arith.constant 1 : i32
          %dma_wait3A_486 = arith.constant 0 : i32
          %dma_wait3A_487 = arith.constant 0 : i32
          %dma_wait3A_488 = tpu.memref_slice %arg8[%dma_wait3A_485, %dma_wait3A_486, %dma_wait3A_487] : memref<2x128x128xf32, #tpu.memory_space<vmem>> -> memref<1x128x128xf32, #tpu.memory_space<vmem>>
          %dma_wait3A_489 = tpu.memref_squeeze %dma_wait3A_488 : memref<1x128x128xf32, #tpu.memory_space<vmem>> -> memref<128x128xf32, #tpu.memory_space<vmem>>
          %dma_wait3A_490 = arith.constant 0 : i32
          %dma_wait3A_491 = tpu.memref_slice %arg7[%add3A_411, %dma_wait3A_490] : memref<40x128xi32, #tpu.memory_space<vmem>> -> memref<1x128xi32, #tpu.memory_space<vmem>>
          %dma_wait3A_492 = tpu.memref_squeeze %dma_wait3A_491 : memref<1x128xi32, #tpu.memory_space<vmem>> -> memref<128xi32, #tpu.memory_space<vmem>>
          %dma_wait3A_493 = arith.constant 0 : i32
          %dma_wait3A_494 = arith.constant 0 : i32
          %dma_wait3A_495 = tpu.memref_slice %arg9[%dma_wait3A_493, %dma_wait3A_494] : memref<10240x128xf32, #tpu.memory_space<vmem_shared>> -> memref<10240x128xf32, #tpu.memory_space<vmem_shared>>
          tpu.wait_indirect_dma semaphore(%arg13 : memref<!tpu.dma_semaphore, #tpu.memory_space<semaphore_mem>>) src(%dma_wait3A_489 : memref<128x128xf32, #tpu.memory_space<vmem>>) dst(%dma_wait3A_495 : memref<10240x128xf32, #tpu.memory_space<vmem_shared>>)
          %add3A_496 = arith.constant 2 : i32
          %add3A_497 = arith.addi %add3A_411, %add3A_496 : i32
          %dma_start3A_498 = arith.constant 1 : i32
          %dma_start3A_499 = arith.constant 0 : i32
          %dma_start3A_500 = arith.constant 0 : i32
          %dma_start3A_501 = tpu.memref_slice %arg8[%dma_start3A_498, %dma_start3A_499, %dma_start3A_500] : memref<2x128x128xf32, #tpu.memory_space<vmem>> -> memref<1x128x128xf32, #tpu.memory_space<vmem>>
          %dma_start3A_502 = tpu.memref_squeeze %dma_start3A_501 : memref<1x128x128xf32, #tpu.memory_space<vmem>> -> memref<128x128xf32, #tpu.memory_space<vmem>>
          %dma_start3A_503 = arith.constant 0 : i32
          %dma_start3A_504 = tpu.memref_slice %arg6[%add3A_497, %dma_start3A_503] : memref<40x128xi32, #tpu.memory_space<vmem>> -> memref<1x128xi32, #tpu.memory_space<vmem>>
          %dma_start3A_505 = tpu.memref_squeeze %dma_start3A_504 : memref<1x128xi32, #tpu.memory_space<vmem>> -> memref<128xi32, #tpu.memory_space<vmem>>
          %dma_start3A_506 = arith.constant 0 : i32
          %dma_start3A_507 = arith.constant 0 : i32
          %dma_start3A_508 = tpu.memref_slice %arg4[%dma_start3A_506, %dma_start3A_507] : memref<20000x128xf32, #tpu.memory_space<hbm>> -> memref<20000x128xf32, #tpu.memory_space<hbm>>
          tpu.enqueue_indirect_dma source(%dma_start3A_508 : memref<20000x128xf32, #tpu.memory_space<hbm>>) target(%dma_start3A_502 : memref<128x128xf32, #tpu.memory_space<vmem>>) offsets(%dma_start3A_505 : memref<128xi32, #tpu.memory_space<vmem>>) semaphore(%arg11 : memref<!tpu.dma_semaphore, #tpu.memory_space<semaphore_mem>>)
        } else {
        }
        %scan3A_460 = arith.constant 0 : i32
        scf.yield %scan3A_460 : i32
      }
      %scan3A_380 = arith.constant 20 : i32
      %dma_wait3A_381 = arith.constant 0 : i32
      %dma_wait3A_382 = arith.constant 0 : i32
      %dma_wait3A_383 = arith.constant 0 : i32
      %dma_wait3A_384 = arith.constant 0 : i32
      %dma_wait3A_385 = tpu.memref_slice %arg8[%dma_wait3A_381, %dma_wait3A_383, %dma_wait3A_384] : memref<2x128x128xf32, #tpu.memory_space<vmem>> -> memref<1x128x128xf32, #tpu.memory_space<vmem>>
      %dma_wait3A_386 = tpu.memref_squeeze %dma_wait3A_385 : memref<1x128x128xf32, #tpu.memory_space<vmem>> -> memref<128x128xf32, #tpu.memory_space<vmem>>
      %dma_wait3A_387 = arith.constant 0 : i32
      %dma_wait3A_388 = tpu.memref_slice %arg7[%dma_wait3A_382, %dma_wait3A_387] : memref<40x128xi32, #tpu.memory_space<vmem>> -> memref<1x128xi32, #tpu.memory_space<vmem>>
      %dma_wait3A_389 = tpu.memref_squeeze %dma_wait3A_388 : memref<1x128xi32, #tpu.memory_space<vmem>> -> memref<128xi32, #tpu.memory_space<vmem>>
      %dma_wait3A_390 = arith.constant 0 : i32
      %dma_wait3A_391 = arith.constant 0 : i32
      %dma_wait3A_392 = tpu.memref_slice %arg9[%dma_wait3A_390, %dma_wait3A_391] : memref<10240x128xf32, #tpu.memory_space<vmem_shared>> -> memref<10240x128xf32, #tpu.memory_space<vmem_shared>>
      tpu.wait_indirect_dma semaphore(%arg12 : memref<!tpu.dma_semaphore, #tpu.memory_space<semaphore_mem>>) src(%dma_wait3A_386 : memref<128x128xf32, #tpu.memory_space<vmem>>) dst(%dma_wait3A_392 : memref<10240x128xf32, #tpu.memory_space<vmem_shared>>)
      %dma_wait3A_393 = arith.constant 1 : i32
      %dma_wait3A_394 = arith.constant 1 : i32
      %dma_wait3A_395 = arith.constant 0 : i32
      %dma_wait3A_396 = arith.constant 0 : i32
      %dma_wait3A_397 = tpu.memref_slice %arg8[%dma_wait3A_393, %dma_wait3A_395, %dma_wait3A_396] : memref<2x128x128xf32, #tpu.memory_space<vmem>> -> memref<1x128x128xf32, #tpu.memory_space<vmem>>
      %dma_wait3A_398 = tpu.memref_squeeze %dma_wait3A_397 : memref<1x128x128xf32, #tpu.memory_space<vmem>> -> memref<128x128xf32, #tpu.memory_space<vmem>>
      %dma_wait3A_399 = arith.constant 0 : i32
      %dma_wait3A_400 = tpu.memref_slice %arg7[%dma_wait3A_394, %dma_wait3A_399] : memref<40x128xi32, #tpu.memory_space<vmem>> -> memref<1x128xi32, #tpu.memory_space<vmem>>
      %dma_wait3A_401 = tpu.memref_squeeze %dma_wait3A_400 : memref<1x128xi32, #tpu.memory_space<vmem>> -> memref<128xi32, #tpu.memory_space<vmem>>
      %dma_wait3A_402 = arith.constant 0 : i32
      %dma_wait3A_403 = arith.constant 0 : i32
      %dma_wait3A_404 = tpu.memref_slice %arg9[%dma_wait3A_402, %dma_wait3A_403] : memref<10240x128xf32, #tpu.memory_space<vmem_shared>> -> memref<10240x128xf32, #tpu.memory_space<vmem_shared>>
      tpu.wait_indirect_dma semaphore(%arg13 : memref<!tpu.dma_semaphore, #tpu.memory_space<semaphore_mem>>) src(%dma_wait3A_398 : memref<128x128xf32, #tpu.memory_space<vmem>>) dst(%dma_wait3A_404 : memref<10240x128xf32, #tpu.memory_space<vmem_shared>>)
      %scan3A_405 = arith.constant 0 : i32
      scf.yield %scan3A_405 : i32
    }
    %scan3A_161 = arith.constant 4 : i32
    %barrier3A_162 = arith.constant 0 : index
    tpu.barrier barrier_id(%barrier3A_162)
    %mul3A_163 = arith.constant 640 : i32
    %mul3A_164 = arith.muli %arg1, %mul3A_163 : i32
    %add3A_165 = arith.constant 0 : i32
    %add3A_166 = arith.addi %mul3A_164, %add3A_165 : i32
    %run_scoped3A = arith.constant 0 : i32
    "tpu.region"() ({
      %run_scoped3A_337 = tpu.sem_alloc : memref<!tpu.dma_semaphore, #tpu.memory_space<semaphore_mem>>
      %dma_start3A_338 = arith.constant 0 : i32
      %dma_start3A_339 = arith.constant 0 : i32
      %dma_start3A_340 = tpu.memref_slice %arg8[%run_scoped3A, %dma_start3A_338, %dma_start3A_339] : memref<2x128x128xf32, #tpu.memory_space<vmem>> -> memref<1x128x128xf32, #tpu.memory_space<vmem>>
      %dma_start3A_341 = tpu.memref_squeeze %dma_start3A_340 : memref<1x128x128xf32, #tpu.memory_space<vmem>> -> memref<128x128xf32, #tpu.memory_space<vmem>>
      %dma_start3A_342 = arith.constant 0 : i32
      %dma_start3A_343 = tpu.memref_slice %arg9[%add3A_166, %dma_start3A_342] : memref<10240x128xf32, #tpu.memory_space<vmem_shared>> -> memref<128x128xf32, #tpu.memory_space<vmem_shared>>
      %dma_start3A_344 = arith.constant 0 : i32
      %dma_start3A_345 = arith.constant 0 : i32
      %dma_start3A_346 = tpu.memref_slice %arg8[%run_scoped3A, %dma_start3A_344, %dma_start3A_345] : memref<2x128x128xf32, #tpu.memory_space<vmem>> -> memref<1x128x128xf32, #tpu.memory_space<vmem>>
      %dma_start3A_347 = tpu.memref_squeeze %dma_start3A_346 : memref<1x128x128xf32, #tpu.memory_space<vmem>> -> memref<128x128xf32, #tpu.memory_space<vmem>>
      %dma_start3A_348 = arith.constant 0 : i32
      %dma_start3A_349 = tpu.memref_slice %arg9[%add3A_166, %dma_start3A_348] : memref<10240x128xf32, #tpu.memory_space<vmem_shared>> -> memref<128x128xf32, #tpu.memory_space<vmem_shared>>
      tpu.enqueue_dma source(%dma_start3A_349 : memref<128x128xf32, #tpu.memory_space<vmem_shared>>) target(%dma_start3A_347 : memref<128x128xf32, #tpu.memory_space<vmem>>) target_semaphore(%run_scoped3A_337 : memref<!tpu.dma_semaphore, #tpu.memory_space<semaphore_mem>>)
      %dma_wait3A_350 = arith.constant 0 : i32
      %dma_wait3A_351 = arith.constant 0 : i32
      %dma_wait3A_352 = tpu.memref_slice %arg8[%run_scoped3A, %dma_wait3A_350, %dma_wait3A_351] : memref<2x128x128xf32, #tpu.memory_space<vmem>> -> memref<1x128x128xf32, #tpu.memory_space<vmem>>
      %dma_wait3A_353 = tpu.memref_squeeze %dma_wait3A_352 : memref<1x128x128xf32, #tpu.memory_space<vmem>> -> memref<128x128xf32, #tpu.memory_space<vmem>>
      %dma_wait3A_354 = arith.constant 0 : i32
      %dma_wait3A_355 = tpu.memref_slice %arg9[%add3A_166, %dma_wait3A_354] : memref<10240x128xf32, #tpu.memory_space<vmem_shared>> -> memref<128x128xf32, #tpu.memory_space<vmem_shared>>
      %dma_wait3A_356 = arith.constant 0 : i32
      %dma_wait3A_357 = arith.constant 0 : i32
      %dma_wait3A_358 = tpu.memref_slice %arg8[%run_scoped3A, %dma_wait3A_356, %dma_wait3A_357] : memref<2x128x128xf32, #tpu.memory_space<vmem>> -> memref<1x128x128xf32, #tpu.memory_space<vmem>>
      %dma_wait3A_359 = tpu.memref_squeeze %dma_wait3A_358 : memref<1x128x128xf32, #tpu.memory_space<vmem>> -> memref<128x128xf32, #tpu.memory_space<vmem>>
      %dma_wait3A_360 = arith.constant 0 : i32
      %dma_wait3A_361 = tpu.memref_slice %arg9[%add3A_166, %dma_wait3A_360] : memref<10240x128xf32, #tpu.memory_space<vmem_shared>> -> memref<128x128xf32, #tpu.memory_space<vmem_shared>>
      tpu.wait_dma2 semaphore(%run_scoped3A_337 : memref<!tpu.dma_semaphore, #tpu.memory_space<semaphore_mem>>) src(%dma_wait3A_361 : memref<128x128xf32, #tpu.memory_space<vmem_shared>>) dst(%dma_wait3A_359 : memref<128x128xf32, #tpu.memory_space<vmem>>)
      tpu.yield
    }) : () -> ()
    %dma_start3A_167 = arith.constant 0 : i32
    %dma_start3A_168 = arith.constant 0 : i32
    %dma_start3A_169 = arith.constant 0 : i32
    %dma_start3A_170 = tpu.memref_slice %arg8[%dma_start3A_167, %dma_start3A_168, %dma_start3A_169] : memref<2x128x128xf32, #tpu.memory_space<vmem>> -> memref<1x128x128xf32, #tpu.memory_space<vmem>>
    %dma_start3A_171 = tpu.memref_squeeze %dma_start3A_170 : memref<1x128x128xf32, #tpu.memory_space<vmem>> -> memref<128x128xf32, #tpu.memory_space<vmem>>
    %dma_start3A_172 = arith.constant 0 : i32
    %dma_start3A_173 = tpu.memref_slice %arg5[%arg0, %add3A_166, %dma_start3A_172] : memref<2x10240x128xf32, #tpu.memory_space<hbm>> -> memref<1x128x128xf32, #tpu.memory_space<hbm>>
    %dma_start3A_174 = tpu.memref_squeeze %dma_start3A_173 : memref<1x128x128xf32, #tpu.memory_space<hbm>> -> memref<128x128xf32, #tpu.memory_space<hbm>>
    %dma_start3A_175 = arith.constant 0 : i32
    %dma_start3A_176 = tpu.memref_slice %arg5[%arg0, %add3A_166, %dma_start3A_175] : memref<2x10240x128xf32, #tpu.memory_space<hbm>> -> memref<1x128x128xf32, #tpu.memory_space<hbm>>
    %dma_start3A_177 = tpu.memref_squeeze %dma_start3A_176 : memref<1x128x128xf32, #tpu.memory_space<hbm>> -> memref<128x128xf32, #tpu.memory_space<hbm>>
    %dma_start3A_178 = arith.constant 0 : i32
    %dma_start3A_179 = arith.constant 0 : i32
    %dma_start3A_180 = tpu.memref_slice %arg8[%dma_start3A_167, %dma_start3A_178, %dma_start3A_179] : memref<2x128x128xf32, #tpu.memory_space<vmem>> -> memref<1x128x128xf32, #tpu.memory_space<vmem>>
    %dma_start3A_181 = tpu.memref_squeeze %dma_start3A_180 : memref<1x128x128xf32, #tpu.memory_space<vmem>> -> memref<128x128xf32, #tpu.memory_space<vmem>>
    tpu.enqueue_dma source(%dma_start3A_181 : memref<128x128xf32, #tpu.memory_space<vmem>>) target(%dma_start3A_177 : memref<128x128xf32, #tpu.memory_space<hbm>>) target_semaphore(%arg10 : memref<!tpu.dma_semaphore, #tpu.memory_space<semaphore_mem>>)
    %mul3A_182 = arith.constant 640 : i32
    %mul3A_183 = arith.muli %arg1, %mul3A_182 : i32
    %add3A_184 = arith.constant 128 : i32
    %add3A_185 = arith.addi %mul3A_183, %add3A_184 : i32
    %run_scoped3A_186 = arith.constant 1 : i32
    "tpu.region"() ({
      %run_scoped3A_337 = tpu.sem_alloc : memref<!tpu.dma_semaphore, #tpu.memory_space<semaphore_mem>>
      %dma_start3A_338 = arith.constant 0 : i32
      %dma_start3A_339 = arith.constant 0 : i32
      %dma_start3A_340 = tpu.memref_slice %arg8[%run_scoped3A_186, %dma_start3A_338, %dma_start3A_339] : memref<2x128x128xf32, #tpu.memory_space<vmem>> -> memref<1x128x128xf32, #tpu.memory_space<vmem>>
      %dma_start3A_341 = tpu.memref_squeeze %dma_start3A_340 : memref<1x128x128xf32, #tpu.memory_space<vmem>> -> memref<128x128xf32, #tpu.memory_space<vmem>>
      %dma_start3A_342 = arith.constant 0 : i32
      %dma_start3A_343 = tpu.memref_slice %arg9[%add3A_185, %dma_start3A_342] : memref<10240x128xf32, #tpu.memory_space<vmem_shared>> -> memref<128x128xf32, #tpu.memory_space<vmem_shared>>
      %dma_start3A_344 = arith.constant 0 : i32
      %dma_start3A_345 = arith.constant 0 : i32
      %dma_start3A_346 = tpu.memref_slice %arg8[%run_scoped3A_186, %dma_start3A_344, %dma_start3A_345] : memref<2x128x128xf32, #tpu.memory_space<vmem>> -> memref<1x128x128xf32, #tpu.memory_space<vmem>>
      %dma_start3A_347 = tpu.memref_squeeze %dma_start3A_346 : memref<1x128x128xf32, #tpu.memory_space<vmem>> -> memref<128x128xf32, #tpu.memory_space<vmem>>
      %dma_start3A_348 = arith.constant 0 : i32
      %dma_start3A_349 = tpu.memref_slice %arg9[%add3A_185, %dma_start3A_348] : memref<10240x128xf32, #tpu.memory_space<vmem_shared>> -> memref<128x128xf32, #tpu.memory_space<vmem_shared>>
      tpu.enqueue_dma source(%dma_start3A_349 : memref<128x128xf32, #tpu.memory_space<vmem_shared>>) target(%dma_start3A_347 : memref<128x128xf32, #tpu.memory_space<vmem>>) target_semaphore(%run_scoped3A_337 : memref<!tpu.dma_semaphore, #tpu.memory_space<semaphore_mem>>)
      %dma_wait3A_350 = arith.constant 0 : i32
      %dma_wait3A_351 = arith.constant 0 : i32
      %dma_wait3A_352 = tpu.memref_slice %arg8[%run_scoped3A_186, %dma_wait3A_350, %dma_wait3A_351] : memref<2x128x128xf32, #tpu.memory_space<vmem>> -> memref<1x128x128xf32, #tpu.memory_space<vmem>>
      %dma_wait3A_353 = tpu.memref_squeeze %dma_wait3A_352 : memref<1x128x128xf32, #tpu.memory_space<vmem>> -> memref<128x128xf32, #tpu.memory_space<vmem>>
      %dma_wait3A_354 = arith.constant 0 : i32
      %dma_wait3A_355 = tpu.memref_slice %arg9[%add3A_185, %dma_wait3A_354] : memref<10240x128xf32, #tpu.memory_space<vmem_shared>> -> memref<128x128xf32, #tpu.memory_space<vmem_shared>>
      %dma_wait3A_356 = arith.constant 0 : i32
      %dma_wait3A_357 = arith.constant 0 : i32
      %dma_wait3A_358 = tpu.memref_slice %arg8[%run_scoped3A_186, %dma_wait3A_356, %dma_wait3A_357] : memref<2x128x128xf32, #tpu.memory_space<vmem>> -> memref<1x128x128xf32, #tpu.memory_space<vmem>>
      %dma_wait3A_359 = tpu.memref_squeeze %dma_wait3A_358 : memref<1x128x128xf32, #tpu.memory_space<vmem>> -> memref<128x128xf32, #tpu.memory_space<vmem>>
      %dma_wait3A_360 = arith.constant 0 : i32
      %dma_wait3A_361 = tpu.memref_slice %arg9[%add3A_185, %dma_wait3A_360] : memref<10240x128xf32, #tpu.memory_space<vmem_shared>> -> memref<128x128xf32, #tpu.memory_space<vmem_shared>>
      tpu.wait_dma2 semaphore(%run_scoped3A_337 : memref<!tpu.dma_semaphore, #tpu.memory_space<semaphore_mem>>) src(%dma_wait3A_361 : memref<128x128xf32, #tpu.memory_space<vmem_shared>>) dst(%dma_wait3A_359 : memref<128x128xf32, #tpu.memory_space<vmem>>)
      tpu.yield
    }) : () -> ()
    %dma_start3A_187 = arith.constant 1 : i32
    %dma_start3A_188 = arith.constant 0 : i32
    %dma_start3A_189 = arith.constant 0 : i32
    %dma_start3A_190 = tpu.memref_slice %arg8[%dma_start3A_187, %dma_start3A_188, %dma_start3A_189] : memref<2x128x128xf32, #tpu.memory_space<vmem>> -> memref<1x128x128xf32, #tpu.memory_space<vmem>>
    %dma_start3A_191 = tpu.memref_squeeze %dma_start3A_190 : memref<1x128x128xf32, #tpu.memory_space<vmem>> -> memref<128x128xf32, #tpu.memory_space<vmem>>
    %dma_start3A_192 = arith.constant 0 : i32
    %dma_start3A_193 = tpu.memref_slice %arg5[%arg0, %add3A_185, %dma_start3A_192] : memref<2x10240x128xf32, #tpu.memory_space<hbm>> -> memref<1x128x128xf32, #tpu.memory_space<hbm>>
    %dma_start3A_194 = tpu.memref_squeeze %dma_start3A_193 : memref<1x128x128xf32, #tpu.memory_space<hbm>> -> memref<128x128xf32, #tpu.memory_space<hbm>>
    %dma_start3A_195 = arith.constant 0 : i32
    %dma_start3A_196 = tpu.memref_slice %arg5[%arg0, %add3A_185, %dma_start3A_195] : memref<2x10240x128xf32, #tpu.memory_space<hbm>> -> memref<1x128x128xf32, #tpu.memory_space<hbm>>
    %dma_start3A_197 = tpu.memref_squeeze %dma_start3A_196 : memref<1x128x128xf32, #tpu.memory_space<hbm>> -> memref<128x128xf32, #tpu.memory_space<hbm>>
    %dma_start3A_198 = arith.constant 0 : i32
    %dma_start3A_199 = arith.constant 0 : i32
    %dma_start3A_200 = tpu.memref_slice %arg8[%dma_start3A_187, %dma_start3A_198, %dma_start3A_199] : memref<2x128x128xf32, #tpu.memory_space<vmem>> -> memref<1x128x128xf32, #tpu.memory_space<vmem>>
    %dma_start3A_201 = tpu.memref_squeeze %dma_start3A_200 : memref<1x128x128xf32, #tpu.memory_space<vmem>> -> memref<128x128xf32, #tpu.memory_space<vmem>>
    tpu.enqueue_dma source(%dma_start3A_201 : memref<128x128xf32, #tpu.memory_space<vmem>>) target(%dma_start3A_197 : memref<128x128xf32, #tpu.memory_space<hbm>>) target_semaphore(%arg11 : memref<!tpu.dma_semaphore, #tpu.memory_space<semaphore_mem>>)
    %mul3A_202 = arith.constant 640 : i32
    %mul3A_203 = arith.muli %arg1, %mul3A_202 : i32
    %add3A_204 = arith.constant 256 : i32
    %add3A_205 = arith.addi %mul3A_203, %add3A_204 : i32
    %dma_wait3A_206 = arith.constant 0 : i32
    %dma_wait3A_207 = arith.constant 0 : i32
    %dma_wait3A_208 = arith.constant 0 : i32
    %dma_wait3A_209 = tpu.memref_slice %arg8[%dma_wait3A_206, %dma_wait3A_207, %dma_wait3A_208] : memref<2x128x128xf32, #tpu.memory_space<vmem>> -> memref<1x128x128xf32, #tpu.memory_space<vmem>>
    %dma_wait3A_210 = tpu.memref_squeeze %dma_wait3A_209 : memref<1x128x128xf32, #tpu.memory_space<vmem>> -> memref<128x128xf32, #tpu.memory_space<vmem>>
    %dma_wait3A_211 = arith.constant 0 : i32
    %dma_wait3A_212 = tpu.memref_slice %arg5[%arg0, %add3A_166, %dma_wait3A_211] : memref<2x10240x128xf32, #tpu.memory_space<hbm>> -> memref<1x128x128xf32, #tpu.memory_space<hbm>>
    %dma_wait3A_213 = tpu.memref_squeeze %dma_wait3A_212 : memref<1x128x128xf32, #tpu.memory_space<hbm>> -> memref<128x128xf32, #tpu.memory_space<hbm>>
    %dma_wait3A_214 = arith.constant 0 : i32
    %dma_wait3A_215 = tpu.memref_slice %arg5[%arg0, %add3A_166, %dma_wait3A_214] : memref<2x10240x128xf32, #tpu.memory_space<hbm>> -> memref<1x128x128xf32, #tpu.memory_space<hbm>>
    %dma_wait3A_216 = tpu.memref_squeeze %dma_wait3A_215 : memref<1x128x128xf32, #tpu.memory_space<hbm>> -> memref<128x128xf32, #tpu.memory_space<hbm>>
    %dma_wait3A_217 = arith.constant 0 : i32
    %dma_wait3A_218 = arith.constant 0 : i32
    %dma_wait3A_219 = tpu.memref_slice %arg8[%dma_wait3A_206, %dma_wait3A_217, %dma_wait3A_218] : memref<2x128x128xf32, #tpu.memory_space<vmem>> -> memref<1x128x128xf32, #tpu.memory_space<vmem>>
    %dma_wait3A_220 = tpu.memref_squeeze %dma_wait3A_219 : memref<1x128x128xf32, #tpu.memory_space<vmem>> -> memref<128x128xf32, #tpu.memory_space<vmem>>
    tpu.wait_dma2 semaphore(%arg10 : memref<!tpu.dma_semaphore, #tpu.memory_space<semaphore_mem>>) src(%dma_wait3A_220 : memref<128x128xf32, #tpu.memory_space<vmem>>) dst(%dma_wait3A_216 : memref<128x128xf32, #tpu.memory_space<hbm>>)
    %run_scoped3A_221 = arith.constant 0 : i32
    "tpu.region"() ({
      %run_scoped3A_337 = tpu.sem_alloc : memref<!tpu.dma_semaphore, #tpu.memory_space<semaphore_mem>>
      %dma_start3A_338 = arith.constant 0 : i32
      %dma_start3A_339 = arith.constant 0 : i32
      %dma_start3A_340 = tpu.memref_slice %arg8[%run_scoped3A_221, %dma_start3A_338, %dma_start3A_339] : memref<2x128x128xf32, #tpu.memory_space<vmem>> -> memref<1x128x128xf32, #tpu.memory_space<vmem>>
      %dma_start3A_341 = tpu.memref_squeeze %dma_start3A_340 : memref<1x128x128xf32, #tpu.memory_space<vmem>> -> memref<128x128xf32, #tpu.memory_space<vmem>>
      %dma_start3A_342 = arith.constant 0 : i32
      %dma_start3A_343 = tpu.memref_slice %arg9[%add3A_205, %dma_start3A_342] : memref<10240x128xf32, #tpu.memory_space<vmem_shared>> -> memref<128x128xf32, #tpu.memory_space<vmem_shared>>
      %dma_start3A_344 = arith.constant 0 : i32
      %dma_start3A_345 = arith.constant 0 : i32
      %dma_start3A_346 = tpu.memref_slice %arg8[%run_scoped3A_221, %dma_start3A_344, %dma_start3A_345] : memref<2x128x128xf32, #tpu.memory_space<vmem>> -> memref<1x128x128xf32, #tpu.memory_space<vmem>>
      %dma_start3A_347 = tpu.memref_squeeze %dma_start3A_346 : memref<1x128x128xf32, #tpu.memory_space<vmem>> -> memref<128x128xf32, #tpu.memory_space<vmem>>
      %dma_start3A_348 = arith.constant 0 : i32
      %dma_start3A_349 = tpu.memref_slice %arg9[%add3A_205, %dma_start3A_348] : memref<10240x128xf32, #tpu.memory_space<vmem_shared>> -> memref<128x128xf32, #tpu.memory_space<vmem_shared>>
      tpu.enqueue_dma source(%dma_start3A_349 : memref<128x128xf32, #tpu.memory_space<vmem_shared>>) target(%dma_start3A_347 : memref<128x128xf32, #tpu.memory_space<vmem>>) target_semaphore(%run_scoped3A_337 : memref<!tpu.dma_semaphore, #tpu.memory_space<semaphore_mem>>)
      %dma_wait3A_350 = arith.constant 0 : i32
      %dma_wait3A_351 = arith.constant 0 : i32
      %dma_wait3A_352 = tpu.memref_slice %arg8[%run_scoped3A_221, %dma_wait3A_350, %dma_wait3A_351] : memref<2x128x128xf32, #tpu.memory_space<vmem>> -> memref<1x128x128xf32, #tpu.memory_space<vmem>>
      %dma_wait3A_353 = tpu.memref_squeeze %dma_wait3A_352 : memref<1x128x128xf32, #tpu.memory_space<vmem>> -> memref<128x128xf32, #tpu.memory_space<vmem>>
      %dma_wait3A_354 = arith.constant 0 : i32
      %dma_wait3A_355 = tpu.memref_slice %arg9[%add3A_205, %dma_wait3A_354] : memref<10240x128xf32, #tpu.memory_space<vmem_shared>> -> memref<128x128xf32, #tpu.memory_space<vmem_shared>>
      %dma_wait3A_356 = arith.constant 0 : i32
      %dma_wait3A_357 = arith.constant 0 : i32
      %dma_wait3A_358 = tpu.memref_slice %arg8[%run_scoped3A_221, %dma_wait3A_356, %dma_wait3A_357] : memref<2x128x128xf32, #tpu.memory_space<vmem>> -> memref<1x128x128xf32, #tpu.memory_space<vmem>>
      %dma_wait3A_359 = tpu.memref_squeeze %dma_wait3A_358 : memref<1x128x128xf32, #tpu.memory_space<vmem>> -> memref<128x128xf32, #tpu.memory_space<vmem>>
      %dma_wait3A_360 = arith.constant 0 : i32
      %dma_wait3A_361 = tpu.memref_slice %arg9[%add3A_205, %dma_wait3A_360] : memref<10240x128xf32, #tpu.memory_space<vmem_shared>> -> memref<128x128xf32, #tpu.memory_space<vmem_shared>>
      tpu.wait_dma2 semaphore(%run_scoped3A_337 : memref<!tpu.dma_semaphore, #tpu.memory_space<semaphore_mem>>) src(%dma_wait3A_361 : memref<128x128xf32, #tpu.memory_space<vmem_shared>>) dst(%dma_wait3A_359 : memref<128x128xf32, #tpu.memory_space<vmem>>)
      tpu.yield
    }) : () -> ()
    %dma_start3A_222 = arith.constant 0 : i32
    %dma_start3A_223 = arith.constant 0 : i32
    %dma_start3A_224 = arith.constant 0 : i32
    %dma_start3A_225 = tpu.memref_slice %arg8[%dma_start3A_222, %dma_start3A_223, %dma_start3A_224] : memref<2x128x128xf32, #tpu.memory_space<vmem>> -> memref<1x128x128xf32, #tpu.memory_space<vmem>>
    %dma_start3A_226 = tpu.memref_squeeze %dma_start3A_225 : memref<1x128x128xf32, #tpu.memory_space<vmem>> -> memref<128x128xf32, #tpu.memory_space<vmem>>
    %dma_start3A_227 = arith.constant 0 : i32
    %dma_start3A_228 = tpu.memref_slice %arg5[%arg0, %add3A_205, %dma_start3A_227] : memref<2x10240x128xf32, #tpu.memory_space<hbm>> -> memref<1x128x128xf32, #tpu.memory_space<hbm>>
    %dma_start3A_229 = tpu.memref_squeeze %dma_start3A_228 : memref<1x128x128xf32, #tpu.memory_space<hbm>> -> memref<128x128xf32, #tpu.memory_space<hbm>>
    %dma_start3A_230 = arith.constant 0 : i32
    %dma_start3A_231 = tpu.memref_slice %arg5[%arg0, %add3A_205, %dma_start3A_230] : memref<2x10240x128xf32, #tpu.memory_space<hbm>> -> memref<1x128x128xf32, #tpu.memory_space<hbm>>
    %dma_start3A_232 = tpu.memref_squeeze %dma_start3A_231 : memref<1x128x128xf32, #tpu.memory_space<hbm>> -> memref<128x128xf32, #tpu.memory_space<hbm>>
    %dma_start3A_233 = arith.constant 0 : i32
    %dma_start3A_234 = arith.constant 0 : i32
    %dma_start3A_235 = tpu.memref_slice %arg8[%dma_start3A_222, %dma_start3A_233, %dma_start3A_234] : memref<2x128x128xf32, #tpu.memory_space<vmem>> -> memref<1x128x128xf32, #tpu.memory_space<vmem>>
    %dma_start3A_236 = tpu.memref_squeeze %dma_start3A_235 : memref<1x128x128xf32, #tpu.memory_space<vmem>> -> memref<128x128xf32, #tpu.memory_space<vmem>>
    tpu.enqueue_dma source(%dma_start3A_236 : memref<128x128xf32, #tpu.memory_space<vmem>>) target(%dma_start3A_232 : memref<128x128xf32, #tpu.memory_space<hbm>>) target_semaphore(%arg10 : memref<!tpu.dma_semaphore, #tpu.memory_space<semaphore_mem>>)
    %mul3A_237 = arith.constant 640 : i32
    %mul3A_238 = arith.muli %arg1, %mul3A_237 : i32
    %add3A_239 = arith.constant 384 : i32
    %add3A_240 = arith.addi %mul3A_238, %add3A_239 : i32
    %dma_wait3A_241 = arith.constant 1 : i32
    %dma_wait3A_242 = arith.constant 0 : i32
    %dma_wait3A_243 = arith.constant 0 : i32
    %dma_wait3A_244 = tpu.memref_slice %arg8[%dma_wait3A_241, %dma_wait3A_242, %dma_wait3A_243] : memref<2x128x128xf32, #tpu.memory_space<vmem>> -> memref<1x128x128xf32, #tpu.memory_space<vmem>>
    %dma_wait3A_245 = tpu.memref_squeeze %dma_wait3A_244 : memref<1x128x128xf32, #tpu.memory_space<vmem>> -> memref<128x128xf32, #tpu.memory_space<vmem>>
    %dma_wait3A_246 = arith.constant 0 : i32
    %dma_wait3A_247 = tpu.memref_slice %arg5[%arg0, %add3A_185, %dma_wait3A_246] : memref<2x10240x128xf32, #tpu.memory_space<hbm>> -> memref<1x128x128xf32, #tpu.memory_space<hbm>>
    %dma_wait3A_248 = tpu.memref_squeeze %dma_wait3A_247 : memref<1x128x128xf32, #tpu.memory_space<hbm>> -> memref<128x128xf32, #tpu.memory_space<hbm>>
    %dma_wait3A_249 = arith.constant 0 : i32
    %dma_wait3A_250 = tpu.memref_slice %arg5[%arg0, %add3A_185, %dma_wait3A_249] : memref<2x10240x128xf32, #tpu.memory_space<hbm>> -> memref<1x128x128xf32, #tpu.memory_space<hbm>>
    %dma_wait3A_251 = tpu.memref_squeeze %dma_wait3A_250 : memref<1x128x128xf32, #tpu.memory_space<hbm>> -> memref<128x128xf32, #tpu.memory_space<hbm>>
    %dma_wait3A_252 = arith.constant 0 : i32
    %dma_wait3A_253 = arith.constant 0 : i32
    %dma_wait3A_254 = tpu.memref_slice %arg8[%dma_wait3A_241, %dma_wait3A_252, %dma_wait3A_253] : memref<2x128x128xf32, #tpu.memory_space<vmem>> -> memref<1x128x128xf32, #tpu.memory_space<vmem>>
    %dma_wait3A_255 = tpu.memref_squeeze %dma_wait3A_254 : memref<1x128x128xf32, #tpu.memory_space<vmem>> -> memref<128x128xf32, #tpu.memory_space<vmem>>
    tpu.wait_dma2 semaphore(%arg11 : memref<!tpu.dma_semaphore, #tpu.memory_space<semaphore_mem>>) src(%dma_wait3A_255 : memref<128x128xf32, #tpu.memory_space<vmem>>) dst(%dma_wait3A_251 : memref<128x128xf32, #tpu.memory_space<hbm>>)
    %run_scoped3A_256 = arith.constant 1 : i32
    "tpu.region"() ({
      %run_scoped3A_337 = tpu.sem_alloc : memref<!tpu.dma_semaphore, #tpu.memory_space<semaphore_mem>>
      %dma_start3A_338 = arith.constant 0 : i32
      %dma_start3A_339 = arith.constant 0 : i32
      %dma_start3A_340 = tpu.memref_slice %arg8[%run_scoped3A_256, %dma_start3A_338, %dma_start3A_339] : memref<2x128x128xf32, #tpu.memory_space<vmem>> -> memref<1x128x128xf32, #tpu.memory_space<vmem>>
      %dma_start3A_341 = tpu.memref_squeeze %dma_start3A_340 : memref<1x128x128xf32, #tpu.memory_space<vmem>> -> memref<128x128xf32, #tpu.memory_space<vmem>>
      %dma_start3A_342 = arith.constant 0 : i32
      %dma_start3A_343 = tpu.memref_slice %arg9[%add3A_240, %dma_start3A_342] : memref<10240x128xf32, #tpu.memory_space<vmem_shared>> -> memref<128x128xf32, #tpu.memory_space<vmem_shared>>
      %dma_start3A_344 = arith.constant 0 : i32
      %dma_start3A_345 = arith.constant 0 : i32
      %dma_start3A_346 = tpu.memref_slice %arg8[%run_scoped3A_256, %dma_start3A_344, %dma_start3A_345] : memref<2x128x128xf32, #tpu.memory_space<vmem>> -> memref<1x128x128xf32, #tpu.memory_space<vmem>>
      %dma_start3A_347 = tpu.memref_squeeze %dma_start3A_346 : memref<1x128x128xf32, #tpu.memory_space<vmem>> -> memref<128x128xf32, #tpu.memory_space<vmem>>
      %dma_start3A_348 = arith.constant 0 : i32
      %dma_start3A_349 = tpu.memref_slice %arg9[%add3A_240, %dma_start3A_348] : memref<10240x128xf32, #tpu.memory_space<vmem_shared>> -> memref<128x128xf32, #tpu.memory_space<vmem_shared>>
      tpu.enqueue_dma source(%dma_start3A_349 : memref<128x128xf32, #tpu.memory_space<vmem_shared>>) target(%dma_start3A_347 : memref<128x128xf32, #tpu.memory_space<vmem>>) target_semaphore(%run_scoped3A_337 : memref<!tpu.dma_semaphore, #tpu.memory_space<semaphore_mem>>)
      %dma_wait3A_350 = arith.constant 0 : i32
      %dma_wait3A_351 = arith.constant 0 : i32
      %dma_wait3A_352 = tpu.memref_slice %arg8[%run_scoped3A_256, %dma_wait3A_350, %dma_wait3A_351] : memref<2x128x128xf32, #tpu.memory_space<vmem>> -> memref<1x128x128xf32, #tpu.memory_space<vmem>>
      %dma_wait3A_353 = tpu.memref_squeeze %dma_wait3A_352 : memref<1x128x128xf32, #tpu.memory_space<vmem>> -> memref<128x128xf32, #tpu.memory_space<vmem>>
      %dma_wait3A_354 = arith.constant 0 : i32
      %dma_wait3A_355 = tpu.memref_slice %arg9[%add3A_240, %dma_wait3A_354] : memref<10240x128xf32, #tpu.memory_space<vmem_shared>> -> memref<128x128xf32, #tpu.memory_space<vmem_shared>>
      %dma_wait3A_356 = arith.constant 0 : i32
      %dma_wait3A_357 = arith.constant 0 : i32
      %dma_wait3A_358 = tpu.memref_slice %arg8[%run_scoped3A_256, %dma_wait3A_356, %dma_wait3A_357] : memref<2x128x128xf32, #tpu.memory_space<vmem>> -> memref<1x128x128xf32, #tpu.memory_space<vmem>>
      %dma_wait3A_359 = tpu.memref_squeeze %dma_wait3A_358 : memref<1x128x128xf32, #tpu.memory_space<vmem>> -> memref<128x128xf32, #tpu.memory_space<vmem>>
      %dma_wait3A_360 = arith.constant 0 : i32
      %dma_wait3A_361 = tpu.memref_slice %arg9[%add3A_240, %dma_wait3A_360] : memref<10240x128xf32, #tpu.memory_space<vmem_shared>> -> memref<128x128xf32, #tpu.memory_space<vmem_shared>>
      tpu.wait_dma2 semaphore(%run_scoped3A_337 : memref<!tpu.dma_semaphore, #tpu.memory_space<semaphore_mem>>) src(%dma_wait3A_361 : memref<128x128xf32, #tpu.memory_space<vmem_shared>>) dst(%dma_wait3A_359 : memref<128x128xf32, #tpu.memory_space<vmem>>)
      tpu.yield
    }) : () -> ()
    %dma_start3A_257 = arith.constant 1 : i32
    %dma_start3A_258 = arith.constant 0 : i32
    %dma_start3A_259 = arith.constant 0 : i32
    %dma_start3A_260 = tpu.memref_slice %arg8[%dma_start3A_257, %dma_start3A_258, %dma_start3A_259] : memref<2x128x128xf32, #tpu.memory_space<vmem>> -> memref<1x128x128xf32, #tpu.memory_space<vmem>>
    %dma_start3A_261 = tpu.memref_squeeze %dma_start3A_260 : memref<1x128x128xf32, #tpu.memory_space<vmem>> -> memref<128x128xf32, #tpu.memory_space<vmem>>
    %dma_start3A_262 = arith.constant 0 : i32
    %dma_start3A_263 = tpu.memref_slice %arg5[%arg0, %add3A_240, %dma_start3A_262] : memref<2x10240x128xf32, #tpu.memory_space<hbm>> -> memref<1x128x128xf32, #tpu.memory_space<hbm>>
    %dma_start3A_264 = tpu.memref_squeeze %dma_start3A_263 : memref<1x128x128xf32, #tpu.memory_space<hbm>> -> memref<128x128xf32, #tpu.memory_space<hbm>>
    %dma_start3A_265 = arith.constant 0 : i32
    %dma_start3A_266 = tpu.memref_slice %arg5[%arg0, %add3A_240, %dma_start3A_265] : memref<2x10240x128xf32, #tpu.memory_space<hbm>> -> memref<1x128x128xf32, #tpu.memory_space<hbm>>
    %dma_start3A_267 = tpu.memref_squeeze %dma_start3A_266 : memref<1x128x128xf32, #tpu.memory_space<hbm>> -> memref<128x128xf32, #tpu.memory_space<hbm>>
    %dma_start3A_268 = arith.constant 0 : i32
    %dma_start3A_269 = arith.constant 0 : i32
    %dma_start3A_270 = tpu.memref_slice %arg8[%dma_start3A_257, %dma_start3A_268, %dma_start3A_269] : memref<2x128x128xf32, #tpu.memory_space<vmem>> -> memref<1x128x128xf32, #tpu.memory_space<vmem>>
    %dma_start3A_271 = tpu.memref_squeeze %dma_start3A_270 : memref<1x128x128xf32, #tpu.memory_space<vmem>> -> memref<128x128xf32, #tpu.memory_space<vmem>>
    tpu.enqueue_dma source(%dma_start3A_271 : memref<128x128xf32, #tpu.memory_space<vmem>>) target(%dma_start3A_267 : memref<128x128xf32, #tpu.memory_space<hbm>>) target_semaphore(%arg11 : memref<!tpu.dma_semaphore, #tpu.memory_space<semaphore_mem>>)
    %mul3A_272 = arith.constant 640 : i32
    %mul3A_273 = arith.muli %arg1, %mul3A_272 : i32
    %add3A_274 = arith.constant 512 : i32
    %add3A_275 = arith.addi %mul3A_273, %add3A_274 : i32
    %dma_wait3A_276 = arith.constant 0 : i32
    %dma_wait3A_277 = arith.constant 0 : i32
    %dma_wait3A_278 = arith.constant 0 : i32
    %dma_wait3A_279 = tpu.memref_slice %arg8[%dma_wait3A_276, %dma_wait3A_277, %dma_wait3A_278] : memref<2x128x128xf32, #tpu.memory_space<vmem>> -> memref<1x128x128xf32, #tpu.memory_space<vmem>>
    %dma_wait3A_280 = tpu.memref_squeeze %dma_wait3A_279 : memref<1x128x128xf32, #tpu.memory_space<vmem>> -> memref<128x128xf32, #tpu.memory_space<vmem>>
    %dma_wait3A_281 = arith.constant 0 : i32
    %dma_wait3A_282 = tpu.memref_slice %arg5[%arg0, %add3A_205, %dma_wait3A_281] : memref<2x10240x128xf32, #tpu.memory_space<hbm>> -> memref<1x128x128xf32, #tpu.memory_space<hbm>>
    %dma_wait3A_283 = tpu.memref_squeeze %dma_wait3A_282 : memref<1x128x128xf32, #tpu.memory_space<hbm>> -> memref<128x128xf32, #tpu.memory_space<hbm>>
    %dma_wait3A_284 = arith.constant 0 : i32
    %dma_wait3A_285 = tpu.memref_slice %arg5[%arg0, %add3A_205, %dma_wait3A_284] : memref<2x10240x128xf32, #tpu.memory_space<hbm>> -> memref<1x128x128xf32, #tpu.memory_space<hbm>>
    %dma_wait3A_286 = tpu.memref_squeeze %dma_wait3A_285 : memref<1x128x128xf32, #tpu.memory_space<hbm>> -> memref<128x128xf32, #tpu.memory_space<hbm>>
    %dma_wait3A_287 = arith.constant 0 : i32
    %dma_wait3A_288 = arith.constant 0 : i32
    %dma_wait3A_289 = tpu.memref_slice %arg8[%dma_wait3A_276, %dma_wait3A_287, %dma_wait3A_288] : memref<2x128x128xf32, #tpu.memory_space<vmem>> -> memref<1x128x128xf32, #tpu.memory_space<vmem>>
    %dma_wait3A_290 = tpu.memref_squeeze %dma_wait3A_289 : memref<1x128x128xf32, #tpu.memory_space<vmem>> -> memref<128x128xf32, #tpu.memory_space<vmem>>
    tpu.wait_dma2 semaphore(%arg10 : memref<!tpu.dma_semaphore, #tpu.memory_space<semaphore_mem>>) src(%dma_wait3A_290 : memref<128x128xf32, #tpu.memory_space<vmem>>) dst(%dma_wait3A_286 : memref<128x128xf32, #tpu.memory_space<hbm>>)
    %run_scoped3A_291 = arith.constant 0 : i32
    "tpu.region"() ({
      %run_scoped3A_337 = tpu.sem_alloc : memref<!tpu.dma_semaphore, #tpu.memory_space<semaphore_mem>>
      %dma_start3A_338 = arith.constant 0 : i32
      %dma_start3A_339 = arith.constant 0 : i32
      %dma_start3A_340 = tpu.memref_slice %arg8[%run_scoped3A_291, %dma_start3A_338, %dma_start3A_339] : memref<2x128x128xf32, #tpu.memory_space<vmem>> -> memref<1x128x128xf32, #tpu.memory_space<vmem>>
      %dma_start3A_341 = tpu.memref_squeeze %dma_start3A_340 : memref<1x128x128xf32, #tpu.memory_space<vmem>> -> memref<128x128xf32, #tpu.memory_space<vmem>>
      %dma_start3A_342 = arith.constant 0 : i32
      %dma_start3A_343 = tpu.memref_slice %arg9[%add3A_275, %dma_start3A_342] : memref<10240x128xf32, #tpu.memory_space<vmem_shared>> -> memref<128x128xf32, #tpu.memory_space<vmem_shared>>
      %dma_start3A_344 = arith.constant 0 : i32
      %dma_start3A_345 = arith.constant 0 : i32
      %dma_start3A_346 = tpu.memref_slice %arg8[%run_scoped3A_291, %dma_start3A_344, %dma_start3A_345] : memref<2x128x128xf32, #tpu.memory_space<vmem>> -> memref<1x128x128xf32, #tpu.memory_space<vmem>>
      %dma_start3A_347 = tpu.memref_squeeze %dma_start3A_346 : memref<1x128x128xf32, #tpu.memory_space<vmem>> -> memref<128x128xf32, #tpu.memory_space<vmem>>
      %dma_start3A_348 = arith.constant 0 : i32
      %dma_start3A_349 = tpu.memref_slice %arg9[%add3A_275, %dma_start3A_348] : memref<10240x128xf32, #tpu.memory_space<vmem_shared>> -> memref<128x128xf32, #tpu.memory_space<vmem_shared>>
      tpu.enqueue_dma source(%dma_start3A_349 : memref<128x128xf32, #tpu.memory_space<vmem_shared>>) target(%dma_start3A_347 : memref<128x128xf32, #tpu.memory_space<vmem>>) target_semaphore(%run_scoped3A_337 : memref<!tpu.dma_semaphore, #tpu.memory_space<semaphore_mem>>)
      %dma_wait3A_350 = arith.constant 0 : i32
      %dma_wait3A_351 = arith.constant 0 : i32
      %dma_wait3A_352 = tpu.memref_slice %arg8[%run_scoped3A_291, %dma_wait3A_350, %dma_wait3A_351] : memref<2x128x128xf32, #tpu.memory_space<vmem>> -> memref<1x128x128xf32, #tpu.memory_space<vmem>>
      %dma_wait3A_353 = tpu.memref_squeeze %dma_wait3A_352 : memref<1x128x128xf32, #tpu.memory_space<vmem>> -> memref<128x128xf32, #tpu.memory_space<vmem>>
      %dma_wait3A_354 = arith.constant 0 : i32
      %dma_wait3A_355 = tpu.memref_slice %arg9[%add3A_275, %dma_wait3A_354] : memref<10240x128xf32, #tpu.memory_space<vmem_shared>> -> memref<128x128xf32, #tpu.memory_space<vmem_shared>>
      %dma_wait3A_356 = arith.constant 0 : i32
      %dma_wait3A_357 = arith.constant 0 : i32
      %dma_wait3A_358 = tpu.memref_slice %arg8[%run_scoped3A_291, %dma_wait3A_356, %dma_wait3A_357] : memref<2x128x128xf32, #tpu.memory_space<vmem>> -> memref<1x128x128xf32, #tpu.memory_space<vmem>>
      %dma_wait3A_359 = tpu.memref_squeeze %dma_wait3A_358 : memref<1x128x128xf32, #tpu.memory_space<vmem>> -> memref<128x128xf32, #tpu.memory_space<vmem>>
      %dma_wait3A_360 = arith.constant 0 : i32
      %dma_wait3A_361 = tpu.memref_slice %arg9[%add3A_275, %dma_wait3A_360] : memref<10240x128xf32, #tpu.memory_space<vmem_shared>> -> memref<128x128xf32, #tpu.memory_space<vmem_shared>>
      tpu.wait_dma2 semaphore(%run_scoped3A_337 : memref<!tpu.dma_semaphore, #tpu.memory_space<semaphore_mem>>) src(%dma_wait3A_361 : memref<128x128xf32, #tpu.memory_space<vmem_shared>>) dst(%dma_wait3A_359 : memref<128x128xf32, #tpu.memory_space<vmem>>)
      tpu.yield
    }) : () -> ()
    %dma_start3A_292 = arith.constant 0 : i32
    %dma_start3A_293 = arith.constant 0 : i32
    %dma_start3A_294 = arith.constant 0 : i32
    %dma_start3A_295 = tpu.memref_slice %arg8[%dma_start3A_292, %dma_start3A_293, %dma_start3A_294] : memref<2x128x128xf32, #tpu.memory_space<vmem>> -> memref<1x128x128xf32, #tpu.memory_space<vmem>>
    %dma_start3A_296 = tpu.memref_squeeze %dma_start3A_295 : memref<1x128x128xf32, #tpu.memory_space<vmem>> -> memref<128x128xf32, #tpu.memory_space<vmem>>
    %dma_start3A_297 = arith.constant 0 : i32
    %dma_start3A_298 = tpu.memref_slice %arg5[%arg0, %add3A_275, %dma_start3A_297] : memref<2x10240x128xf32, #tpu.memory_space<hbm>> -> memref<1x128x128xf32, #tpu.memory_space<hbm>>
    %dma_start3A_299 = tpu.memref_squeeze %dma_start3A_298 : memref<1x128x128xf32, #tpu.memory_space<hbm>> -> memref<128x128xf32, #tpu.memory_space<hbm>>
    %dma_start3A_300 = arith.constant 0 : i32
    %dma_start3A_301 = tpu.memref_slice %arg5[%arg0, %add3A_275, %dma_start3A_300] : memref<2x10240x128xf32, #tpu.memory_space<hbm>> -> memref<1x128x128xf32, #tpu.memory_space<hbm>>
    %dma_start3A_302 = tpu.memref_squeeze %dma_start3A_301 : memref<1x128x128xf32, #tpu.memory_space<hbm>> -> memref<128x128xf32, #tpu.memory_space<hbm>>
    %dma_start3A_303 = arith.constant 0 : i32
    %dma_start3A_304 = arith.constant 0 : i32
    %dma_start3A_305 = tpu.memref_slice %arg8[%dma_start3A_292, %dma_start3A_303, %dma_start3A_304] : memref<2x128x128xf32, #tpu.memory_space<vmem>> -> memref<1x128x128xf32, #tpu.memory_space<vmem>>
    %dma_start3A_306 = tpu.memref_squeeze %dma_start3A_305 : memref<1x128x128xf32, #tpu.memory_space<vmem>> -> memref<128x128xf32, #tpu.memory_space<vmem>>
    tpu.enqueue_dma source(%dma_start3A_306 : memref<128x128xf32, #tpu.memory_space<vmem>>) target(%dma_start3A_302 : memref<128x128xf32, #tpu.memory_space<hbm>>) target_semaphore(%arg10 : memref<!tpu.dma_semaphore, #tpu.memory_space<semaphore_mem>>)
    %dma_wait3A_307 = arith.constant 0 : i32
    %dma_wait3A_308 = arith.constant 0 : i32
    %dma_wait3A_309 = arith.constant 0 : i32
    %dma_wait3A_310 = tpu.memref_slice %arg8[%dma_wait3A_307, %dma_wait3A_308, %dma_wait3A_309] : memref<2x128x128xf32, #tpu.memory_space<vmem>> -> memref<1x128x128xf32, #tpu.memory_space<vmem>>
    %dma_wait3A_311 = tpu.memref_squeeze %dma_wait3A_310 : memref<1x128x128xf32, #tpu.memory_space<vmem>> -> memref<128x128xf32, #tpu.memory_space<vmem>>
    %dma_wait3A_312 = arith.constant 0 : i32
    %dma_wait3A_313 = tpu.memref_slice %arg5[%arg0, %add3A_275, %dma_wait3A_312] : memref<2x10240x128xf32, #tpu.memory_space<hbm>> -> memref<1x128x128xf32, #tpu.memory_space<hbm>>
    %dma_wait3A_314 = tpu.memref_squeeze %dma_wait3A_313 : memref<1x128x128xf32, #tpu.memory_space<hbm>> -> memref<128x128xf32, #tpu.memory_space<hbm>>
    %dma_wait3A_315 = arith.constant 0 : i32
    %dma_wait3A_316 = tpu.memref_slice %arg5[%arg0, %add3A_275, %dma_wait3A_315] : memref<2x10240x128xf32, #tpu.memory_space<hbm>> -> memref<1x128x128xf32, #tpu.memory_space<hbm>>
    %dma_wait3A_317 = tpu.memref_squeeze %dma_wait3A_316 : memref<1x128x128xf32, #tpu.memory_space<hbm>> -> memref<128x128xf32, #tpu.memory_space<hbm>>
    %dma_wait3A_318 = arith.constant 0 : i32
    %dma_wait3A_319 = arith.constant 0 : i32
    %dma_wait3A_320 = tpu.memref_slice %arg8[%dma_wait3A_307, %dma_wait3A_318, %dma_wait3A_319] : memref<2x128x128xf32, #tpu.memory_space<vmem>> -> memref<1x128x128xf32, #tpu.memory_space<vmem>>
    %dma_wait3A_321 = tpu.memref_squeeze %dma_wait3A_320 : memref<1x128x128xf32, #tpu.memory_space<vmem>> -> memref<128x128xf32, #tpu.memory_space<vmem>>
    tpu.wait_dma2 semaphore(%arg10 : memref<!tpu.dma_semaphore, #tpu.memory_space<semaphore_mem>>) src(%dma_wait3A_321 : memref<128x128xf32, #tpu.memory_space<vmem>>) dst(%dma_wait3A_317 : memref<128x128xf32, #tpu.memory_space<hbm>>)
    %dma_wait3A_322 = arith.constant 1 : i32
    %dma_wait3A_323 = arith.constant 0 : i32
    %dma_wait3A_324 = arith.constant 0 : i32
    %dma_wait3A_325 = tpu.memref_slice %arg8[%dma_wait3A_322, %dma_wait3A_323, %dma_wait3A_324] : memref<2x128x128xf32, #tpu.memory_space<vmem>> -> memref<1x128x128xf32, #tpu.memory_space<vmem>>
    %dma_wait3A_326 = tpu.memref_squeeze %dma_wait3A_325 : memref<1x128x128xf32, #tpu.memory_space<vmem>> -> memref<128x128xf32, #tpu.memory_space<vmem>>
    %dma_wait3A_327 = arith.constant 0 : i32
    %dma_wait3A_328 = tpu.memref_slice %arg5[%arg0, %add3A_240, %dma_wait3A_327] : memref<2x10240x128xf32, #tpu.memory_space<hbm>> -> memref<1x128x128xf32, #tpu.memory_space<hbm>>
    %dma_wait3A_329 = tpu.memref_squeeze %dma_wait3A_328 : memref<1x128x128xf32, #tpu.memory_space<hbm>> -> memref<128x128xf32, #tpu.memory_space<hbm>>
    %dma_wait3A_330 = arith.constant 0 : i32
    %dma_wait3A_331 = tpu.memref_slice %arg5[%arg0, %add3A_240, %dma_wait3A_330] : memref<2x10240x128xf32, #tpu.memory_space<hbm>> -> memref<1x128x128xf32, #tpu.memory_space<hbm>>
    %dma_wait3A_332 = tpu.memref_squeeze %dma_wait3A_331 : memref<1x128x128xf32, #tpu.memory_space<hbm>> -> memref<128x128xf32, #tpu.memory_space<hbm>>
    %dma_wait3A_333 = arith.constant 0 : i32
    %dma_wait3A_334 = arith.constant 0 : i32
    %dma_wait3A_335 = tpu.memref_slice %arg8[%dma_wait3A_322, %dma_wait3A_333, %dma_wait3A_334] : memref<2x128x128xf32, #tpu.memory_space<vmem>> -> memref<1x128x128xf32, #tpu.memory_space<vmem>>
    %dma_wait3A_336 = tpu.memref_squeeze %dma_wait3A_335 : memref<1x128x128xf32, #tpu.memory_space<vmem>> -> memref<128x128xf32, #tpu.memory_space<vmem>>
    tpu.wait_dma2 semaphore(%arg11 : memref<!tpu.dma_semaphore, #tpu.memory_space<semaphore_mem>>) src(%dma_wait3A_336 : memref<128x128xf32, #tpu.memory_space<vmem>>) dst(%dma_wait3A_332 : memref<128x128xf32, #tpu.memory_space<hbm>>)
    return
  }
}

module attributes {stable_mosaic.version = 14 : i64} {
  func.func @_tc1_body(%arg0: i32, %arg1: memref<2048x128xf32, #tpu.memory_space<vmem>>, %arg2: memref<128x128xf32, #tpu.memory_space<vmem>>, %arg3: memref<2x2048xf32, #tpu.memory_space<vmem>>, %arg4: memref<1x10240xi32, #tpu.memory_space<vmem>>, %arg5: memref<1x2048x128xf32, #tpu.memory_space<vmem>>, %arg6: memref<1x2048xf32, #tpu.memory_space<vmem>>, %arg7: memref<1x128xi32, #tpu.memory_space<vmem>>) attributes {dimension_semantics = [#tpu.dimension_semantics<arbitrary>], iteration_bounds = array<i64: 5>, scalar_prefetch = 0 : i64, scratch_operands = 0 : i64, tpu.core_type = #tpu.core_type<tc>, window_params = [{transform_indices = @transform_0, window_bounds = array<i64: 2048, 128>}, {pipeline_mode = #tpu.pipeline_mode<synchronous>, transform_indices = @transform_1, window_bounds = array<i64: 128, 128>}, {transform_indices = @transform_2, window_bounds = array<i64: 2, 2048>}, {pipeline_mode = #tpu.pipeline_mode<synchronous>, transform_indices = @transform_3, window_bounds = array<i64: 1, 10240>}, {transform_indices = @transform_4, window_bounds = array<i64: 1, 2048, 128>}, {transform_indices = @transform_5, window_bounds = array<i64: 1, 2048>}, {pipeline_mode = #tpu.pipeline_mode<synchronous>, transform_indices = @transform_6, window_bounds = array<i64: 1, 128>}]} {
    %get3A = arith.constant 0 : index
    %get3A_0 = arith.constant 0 : index
    %get3A_1 = vector.load %arg3[%get3A, %get3A_0] : memref<2x2048xf32, #tpu.memory_space<vmem>>, vector<1x2048xf32>
    %get3A_2 = vector.shape_cast %get3A_1 : vector<1x2048xf32> to vector<2048xf32>
    %get3A_3 = arith.constant 1 : index
    %get3A_4 = arith.constant 0 : index
    %get3A_5 = vector.load %arg3[%get3A_3, %get3A_4] : memref<2x2048xf32, #tpu.memory_space<vmem>>, vector<1x2048xf32>
    %get3A_6 = vector.shape_cast %get3A_5 : vector<1x2048xf32> to vector<2048xf32>
    %add3A = arith.addf %get3A_2, %get3A_6 : vector<2048xf32>
    %add3A_7 = arith.constant 1.000000e+00 : f32
    %add3A_8 = vector.broadcast %add3A_7 : f32 to vector<2048xf32>
    %add3A_9 = arith.addf %add3A, %add3A_8 : vector<2048xf32>
    %rsqrt3A = math.rsqrt %add3A_9 : vector<2048xf32>
    %swap3A = arith.constant 0 : index
    %swap3A_10 = arith.constant 0 : index
    %swap3A_11 = vector.load %arg6[%swap3A, %swap3A_10] : memref<1x2048xf32, #tpu.memory_space<vmem>>, vector<1x2048xf32>
    %swap3A_12 = vector.shape_cast %swap3A_11 : vector<1x2048xf32> to vector<2048xf32>
    %swap3A_13 = vector.shape_cast %rsqrt3A : vector<2048xf32> to vector<1x2048xf32>
    tpu.vector_store %arg6[%swap3A, %swap3A_10], %swap3A_13 {strides = array<i32>} : memref<1x2048xf32, #tpu.memory_space<vmem>>, vector<1x2048xf32>,
    %get3A_14 = arith.constant 0 : index
    %get3A_15 = arith.constant 0 : index
    %get3A_16 = vector.load %arg1[%get3A_14, %get3A_15] : memref<2048x128xf32, #tpu.memory_space<vmem>>, vector<2048x128xf32>
    %get3A_17 = arith.constant 0 : index
    %get3A_18 = arith.constant 0 : index
    %get3A_19 = vector.load %arg2[%get3A_17, %get3A_18] : memref<128x128xf32, #tpu.memory_space<vmem>>, vector<128x128xf32>
    %dot_general3A = arith.constant dense<0.000000e+00> : vector<2048x128xf32>
    %dot_general3A_20 = tpu.matmul %get3A_16, %get3A_19, %dot_general3A {dimension_numbers = #tpu.dot_dimension_numbers<[1], [0], [0], [1], [0, 0, 1, 1], [], []>, transpose_lhs_hint = false} : vector<2048x128xf32>, vector<128x128xf32>, vector<2048x128xf32> -> vector<2048x128xf32>
    %broadcast_in_dim3A = vector.shape_cast %rsqrt3A : vector<2048xf32> to vector<2048x1xf32>
    %mul3A = vector.broadcast %broadcast_in_dim3A : vector<2048x1xf32> to vector<2048x128xf32>
    %mul3A_21 = arith.mulf %dot_general3A_20, %mul3A : vector<2048x128xf32>
    %swap3A_22 = arith.constant 0 : index
    %swap3A_23 = arith.constant 0 : index
    %swap3A_24 = arith.constant 0 : index
    %swap3A_25 = vector.load %arg5[%swap3A_22, %swap3A_23, %swap3A_24] : memref<1x2048x128xf32, #tpu.memory_space<vmem>>, vector<1x2048x128xf32>
    %swap3A_26 = vector.shape_cast %swap3A_25 : vector<1x2048x128xf32> to vector<2048x128xf32>
    %swap3A_27 = vector.shape_cast %mul3A_21 : vector<2048x128xf32> to vector<1x2048x128xf32>
    tpu.vector_store %arg5[%swap3A_22, %swap3A_23, %swap3A_24], %swap3A_27 {strides = array<i32>} : memref<1x2048x128xf32, #tpu.memory_space<vmem>>, vector<1x2048x128xf32>,
    %eq3A = arith.constant 0 : i32
    %eq3A_28 = arith.cmpi eq, %arg0, %eq3A : i32
    %convert_element_type3A = arith.extui %eq3A_28 : i1 to i32
    %cond3A = arith.constant 0 : i32
    %cond3A_29 = arith.cmpi ne, %convert_element_type3A, %cond3A : i32
    scf.if %cond3A_29 {
      %get3A_30 = arith.constant 0 : index
      %get3A_31 = arith.constant 0 : index
      %get3A_32 = vector.load %arg4[%get3A_30, %get3A_31] : memref<1x10240xi32, #tpu.memory_space<vmem>>, vector<1x10240xi32>
      %get3A_33 = vector.shape_cast %get3A_32 : vector<1x10240xi32> to vector<10240xi32>
      %broadcast_in_dim3A_34 = vector.shape_cast %get3A_33 : vector<10240xi32> to vector<10240x1xi32>
      %iota3A = tpu.iota {dimensions = array<i32: 1>} : vector<1x128xi32>
      %lt3A = vector.broadcast %broadcast_in_dim3A_34 : vector<10240x1xi32> to vector<10240x128xi32>
      %lt3A_35 = vector.broadcast %iota3A : vector<1x128xi32> to vector<10240x128xi32>
      %lt3A_36 = arith.cmpi slt, %lt3A, %lt3A_35 : vector<10240x128xi32>
      %convert_element_type3A_37 = arith.extui %lt3A_36 : vector<10240x128xi1> to vector<10240x128xi32>
      %reduce_sum3A = arith.constant dense<0> : vector<128xi32>
      %reduce_sum3A_38 = vector.multi_reduction <add>, %convert_element_type3A_37, %reduce_sum3A [0] : vector<10240x128xi32> to vector<128xi32>
      %broadcast_in_dim3A_39 = vector.shape_cast %reduce_sum3A_38 : vector<128xi32> to vector<1x128xi32>
      %swap3A_40 = arith.constant 0 : index
      %swap3A_41 = arith.constant 0 : index
      %swap3A_42 = vector.load %arg7[%swap3A_40, %swap3A_41] : memref<1x128xi32, #tpu.memory_space<vmem>>, vector<1x128xi32>
      tpu.vector_store %arg7[%swap3A_40, %swap3A_41], %broadcast_in_dim3A_39 {strides = array<i32>} : memref<1x128xi32, #tpu.memory_space<vmem>>, vector<1x128xi32>,
    } else {
    }
    return
  }
  func.func @transform_0(%arg0: i32) -> (i32, i32) {
    %c0_i32 = arith.constant 0 : i32
    %c0_i32_0 = arith.constant 0 : i32
    return %arg0, %c0_i32 : i32, i32
  }
  func.func @transform_1(%arg0: i32) -> (i32, i32) {
    %c0_i32 = arith.constant 0 : i32
    %c0_i32_0 = arith.constant 0 : i32
    %c0_i32_1 = arith.constant 0 : i32
    return %c0_i32, %c0_i32_0 : i32, i32
  }
  func.func @transform_2(%arg0: i32) -> (i32, i32) {
    %c0_i32 = arith.constant 0 : i32
    %c0_i32_0 = arith.constant 0 : i32
    return %c0_i32, %arg0 : i32, i32
  }
  func.func @transform_3(%arg0: i32) -> (i32, i32) {
    %c0_i32 = arith.constant 0 : i32
    %c0_i32_0 = arith.constant 0 : i32
    %c0_i32_1 = arith.constant 0 : i32
    return %c0_i32, %c0_i32_0 : i32, i32
  }
  func.func @transform_4(%arg0: i32) -> (i32, i32, i32) {
    %c0_i32 = arith.constant 0 : i32
    %c0_i32_0 = arith.constant 0 : i32
    %c0_i32_1 = arith.constant 0 : i32
    return %c0_i32, %arg0, %c0_i32_0 : i32, i32, i32
  }
  func.func @transform_5(%arg0: i32) -> (i32, i32) {
    %c0_i32 = arith.constant 0 : i32
    %c0_i32_0 = arith.constant 0 : i32
    return %c0_i32, %arg0 : i32, i32
  }
  func.func @transform_6(%arg0: i32) -> (i32, i32) {
    %c0_i32 = arith.constant 0 : i32
    %c0_i32_0 = arith.constant 0 : i32
    %c0_i32_1 = arith.constant 0 : i32
    return %c0_i32, %c0_i32_0 : i32, i32
  }
}

module attributes {stable_mosaic.version = 14 : i64} {
  func.func @_tc2_body(%arg0: i32, %arg1: memref<2x2048x128xf32, #tpu.memory_space<vmem>>, %arg2: memref<1x2048x128xf32, #tpu.memory_space<vmem>>, %arg3: memref<1x2048xf32, #tpu.memory_space<vmem>>, %arg4: memref<1x128xf32, #tpu.memory_space<vmem>>, %arg5: memref<128x256xf32, #tpu.memory_space<vmem>>, %arg6: memref<2x2048x128xf32, #tpu.memory_space<vmem>>) attributes {dimension_semantics = [#tpu.dimension_semantics<arbitrary>], iteration_bounds = array<i64: 5>, scalar_prefetch = 0 : i64, scratch_operands = 0 : i64, tpu.core_type = #tpu.core_type<tc>, window_params = [{transform_indices = @transform_0, window_bounds = array<i64: 2, 2048, 128>}, {transform_indices = @transform_1, window_bounds = array<i64: 1, 2048, 128>}, {transform_indices = @transform_2, window_bounds = array<i64: 1, 2048>}, {pipeline_mode = #tpu.pipeline_mode<synchronous>, transform_indices = @transform_3, window_bounds = array<i64: 1, 128>}, {pipeline_mode = #tpu.pipeline_mode<synchronous>, transform_indices = @transform_4, window_bounds = array<i64: 128, 256>}, {transform_indices = @transform_5, window_bounds = array<i64: 2, 2048, 128>}]} {
    %get3A = arith.constant 0 : index
    %get3A_0 = arith.constant 0 : index
    %get3A_1 = vector.load %arg3[%get3A, %get3A_0] : memref<1x2048xf32, #tpu.memory_space<vmem>>, vector<1x2048xf32>
    %get3A_2 = vector.shape_cast %get3A_1 : vector<1x2048xf32> to vector<2048xf32>
    %broadcast_in_dim3A = vector.shape_cast %get3A_2 : vector<2048xf32> to vector<2048x1xf32>
    %get3A_3 = arith.constant 0 : index
    %get3A_4 = arith.constant 0 : index
    %get3A_5 = arith.constant 0 : index
    %get3A_6 = vector.load %arg1[%get3A_3, %get3A_4, %get3A_5] : memref<2x2048x128xf32, #tpu.memory_space<vmem>>, vector<1x2048x128xf32>
    %get3A_7 = vector.shape_cast %get3A_6 : vector<1x2048x128xf32> to vector<2048x128xf32>
    %get3A_8 = arith.constant 1 : index
    %get3A_9 = arith.constant 0 : index
    %get3A_10 = arith.constant 0 : index
    %get3A_11 = vector.load %arg1[%get3A_8, %get3A_9, %get3A_10] : memref<2x2048x128xf32, #tpu.memory_space<vmem>>, vector<1x2048x128xf32>
    %get3A_12 = vector.shape_cast %get3A_11 : vector<1x2048x128xf32> to vector<2048x128xf32>
    %add3A = arith.addf %get3A_7, %get3A_12 : vector<2048x128xf32>
    %get3A_13 = arith.constant 0 : index
    %get3A_14 = arith.constant 0 : index
    %get3A_15 = arith.constant 0 : index
    %get3A_16 = vector.load %arg2[%get3A_13, %get3A_14, %get3A_15] : memref<1x2048x128xf32, #tpu.memory_space<vmem>>, vector<1x2048x128xf32>
    %get3A_17 = vector.shape_cast %get3A_16 : vector<1x2048x128xf32> to vector<2048x128xf32>
    %add3A_18 = arith.addf %add3A, %get3A_17 : vector<2048x128xf32>
    %mul3A = vector.broadcast %broadcast_in_dim3A : vector<2048x1xf32> to vector<2048x128xf32>
    %mul3A_19 = arith.mulf %mul3A, %add3A_18 : vector<2048x128xf32>
    %get3A_20 = arith.constant 0 : index
    %get3A_21 = arith.constant 0 : index
    %get3A_22 = vector.load %arg4[%get3A_20, %get3A_21] : memref<1x128xf32, #tpu.memory_space<vmem>>, vector<1x128xf32>
    %get3A_23 = vector.shape_cast %get3A_22 : vector<1x128xf32> to vector<128xf32>
    %broadcast_in_dim3A_24 = vector.shape_cast %get3A_23 : vector<128xf32> to vector<1x128xf32>
    %add3A_25 = vector.broadcast %broadcast_in_dim3A_24 : vector<1x128xf32> to vector<2048x128xf32>
    %add3A_26 = arith.addf %mul3A_19, %add3A_25 : vector<2048x128xf32>
    %max3A = arith.constant 0.000000e+00 : f32
    %max3A_27 = vector.broadcast %max3A : f32 to vector<2048x128xf32>
    %max3A_28 = arith.maximumf %add3A_26, %max3A_27 : vector<2048x128xf32>
    %get3A_29 = arith.constant 0 : index
    %get3A_30 = arith.constant 0 : index
    %get3A_31 = vector.load %arg5[%get3A_29, %get3A_30] : memref<128x256xf32, #tpu.memory_space<vmem>>, vector<128x256xf32>
    %dot_general3A = arith.constant dense<0.000000e+00> : vector<2048x256xf32>
    %dot_general3A_32 = tpu.matmul %max3A_28, %get3A_31, %dot_general3A {dimension_numbers = #tpu.dot_dimension_numbers<[1], [0], [0], [1], [0, 0, 1, 1], [], []>, transpose_lhs_hint = false} : vector<2048x128xf32>, vector<128x256xf32>, vector<2048x256xf32> -> vector<2048x256xf32>
    %broadcast_in_dim3A_33 = vector.shape_cast %get3A_2 : vector<2048xf32> to vector<2048x1xf32>
    %mul3A_34 = vector.broadcast %broadcast_in_dim3A_33 : vector<2048x1xf32> to vector<2048x256xf32>
    %mul3A_35 = arith.mulf %dot_general3A_32, %mul3A_34 : vector<2048x256xf32>
    %slice3A = vector.extract_strided_slice %mul3A_35 {offsets = [0, 0], sizes = [2048, 128], strides = [1, 1]} : vector<2048x256xf32> to vector<2048x128xf32>
    %swap3A = arith.constant 0 : index
    %swap3A_36 = arith.constant 0 : index
    %swap3A_37 = arith.constant 0 : index
    %swap3A_38 = vector.load %arg6[%swap3A, %swap3A_36, %swap3A_37] : memref<2x2048x128xf32, #tpu.memory_space<vmem>>, vector<1x2048x128xf32>
    %swap3A_39 = vector.shape_cast %swap3A_38 : vector<1x2048x128xf32> to vector<2048x128xf32>
    %swap3A_40 = vector.shape_cast %slice3A : vector<2048x128xf32> to vector<1x2048x128xf32>
    tpu.vector_store %arg6[%swap3A, %swap3A_36, %swap3A_37], %swap3A_40 {strides = array<i32>} : memref<2x2048x128xf32, #tpu.memory_space<vmem>>, vector<1x2048x128xf32>,
    %slice3A_41 = vector.extract_strided_slice %mul3A_35 {offsets = [0, 128], sizes = [2048, 128], strides = [1, 1]} : vector<2048x256xf32> to vector<2048x128xf32>
    %swap3A_42 = arith.constant 1 : index
    %swap3A_43 = arith.constant 0 : index
    %swap3A_44 = arith.constant 0 : index
    %swap3A_45 = vector.load %arg6[%swap3A_42, %swap3A_43, %swap3A_44] : memref<2x2048x128xf32, #tpu.memory_space<vmem>>, vector<1x2048x128xf32>
    %swap3A_46 = vector.shape_cast %swap3A_45 : vector<1x2048x128xf32> to vector<2048x128xf32>
    %swap3A_47 = vector.shape_cast %slice3A_41 : vector<2048x128xf32> to vector<1x2048x128xf32>
    tpu.vector_store %arg6[%swap3A_42, %swap3A_43, %swap3A_44], %swap3A_47 {strides = array<i32>} : memref<2x2048x128xf32, #tpu.memory_space<vmem>>, vector<1x2048x128xf32>,
    return
  }
  func.func @transform_0(%arg0: i32) -> (i32, i32, i32) {
    %c0_i32 = arith.constant 0 : i32
    %c0_i32_0 = arith.constant 0 : i32
    %c0_i32_1 = arith.constant 0 : i32
    return %c0_i32, %arg0, %c0_i32_0 : i32, i32, i32
  }
  func.func @transform_1(%arg0: i32) -> (i32, i32, i32) {
    %c0_i32 = arith.constant 0 : i32
    %c0_i32_0 = arith.constant 0 : i32
    %c0_i32_1 = arith.constant 0 : i32
    return %c0_i32, %arg0, %c0_i32_0 : i32, i32, i32
  }
  func.func @transform_2(%arg0: i32) -> (i32, i32) {
    %c0_i32 = arith.constant 0 : i32
    %c0_i32_0 = arith.constant 0 : i32
    return %c0_i32, %arg0 : i32, i32
  }
  func.func @transform_3(%arg0: i32) -> (i32, i32) {
    %c0_i32 = arith.constant 0 : i32
    %c0_i32_0 = arith.constant 0 : i32
    %c0_i32_1 = arith.constant 0 : i32
    return %c0_i32, %c0_i32_0 : i32, i32
  }
  func.func @transform_4(%arg0: i32) -> (i32, i32) {
    %c0_i32 = arith.constant 0 : i32
    %c0_i32_0 = arith.constant 0 : i32
    %c0_i32_1 = arith.constant 0 : i32
    return %c0_i32, %c0_i32_0 : i32, i32
  }
  func.func @transform_5(%arg0: i32) -> (i32, i32, i32) {
    %c0_i32 = arith.constant 0 : i32
    %c0_i32_0 = arith.constant 0 : i32
    %c0_i32_1 = arith.constant 0 : i32
    return %c0_i32, %arg0, %c0_i32_0 : i32, i32, i32
  }
}

module attributes {stable_mosaic.version = 14 : i64} {
  func.func @_tc3_body(%arg0: i32, %arg1: memref<2x2048x128xf32, #tpu.memory_space<vmem>>, %arg2: memref<2x2048x128xf32, #tpu.memory_space<vmem>>, %arg3: memref<1x2048xf32, #tpu.memory_space<vmem>>, %arg4: memref<2x128xf32, #tpu.memory_space<vmem>>, %arg5: memref<2048x256xf32, #tpu.memory_space<vmem>>) attributes {dimension_semantics = [#tpu.dimension_semantics<arbitrary>], iteration_bounds = array<i64: 5>, scalar_prefetch = 0 : i64, scratch_operands = 0 : i64, tpu.core_type = #tpu.core_type<tc>, window_params = [{transform_indices = @transform_0, window_bounds = array<i64: 2, 2048, 128>}, {transform_indices = @transform_1, window_bounds = array<i64: 2, 2048, 128>}, {transform_indices = @transform_2, window_bounds = array<i64: 1, 2048>}, {pipeline_mode = #tpu.pipeline_mode<synchronous>, transform_indices = @transform_3, window_bounds = array<i64: 2, 128>}, {transform_indices = @transform_4, window_bounds = array<i64: 2048, 256>}]} {
    %get3A = arith.constant 0 : index
    %get3A_0 = arith.constant 0 : index
    %get3A_1 = vector.load %arg3[%get3A, %get3A_0] : memref<1x2048xf32, #tpu.memory_space<vmem>>, vector<1x2048xf32>
    %get3A_2 = vector.shape_cast %get3A_1 : vector<1x2048xf32> to vector<2048xf32>
    %broadcast_in_dim3A = vector.shape_cast %get3A_2 : vector<2048xf32> to vector<2048x1xf32>
    %get3A_3 = arith.constant 0 : index
    %get3A_4 = arith.constant 0 : index
    %get3A_5 = arith.constant 0 : index
    %get3A_6 = vector.load %arg1[%get3A_3, %get3A_4, %get3A_5] : memref<2x2048x128xf32, #tpu.memory_space<vmem>>, vector<1x2048x128xf32>
    %get3A_7 = vector.shape_cast %get3A_6 : vector<1x2048x128xf32> to vector<2048x128xf32>
    %get3A_8 = arith.constant 0 : index
    %get3A_9 = arith.constant 0 : index
    %get3A_10 = arith.constant 0 : index
    %get3A_11 = vector.load %arg2[%get3A_8, %get3A_9, %get3A_10] : memref<2x2048x128xf32, #tpu.memory_space<vmem>>, vector<1x2048x128xf32>
    %get3A_12 = vector.shape_cast %get3A_11 : vector<1x2048x128xf32> to vector<2048x128xf32>
    %add3A = arith.addf %get3A_7, %get3A_12 : vector<2048x128xf32>
    %mul3A = vector.broadcast %broadcast_in_dim3A : vector<2048x1xf32> to vector<2048x128xf32>
    %mul3A_13 = arith.mulf %mul3A, %add3A : vector<2048x128xf32>
    %get3A_14 = arith.constant 0 : index
    %get3A_15 = arith.constant 0 : index
    %get3A_16 = vector.load %arg4[%get3A_14, %get3A_15] : memref<2x128xf32, #tpu.memory_space<vmem>>, vector<1x128xf32>
    %get3A_17 = vector.shape_cast %get3A_16 : vector<1x128xf32> to vector<128xf32>
    %broadcast_in_dim3A_18 = vector.shape_cast %get3A_17 : vector<128xf32> to vector<1x128xf32>
    %add3A_19 = vector.broadcast %broadcast_in_dim3A_18 : vector<1x128xf32> to vector<2048x128xf32>
    %add3A_20 = arith.addf %mul3A_13, %add3A_19 : vector<2048x128xf32>
    %max3A = arith.constant 0.000000e+00 : f32
    %max3A_21 = vector.broadcast %max3A : f32 to vector<2048x128xf32>
    %max3A_22 = arith.maximumf %add3A_20, %max3A_21 : vector<2048x128xf32>
    %swap3A = arith.constant 0 : index
    %swap3A_23 = arith.constant 0 : index
    %swap3A_24 = vector.load %arg5[%swap3A, %swap3A_23] : memref<2048x256xf32, #tpu.memory_space<vmem>>, vector<2048x128xf32>
    tpu.vector_store %arg5[%swap3A, %swap3A_23], %max3A_22 {strides = array<i32>} : memref<2048x256xf32, #tpu.memory_space<vmem>>, vector<2048x128xf32>,
    %broadcast_in_dim3A_25 = vector.shape_cast %get3A_2 : vector<2048xf32> to vector<2048x1xf32>
    %get3A_26 = arith.constant 1 : index
    %get3A_27 = arith.constant 0 : index
    %get3A_28 = arith.constant 0 : index
    %get3A_29 = vector.load %arg1[%get3A_26, %get3A_27, %get3A_28] : memref<2x2048x128xf32, #tpu.memory_space<vmem>>, vector<1x2048x128xf32>
    %get3A_30 = vector.shape_cast %get3A_29 : vector<1x2048x128xf32> to vector<2048x128xf32>
    %get3A_31 = arith.constant 1 : index
    %get3A_32 = arith.constant 0 : index
    %get3A_33 = arith.constant 0 : index
    %get3A_34 = vector.load %arg2[%get3A_31, %get3A_32, %get3A_33] : memref<2x2048x128xf32, #tpu.memory_space<vmem>>, vector<1x2048x128xf32>
    %get3A_35 = vector.shape_cast %get3A_34 : vector<1x2048x128xf32> to vector<2048x128xf32>
    %add3A_36 = arith.addf %get3A_30, %get3A_35 : vector<2048x128xf32>
    %mul3A_37 = vector.broadcast %broadcast_in_dim3A_25 : vector<2048x1xf32> to vector<2048x128xf32>
    %mul3A_38 = arith.mulf %mul3A_37, %add3A_36 : vector<2048x128xf32>
    %get3A_39 = arith.constant 1 : index
    %get3A_40 = arith.constant 0 : index
    %get3A_41 = vector.load %arg4[%get3A_39, %get3A_40] : memref<2x128xf32, #tpu.memory_space<vmem>>, vector<1x128xf32>
    %get3A_42 = vector.shape_cast %get3A_41 : vector<1x128xf32> to vector<128xf32>
    %broadcast_in_dim3A_43 = vector.shape_cast %get3A_42 : vector<128xf32> to vector<1x128xf32>
    %add3A_44 = vector.broadcast %broadcast_in_dim3A_43 : vector<1x128xf32> to vector<2048x128xf32>
    %add3A_45 = arith.addf %mul3A_38, %add3A_44 : vector<2048x128xf32>
    %max3A_46 = arith.constant 0.000000e+00 : f32
    %max3A_47 = vector.broadcast %max3A_46 : f32 to vector<2048x128xf32>
    %max3A_48 = arith.maximumf %add3A_45, %max3A_47 : vector<2048x128xf32>
    %swap3A_49 = arith.constant 0 : index
    %swap3A_50 = arith.constant 128 : index
    %swap3A_51 = vector.load %arg5[%swap3A_49, %swap3A_50] : memref<2048x256xf32, #tpu.memory_space<vmem>>, vector<2048x128xf32>
    tpu.vector_store %arg5[%swap3A_49, %swap3A_50], %max3A_48 {strides = array<i32>} : memref<2048x256xf32, #tpu.memory_space<vmem>>, vector<2048x128xf32>,
    return
  }
  func.func @transform_0(%arg0: i32) -> (i32, i32, i32) {
    %c0_i32 = arith.constant 0 : i32
    %c0_i32_0 = arith.constant 0 : i32
    %c0_i32_1 = arith.constant 0 : i32
    return %c0_i32, %arg0, %c0_i32_0 : i32, i32, i32
  }
  func.func @transform_1(%arg0: i32) -> (i32, i32, i32) {
    %c0_i32 = arith.constant 0 : i32
    %c0_i32_0 = arith.constant 0 : i32
    %c0_i32_1 = arith.constant 0 : i32
    return %c0_i32, %arg0, %c0_i32_0 : i32, i32, i32
  }
  func.func @transform_2(%arg0: i32) -> (i32, i32) {
    %c0_i32 = arith.constant 0 : i32
    %c0_i32_0 = arith.constant 0 : i32
    return %c0_i32, %arg0 : i32, i32
  }
  func.func @transform_3(%arg0: i32) -> (i32, i32) {
    %c0_i32 = arith.constant 0 : i32
    %c0_i32_0 = arith.constant 0 : i32
    %c0_i32_1 = arith.constant 0 : i32
    return %c0_i32, %c0_i32_0 : i32, i32
  }
  func.func @transform_4(%arg0: i32) -> (i32, i32) {
    %c0_i32 = arith.constant 0 : i32
    %c0_i32_0 = arith.constant 0 : i32
    return %arg0, %c0_i32 : i32, i32
  }
}

module attributes {stable_mosaic.version = 14 : i64} {
  func.func @_tc4_body(%arg0: memref<64x256xf32, #tpu.memory_space<vmem>>, %arg1: memref<256x512xf32, #tpu.memory_space<vmem>>, %arg2: memref<1x512xf32, #tpu.memory_space<vmem>>, %arg3: memref<512x128xf32, #tpu.memory_space<vmem>>, %arg4: memref<1x128xf32, #tpu.memory_space<vmem>>, %arg5: memref<64x128xf32, #tpu.memory_space<vmem>>) attributes {dimension_semantics = [], scalar_prefetch = 0 : i64, scratch_operands = 0 : i64, tpu.core_type = #tpu.core_type<tc>} {
    %get3A = arith.constant 0 : index
    %get3A_0 = arith.constant 0 : index
    %get3A_1 = vector.load %arg0[%get3A, %get3A_0] : memref<64x256xf32, #tpu.memory_space<vmem>>, vector<64x256xf32>
    %get3A_2 = arith.constant 0 : index
    %get3A_3 = arith.constant 0 : index
    %get3A_4 = vector.load %arg1[%get3A_2, %get3A_3] : memref<256x512xf32, #tpu.memory_space<vmem>>, vector<256x512xf32>
    %dot_general3A = arith.constant dense<0.000000e+00> : vector<64x512xf32>
    %dot_general3A_5 = tpu.matmul %get3A_1, %get3A_4, %dot_general3A {dimension_numbers = #tpu.dot_dimension_numbers<[1], [0], [0], [1], [0, 0, 1, 1], [], []>, transpose_lhs_hint = false} : vector<64x256xf32>, vector<256x512xf32>, vector<64x512xf32> -> vector<64x512xf32>
    %get3A_6 = arith.constant 0 : index
    %get3A_7 = arith.constant 0 : index
    %get3A_8 = vector.load %arg2[%get3A_6, %get3A_7] : memref<1x512xf32, #tpu.memory_space<vmem>>, vector<1x512xf32>
    %get3A_9 = vector.shape_cast %get3A_8 : vector<1x512xf32> to vector<512xf32>
    %broadcast_in_dim3A = vector.shape_cast %get3A_9 : vector<512xf32> to vector<1x512xf32>
    %add3A = vector.broadcast %broadcast_in_dim3A : vector<1x512xf32> to vector<64x512xf32>
    %add3A_10 = arith.addf %dot_general3A_5, %add3A : vector<64x512xf32>
    %get3A_11 = arith.constant 0 : index
    %get3A_12 = arith.constant 0 : index
    %get3A_13 = vector.load %arg3[%get3A_11, %get3A_12] : memref<512x128xf32, #tpu.memory_space<vmem>>, vector<512x128xf32>
    %dot_general3A_14 = arith.constant dense<0.000000e+00> : vector<64x128xf32>
    %dot_general3A_15 = tpu.matmul %add3A_10, %get3A_13, %dot_general3A_14 {dimension_numbers = #tpu.dot_dimension_numbers<[1], [0], [0], [1], [0, 0, 1, 1], [], []>, transpose_lhs_hint = false} : vector<64x512xf32>, vector<512x128xf32>, vector<64x128xf32> -> vector<64x128xf32>
    %get3A_16 = arith.constant 0 : index
    %get3A_17 = arith.constant 0 : index
    %get3A_18 = vector.load %arg4[%get3A_16, %get3A_17] : memref<1x128xf32, #tpu.memory_space<vmem>>, vector<1x128xf32>
    %get3A_19 = vector.shape_cast %get3A_18 : vector<1x128xf32> to vector<128xf32>
    %broadcast_in_dim3A_20 = vector.shape_cast %get3A_19 : vector<128xf32> to vector<1x128xf32>
    %add3A_21 = vector.broadcast %broadcast_in_dim3A_20 : vector<1x128xf32> to vector<64x128xf32>
    %add3A_22 = arith.addf %dot_general3A_15, %add3A_21 : vector<64x128xf32>
    %swap3A = arith.constant 0 : index
    %swap3A_23 = arith.constant 0 : index
    %swap3A_24 = vector.load %arg5[%swap3A, %swap3A_23] : memref<64x128xf32, #tpu.memory_space<vmem>>, vector<64x128xf32>
    tpu.vector_store %arg5[%swap3A, %swap3A_23], %add3A_22 {strides = array<i32>} : memref<64x128xf32, #tpu.memory_space<vmem>>, vector<64x128xf32>,
    return
  }
}

</mosaic_0001>

<sc_bundles>
// kernel: kernel.10.cloned.1.call-start
scs
__scs_entry_jumppad:
0x0: {  	(pc) =	sbr.rel $0x88, $3  }
0x1: {  	(tag) =	ssettag $0x0;
	lr =	simm.s32 $0x1  }
0x2: {  	[smem:$0x3F96] =	sst lr;
	_ =	strace $0xD0000000  }
0x3: {  	_ = 	snop  }
0x4: {  	_ = 	snop  }
0x5: {  	_ = 	snop  }
0x6: {  	_ = 	snop  }
0x7: {  	_ = 	snop  }
__scs_overlays_trampoline_lowered:
0x8: {  	[smem:$0x3FA5] =	sst s0  }
0x9: {  	[smem:$0x3FA6] =	sst s1  }
0xa: {  	[smem:$0x3FA7] =	sst s2  }
0xb: {  	[smem:$0x3FA8] =	sst s3  }
0xc: {  	[smem:$0x3FA9] =	sst s4  }
0xd: {  	[smem:$0x3FAA] =	sst s5  }
0xe: {  	[smem:$0x3FAB] =	sst s6  }
0xf: {  	[smem:$0x3FAC] =	sst s7  }
0x10: {  	[smem:$0x3FAD] =	sst s8  }
0x11: {  	[smem:$0x3FAE] =	sst s9;
	s0 =	simm.s32 @!p0 $0x0  }
0x12: {  	s1 =	sld [smem:$0x3F94];
	s0 =	simm.s32 @p0 $0x1  }
0x13: {  	[smem:$0x3FAF] =	sst s0;
	s0 =	simm.s32 @!p1 $0x0  }
0x14: {  	s2 =	sld [smem:$0x3F93];
	s0 =	simm.s32 @p1 $0x1  }
0x15: {  	[smem:$0x3FB0] =	sst s0;
	s0 =	simm.s32 @!p2 $0x0  }
0x16: {  	s3 =	sld [smem:$0x3FDB];
	s0 =	simm.s32 @p2 $0x1  }
0x17: {  	s4 =	simm.s32 $0x1BF5;
	[smem:$0x3FB2] =	sst s0  }
0x18: {  	s0 =	sld [smem:$0x3F95];
	_ =	swait.ge [sflag:s4], $0x0  }
0x19: {  	s7 =	sld [smem:$0x3F96]  }
0x1a: {  	s8 =	sadd.s32 $0xFFFFE003, lr  }
0x1b: {  	s9 =	sadd.s32 $0xFFFFFEF7, lr;
	s5 =	simm.s32 $0xFFFFFFFF;
	p2 =	slt.u32 s8, $0xFFFFF086  }
0x1c: {  	p1 =	slt.u32 s9, $0xF7A;
	s5 =	simm.s32 @!p2 $0x0  }
0x1d: {  	s5 =	simm.s32 @p1 $0x1;
	p0 =	seq.s32 s7, s2  }
0x1e: {  	s7 =	smul.u32 @!p0 $0xF7A, s2;
	p2 =	seq.s32 @!p0 s5, $0x0  }
0x1f: {  	s9 =	smul.u32 $0xF7A, s1;
	s8 =	simm.s32 @!p0 $0x1BF5;
	p2 =	por !p2, p0  }
0x20: {  	[sflag:s8] =	ssyncset.s32 @!p0 $0xFFFFF086;
	s6 =	sadd.s32 @!p0 s3, s7;
	s7 =	simm.s32 @!p0 $0x108  }
0x21: {  	s3 =	sadd.s32 s3, s9;
	s6 =	sadd.s32 @!p0 $0x88, s6;
	s7 =	simm.s32 @p2 $0x1082  }
0x22: {  	[simem:s7], [sflag:s8] =	dma.local @!p0 [hbm:s6], $0xF7A  }
0x23: {  	s9 =	sor.u32 $0xD0000000, s2;
	s6 =	simm.s32 $0x108;
	_ =	swait.ge @!p0 [sflag:s8], $0x0  }
0x24: {  	s3 =	sadd.s32 $0x88, s3;
	s6 =	simm.s32 @!p1 $0x1082;
	[sflag:s4] =	ssyncset.s32 $0xFFFFF086  }
0x25: {  	[simem:s6], [sflag:s4] =	dma.local [hbm:s3], $0xF7A  }
0x26: {  	[smem:$0x3F96] =	sst s1;
	(tag) =	ssettag s2;
	_ =	strace s9  }
0x27: {  	s1 =	sld [smem:$0x3FA6]  }
0x28: {  	s2 =	sld [smem:$0x3FA7]  }
0x29: {  	s4 =	sld [smem:$0x3FA9]  }
0x2a: {  	p0 =	seq.s32 s5, $0x0;
	s5 =	sld [smem:$0x3FAA]  }
0x2b: {  	s6 =	sld [smem:$0x3FAB]  }
0x2c: {  	s7 =	sld [smem:$0x3FAC]  }
0x2d: {  	s3 =	simm.s32 $0x108;
	s8 =	sld [smem:$0x3FAD]  }
0x2e: {  	s3 =	simm.s32 @!p0 $0x1082;
	s9 =	sld [smem:$0x3FAE]  }
0x2f: {  	lr =	sadd.s32 s0, s3;
	s0 =	sld [smem:$0x3FA5]  }
0x30: {  	s3 =	sld [smem:$0x3FA8]  }
0x31: {  	[smem:$0x3FB1] =	sst s10  }
0x32: {  	s10 =	sld [smem:$0x3FAF];
	_ =	sdelay $0x3  }
0x33: {  	p0 =	seq.s32 s10, $0x1;
	s10 =	sld [smem:$0x3FB1];
	_ =	sdelay $0x3  }
0x34: {  	[smem:$0x3FB1] =	sst s10  }
0x35: {  	s10 =	sld [smem:$0x3FB0];
	_ =	sdelay $0x3  }
0x36: {  	p1 =	seq.s32 s10, $0x1;
	s10 =	sld [smem:$0x3FB1];
	_ =	sdelay $0x3  }
0x37: {  	[smem:$0x3FB1] =	sst s10  }
0x38: {  	s10 =	sld [smem:$0x3FB2]  }
0x39: {  	_ = 	snop;
	(pc) =	sbr.ind lr, $3  }
0x3a: {  	_ = 	snop  }
0x3b: {  	_ = 	snop  }
0x3c: {  	p2 =	seq.s32 s10, $0x1;
	s10 =	sld [smem:$0x3FB1]  }
0x3d: {  	_ =	shalt  }
0x3e: {  	_ =	shalt  }
0x3f: {  	_ =	shalt  }
0x40: {  	_ =	shalt  }
0x41: {  	_ =	shalt  }
0x42: {  	_ =	shalt  }
0x43: {  	_ =	shalt  }
0x44: {  	_ =	shalt  }
0x45: {  	_ =	shalt  }
0x46: {  	_ =	shalt  }
0x47: {  	_ =	shalt  }
0x48: {  	_ =	shalt  }
0x49: {  	_ =	shalt  }
0x4a: {  	_ =	shalt  }
0x4b: {  	_ =	shalt  }
0x4c: {  	_ =	shalt  }
0x4d: {  	_ =	shalt  }
0x4e: {  	_ =	shalt  }
0x4f: {  	_ =	shalt  }
0x50: {  	_ =	shalt  }
0x51: {  	_ =	shalt  }
0x52: {  	_ =	shalt  }
0x53: {  	_ =	shalt  }
0x54: {  	_ =	shalt  }
0x55: {  	_ =	shalt  }
0x56: {  	_ =	shalt  }
0x57: {  	_ =	shalt  }
0x58: {  	_ =	shalt  }
0x59: {  	_ =	shalt  }
0x5a: {  	_ =	shalt  }
0x5b: {  	_ =	shalt  }
0x5c: {  	_ =	shalt  }
0x5d: {  	_ =	shalt  }
0x5e: {  	_ =	shalt  }
0x5f: {  	_ =	shalt  }
0x60: {  	_ =	shalt  }
0x61: {  	_ =	shalt  }
0x62: {  	_ =	shalt  }
0x63: {  	_ =	shalt  }
0x64: {  	_ =	shalt  }
0x65: {  	_ =	shalt  }
0x66: {  	_ =	shalt  }
0x67: {  	_ =	shalt  }
0x68: {  	_ =	shalt  }
0x69: {  	_ =	shalt  }
0x6a: {  	_ =	shalt  }
0x6b: {  	_ =	shalt  }
0x6c: {  	_ =	shalt  }
0x6d: {  	_ =	shalt  }
0x6e: {  	_ =	shalt  }
0x6f: {  	_ =	shalt  }
0x70: {  	_ =	shalt  }
0x71: {  	_ =	shalt  }
0x72: {  	_ =	shalt  }
0x73: {  	_ =	shalt  }
0x74: {  	_ =	shalt  }
0x75: {  	_ =	shalt  }
0x76: {  	_ =	shalt  }
0x77: {  	_ =	shalt  }
0x78: {  	_ =	shalt  }
0x79: {  	_ =	shalt  }
0x7a: {  	_ =	shalt  }
0x7b: {  	_ =	shalt  }
0x7c: {  	_ =	shalt  }
0x7d: {  	_ =	shalt  }
0x7e: {  	_ =	shalt  }
0x7f: {  	_ =	shalt  }
0x80: {  	_ =	shalt  }
0x81: {  	_ =	shalt  }
0x82: {  	_ =	shalt  }
0x83: {  	_ =	shalt  }
0x84: {  	_ =	shalt  }
0x85: {  	_ =	shalt  }
0x86: {  	_ =	shalt  }
0x87: {  	_ =	shalt  }
.Lfunc_end0:
.L_simem_size_0:
called_computation_lowered:
.L_overlay_start_0:
0x88: {  	s2 =	sld [smem:$0x3FD9]  }
0x89: {  	s3 =	sld [smem:$0x3FFE];
	_ =	sdelay $0x1  }
0x8a: {  	s1 =	srdreg.scid  }
0x8b: {  	s0 =	sand.u32 $0x1, s1  }
0x8c: {  	s16 =	sshll.u32 s0, $0xA;
	s2 =	sadd.s32 s3, s2  }
0x8d: {  	s2 =	sadd.s32 s2, s16  }
0x8e: {  	[smem:$0x3FBD] =	sst s2  }
0x8f: {  	_ = 	snop  }
0x90: {  	(tm) =	ssettm $0x1  }
0x91: {  	s17 =	sld [smem:$0x3FFB];
	_ =	sdelay $0x3  }
0x92: {  	_ =	strace s17  }
0x93: {  	s2 =	sld [smem:$0x3FFC];
	_ =	sdelay $0x3  }
0x94: {  	_ =	strace s2  }
0x95: {  	s2 =	sld [smem:$0x3FFD];
	_ =	sdelay $0x3  }
0x96: {  	_ =	strace s2  }
0x97: {  	_ =	strace $0x8FFFFFFF  }
0x98: {  	s18 =	sld [smem:$0x3FDB];
	_ =	sdelay $0x1  }
0x99: {  	s19 =	simm.s32 $_scs_section_size  }
0x9a: {  	s4 =	simm.s32 $_size__tile_overlayer_lowered;
	s5 =	simm.s32 $_tile_overlayer_lowered  }
0x9b: {  	s22 =	simm.s32 $0x1BFF;
	s21 =	sshll.u32 s5, $0x1;
	s2 =	sadd.s32 s19, s18  }
0x9c: {  	s6 =	simm.s32 $0x0;
	s20 =	sshll.u32 s4, $0x1;
	s4 =	sadd.s32 s21, s2  }
0x9d: {  	[timem:s6], [sflag:s22] =	dma.local [hbm:s4], s20  }
0x9e: {  	_ =	swait.ge [sflag:s22], s20  }
0x9f: {  	s3 =	ssub.s32 $0x0, s20;
	[sflag:s22] =	ssyncset.done $0x0  }
0xa0: {  	[sflag:s22] =	ssyncadd.s32 s3;
	_ =	sdelay $0x1  }
0xa1: {  	s23 =	simm.s32 $0x1B8B  }
0xa2: {  	_ =	swait.ge [sflag:s23], $0x1  }
0xa3: {  	[sflag:s23] =	ssyncset.done $0x0  }
0xa4: {  	s25 =	simm.s32 $0x1B8E;
	s24 =	sld [smem:$0x3FFE];
	[sflag:s23] =	ssyncadd.s32 $0xFFFFFFFF  }
0xa5: {  	s26 =	simm.s32 $execute0_lowered;
	[smem:$0x3FD2] =	sst s25  }
0xa6: {  	s4 =	sshll.u32 s26, $0x1;
	_ =	strace $0x80000046;
	[dreg:$0x1] =	wrdreg $0xFFFFFFFF  }
0xa7: {  	s28 =	simm.s32 $_size_execute0_lowered;
	s2 =	sadd.s32 s2, s4;
	[dreg:$0x0] =	wrdreg $0x0  }
0xa8: {  	s4 =	sshll.u32 s28, $0x1;
	[dreg:$0x2] =	wrdreg s2  }
0xa9: {  	[dreg:$0x3] =	wrdreg s4  }
0xaa: {  	[dreg:$0x4] =	wrdreg $0xC0  }
0xab: {  	_ =	task [dreg:s6], $0x5FFFF  }
0xac: {  	[dreg:$0x1] =	wrdreg $0xFFFFFFFF  }
0xad: {  	[dreg:$0x0] =	wrdreg $0x60  }
0xae: {  	[dreg:$0x2] =	wrdreg s24  }
0xaf: {  	[dreg:$0x3] =	wrdreg $0x2B000  }
0xb0: {  	[dreg:$0x4] =	wrdreg $0x9  }
0xb1: {  	_ =	task.clear_ibuf [dreg:s6], $0x5FFFF;
	_ =	strace $0x90000046  }
0xb2: {  	s29 =	simm.s32 $0x9;
	_ =	strace $0x80000048  }
0xb3: {  	_ =	swait.ge [sflag:s29], $0x1  }
0xb4: {  	[sflag:s29] =	ssyncadd.s32 $0xFFFFFFFF  }
0xb5: {  	_ =	strace $0x90000048  }
0xb6: {  	_ =	sfence  }
0xb7: {  	s30 =	sld [smem:$0x0];
	_ =	sdelay $0x2  }
0xb8: {  	s31 =	sshll.u32 s1, $0xD;
	s1 =	sshrl.u32 s1, $0x2  }
0xb9: {  	s3 =	sand.u32 $0x4000, s31;
	s1 =	sadd.s32 s1, s30  }
0xba: {  	s0 =	sor.u32 s3, s0;
	s1 =	sshll.u32 s1, $0x11  }
0xbb: {  	s0 =	sor.u32 s1, s0  }
0xbc: {  	s0 =	sadd.s32 $0x8F2B, s0  }
0xbd: {  	[sflag:s0] =	ssyncadd.remote.s32 $0x1  }
0xbe: {  	_ =	sfence.sel $0xFFFF  }
0xbf: {  	[dreg:$0x0] =	wrdreg $0xFFFFFFFF;
	(pc) =	sbr.abs _section_cstart, $3  }
0xc0: {  	[dreg:$0x1] =	wrdreg $0xFFFFFFFF  }
0xc1: {  	_ =	task.clear_ibuf [dreg:s6], $0x2FFFF;
	_ =	strace $0x9FFFFFFF  }
0xc2: {  	(tm) =	ssettm $0x7FFFFFFF  }
0xc3: {  	_ =	shalt  }
tec
execute0_lowered:
.L_overlay_start_1:
0x0: {  	(tag) =	ssettag $0x1  }
0x1: {  	s4 =	rddreg [dreg:$0x0];
	s0 =	srdreg.scid  }
0x2: {  	s2 =	rddreg [dreg:$0x1];
	s1 =	stileid.u32  }
0x3: {  	s3 =	simm.s32 $0x0;
	s10 =	simm.s32 $0x80;
	s5 =	sand.u32 $0x1, s0  }
0x4: {  	s11 =	simm.s32 $0x2800;
	s6 =	smul.u32 $0x280, s1;
	s7 =	sshll.u32 s5, $0x4  }
0x5: {  	s0 =	rddreg [dreg:$0x2];
	s8 =	smul.u32 $0x2800, s5;
	s7 =	sor.u32 s1, s7  }
0x6: {  	s12 =	simm.s32 $0x0;
	[smem:$0x7FF] =	sst s3;
	s7 =	smul.u32 $0x2800, s7  }
0x7: {  	_ =	strace $0x80000047;
	s5 =	ssub.s32 $0x2, s5;
	s8 =	sadd.s32 s6, s8  }
0x8: {  	s9 =	sshrl.u32 s5, $0x1;
	s8 =	sshrl.u32 s8, $0x3;
	s7 =	sshrl.u32 s7, $0x3  }
0x9: {  	s9 =	ssub.s32 s5, s9;
	s8 =	sadd.s32 s8, s4;
	s31 =	sadd.s32 s4, s7  }
0xa: {  	s4 =	sadd.s32 s6, s2;
	s6 =	sadd.s32 $0x18400, s8;
	s7 =	smax.u32 s9, $0x1  }
0xb: {  	v0 =	vimm.f32 $0.0e+00;
	v1 =	vimm.f32 $1.000000000e+00;
	s8 =	simm.s32 $0x2880;
	s9 =	simm.s32 $0x1;
	s5 =	sadd.s32 $0xE400, s31  }
.LBB2_1:
0xc: {  	[tilespmem:$0x2880] =	vst v0  }
0xd: {  	[tilespmem:$0x2890] =	vst v0  }
0xe: {  	[tilespmem:$0x28A0] =	vst v0  }
0xf: {  	[tilespmem:$0x28B0] =	vst v0  }
0x10: {  	[tilespmem:$0x28C0] =	vst v0  }
0x11: {  	[tilespmem:$0x28D0] =	vst v0  }
0x12: {  	[tilespmem:$0x28E0] =	vst v0  }
0x13: {  	[tilespmem:$0x28F0] =	vst v0  }
0x14: {  	[tilespmem:$0x2900] =	vst v0  }
0x15: {  	[tilespmem:$0x2910] =	vst v0  }
0x16: {  	[tilespmem:$0x2920] =	vst v0  }
0x17: {  	[tilespmem:$0x2930] =	vst v0  }
0x18: {  	[tilespmem:$0x2940] =	vst v0  }
0x19: {  	[tilespmem:$0x2950] =	vst v0  }
0x1a: {  	[tilespmem:$0x2960] =	vst v0  }
0x1b: {  	[tilespmem:$0x2970] =	vst v0  }
0x1c: {  	[tilespmem:$0x2980] =	vst v0  }
0x1d: {  	[tilespmem:$0x2990] =	vst v0  }
0x1e: {  	[tilespmem:$0x29A0] =	vst v0  }
0x1f: {  	[tilespmem:$0x29B0] =	vst v0  }
0x20: {  	[tilespmem:$0x29C0] =	vst v0  }
0x21: {  	[tilespmem:$0x29D0] =	vst v0  }
0x22: {  	[tilespmem:$0x29E0] =	vst v0  }
0x23: {  	[tilespmem:$0x29F0] =	vst v0  }
0x24: {  	[tilespmem:$0x2A00] =	vst v0  }
0x25: {  	[tilespmem:$0x2A10] =	vst v0  }
0x26: {  	[tilespmem:$0x2A20] =	vst v0  }
0x27: {  	[tilespmem:$0x2A30] =	vst v0  }
0x28: {  	[tilespmem:$0x2A40] =	vst v0  }
0x29: {  	[tilespmem:$0x2A50] =	vst v0  }
0x2a: {  	[tilespmem:$0x2A60] =	vst v0  }
0x2b: {  	[tilespmem:$0x2A70] =	vst v0  }
0x2c: {  	[tilespmem:$0x2A80] =	vst v0  }
0x2d: {  	[tilespmem:$0x2A90] =	vst v0  }
0x2e: {  	[tilespmem:$0x2AA0] =	vst v0  }
0x2f: {  	[tilespmem:$0x2AB0] =	vst v0  }
0x30: {  	[tilespmem:$0x2AC0] =	vst v0  }
0x31: {  	[tilespmem:$0x2AD0] =	vst v0  }
0x32: {  	[tilespmem:$0x2AE0] =	vst v0  }
0x33: {  	[tilespmem:$0x2AF0] =	vst v0  }
0x34: {  	[tilespmem:$0x2800] =	vst v1  }
0x35: {  	[tilespmem:$0x2810] =	vst v1  }
0x36: {  	[tilespmem:$0x2820] =	vst v1  }
0x37: {  	[tilespmem:$0x2830] =	vst v1  }
0x38: {  	[tilespmem:$0x2840] =	vst v1  }
0x39: {  	[tilespmem:$0x2850] =	vst v1  }
0x3a: {  	[tilespmem:$0x2860] =	vst v1  }
0x3b: {  	[tilespmem:$0x2870] =	vst v1  }
0x3c: {  	[spmem:s4] =	stream.linear.scatter [tilespmem:s8], [sflag:$0x1], $0x280, $0x38;
	[tilespmem:$0x2D80] =	vst v63  }
0x3d: {  	_ =	swait.ge [sflag:s9], $0x280  }
0x3e: {  	[sflag:s9] =	ssyncset.done $0x0  }
0x3f: {  	[sflag:s9] =	ssyncadd.s32 $0xFFFFFD80  }
0x40: {  	[bflag:$0x0] =	sbarrier.arrive $0xFFFF  }
0x41: {  	[tilespmem:s3], [sflag:$0x1] =	stream.linear.gather [hbm4b:s5+s3], $0x2800, $0x38;
	[tilespmem:$0x2D80] =	vst v63  }
0x42: {  	_ =	swait.ge [sflag:s9], $0x2800  }
0x43: {  	[sflag:s9] =	ssyncset.done $0x0  }
0x44: {  	s13 =	simm.s32 $0x0;
	[sflag:s9] =	ssyncadd.s32 $0xFFFFD800  }
0x45: {  	[spmem:s2] =	stream.indirect.scatter.add.f32 [tilespmem:s11], [sflag:$0x1], $0x1, s13, s10, $0xb8;
	[tilespmem:$0x2D80] =	vst v63  }
0x46: {  	_ =	swait.ge [sflag:s9], $0x80  }
0x47: {  	s13 =	simm.s32 $0x200;
	[sflag:s9] =	ssyncset.done $0x0  }
.LBB2_2:
0x48: {  	s14 =	sshra.s32 s13, $0x2;
	[sflag:s9] =	ssyncadd.s32 $0xFFFFFF80;
	p0 =	sne.s32 s13, $0x9E00  }
0x49: {  	[spmem:s2] =	stream.indirect.scatter.add.f32 [tilespmem:s11], [sflag:$0x1], $0x1, s14, s10, $0xb8;
	[tilespmem:$0x2D80] =	vst v63  }
.Ltmp0:
0x4a: {  	_ = 	snop;
	(pc) =	sbr.rel @p0 .LBB2_2-.Ltmp0, $4  }
0x4b: {  	_ = 	snop  }
0x4c: {  	s13 =	sadd.s32 $0x200, s13  }
0x4d: {  	_ =	swait.ge [sflag:s9], $0x80  }
0x4e: {  	[sflag:s9] =	ssyncset.done $0x0  }
0x4f: {  	[sflag:s9] =	ssyncadd.s32 $0xFFFFFF80  }
0x50: {  	[bflag:$0x0] =	sbarrier.arrive $0xFFFF  }
0x51: {  	[tilespmem:s8], [sflag:$0x1] =	stream.linear.gather [spmem:s4], $0x280, $0x38;
	[tilespmem:$0x2D80] =	vst v63  }
0x52: {  	s12 =	sadd.s32 $0x1, s12;
	_ =	swait.ge [sflag:s9], $0x280  }
0x53: {  	p0 =	sne.s32 s12, s7;
	[sflag:s9] =	ssyncset.done $0x0  }
.Ltmp1:
0x54: {  	[sflag:s9] =	ssyncadd.s32 $0xFFFFFD80;
	(pc) =	sbr.rel @p0 .LBB2_1-.Ltmp1, $4  }
0x55: {  	[hbm4b:s6+s3] =	stream.linear.scatter [tilespmem:s8], [sflag:$0x1], $0x280, $0x38;
	[tilespmem:$0x2D80] =	vst v63  }
0x56: {  	_ =	swait.ge [sflag:s9], $0x280  }
0x57: {  	[sflag:s9] =	ssyncset.done $0x0  }
0x58: {  	[sflag:s9] =	ssyncadd.s32 $0xFFFFFD80  }
0x59: {  	_ =	sfence.sel $0x180000  }
0x5a: {  	[bflag:$0x0] =	sbarrier.arrive $0xFFFF  }
0x5b: {  	p0 =	sne.s32 s1, $0x0;
	_ =	strace $0x90000047  }
0x5c: {  	s0 =	sadd.s32 @!p0 $0x100000, s0;
	[bflag:$0x2] =	sbarrier.arrive $0xFFFF  }
0x5d: {  	[sflag:s0] =	ssyncadd.tile.s32 @!p0 $0x1;
	_ =	shalt  }
.Lfunc_end2:
_tile_overlayer_lowered:
.L_overlay_start_2:
0x5e: {  	(tag) =	ssettag $0x2  }
0x5f: {  	s0 =	rddreg [dreg:$0x0];
	s2 =	stileid.u32  }
0x60: {  	s1 =	rddreg [dreg:$0x1];
	p0 =	sne.s32 s2, $0x0  }
0x61: {  	s3 =	rddreg [dreg:$0x2];
	[bflag:$0x3] =	sbarrier.arrive $0xFFFF;
	s2 =	simm.s32 @!p0 $0x1C01  }
0x62: {  	[timem:s3], [sflag:s2] =	dma.local @!p0 [hbm:s0], s1  }
0x63: {  	s0 =	simm.s32 @!p0 $0x1  }
0x64: {  	_ =	swait.ge @!p0 [sflag:s0], s1  }
0x65: {  	s1 =	ssub.s32 @!p0 $0x0, s1;
	[sflag:s0] =	ssyncset.done @!p0 $0x0  }
0x66: {  	[sflag:s0] =	ssyncadd.s32 @!p0 s1  }
0x67: {  	[bflag:$0x3] =	sbarrier.arrive $0xFFFF  }
0x68: {  	_ =	shalt  }

// kernel: kernel.13.cloned.1.call-start
scs
__scs_entry_jumppad:
0x0: {  	(pc) =	sbr.rel $0x88, $3  }
0x1: {  	(tag) =	ssettag $0x0;
	lr =	simm.s32 $0x1  }
0x2: {  	[smem:$0x3F96] =	sst lr;
	_ =	strace $0xD0000000  }
0x3: {  	_ = 	snop  }
0x4: {  	_ = 	snop  }
0x5: {  	_ = 	snop  }
0x6: {  	_ = 	snop  }
0x7: {  	_ = 	snop  }
__scs_overlays_trampoline_lowered:
0x8: {  	[smem:$0x3FA5] =	sst s0  }
0x9: {  	[smem:$0x3FA6] =	sst s1  }
0xa: {  	[smem:$0x3FA7] =	sst s2  }
0xb: {  	[smem:$0x3FA8] =	sst s3  }
0xc: {  	[smem:$0x3FA9] =	sst s4  }
0xd: {  	[smem:$0x3FAA] =	sst s5  }
0xe: {  	[smem:$0x3FAB] =	sst s6  }
0xf: {  	[smem:$0x3FAC] =	sst s7  }
0x10: {  	[smem:$0x3FAD] =	sst s8  }
0x11: {  	[smem:$0x3FAE] =	sst s9;
	s0 =	simm.s32 @!p0 $0x0  }
0x12: {  	s1 =	sld [smem:$0x3F94];
	s0 =	simm.s32 @p0 $0x1  }
0x13: {  	[smem:$0x3FAF] =	sst s0;
	s0 =	simm.s32 @!p1 $0x0  }
0x14: {  	s2 =	sld [smem:$0x3F93];
	s0 =	simm.s32 @p1 $0x1  }
0x15: {  	[smem:$0x3FB0] =	sst s0;
	s0 =	simm.s32 @!p2 $0x0  }
0x16: {  	s3 =	sld [smem:$0x3FDB];
	s0 =	simm.s32 @p2 $0x1  }
0x17: {  	s4 =	simm.s32 $0x1BF5;
	[smem:$0x3FB2] =	sst s0  }
0x18: {  	s0 =	sld [smem:$0x3F95];
	_ =	swait.ge [sflag:s4], $0x0  }
0x19: {  	s7 =	sld [smem:$0x3F96]  }
0x1a: {  	s8 =	sadd.s32 $0xFFFFE003, lr  }
0x1b: {  	s9 =	sadd.s32 $0xFFFFFEF7, lr;
	s5 =	simm.s32 $0xFFFFFFFF;
	p2 =	slt.u32 s8, $0xFFFFF086  }
0x1c: {  	p1 =	slt.u32 s9, $0xF7A;
	s5 =	simm.s32 @!p2 $0x0  }
0x1d: {  	s5 =	simm.s32 @p1 $0x1;
	p0 =	seq.s32 s7, s2  }
0x1e: {  	s7 =	smul.u32 @!p0 $0xF7A, s2;
	p2 =	seq.s32 @!p0 s5, $0x0  }
0x1f: {  	s9 =	smul.u32 $0xF7A, s1;
	s8 =	simm.s32 @!p0 $0x1BF5;
	p2 =	por !p2, p0  }
0x20: {  	[sflag:s8] =	ssyncset.s32 @!p0 $0xFFFFF086;
	s6 =	sadd.s32 @!p0 s3, s7;
	s7 =	simm.s32 @!p0 $0x108  }
0x21: {  	s3 =	sadd.s32 s3, s9;
	s6 =	sadd.s32 @!p0 $0x88, s6;
	s7 =	simm.s32 @p2 $0x1082  }
0x22: {  	[simem:s7], [sflag:s8] =	dma.local @!p0 [hbm:s6], $0xF7A  }
0x23: {  	s9 =	sor.u32 $0xD0000000, s2;
	s6 =	simm.s32 $0x108;
	_ =	swait.ge @!p0 [sflag:s8], $0x0  }
0x24: {  	s3 =	sadd.s32 $0x88, s3;
	s6 =	simm.s32 @!p1 $0x1082;
	[sflag:s4] =	ssyncset.s32 $0xFFFFF086  }
0x25: {  	[simem:s6], [sflag:s4] =	dma.local [hbm:s3], $0xF7A  }
0x26: {  	[smem:$0x3F96] =	sst s1;
	(tag) =	ssettag s2;
	_ =	strace s9  }
0x27: {  	s1 =	sld [smem:$0x3FA6]  }
0x28: {  	s2 =	sld [smem:$0x3FA7]  }
0x29: {  	s4 =	sld [smem:$0x3FA9]  }
0x2a: {  	p0 =	seq.s32 s5, $0x0;
	s5 =	sld [smem:$0x3FAA]  }
0x2b: {  	s6 =	sld [smem:$0x3FAB]  }
0x2c: {  	s7 =	sld [smem:$0x3FAC]  }
0x2d: {  	s3 =	simm.s32 $0x108;
	s8 =	sld [smem:$0x3FAD]  }
0x2e: {  	s3 =	simm.s32 @!p0 $0x1082;
	s9 =	sld [smem:$0x3FAE]  }
0x2f: {  	lr =	sadd.s32 s0, s3;
	s0 =	sld [smem:$0x3FA5]  }
0x30: {  	s3 =	sld [smem:$0x3FA8]  }
0x31: {  	[smem:$0x3FB1] =	sst s10  }
0x32: {  	s10 =	sld [smem:$0x3FAF];
	_ =	sdelay $0x3  }
0x33: {  	p0 =	seq.s32 s10, $0x1;
	s10 =	sld [smem:$0x3FB1];
	_ =	sdelay $0x3  }
0x34: {  	[smem:$0x3FB1] =	sst s10  }
0x35: {  	s10 =	sld [smem:$0x3FB0];
	_ =	sdelay $0x3  }
0x36: {  	p1 =	seq.s32 s10, $0x1;
	s10 =	sld [smem:$0x3FB1];
	_ =	sdelay $0x3  }
0x37: {  	[smem:$0x3FB1] =	sst s10  }
0x38: {  	s10 =	sld [smem:$0x3FB2]  }
0x39: {  	_ = 	snop;
	(pc) =	sbr.ind lr, $3  }
0x3a: {  	_ = 	snop  }
0x3b: {  	_ = 	snop  }
0x3c: {  	p2 =	seq.s32 s10, $0x1;
	s10 =	sld [smem:$0x3FB1]  }
0x3d: {  	_ =	shalt  }
0x3e: {  	_ =	shalt  }
0x3f: {  	_ =	shalt  }
0x40: {  	_ =	shalt  }
0x41: {  	_ =	shalt  }
0x42: {  	_ =	shalt  }
0x43: {  	_ =	shalt  }
0x44: {  	_ =	shalt  }
0x45: {  	_ =	shalt  }
0x46: {  	_ =	shalt  }
0x47: {  	_ =	shalt  }
0x48: {  	_ =	shalt  }
0x49: {  	_ =	shalt  }
0x4a: {  	_ =	shalt  }
0x4b: {  	_ =	shalt  }
0x4c: {  	_ =	shalt  }
0x4d: {  	_ =	shalt  }
0x4e: {  	_ =	shalt  }
0x4f: {  	_ =	shalt  }
0x50: {  	_ =	shalt  }
0x51: {  	_ =	shalt  }
0x52: {  	_ =	shalt  }
0x53: {  	_ =	shalt  }
0x54: {  	_ =	shalt  }
0x55: {  	_ =	shalt  }
0x56: {  	_ =	shalt  }
0x57: {  	_ =	shalt  }
0x58: {  	_ =	shalt  }
0x59: {  	_ =	shalt  }
0x5a: {  	_ =	shalt  }
0x5b: {  	_ =	shalt  }
0x5c: {  	_ =	shalt  }
0x5d: {  	_ =	shalt  }
0x5e: {  	_ =	shalt  }
0x5f: {  	_ =	shalt  }
0x60: {  	_ =	shalt  }
0x61: {  	_ =	shalt  }
0x62: {  	_ =	shalt  }
0x63: {  	_ =	shalt  }
0x64: {  	_ =	shalt  }
0x65: {  	_ =	shalt  }
0x66: {  	_ =	shalt  }
0x67: {  	_ =	shalt  }
0x68: {  	_ =	shalt  }
0x69: {  	_ =	shalt  }
0x6a: {  	_ =	shalt  }
0x6b: {  	_ =	shalt  }
0x6c: {  	_ =	shalt  }
0x6d: {  	_ =	shalt  }
0x6e: {  	_ =	shalt  }
0x6f: {  	_ =	shalt  }
0x70: {  	_ =	shalt  }
0x71: {  	_ =	shalt  }
0x72: {  	_ =	shalt  }
0x73: {  	_ =	shalt  }
0x74: {  	_ =	shalt  }
0x75: {  	_ =	shalt  }
0x76: {  	_ =	shalt  }
0x77: {  	_ =	shalt  }
0x78: {  	_ =	shalt  }
0x79: {  	_ =	shalt  }
0x7a: {  	_ =	shalt  }
0x7b: {  	_ =	shalt  }
0x7c: {  	_ =	shalt  }
0x7d: {  	_ =	shalt  }
0x7e: {  	_ =	shalt  }
0x7f: {  	_ =	shalt  }
0x80: {  	_ =	shalt  }
0x81: {  	_ =	shalt  }
0x82: {  	_ =	shalt  }
0x83: {  	_ =	shalt  }
0x84: {  	_ =	shalt  }
0x85: {  	_ =	shalt  }
0x86: {  	_ =	shalt  }
0x87: {  	_ =	shalt  }
.Lfunc_end0:
.L_simem_size_0:
called_computation.1_lowered:
.L_overlay_start_0:
0x88: {  	s2 =	sld [smem:$0x3FD9]  }
0x89: {  	s3 =	sld [smem:$0x3FFE];
	_ =	sdelay $0x1  }
0x8a: {  	s1 =	srdreg.scid  }
0x8b: {  	s0 =	sand.u32 $0x1, s1  }
0x8c: {  	s16 =	sshll.u32 s0, $0xA;
	s2 =	sadd.s32 s3, s2  }
0x8d: {  	s2 =	sadd.s32 s2, s16  }
0x8e: {  	[smem:$0x3FBD] =	sst s2  }
0x8f: {  	_ = 	snop  }
0x90: {  	(tm) =	ssettm $0x1  }
0x91: {  	s17 =	sld [smem:$0x3FFB];
	_ =	sdelay $0x3  }
0x92: {  	_ =	strace s17  }
0x93: {  	s2 =	sld [smem:$0x3FFC];
	_ =	sdelay $0x3  }
0x94: {  	_ =	strace s2  }
0x95: {  	s2 =	sld [smem:$0x3FFD];
	_ =	sdelay $0x3  }
0x96: {  	_ =	strace s2  }
0x97: {  	_ =	strace $0x8FFFFFFF  }
0x98: {  	s18 =	sld [smem:$0x3FDB];
	_ =	sdelay $0x1  }
0x99: {  	s19 =	simm.s32 $_scs_section_size  }
0x9a: {  	s4 =	simm.s32 $_size__tile_overlayer_lowered;
	s5 =	simm.s32 $_tile_overlayer_lowered  }
0x9b: {  	s22 =	simm.s32 $0x1BFF;
	s21 =	sshll.u32 s5, $0x1;
	s2 =	sadd.s32 s19, s18  }
0x9c: {  	s6 =	simm.s32 $0x0;
	s20 =	sshll.u32 s4, $0x1;
	s4 =	sadd.s32 s21, s2  }
0x9d: {  	[timem:s6], [sflag:s22] =	dma.local [hbm:s4], s20  }
0x9e: {  	_ =	swait.ge [sflag:s22], s20  }
0x9f: {  	s3 =	ssub.s32 $0x0, s20;
	[sflag:s22] =	ssyncset.done $0x0  }
0xa0: {  	[sflag:s22] =	ssyncadd.s32 s3;
	_ =	sdelay $0x1  }
0xa1: {  	s23 =	simm.s32 $0x1B8B  }
0xa2: {  	_ =	swait.ge [sflag:s23], $0x1  }
0xa3: {  	[sflag:s23] =	ssyncset.done $0x0  }
0xa4: {  	s25 =	simm.s32 $0x1B8E;
	s24 =	sld [smem:$0x3FFE];
	[sflag:s23] =	ssyncadd.s32 $0xFFFFFFFF  }
0xa5: {  	s26 =	simm.s32 $execute0_lowered;
	[smem:$0x3FD2] =	sst s25  }
0xa6: {  	s4 =	sshll.u32 s26, $0x1;
	_ =	strace $0x80000049;
	[dreg:$0x1] =	wrdreg $0xFFFFFFFF  }
0xa7: {  	s28 =	simm.s32 $_size_execute0_lowered;
	s2 =	sadd.s32 s2, s4;
	[dreg:$0x0] =	wrdreg $0x0  }
0xa8: {  	s4 =	sshll.u32 s28, $0x1;
	[dreg:$0x2] =	wrdreg s2  }
0xa9: {  	[dreg:$0x3] =	wrdreg s4  }
0xaa: {  	[dreg:$0x4] =	wrdreg $0xC0  }
0xab: {  	_ =	task [dreg:s6], $0x5FFFF  }
0xac: {  	[dreg:$0x1] =	wrdreg $0xFFFFFFFF  }
0xad: {  	[dreg:$0x0] =	wrdreg $0x60  }
0xae: {  	[dreg:$0x2] =	wrdreg s24  }
0xaf: {  	[dreg:$0x3] =	wrdreg $0xA8000  }
0xb0: {  	[dreg:$0x4] =	wrdreg $0x9  }
0xb1: {  	_ =	task.clear_ibuf [dreg:s6], $0x5FFFF;
	_ =	strace $0x90000049  }
0xb2: {  	s29 =	simm.s32 $0x9;
	_ =	strace $0x8000004B  }
0xb3: {  	_ =	swait.ge [sflag:s29], $0x1  }
0xb4: {  	[sflag:s29] =	ssyncadd.s32 $0xFFFFFFFF  }
0xb5: {  	_ =	strace $0x9000004B  }
0xb6: {  	_ =	sfence  }
0xb7: {  	s30 =	sld [smem:$0x0];
	_ =	sdelay $0x2  }
0xb8: {  	s31 =	sshll.u32 s1, $0xD;
	s1 =	sshrl.u32 s1, $0x2  }
0xb9: {  	s3 =	sand.u32 $0x4000, s31;
	s1 =	sadd.s32 s1, s30  }
0xba: {  	s0 =	sor.u32 s3, s0;
	s1 =	sshll.u32 s1, $0x11  }
0xbb: {  	s0 =	sor.u32 s1, s0  }
0xbc: {  	s0 =	sadd.s32 $0x8F2B, s0  }
0xbd: {  	[sflag:s0] =	ssyncadd.remote.s32 $0x1  }
0xbe: {  	_ =	sfence.sel $0xFFFF  }
0xbf: {  	[dreg:$0x0] =	wrdreg $0xFFFFFFFF;
	(pc) =	sbr.abs _section_cstart, $3  }
0xc0: {  	[dreg:$0x1] =	wrdreg $0xFFFFFFFF  }
0xc1: {  	_ =	task.clear_ibuf [dreg:s6], $0x2FFFF;
	_ =	strace $0x9FFFFFFF  }
0xc2: {  	(tm) =	ssettm $0x7FFFFFFF  }
0xc3: {  	_ =	shalt  }
tec
execute0_lowered:
.L_overlay_start_1:
0x0: {  	(tag) =	ssettag $0x1  }
0x1: {  	s0 =	rddreg [dreg:$0x0]  }
0x2: {  	s1 =	rddreg [dreg:$0x1];
	s3 =	simm.s32 $0x0  }
0x3: {  	s2 =	srdreg.scid;
	s8 =	stileid.u32;
	s28 =	simm.s32 $0x3  }
0x4: {  	s29 =	simm.s32 $0x4;
	s30 =	simm.s32 $0x2700;
	s31 =	simm.s32 $0x2780  }
0x5: {  	[smem:$0x7FF] =	sst s3;
	s2 =	sand.u32 $0x1, s2;
	s6 =	smul.u32 $0x50000, s8  }
0x6: {  	s4 =	sadd.s32 $0x2CE00, s0;
	s10 =	smul.u32 $0x14000, s8;
	s14 =	sadd.s32 $0x54000, s0  }
0x7: {  	s21 =	sadd.s32 $0xE400, s0;
	_ =	strace $0x8000004A;
	s5 =	ssub.s32 $0x2, s2  }
0x8: {  	s19 =	sshll.u32 s2, $0x4;
	s18 =	smul.u32 $0x140000, s2;
	p0 =	seq.s32 s2, $0x1  }
0x9: {  	s7 =	sshrl.u32 s5, $0x1;
	s13 =	sor.u32 s8, s19;
	s20 =	sshrl.u32 s6, $0x2  }
0xa: {  	s11 =	sadd.s32 $0x4000, s10;
	s12 =	sadd.s32 $0x8000, s10;
	s16 =	sadd.s32 $0xC000, s10  }
0xb: {  	s17 =	sadd.s32 $0x10000, s10;
	s15 =	ssub.s32 s5, s7;
	s5 =	sadd.s32 s20, s1  }
0xc: {  	s6 =	sadd.s32 s11, s1;
	s7 =	sadd.s32 s12, s1;
	s8 =	sadd.s32 s16, s1  }
0xd: {  	s9 =	sadd.s32 s17, s1;
	s10 =	sadd.s32 s10, s18;
	s11 =	sadd.s32 s18, s11  }
0xe: {  	s12 =	sadd.s32 s18, s12;
	s23 =	sadd.s32 s18, s16;
	s24 =	sadd.s32 s18, s17  }
0xf: {  	s17 =	simm.s32 $0x18E00;
	s25 =	smul.u32 $0x500, s13;
	s20 =	simm.s32 $0x2800  }
0x10: {  	s10 =	sshrl.u32 s10, $0x3;
	s22 =	sshrl.u32 s11, $0x3;
	s12 =	sshrl.u32 s12, $0x3  }
0x11: {  	s16 =	sshrl.u32 s24, $0x3;
	s17 =	simm.s32 @!p0 $0x4400;
	s15 =	smax.u32 s15, $0x1  }
0x12: {  	s24 =	simm.s32 $0x80;
	s10 =	sadd.s32 s14, s10;
	s12 =	sadd.s32 s14, s12  }
0x13: {  	s0 =	sadd.s32 s17, s0;
	s26 =	sadd.s32 $0x280, s25;
	s17 =	sadd.s32 s25, s21  }
0x14: {  	[dreg:$0x3] =	wrdreg s10;
	s10 =	sadd.s32 s14, s22;
	s18 =	sadd.s32 s0, s26  }
0x15: {  	s19 =	sadd.s32 s26, s21;
	s21 =	simm.s32 $0x1;
	s22 =	simm.s32 $0x5  }
0x16: {  	s26 =	simm.s32 $0x2;
	[dreg:$0x4] =	wrdreg s10;
	s10 =	sshrl.u32 s23, $0x3  }
0x17: {  	s23 =	simm.s32 $0x1400;
	s13 =	sadd.s32 s14, s10;
	s14 =	sadd.s32 s14, s16  }
0x18: {  	v0 =	vimm.f32 $0.0e+00;
	s16 =	sadd.s32 s0, s25;
	s25 =	simm.s32 $0x6800;
	s0 =	simm.s32 $0x0  }
.LBB2_1:
0x19: {  	s2 =	simm.s32 $0x0;
	s10 =	simm.s32 $0x200  }
.LBB2_2:
0x1a: {  	p0 =	sne.s32 s10, $0xFE00;
	[tilespmem:s2+$0x2870] =	vst v0  }
0x1b: {  	[tilespmem:s2+$0x2800] =	vst v0  }
0x1c: {  	[tilespmem:s2+$0x2810] =	vst v0  }
.Ltmp0:
0x1d: {  	[tilespmem:s2+$0x2820] =	vst v0;
	(pc) =	sbr.rel @p0 .LBB2_2-.Ltmp0, $4  }
0x1e: {  	[tilespmem:s2+$0x2830] =	vst v0  }
0x1f: {  	[tilespmem:s2+$0x2840] =	vst v0  }
0x20: {  	[tilespmem:s2+$0x2850] =	vst v0  }
0x21: {  	[tilespmem:s2+$0x2860] =	vst v0;
	s2 =	sshra.s32 s10, $0x2;
	s10 =	sadd.s32 $0x200, s10  }
0x22: {  	[tilespmem:s2+$0x2870] =	vst v0  }
0x23: {  	[tilespmem:s2+$0x2800] =	vst v0  }
0x24: {  	[tilespmem:s2+$0x2810] =	vst v0  }
0x25: {  	[tilespmem:s2+$0x2820] =	vst v0  }
0x26: {  	[tilespmem:s2+$0x2830] =	vst v0  }
0x27: {  	[tilespmem:s2+$0x2840] =	vst v0  }
0x28: {  	[tilespmem:s2+$0x2850] =	vst v0  }
0x29: {  	[tilespmem:s2+$0x2860] =	vst v0  }
0x2a: {  	[spmem:s5] =	stream.linear.scatter [tilespmem:s20], [sflag:$0x1], $0x4000, $0x38;
	[tilespmem:$0x1E800] =	vst v63  }
0x2b: {  	_ = 	snop  }
0x2c: {  	[spmem:s6] =	stream.linear.scatter [tilespmem:s20], [sflag:$0x1], $0x4000, $0x38;
	[tilespmem:$0x1E800] =	vst v63  }
0x2d: {  	_ = 	snop  }
0x2e: {  	[spmem:s7] =	stream.linear.scatter [tilespmem:s20], [sflag:$0x1], $0x4000, $0x38;
	[tilespmem:$0x1E800] =	vst v63  }
0x2f: {  	_ = 	snop  }
0x30: {  	[spmem:s8] =	stream.linear.scatter [tilespmem:s20], [sflag:$0x1], $0x4000, $0x38;
	[tilespmem:$0x1E800] =	vst v63  }
0x31: {  	_ = 	snop  }
0x32: {  	[spmem:s9] =	stream.linear.scatter [tilespmem:s20], [sflag:$0x1], $0x4000, $0x38;
	[tilespmem:$0x1E800] =	vst v63  }
0x33: {  	_ =	swait.ge [sflag:s21], $0x4000  }
0x34: {  	[sflag:s21] =	ssyncset.done $0x0  }
0x35: {  	[sflag:s21] =	ssyncadd.s32 $0xFFFFC000  }
0x36: {  	_ =	swait.ge [sflag:s21], $0x4000  }
0x37: {  	[sflag:s21] =	ssyncset.done $0x0  }
0x38: {  	[sflag:s21] =	ssyncadd.s32 $0xFFFFC000  }
0x39: {  	_ =	swait.ge [sflag:s21], $0x4000  }
0x3a: {  	[sflag:s21] =	ssyncset.done $0x0  }
0x3b: {  	[sflag:s21] =	ssyncadd.s32 $0xFFFFC000  }
0x3c: {  	_ =	swait.ge [sflag:s21], $0x4000  }
0x3d: {  	[sflag:s21] =	ssyncset.done $0x0  }
0x3e: {  	[sflag:s21] =	ssyncadd.s32 $0xFFFFC000  }
0x3f: {  	_ =	swait.ge [sflag:s21], $0x4000  }
0x40: {  	[sflag:s21] =	ssyncset.done $0x0  }
0x41: {  	[sflag:s21] =	ssyncadd.s32 $0xFFFFC000  }
0x42: {  	s10 =	simm.s32 $0x0;
	[bflag:$0x0] =	sbarrier.arrive $0xFFFF  }
0x43: {  	[tilespmem:s10], [sflag:$0x5] =	stream.linear.gather [hbm4b:s16+s10], $0x1400, $0x38;
	[tilespmem:$0x1E800] =	vst v63  }
0x44: {  	_ =	swait.ge [sflag:s22], $0x1400  }
0x45: {  	[sflag:s22] =	ssyncset.done $0x0  }
0x46: {  	[sflag:s22] =	ssyncadd.s32 $0xFFFFEC00  }
0x47: {  	[tilespmem:s23], [sflag:$0x5] =	stream.linear.gather [hbm4b:s17+s10], $0x1400, $0x38;
	[tilespmem:$0x1E800] =	vst v63  }
0x48: {  	_ =	swait.ge [sflag:s22], $0x1400  }
0x49: {  	[sflag:s22] =	ssyncset.done $0x0  }
0x4a: {  	[sflag:s22] =	ssyncadd.s32 $0xFFFFEC00  }
0x4b: {  	[tilespmem:s20], [sflag:$0x1] =	stream.indirect.gather [hbm4b:s4+s24], $0x80, s10, s24, $0xb8;
	[tilespmem:$0x1E800] =	vst v63  }
0x4c: {  	_ = 	snop  }
0x4d: {  	[tilespmem:s25], [sflag:$0x2] =	stream.indirect.gather [hbm4b:s4+s24], $0x80, s24, s24, $0xb8;
	[tilespmem:$0x1E800] =	vst v63  }
0x4e: {  	_ =	swait.ge [sflag:s21], $0x4000  }
0x4f: {  	[sflag:s21] =	ssyncset.done $0x0  }
0x50: {  	s11 =	simm.s32 $0x1400;
	[sflag:s21] =	ssyncadd.s32 $0xFFFFC000  }
0x51: {  	[spmem:s1] =	stream.indirect.scatter.add.f32 [tilespmem:s20], [sflag:$0x3], $0x80, s11, s24, $0xb8;
	[tilespmem:$0x1E800] =	vst v63  }
0x52: {  	_ =	swait.ge [sflag:s26], $0x4000  }
0x53: {  	[sflag:s26] =	ssyncset.done $0x0  }
0x54: {  	s10 =	simm.s32 $0x1480;
	[sflag:s26] =	ssyncadd.s32 $0xFFFFC000  }
0x55: {  	[spmem:s1] =	stream.indirect.scatter.add.f32 [tilespmem:s25], [sflag:$0x4], $0x80, s10, s24, $0xb8;
	[tilespmem:$0x1E800] =	vst v63  }
0x56: {  	_ =	swait.ge [sflag:s28], $0x4000  }
0x57: {  	[sflag:s28] =	ssyncset.done $0x0  }
0x58: {  	s11 =	simm.s32 $0x100;
	[sflag:s28] =	ssyncadd.s32 $0xFFFFC000  }
0x59: {  	[tilespmem:s20], [sflag:$0x1] =	stream.indirect.gather [hbm4b:s4+s24], $0x80, s11, s24, $0xb8;
	[tilespmem:$0x1E800] =	vst v63  }
0x5a: {  	_ =	swait.ge [sflag:s29], $0x4000  }
0x5b: {  	[sflag:s29] =	ssyncset.done $0x0  }
0x5c: {  	s2 =	simm.s32 $0x400;
	s10 =	simm.s32 $0x180;
	[sflag:s29] =	ssyncadd.s32 $0xFFFFC000  }
.LBB2_4:
0x5d: {  	[tilespmem:s25], [sflag:$0x2] =	stream.indirect.gather [hbm4b:s4+s24], $0x80, s10, s24, $0xb8;
	[tilespmem:$0x1E800] =	vst v63  }
0x5e: {  	s10 =	smov.u32 s2  }
0x5f: {  	p0 =	sne.s32 s2, $0x4800;
	s2 =	sadd.s32 $0x400, s2;
	_ =	swait.ge [sflag:s21], $0x4000  }
0x60: {  	s10 =	sshra.s32 s10, $0x2;
	[sflag:s21] =	ssyncset.done $0x0  }
0x61: {  	s11 =	sadd.s32 $0x1400, s10;
	[sflag:s21] =	ssyncadd.s32 $0xFFFFC000  }
0x62: {  	[spmem:s1] =	stream.indirect.scatter.add.f32 [tilespmem:s20], [sflag:$0x3], $0x80, s11, s24, $0xb8;
	[tilespmem:$0x1E800] =	vst v63  }
0x63: {  	_ =	swait.ge [sflag:s26], $0x4000  }
0x64: {  	[sflag:s26] =	ssyncset.done $0x0  }
0x65: {  	s11 =	sadd.s32 $0x1480, s10;
	[sflag:s26] =	ssyncadd.s32 $0xFFFFC000  }
0x66: {  	[spmem:s1] =	stream.indirect.scatter.add.f32 [tilespmem:s25], [sflag:$0x4], $0x80, s11, s24, $0xb8;
	[tilespmem:$0x1E800] =	vst v63  }
0x67: {  	_ =	swait.ge [sflag:s28], $0x4000  }
0x68: {  	[sflag:s28] =	ssyncset.done $0x0  }
.Ltmp1:
0x69: {  	s11 =	sadd.s32 $0x100, s10;
	[sflag:s28] =	ssyncadd.s32 $0xFFFFC000;
	(pc) =	sbr.rel @p0 .LBB2_4-.Ltmp1, $4  }
0x6a: {  	[tilespmem:s20], [sflag:$0x1] =	stream.indirect.gather [hbm4b:s4+s24], $0x80, s11, s24, $0xb8;
	[tilespmem:$0x1E800] =	vst v63  }
0x6b: {  	_ =	swait.ge [sflag:s29], $0x4000  }
0x6c: {  	[sflag:s29] =	ssyncset.done $0x0  }
0x6d: {  	s10 =	sadd.s32 $0x180, s10;
	[sflag:s29] =	ssyncadd.s32 $0xFFFFC000  }
0x6e: {  	[tilespmem:s25], [sflag:$0x2] =	stream.indirect.gather [hbm4b:s4+s24], $0x80, s10, s24, $0xb8;
	[tilespmem:$0x1E800] =	vst v63  }
0x6f: {  	_ =	swait.ge [sflag:s21], $0x4000  }
0x70: {  	[sflag:s21] =	ssyncset.done $0x0  }
0x71: {  	[sflag:s21] =	ssyncadd.s32 $0xFFFFC000  }
0x72: {  	[spmem:s1] =	stream.indirect.scatter.add.f32 [tilespmem:s20], [sflag:$0x3], $0x80, s30, s24, $0xb8;
	[tilespmem:$0x1E800] =	vst v63  }
0x73: {  	_ =	swait.ge [sflag:s26], $0x4000  }
0x74: {  	[sflag:s26] =	ssyncset.done $0x0  }
0x75: {  	[sflag:s26] =	ssyncadd.s32 $0xFFFFC000  }
0x76: {  	[spmem:s1] =	stream.indirect.scatter.add.f32 [tilespmem:s25], [sflag:$0x4], $0x80, s31, s24, $0xb8;
	[tilespmem:$0x1E800] =	vst v63  }
0x77: {  	_ =	swait.ge [sflag:s28], $0x4000  }
0x78: {  	[sflag:s28] =	ssyncset.done $0x0  }
0x79: {  	[sflag:s28] =	ssyncadd.s32 $0xFFFFC000  }
0x7a: {  	_ =	swait.ge [sflag:s29], $0x4000  }
0x7b: {  	[sflag:s29] =	ssyncset.done $0x0  }
0x7c: {  	s2 =	simm.s32 $0x0;
	[sflag:s29] =	ssyncadd.s32 $0xFFFFC000  }
0x7d: {  	[tilespmem:s2], [sflag:$0x5] =	stream.linear.gather [hbm4b:s18+s2], $0x1400, $0x38;
	[tilespmem:$0x1E800] =	vst v63  }
0x7e: {  	_ =	swait.ge [sflag:s22], $0x1400  }
0x7f: {  	[sflag:s22] =	ssyncset.done $0x0  }
0x80: {  	[sflag:s22] =	ssyncadd.s32 $0xFFFFEC00  }
0x81: {  	[tilespmem:s23], [sflag:$0x5] =	stream.linear.gather [hbm4b:s19+s2], $0x1400, $0x38;
	[tilespmem:$0x1E800] =	vst v63  }
0x82: {  	_ =	swait.ge [sflag:s22], $0x1400  }
0x83: {  	[sflag:s22] =	ssyncset.done $0x0  }
0x84: {  	[sflag:s22] =	ssyncadd.s32 $0xFFFFEC00  }
0x85: {  	[tilespmem:s20], [sflag:$0x1] =	stream.indirect.gather [hbm4b:s4+s24], $0x80, s2, s24, $0xb8;
	[tilespmem:$0x1E800] =	vst v63  }
0x86: {  	_ = 	snop  }
0x87: {  	[tilespmem:s25], [sflag:$0x2] =	stream.indirect.gather [hbm4b:s4+s24], $0x80, s24, s24, $0xb8;
	[tilespmem:$0x1E800] =	vst v63  }
0x88: {  	_ =	swait.ge [sflag:s21], $0x4000  }
0x89: {  	[sflag:s21] =	ssyncset.done $0x0  }
0x8a: {  	s11 =	simm.s32 $0x1400;
	[sflag:s21] =	ssyncadd.s32 $0xFFFFC000  }
0x8b: {  	[spmem:s1] =	stream.indirect.scatter.add.f32 [tilespmem:s20], [sflag:$0x3], $0x80, s11, s24, $0xb8;
	[tilespmem:$0x1E800] =	vst v63  }
0x8c: {  	_ =	swait.ge [sflag:s26], $0x4000  }
0x8d: {  	[sflag:s26] =	ssyncset.done $0x0  }
0x8e: {  	s10 =	simm.s32 $0x1480;
	[sflag:s26] =	ssyncadd.s32 $0xFFFFC000  }
0x8f: {  	[spmem:s1] =	stream.indirect.scatter.add.f32 [tilespmem:s25], [sflag:$0x4], $0x80, s10, s24, $0xb8;
	[tilespmem:$0x1E800] =	vst v63  }
0x90: {  	_ =	swait.ge [sflag:s28], $0x4000  }
0x91: {  	[sflag:s28] =	ssyncset.done $0x0  }
0x92: {  	s11 =	simm.s32 $0x100;
	[sflag:s28] =	ssyncadd.s32 $0xFFFFC000  }
0x93: {  	[tilespmem:s20], [sflag:$0x1] =	stream.indirect.gather [hbm4b:s4+s24], $0x80, s11, s24, $0xb8;
	[tilespmem:$0x1E800] =	vst v63  }
0x94: {  	_ =	swait.ge [sflag:s29], $0x4000  }
0x95: {  	[sflag:s29] =	ssyncset.done $0x0  }
0x96: {  	s2 =	simm.s32 $0x400;
	s10 =	simm.s32 $0x180;
	[sflag:s29] =	ssyncadd.s32 $0xFFFFC000  }
.LBB2_6:
0x97: {  	[tilespmem:s25], [sflag:$0x2] =	stream.indirect.gather [hbm4b:s4+s24], $0x80, s10, s24, $0xb8;
	[tilespmem:$0x1E800] =	vst v63  }
0x98: {  	s10 =	smov.u32 s2  }
0x99: {  	p0 =	sne.s32 s2, $0x4800;
	s2 =	sadd.s32 $0x400, s2;
	_ =	swait.ge [sflag:s21], $0x4000  }
0x9a: {  	s10 =	sshra.s32 s10, $0x2;
	[sflag:s21] =	ssyncset.done $0x0  }
0x9b: {  	s11 =	sadd.s32 $0x1400, s10;
	[sflag:s21] =	ssyncadd.s32 $0xFFFFC000  }
0x9c: {  	[spmem:s1] =	stream.indirect.scatter.add.f32 [tilespmem:s20], [sflag:$0x3], $0x80, s11, s24, $0xb8;
	[tilespmem:$0x1E800] =	vst v63  }
0x9d: {  	_ =	swait.ge [sflag:s26], $0x4000  }
0x9e: {  	[sflag:s26] =	ssyncset.done $0x0  }
0x9f: {  	s11 =	sadd.s32 $0x1480, s10;
	[sflag:s26] =	ssyncadd.s32 $0xFFFFC000  }
0xa0: {  	[spmem:s1] =	stream.indirect.scatter.add.f32 [tilespmem:s25], [sflag:$0x4], $0x80, s11, s24, $0xb8;
	[tilespmem:$0x1E800] =	vst v63  }
0xa1: {  	_ =	swait.ge [sflag:s28], $0x4000  }
0xa2: {  	[sflag:s28] =	ssyncset.done $0x0  }
.Ltmp2:
0xa3: {  	s11 =	sadd.s32 $0x100, s10;
	[sflag:s28] =	ssyncadd.s32 $0xFFFFC000;
	(pc) =	sbr.rel @p0 .LBB2_6-.Ltmp2, $4  }
0xa4: {  	[tilespmem:s20], [sflag:$0x1] =	stream.indirect.gather [hbm4b:s4+s24], $0x80, s11, s24, $0xb8;
	[tilespmem:$0x1E800] =	vst v63  }
0xa5: {  	_ =	swait.ge [sflag:s29], $0x4000  }
0xa6: {  	[sflag:s29] =	ssyncset.done $0x0  }
0xa7: {  	s10 =	sadd.s32 $0x180, s10;
	[sflag:s29] =	ssyncadd.s32 $0xFFFFC000  }
0xa8: {  	[tilespmem:s25], [sflag:$0x2] =	stream.indirect.gather [hbm4b:s4+s24], $0x80, s10, s24, $0xb8;
	[tilespmem:$0x1E800] =	vst v63  }
0xa9: {  	_ =	swait.ge [sflag:s21], $0x4000  }
0xaa: {  	[sflag:s21] =	ssyncset.done $0x0  }
0xab: {  	[sflag:s21] =	ssyncadd.s32 $0xFFFFC000  }
0xac: {  	[spmem:s1] =	stream.indirect.scatter.add.f32 [tilespmem:s20], [sflag:$0x3], $0x80, s30, s24, $0xb8;
	[tilespmem:$0x1E800] =	vst v63  }
0xad: {  	_ =	swait.ge [sflag:s26], $0x4000  }
0xae: {  	[sflag:s26] =	ssyncset.done $0x0  }
0xaf: {  	[sflag:s26] =	ssyncadd.s32 $0xFFFFC000  }
0xb0: {  	[spmem:s1] =	stream.indirect.scatter.add.f32 [tilespmem:s25], [sflag:$0x4], $0x80, s31, s24, $0xb8;
	[tilespmem:$0x1E800] =	vst v63  }
0xb1: {  	_ =	swait.ge [sflag:s28], $0x4000  }
0xb2: {  	[sflag:s28] =	ssyncset.done $0x0  }
0xb3: {  	[sflag:s28] =	ssyncadd.s32 $0xFFFFC000  }
0xb4: {  	_ =	swait.ge [sflag:s29], $0x4000  }
0xb5: {  	[sflag:s29] =	ssyncset.done $0x0  }
0xb6: {  	[sflag:s29] =	ssyncadd.s32 $0xFFFFC000  }
0xb7: {  	[bflag:$0x0] =	sbarrier.arrive $0xFFFF  }
0xb8: {  	[tilespmem:s20], [sflag:$0x5] =	stream.linear.gather [spmem:s5], $0x4000, $0x38;
	[tilespmem:$0x1E800] =	vst v63  }
0xb9: {  	_ =	swait.ge [sflag:s22], $0x4000  }
0xba: {  	[sflag:s22] =	ssyncset.done $0x0  }
0xbb: {  	s2 =	rddreg [dreg:$0x3];
	[sflag:s22] =	ssyncadd.s32 $0xFFFFC000  }
0xbc: {  	[hbm4b:s2+s3] =	stream.linear.scatter [tilespmem:s20], [sflag:$0x1], $0x4000, $0x38;
	[tilespmem:$0x1E800] =	vst v63  }
0xbd: {  	_ = 	snop  }
0xbe: {  	[tilespmem:s25], [sflag:$0x5] =	stream.linear.gather [spmem:s6], $0x4000, $0x38;
	[tilespmem:$0x1E800] =	vst v63  }
0xbf: {  	_ =	swait.ge [sflag:s22], $0x4000  }
0xc0: {  	[sflag:s22] =	ssyncset.done $0x0  }
0xc1: {  	s11 =	rddreg [dreg:$0x4];
	[sflag:s22] =	ssyncadd.s32 $0xFFFFC000  }
0xc2: {  	[hbm4b:s11+s3] =	stream.linear.scatter [tilespmem:s25], [sflag:$0x2], $0x4000, $0x38;
	[tilespmem:$0x1E800] =	vst v63  }
0xc3: {  	_ =	swait.ge [sflag:s21], $0x4000  }
0xc4: {  	[sflag:s21] =	ssyncset.done $0x0  }
0xc5: {  	[sflag:s21] =	ssyncadd.s32 $0xFFFFC000  }
0xc6: {  	[tilespmem:s20], [sflag:$0x5] =	stream.linear.gather [spmem:s7], $0x4000, $0x38;
	[tilespmem:$0x1E800] =	vst v63  }
0xc7: {  	_ =	swait.ge [sflag:s22], $0x4000  }
0xc8: {  	[sflag:s22] =	ssyncset.done $0x0  }
0xc9: {  	[sflag:s22] =	ssyncadd.s32 $0xFFFFC000  }
0xca: {  	[hbm4b:s12+s3] =	stream.linear.scatter [tilespmem:s20], [sflag:$0x1], $0x4000, $0x38;
	[tilespmem:$0x1E800] =	vst v63  }
0xcb: {  	_ =	swait.ge [sflag:s26], $0x4000  }
0xcc: {  	[sflag:s26] =	ssyncset.done $0x0  }
0xcd: {  	[sflag:s26] =	ssyncadd.s32 $0xFFFFC000  }
0xce: {  	[tilespmem:s25], [sflag:$0x5] =	stream.linear.gather [spmem:s8], $0x4000, $0x38;
	[tilespmem:$0x1E800] =	vst v63  }
0xcf: {  	_ =	swait.ge [sflag:s22], $0x4000  }
0xd0: {  	[sflag:s22] =	ssyncset.done $0x0  }
0xd1: {  	[sflag:s22] =	ssyncadd.s32 $0xFFFFC000  }
0xd2: {  	[hbm4b:s13+s3] =	stream.linear.scatter [tilespmem:s25], [sflag:$0x2], $0x4000, $0x38;
	[tilespmem:$0x1E800] =	vst v63  }
0xd3: {  	_ =	swait.ge [sflag:s21], $0x4000  }
0xd4: {  	[sflag:s21] =	ssyncset.done $0x0  }
0xd5: {  	[sflag:s21] =	ssyncadd.s32 $0xFFFFC000  }
0xd6: {  	[tilespmem:s20], [sflag:$0x5] =	stream.linear.gather [spmem:s9], $0x4000, $0x38;
	[tilespmem:$0x1E800] =	vst v63  }
0xd7: {  	_ =	swait.ge [sflag:s22], $0x4000  }
0xd8: {  	[sflag:s22] =	ssyncset.done $0x0  }
0xd9: {  	s0 =	sadd.s32 $0x1, s0;
	[sflag:s22] =	ssyncadd.s32 $0xFFFFC000  }
0xda: {  	[hbm4b:s14+s3] =	stream.linear.scatter [tilespmem:s20], [sflag:$0x1], $0x4000, $0x38;
	[tilespmem:$0x1E800] =	vst v63  }
0xdb: {  	p0 =	sne.s32 s0, s15;
	_ =	swait.ge [sflag:s21], $0x4000  }
.Ltmp3:
0xdc: {  	[sflag:s21] =	ssyncset.done $0x0;
	(pc) =	sbr.rel @p0 .LBB2_1-.Ltmp3, $4  }
0xdd: {  	[sflag:s21] =	ssyncadd.s32 $0xFFFFC000  }
0xde: {  	_ =	swait.ge [sflag:s26], $0x4000  }
0xdf: {  	[sflag:s26] =	ssyncset.done $0x0  }
0xe0: {  	[sflag:s26] =	ssyncadd.s32 $0xFFFFC000  }
0xe1: {  	_ =	sfence.sel $0x180000  }
0xe2: {  	[bflag:$0x0] =	sbarrier.arrive $0xFFFF  }
0xe3: {  	_ =	strace $0x9000004A  }
0xe4: {  	s0 =	stileid.u32;
	[bflag:$0x2] =	sbarrier.arrive $0xFFFF  }
0xe5: {  	p0 =	sne.s32 s0, $0x0;
	s0 =	rddreg [dreg:$0x2]  }
0xe6: {  	s0 =	sadd.s32 @!p0 $0x100000, s0  }
0xe7: {  	[sflag:s0] =	ssyncadd.tile.s32 @!p0 $0x1;
	_ =	shalt  }
.Lfunc_end2:
_tile_overlayer_lowered:
.L_overlay_start_2:
0xe8: {  	(tag) =	ssettag $0x2  }
0xe9: {  	s0 =	rddreg [dreg:$0x0];
	s2 =	stileid.u32  }
0xea: {  	s1 =	rddreg [dreg:$0x1];
	p0 =	sne.s32 s2, $0x0  }
0xeb: {  	s3 =	rddreg [dreg:$0x2];
	[bflag:$0x3] =	sbarrier.arrive $0xFFFF;
	s2 =	simm.s32 @!p0 $0x1C05  }
0xec: {  	[timem:s3], [sflag:s2] =	dma.local @!p0 [hbm:s0], s1  }
0xed: {  	s0 =	simm.s32 @!p0 $0x5  }
0xee: {  	_ =	swait.ge @!p0 [sflag:s0], s1  }
0xef: {  	s1 =	ssub.s32 @!p0 $0x0, s1;
	[sflag:s0] =	ssyncset.done @!p0 $0x0  }
0xf0: {  	[sflag:s0] =	ssyncadd.s32 @!p0 s1  }
0xf1: {  	[bflag:$0x3] =	sbarrier.arrive $0xFFFF  }
0xf2: {  	_ =	shalt  }

// kernel: kernel.16.cloned.1.call-start
scs
__scs_entry_jumppad:
0x0: {  	(pc) =	sbr.rel $0x88, $3  }
0x1: {  	(tag) =	ssettag $0x0;
	lr =	simm.s32 $0x1  }
0x2: {  	[smem:$0x3F96] =	sst lr;
	_ =	strace $0xD0000000  }
0x3: {  	_ = 	snop  }
0x4: {  	_ = 	snop  }
0x5: {  	_ = 	snop  }
0x6: {  	_ = 	snop  }
0x7: {  	_ = 	snop  }
__scs_overlays_trampoline_lowered:
0x8: {  	[smem:$0x3FA5] =	sst s0  }
0x9: {  	[smem:$0x3FA6] =	sst s1  }
0xa: {  	[smem:$0x3FA7] =	sst s2  }
0xb: {  	[smem:$0x3FA8] =	sst s3  }
0xc: {  	[smem:$0x3FA9] =	sst s4  }
0xd: {  	[smem:$0x3FAA] =	sst s5  }
0xe: {  	[smem:$0x3FAB] =	sst s6  }
0xf: {  	[smem:$0x3FAC] =	sst s7  }
0x10: {  	[smem:$0x3FAD] =	sst s8  }
0x11: {  	[smem:$0x3FAE] =	sst s9;
	s0 =	simm.s32 @!p0 $0x0  }
0x12: {  	s1 =	sld [smem:$0x3F94];
	s0 =	simm.s32 @p0 $0x1  }
0x13: {  	[smem:$0x3FAF] =	sst s0;
	s0 =	simm.s32 @!p1 $0x0  }
0x14: {  	s2 =	sld [smem:$0x3F93];
	s0 =	simm.s32 @p1 $0x1  }
0x15: {  	[smem:$0x3FB0] =	sst s0;
	s0 =	simm.s32 @!p2 $0x0  }
0x16: {  	s3 =	sld [smem:$0x3FDB];
	s0 =	simm.s32 @p2 $0x1  }
0x17: {  	s4 =	simm.s32 $0x1BF5;
	[smem:$0x3FB2] =	sst s0  }
0x18: {  	s0 =	sld [smem:$0x3F95];
	_ =	swait.ge [sflag:s4], $0x0  }
0x19: {  	s7 =	sld [smem:$0x3F96]  }
0x1a: {  	s8 =	sadd.s32 $0xFFFFE003, lr  }
0x1b: {  	s9 =	sadd.s32 $0xFFFFFEF7, lr;
	s5 =	simm.s32 $0xFFFFFFFF;
	p2 =	slt.u32 s8, $0xFFFFF086  }
0x1c: {  	p1 =	slt.u32 s9, $0xF7A;
	s5 =	simm.s32 @!p2 $0x0  }
0x1d: {  	s5 =	simm.s32 @p1 $0x1;
	p0 =	seq.s32 s7, s2  }
0x1e: {  	s7 =	smul.u32 @!p0 $0xF7A, s2;
	p2 =	seq.s32 @!p0 s5, $0x0  }
0x1f: {  	s9 =	smul.u32 $0xF7A, s1;
	s8 =	simm.s32 @!p0 $0x1BF5;
	p2 =	por !p2, p0  }
0x20: {  	[sflag:s8] =	ssyncset.s32 @!p0 $0xFFFFF086;
	s6 =	sadd.s32 @!p0 s3, s7;
	s7 =	simm.s32 @!p0 $0x108  }
0x21: {  	s3 =	sadd.s32 s3, s9;
	s6 =	sadd.s32 @!p0 $0x88, s6;
	s7 =	simm.s32 @p2 $0x1082  }
0x22: {  	[simem:s7], [sflag:s8] =	dma.local @!p0 [hbm:s6], $0xF7A  }
0x23: {  	s9 =	sor.u32 $0xD0000000, s2;
	s6 =	simm.s32 $0x108;
	_ =	swait.ge @!p0 [sflag:s8], $0x0  }
0x24: {  	s3 =	sadd.s32 $0x88, s3;
	s6 =	simm.s32 @!p1 $0x1082;
	[sflag:s4] =	ssyncset.s32 $0xFFFFF086  }
0x25: {  	[simem:s6], [sflag:s4] =	dma.local [hbm:s3], $0xF7A  }
0x26: {  	[smem:$0x3F96] =	sst s1;
	(tag) =	ssettag s2;
	_ =	strace s9  }
0x27: {  	s1 =	sld [smem:$0x3FA6]  }
0x28: {  	s2 =	sld [smem:$0x3FA7]  }
0x29: {  	s4 =	sld [smem:$0x3FA9]  }
0x2a: {  	p0 =	seq.s32 s5, $0x0;
	s5 =	sld [smem:$0x3FAA]  }
0x2b: {  	s6 =	sld [smem:$0x3FAB]  }
0x2c: {  	s7 =	sld [smem:$0x3FAC]  }
0x2d: {  	s3 =	simm.s32 $0x108;
	s8 =	sld [smem:$0x3FAD]  }
0x2e: {  	s3 =	simm.s32 @!p0 $0x1082;
	s9 =	sld [smem:$0x3FAE]  }
0x2f: {  	lr =	sadd.s32 s0, s3;
	s0 =	sld [smem:$0x3FA5]  }
0x30: {  	s3 =	sld [smem:$0x3FA8]  }
0x31: {  	[smem:$0x3FB1] =	sst s10  }
0x32: {  	s10 =	sld [smem:$0x3FAF];
	_ =	sdelay $0x3  }
0x33: {  	p0 =	seq.s32 s10, $0x1;
	s10 =	sld [smem:$0x3FB1];
	_ =	sdelay $0x3  }
0x34: {  	[smem:$0x3FB1] =	sst s10  }
0x35: {  	s10 =	sld [smem:$0x3FB0];
	_ =	sdelay $0x3  }
0x36: {  	p1 =	seq.s32 s10, $0x1;
	s10 =	sld [smem:$0x3FB1];
	_ =	sdelay $0x3  }
0x37: {  	[smem:$0x3FB1] =	sst s10  }
0x38: {  	s10 =	sld [smem:$0x3FB2]  }
0x39: {  	_ = 	snop;
	(pc) =	sbr.ind lr, $3  }
0x3a: {  	_ = 	snop  }
0x3b: {  	_ = 	snop  }
0x3c: {  	p2 =	seq.s32 s10, $0x1;
	s10 =	sld [smem:$0x3FB1]  }
0x3d: {  	_ =	shalt  }
0x3e: {  	_ =	shalt  }
0x3f: {  	_ =	shalt  }
0x40: {  	_ =	shalt  }
0x41: {  	_ =	shalt  }
0x42: {  	_ =	shalt  }
0x43: {  	_ =	shalt  }
0x44: {  	_ =	shalt  }
0x45: {  	_ =	shalt  }
0x46: {  	_ =	shalt  }
0x47: {  	_ =	shalt  }
0x48: {  	_ =	shalt  }
0x49: {  	_ =	shalt  }
0x4a: {  	_ =	shalt  }
0x4b: {  	_ =	shalt  }
0x4c: {  	_ =	shalt  }
0x4d: {  	_ =	shalt  }
0x4e: {  	_ =	shalt  }
0x4f: {  	_ =	shalt  }
0x50: {  	_ =	shalt  }
0x51: {  	_ =	shalt  }
0x52: {  	_ =	shalt  }
0x53: {  	_ =	shalt  }
0x54: {  	_ =	shalt  }
0x55: {  	_ =	shalt  }
0x56: {  	_ =	shalt  }
0x57: {  	_ =	shalt  }
0x58: {  	_ =	shalt  }
0x59: {  	_ =	shalt  }
0x5a: {  	_ =	shalt  }
0x5b: {  	_ =	shalt  }
0x5c: {  	_ =	shalt  }
0x5d: {  	_ =	shalt  }
0x5e: {  	_ =	shalt  }
0x5f: {  	_ =	shalt  }
0x60: {  	_ =	shalt  }
0x61: {  	_ =	shalt  }
0x62: {  	_ =	shalt  }
0x63: {  	_ =	shalt  }
0x64: {  	_ =	shalt  }
0x65: {  	_ =	shalt  }
0x66: {  	_ =	shalt  }
0x67: {  	_ =	shalt  }
0x68: {  	_ =	shalt  }
0x69: {  	_ =	shalt  }
0x6a: {  	_ =	shalt  }
0x6b: {  	_ =	shalt  }
0x6c: {  	_ =	shalt  }
0x6d: {  	_ =	shalt  }
0x6e: {  	_ =	shalt  }
0x6f: {  	_ =	shalt  }
0x70: {  	_ =	shalt  }
0x71: {  	_ =	shalt  }
0x72: {  	_ =	shalt  }
0x73: {  	_ =	shalt  }
0x74: {  	_ =	shalt  }
0x75: {  	_ =	shalt  }
0x76: {  	_ =	shalt  }
0x77: {  	_ =	shalt  }
0x78: {  	_ =	shalt  }
0x79: {  	_ =	shalt  }
0x7a: {  	_ =	shalt  }
0x7b: {  	_ =	shalt  }
0x7c: {  	_ =	shalt  }
0x7d: {  	_ =	shalt  }
0x7e: {  	_ =	shalt  }
0x7f: {  	_ =	shalt  }
0x80: {  	_ =	shalt  }
0x81: {  	_ =	shalt  }
0x82: {  	_ =	shalt  }
0x83: {  	_ =	shalt  }
0x84: {  	_ =	shalt  }
0x85: {  	_ =	shalt  }
0x86: {  	_ =	shalt  }
0x87: {  	_ =	shalt  }
.Lfunc_end0:
.L_simem_size_0:
called_computation.2_lowered:
.L_overlay_start_0:
0x88: {  	s2 =	sld [smem:$0x3FD9]  }
0x89: {  	s3 =	sld [smem:$0x3FFE];
	_ =	sdelay $0x1  }
0x8a: {  	s1 =	srdreg.scid  }
0x8b: {  	s0 =	sand.u32 $0x1, s1  }
0x8c: {  	s16 =	sshll.u32 s0, $0xA;
	s2 =	sadd.s32 s3, s2  }
0x8d: {  	s2 =	sadd.s32 s2, s16  }
0x8e: {  	[smem:$0x3FBD] =	sst s2  }
0x8f: {  	_ = 	snop  }
0x90: {  	(tm) =	ssettm $0x1  }
0x91: {  	s17 =	sld [smem:$0x3FFB];
	_ =	sdelay $0x3  }
0x92: {  	_ =	strace s17  }
0x93: {  	s2 =	sld [smem:$0x3FFC];
	_ =	sdelay $0x3  }
0x94: {  	_ =	strace s2  }
0x95: {  	s2 =	sld [smem:$0x3FFD];
	_ =	sdelay $0x3  }
0x96: {  	_ =	strace s2  }
0x97: {  	_ =	strace $0x8FFFFFFF  }
0x98: {  	s18 =	sld [smem:$0x3FDB];
	_ =	sdelay $0x1  }
0x99: {  	s19 =	simm.s32 $_scs_section_size  }
0x9a: {  	s4 =	simm.s32 $_size__tile_overlayer_lowered;
	s5 =	simm.s32 $_tile_overlayer_lowered  }
0x9b: {  	s22 =	simm.s32 $0x1BFF;
	s21 =	sshll.u32 s5, $0x1;
	s2 =	sadd.s32 s19, s18  }
0x9c: {  	s6 =	simm.s32 $0x0;
	s20 =	sshll.u32 s4, $0x1;
	s4 =	sadd.s32 s21, s2  }
0x9d: {  	[timem:s6], [sflag:s22] =	dma.local [hbm:s4], s20  }
0x9e: {  	_ =	swait.ge [sflag:s22], s20  }
0x9f: {  	s3 =	ssub.s32 $0x0, s20;
	[sflag:s22] =	ssyncset.done $0x0  }
0xa0: {  	[sflag:s22] =	ssyncadd.s32 s3;
	_ =	sdelay $0x1  }
0xa1: {  	s23 =	simm.s32 $0x1B8B  }
0xa2: {  	_ =	swait.ge [sflag:s23], $0x1  }
0xa3: {  	[sflag:s23] =	ssyncset.done $0x0  }
0xa4: {  	s25 =	simm.s32 $0x1B8E;
	s24 =	sld [smem:$0x3FFE];
	[sflag:s23] =	ssyncadd.s32 $0xFFFFFFFF  }
0xa5: {  	s26 =	simm.s32 $execute0_lowered;
	[smem:$0x3FD2] =	sst s25  }
0xa6: {  	s4 =	sshll.u32 s26, $0x1;
	_ =	strace $0x8000004C;
	[dreg:$0x1] =	wrdreg $0xFFFFFFFF  }
0xa7: {  	s28 =	simm.s32 $_size_execute0_lowered;
	s2 =	sadd.s32 s2, s4;
	[dreg:$0x0] =	wrdreg $0x0  }
0xa8: {  	s4 =	sshll.u32 s28, $0x1;
	[dreg:$0x2] =	wrdreg s2  }
0xa9: {  	[dreg:$0x3] =	wrdreg s4  }
0xaa: {  	[dreg:$0x4] =	wrdreg $0xC0  }
0xab: {  	_ =	task [dreg:s6], $0x5FFFF  }
0xac: {  	[dreg:$0x1] =	wrdreg $0xFFFFFFFF  }
0xad: {  	[dreg:$0x0] =	wrdreg $0x60  }
0xae: {  	[dreg:$0x2] =	wrdreg s24  }
0xaf: {  	[dreg:$0x3] =	wrdreg $0xA8000  }
0xb0: {  	[dreg:$0x4] =	wrdreg $0x9  }
0xb1: {  	_ =	task.clear_ibuf [dreg:s6], $0x5FFFF;
	_ =	strace $0x9000004C  }
0xb2: {  	s29 =	simm.s32 $0x9;
	_ =	strace $0x8000004E  }
0xb3: {  	_ =	swait.ge [sflag:s29], $0x1  }
0xb4: {  	[sflag:s29] =	ssyncadd.s32 $0xFFFFFFFF  }
0xb5: {  	_ =	strace $0x9000004E  }
0xb6: {  	_ =	sfence  }
0xb7: {  	s30 =	sld [smem:$0x0];
	_ =	sdelay $0x2  }
0xb8: {  	s31 =	sshll.u32 s1, $0xD;
	s1 =	sshrl.u32 s1, $0x2  }
0xb9: {  	s3 =	sand.u32 $0x4000, s31;
	s1 =	sadd.s32 s1, s30  }
0xba: {  	s0 =	sor.u32 s3, s0;
	s1 =	sshll.u32 s1, $0x11  }
0xbb: {  	s0 =	sor.u32 s1, s0  }
0xbc: {  	s0 =	sadd.s32 $0x8F2B, s0  }
0xbd: {  	[sflag:s0] =	ssyncadd.remote.s32 $0x1  }
0xbe: {  	_ =	sfence.sel $0xFFFF  }
0xbf: {  	[dreg:$0x0] =	wrdreg $0xFFFFFFFF;
	(pc) =	sbr.abs _section_cstart, $3  }
0xc0: {  	[dreg:$0x1] =	wrdreg $0xFFFFFFFF  }
0xc1: {  	_ =	task.clear_ibuf [dreg:s6], $0x2FFFF;
	_ =	strace $0x9FFFFFFF  }
0xc2: {  	(tm) =	ssettm $0x7FFFFFFF  }
0xc3: {  	_ =	shalt  }
tec
execute0_lowered:
.L_overlay_start_1:
0x0: {  	(tag) =	ssettag $0x1  }
0x1: {  	s0 =	rddreg [dreg:$0x0]  }
0x2: {  	s2 =	rddreg [dreg:$0x1];
	s1 =	srdreg.scid  }
0x3: {  	s3 =	simm.s32 $0x0;
	s8 =	stileid.u32;
	s28 =	simm.s32 $0x4  }
0x4: {  	s29 =	simm.s32 $0x2700;
	s30 =	simm.s32 $0x2780;
	s31 =	simm.s32 $0x0  }
0x5: {  	s1 =	sand.u32 $0x1, s1;
	[smem:$0x7FF] =	sst s3;
	s6 =	smul.u32 $0x50000, s8  }
0x6: {  	s12 =	smul.u32 $0x14000, s8;
	s4 =	sadd.s32 $0x2CE00, s0;
	s13 =	sadd.s32 $0x7B000, s0  }
0x7: {  	s11 =	sadd.s32 $0xE400, s0;
	s5 =	ssub.s32 $0x2, s1;
	_ =	strace $0x8000004D  }
0x8: {  	s19 =	smul.u32 $0x140000, s1;
	p0 =	seq.s32 s1, $0x1;
	s7 =	sshrl.u32 s5, $0x1  }
0x9: {  	s6 =	sshrl.u32 s6, $0x2;
	s14 =	sadd.s32 $0x4000, s12;
	s15 =	sadd.s32 $0x8000, s12  }
0xa: {  	s16 =	sadd.s32 $0xC000, s12;
	s18 =	sadd.s32 $0x10000, s12;
	s17 =	ssub.s32 s5, s7  }
0xb: {  	s5 =	smul.u32 $0xA0, s8;
	s6 =	sadd.s32 s6, s2;
	s7 =	sadd.s32 s14, s2  }
0xc: {  	s8 =	sadd.s32 s15, s2;
	s9 =	sadd.s32 s16, s2;
	s10 =	sadd.s32 s18, s2  }
0xd: {  	s12 =	sadd.s32 s12, s19;
	s14 =	sadd.s32 s19, s14;
	s20 =	sadd.s32 s19, s15  }
0xe: {  	s24 =	sadd.s32 s19, s16;
	s25 =	sadd.s32 s19, s18;
	s18 =	simm.s32 $0x22E00  }
0xf: {  	s19 =	simm.s32 $0x2800;
	s1 =	sshrl.u32 s12, $0x3;
	s21 =	sshrl.u32 s14, $0x3  }
0x10: {  	s22 =	sshrl.u32 s20, $0x3;
	s26 =	sshrl.u32 s25, $0x3;
	s18 =	simm.s32 @!p0 $0x4400  }
0x11: {  	s17 =	smax.u32 s17, $0x1;
	s20 =	simm.s32 $0x1;
	s25 =	simm.s32 $0x2  }
0x12: {  	s1 =	sadd.s32 s13, s1;
	s23 =	sadd.s32 s13, s22;
	s16 =	sadd.s32 s13, s26  }
0x13: {  	s18 =	sadd.s32 s18, s0;
	s22 =	simm.s32 $0x1400;
	[dreg:$0x3] =	wrdreg s1  }
0x14: {  	s26 =	simm.s32 $0x3;
	s1 =	sadd.s32 s13, s21;
	[dreg:$0x5] =	wrdreg s23  }
0x15: {  	s21 =	simm.s32 $0x5;
	[dreg:$0x4] =	wrdreg s1;
	s1 =	sshrl.u32 s24, $0x3  }
0x16: {  	v0 =	vimm.f32 $0.0e+00;
	s23 =	simm.s32 $0x80;
	s24 =	simm.s32 $0x6800;
	s15 =	sadd.s32 s13, s1  }
.LBB2_1:
0x17: {  	s0 =	simm.s32 $0x0;
	s1 =	simm.s32 $0x200  }
.LBB2_2:
0x18: {  	p0 =	sne.s32 s1, $0xFE00;
	[tilespmem:s0+$0x2870] =	vst v0  }
0x19: {  	[tilespmem:s0+$0x2800] =	vst v0  }
0x1a: {  	[tilespmem:s0+$0x2810] =	vst v0  }
.Ltmp0:
0x1b: {  	[tilespmem:s0+$0x2820] =	vst v0;
	(pc) =	sbr.rel @p0 .LBB2_2-.Ltmp0, $4  }
0x1c: {  	[tilespmem:s0+$0x2830] =	vst v0  }
0x1d: {  	[tilespmem:s0+$0x2840] =	vst v0  }
0x1e: {  	[tilespmem:s0+$0x2850] =	vst v0  }
0x1f: {  	[tilespmem:s0+$0x2860] =	vst v0;
	s0 =	sshra.s32 s1, $0x2;
	s1 =	sadd.s32 $0x200, s1  }
0x20: {  	[tilespmem:s0+$0x2870] =	vst v0  }
0x21: {  	[tilespmem:s0+$0x2800] =	vst v0  }
0x22: {  	[tilespmem:s0+$0x2810] =	vst v0  }
0x23: {  	[tilespmem:s0+$0x2820] =	vst v0  }
0x24: {  	[tilespmem:s0+$0x2830] =	vst v0  }
0x25: {  	[tilespmem:s0+$0x2840] =	vst v0  }
0x26: {  	[tilespmem:s0+$0x2850] =	vst v0  }
0x27: {  	[tilespmem:s0+$0x2860] =	vst v0  }
0x28: {  	[spmem:s6] =	stream.linear.scatter [tilespmem:s19], [sflag:$0x1], $0x4000, $0x38;
	[tilespmem:$0x1E800] =	vst v63  }
0x29: {  	_ = 	snop  }
0x2a: {  	[spmem:s7] =	stream.linear.scatter [tilespmem:s19], [sflag:$0x1], $0x4000, $0x38;
	[tilespmem:$0x1E800] =	vst v63  }
0x2b: {  	_ = 	snop  }
0x2c: {  	[spmem:s8] =	stream.linear.scatter [tilespmem:s19], [sflag:$0x1], $0x4000, $0x38;
	[tilespmem:$0x1E800] =	vst v63  }
0x2d: {  	_ = 	snop  }
0x2e: {  	[spmem:s9] =	stream.linear.scatter [tilespmem:s19], [sflag:$0x1], $0x4000, $0x38;
	[tilespmem:$0x1E800] =	vst v63  }
0x2f: {  	_ = 	snop  }
0x30: {  	[spmem:s10] =	stream.linear.scatter [tilespmem:s19], [sflag:$0x1], $0x4000, $0x38;
	[tilespmem:$0x1E800] =	vst v63  }
0x31: {  	_ =	swait.ge [sflag:s20], $0x4000  }
0x32: {  	[sflag:s20] =	ssyncset.done $0x0  }
0x33: {  	[sflag:s20] =	ssyncadd.s32 $0xFFFFC000  }
0x34: {  	_ =	swait.ge [sflag:s20], $0x4000  }
0x35: {  	[sflag:s20] =	ssyncset.done $0x0  }
0x36: {  	[sflag:s20] =	ssyncadd.s32 $0xFFFFC000  }
0x37: {  	_ =	swait.ge [sflag:s20], $0x4000  }
0x38: {  	[sflag:s20] =	ssyncset.done $0x0  }
0x39: {  	[sflag:s20] =	ssyncadd.s32 $0xFFFFC000  }
0x3a: {  	_ =	swait.ge [sflag:s20], $0x4000  }
0x3b: {  	[sflag:s20] =	ssyncset.done $0x0  }
0x3c: {  	[sflag:s20] =	ssyncadd.s32 $0xFFFFC000  }
0x3d: {  	_ =	swait.ge [sflag:s20], $0x4000  }
0x3e: {  	[sflag:s20] =	ssyncset.done $0x0  }
0x3f: {  	[sflag:s20] =	ssyncadd.s32 $0xFFFFC000  }
0x40: {  	s0 =	simm.s32 $0x0;
	s1 =	simm.s32 $0x0;
	[bflag:$0x0] =	sbarrier.arrive $0xFFFF  }
.LBB2_4:
0x41: {  	s12 =	smul.u32 $0x28, s1;
	_ =	sdelay $0x1  }
0x42: {  	s12 =	sadd.s32 s5, s12  }
0x43: {  	s12 =	sshll.u32 s12, $0x4  }
0x44: {  	s13 =	sadd.s32 s18, s12  }
0x45: {  	[tilespmem:s0], [sflag:$0x5] =	stream.linear.gather [hbm4b:s13+s0], $0x1400, $0x38;
	[tilespmem:$0x1E800] =	vst v63  }
0x46: {  	_ =	swait.ge [sflag:s21], $0x1400  }
0x47: {  	[sflag:s21] =	ssyncset.done $0x0  }
0x48: {  	s12 =	sadd.s32 s12, s11;
	[sflag:s21] =	ssyncadd.s32 $0xFFFFEC00  }
0x49: {  	[tilespmem:s22], [sflag:$0x5] =	stream.linear.gather [hbm4b:s12+s0], $0x1400, $0x38;
	[tilespmem:$0x1E800] =	vst v63  }
0x4a: {  	_ =	swait.ge [sflag:s21], $0x1400  }
0x4b: {  	[sflag:s21] =	ssyncset.done $0x0  }
0x4c: {  	[sflag:s21] =	ssyncadd.s32 $0xFFFFEC00  }
0x4d: {  	[tilespmem:s19], [sflag:$0x1] =	stream.indirect.gather [hbm4b:s4+s23], $0x80, s0, s23, $0xb8;
	[tilespmem:$0x1E800] =	vst v63  }
0x4e: {  	_ = 	snop  }
0x4f: {  	[tilespmem:s24], [sflag:$0x2] =	stream.indirect.gather [hbm4b:s4+s23], $0x80, s23, s23, $0xb8;
	[tilespmem:$0x1E800] =	vst v63  }
0x50: {  	_ =	swait.ge [sflag:s20], $0x4000  }
0x51: {  	[sflag:s20] =	ssyncset.done $0x0  }
0x52: {  	s14 =	simm.s32 $0x1400;
	[sflag:s20] =	ssyncadd.s32 $0xFFFFC000  }
0x53: {  	[spmem:s2] =	stream.indirect.scatter.add.f32 [tilespmem:s19], [sflag:$0x3], $0x80, s14, s23, $0xb8;
	[tilespmem:$0x1E800] =	vst v63  }
0x54: {  	_ =	swait.ge [sflag:s25], $0x4000  }
0x55: {  	[sflag:s25] =	ssyncset.done $0x0  }
0x56: {  	s13 =	simm.s32 $0x1480;
	[sflag:s25] =	ssyncadd.s32 $0xFFFFC000  }
0x57: {  	[spmem:s2] =	stream.indirect.scatter.add.f32 [tilespmem:s24], [sflag:$0x4], $0x80, s13, s23, $0xb8;
	[tilespmem:$0x1E800] =	vst v63  }
0x58: {  	_ =	swait.ge [sflag:s26], $0x4000  }
0x59: {  	[sflag:s26] =	ssyncset.done $0x0  }
0x5a: {  	s14 =	simm.s32 $0x100;
	[sflag:s26] =	ssyncadd.s32 $0xFFFFC000  }
0x5b: {  	[tilespmem:s19], [sflag:$0x1] =	stream.indirect.gather [hbm4b:s4+s23], $0x80, s14, s23, $0xb8;
	[tilespmem:$0x1E800] =	vst v63  }
0x5c: {  	_ =	swait.ge [sflag:s28], $0x4000  }
0x5d: {  	[sflag:s28] =	ssyncset.done $0x0  }
0x5e: {  	s12 =	simm.s32 $0x400;
	s13 =	simm.s32 $0x180;
	[sflag:s28] =	ssyncadd.s32 $0xFFFFC000  }
.LBB2_5:
0x5f: {  	[tilespmem:s24], [sflag:$0x2] =	stream.indirect.gather [hbm4b:s4+s23], $0x80, s13, s23, $0xb8;
	[tilespmem:$0x1E800] =	vst v63  }
0x60: {  	s13 =	smov.u32 s12  }
0x61: {  	p0 =	sne.s32 s12, $0x4800;
	s12 =	sadd.s32 $0x400, s12;
	_ =	swait.ge [sflag:s20], $0x4000  }
0x62: {  	s13 =	sshra.s32 s13, $0x2;
	[sflag:s20] =	ssyncset.done $0x0  }
0x63: {  	s14 =	sadd.s32 $0x1400, s13;
	[sflag:s20] =	ssyncadd.s32 $0xFFFFC000  }
0x64: {  	[spmem:s2] =	stream.indirect.scatter.add.f32 [tilespmem:s19], [sflag:$0x3], $0x80, s14, s23, $0xb8;
	[tilespmem:$0x1E800] =	vst v63  }
0x65: {  	_ =	swait.ge [sflag:s25], $0x4000  }
0x66: {  	[sflag:s25] =	ssyncset.done $0x0  }
0x67: {  	s14 =	sadd.s32 $0x1480, s13;
	[sflag:s25] =	ssyncadd.s32 $0xFFFFC000  }
0x68: {  	[spmem:s2] =	stream.indirect.scatter.add.f32 [tilespmem:s24], [sflag:$0x4], $0x80, s14, s23, $0xb8;
	[tilespmem:$0x1E800] =	vst v63  }
0x69: {  	_ =	swait.ge [sflag:s26], $0x4000  }
0x6a: {  	[sflag:s26] =	ssyncset.done $0x0  }
.Ltmp1:
0x6b: {  	s14 =	sadd.s32 $0x100, s13;
	[sflag:s26] =	ssyncadd.s32 $0xFFFFC000;
	(pc) =	sbr.rel @p0 .LBB2_5-.Ltmp1, $4  }
0x6c: {  	[tilespmem:s19], [sflag:$0x1] =	stream.indirect.gather [hbm4b:s4+s23], $0x80, s14, s23, $0xb8;
	[tilespmem:$0x1E800] =	vst v63  }
0x6d: {  	_ =	swait.ge [sflag:s28], $0x4000  }
0x6e: {  	[sflag:s28] =	ssyncset.done $0x0  }
0x6f: {  	s13 =	sadd.s32 $0x180, s13;
	[sflag:s28] =	ssyncadd.s32 $0xFFFFC000  }
0x70: {  	[tilespmem:s24], [sflag:$0x2] =	stream.indirect.gather [hbm4b:s4+s23], $0x80, s13, s23, $0xb8;
	[tilespmem:$0x1E800] =	vst v63  }
0x71: {  	_ =	swait.ge [sflag:s20], $0x4000  }
0x72: {  	[sflag:s20] =	ssyncset.done $0x0  }
0x73: {  	[sflag:s20] =	ssyncadd.s32 $0xFFFFC000  }
0x74: {  	[spmem:s2] =	stream.indirect.scatter.add.f32 [tilespmem:s19], [sflag:$0x3], $0x80, s29, s23, $0xb8;
	[tilespmem:$0x1E800] =	vst v63  }
0x75: {  	_ =	swait.ge [sflag:s25], $0x4000  }
0x76: {  	[sflag:s25] =	ssyncset.done $0x0  }
0x77: {  	s1 =	sadd.s32 $0x1, s1;
	[sflag:s25] =	ssyncadd.s32 $0xFFFFC000  }
0x78: {  	[spmem:s2] =	stream.indirect.scatter.add.f32 [tilespmem:s24], [sflag:$0x4], $0x80, s30, s23, $0xb8;
	[tilespmem:$0x1E800] =	vst v63  }
0x79: {  	p0 =	sne.s32 s1, $0x4;
	_ =	swait.ge [sflag:s26], $0x4000  }
.Ltmp2:
0x7a: {  	[sflag:s26] =	ssyncset.done $0x0;
	(pc) =	sbr.rel @p0 .LBB2_4-.Ltmp2, $4  }
0x7b: {  	[sflag:s26] =	ssyncadd.s32 $0xFFFFC000  }
0x7c: {  	_ =	swait.ge [sflag:s28], $0x4000  }
0x7d: {  	[sflag:s28] =	ssyncset.done $0x0  }
0x7e: {  	[sflag:s28] =	ssyncadd.s32 $0xFFFFC000  }
0x7f: {  	[bflag:$0x0] =	sbarrier.arrive $0xFFFF  }
0x80: {  	[tilespmem:s19], [sflag:$0x5] =	stream.linear.gather [spmem:s6], $0x4000, $0x38;
	[tilespmem:$0x1E800] =	vst v63  }
0x81: {  	_ =	swait.ge [sflag:s21], $0x4000  }
0x82: {  	[sflag:s21] =	ssyncset.done $0x0  }
0x83: {  	s0 =	rddreg [dreg:$0x3];
	[sflag:s21] =	ssyncadd.s32 $0xFFFFC000  }
0x84: {  	[hbm4b:s0+s3] =	stream.linear.scatter [tilespmem:s19], [sflag:$0x1], $0x4000, $0x38;
	[tilespmem:$0x1E800] =	vst v63  }
0x85: {  	_ = 	snop  }
0x86: {  	[tilespmem:s24], [sflag:$0x5] =	stream.linear.gather [spmem:s7], $0x4000, $0x38;
	[tilespmem:$0x1E800] =	vst v63  }
0x87: {  	_ =	swait.ge [sflag:s21], $0x4000  }
0x88: {  	[sflag:s21] =	ssyncset.done $0x0  }
0x89: {  	s13 =	rddreg [dreg:$0x4];
	[sflag:s21] =	ssyncadd.s32 $0xFFFFC000  }
0x8a: {  	[hbm4b:s13+s3] =	stream.linear.scatter [tilespmem:s24], [sflag:$0x2], $0x4000, $0x38;
	[tilespmem:$0x1E800] =	vst v63  }
0x8b: {  	_ =	swait.ge [sflag:s20], $0x4000  }
0x8c: {  	[sflag:s20] =	ssyncset.done $0x0  }
0x8d: {  	[sflag:s20] =	ssyncadd.s32 $0xFFFFC000  }
0x8e: {  	[tilespmem:s19], [sflag:$0x5] =	stream.linear.gather [spmem:s8], $0x4000, $0x38;
	[tilespmem:$0x1E800] =	vst v63  }
0x8f: {  	_ =	swait.ge [sflag:s21], $0x4000  }
0x90: {  	[sflag:s21] =	ssyncset.done $0x0  }
0x91: {  	s14 =	rddreg [dreg:$0x5];
	[sflag:s21] =	ssyncadd.s32 $0xFFFFC000  }
0x92: {  	[hbm4b:s14+s3] =	stream.linear.scatter [tilespmem:s19], [sflag:$0x1], $0x4000, $0x38;
	[tilespmem:$0x1E800] =	vst v63  }
0x93: {  	_ =	swait.ge [sflag:s25], $0x4000  }
0x94: {  	[sflag:s25] =	ssyncset.done $0x0  }
0x95: {  	[sflag:s25] =	ssyncadd.s32 $0xFFFFC000  }
0x96: {  	[tilespmem:s24], [sflag:$0x5] =	stream.linear.gather [spmem:s9], $0x4000, $0x38;
	[tilespmem:$0x1E800] =	vst v63  }
0x97: {  	_ =	swait.ge [sflag:s21], $0x4000  }
0x98: {  	[sflag:s21] =	ssyncset.done $0x0  }
0x99: {  	[sflag:s21] =	ssyncadd.s32 $0xFFFFC000  }
0x9a: {  	[hbm4b:s15+s3] =	stream.linear.scatter [tilespmem:s24], [sflag:$0x2], $0x4000, $0x38;
	[tilespmem:$0x1E800] =	vst v63  }
0x9b: {  	_ =	swait.ge [sflag:s20], $0x4000  }
0x9c: {  	[sflag:s20] =	ssyncset.done $0x0  }
0x9d: {  	[sflag:s20] =	ssyncadd.s32 $0xFFFFC000  }
0x9e: {  	[tilespmem:s19], [sflag:$0x5] =	stream.linear.gather [spmem:s10], $0x4000, $0x38;
	[tilespmem:$0x1E800] =	vst v63  }
0x9f: {  	_ =	swait.ge [sflag:s21], $0x4000  }
0xa0: {  	[sflag:s21] =	ssyncset.done $0x0  }
0xa1: {  	s31 =	sadd.s32 $0x1, s31;
	[sflag:s21] =	ssyncadd.s32 $0xFFFFC000  }
0xa2: {  	[hbm4b:s16+s3] =	stream.linear.scatter [tilespmem:s19], [sflag:$0x1], $0x4000, $0x38;
	[tilespmem:$0x1E800] =	vst v63  }
0xa3: {  	p0 =	sne.s32 s31, s17;
	_ =	swait.ge [sflag:s20], $0x4000  }
.Ltmp3:
0xa4: {  	[sflag:s20] =	ssyncset.done $0x0;
	(pc) =	sbr.rel @p0 .LBB2_1-.Ltmp3, $4  }
0xa5: {  	[sflag:s20] =	ssyncadd.s32 $0xFFFFC000  }
0xa6: {  	_ =	swait.ge [sflag:s25], $0x4000  }
0xa7: {  	[sflag:s25] =	ssyncset.done $0x0  }
0xa8: {  	[sflag:s25] =	ssyncadd.s32 $0xFFFFC000  }
0xa9: {  	_ =	sfence.sel $0x180000  }
0xaa: {  	[bflag:$0x0] =	sbarrier.arrive $0xFFFF  }
0xab: {  	_ =	strace $0x9000004D  }
0xac: {  	s0 =	stileid.u32;
	[bflag:$0x2] =	sbarrier.arrive $0xFFFF  }
0xad: {  	p0 =	sne.s32 s0, $0x0;
	s0 =	rddreg [dreg:$0x2]  }
0xae: {  	s0 =	sadd.s32 @!p0 $0x100000, s0  }
0xaf: {  	[sflag:s0] =	ssyncadd.tile.s32 @!p0 $0x1;
	_ =	shalt  }
.Lfunc_end2:
_tile_overlayer_lowered:
.L_overlay_start_2:
0xb0: {  	(tag) =	ssettag $0x2  }
0xb1: {  	s0 =	rddreg [dreg:$0x0];
	s2 =	stileid.u32  }
0xb2: {  	s1 =	rddreg [dreg:$0x1];
	p0 =	sne.s32 s2, $0x0  }
0xb3: {  	s3 =	rddreg [dreg:$0x2];
	[bflag:$0x3] =	sbarrier.arrive $0xFFFF;
	s2 =	simm.s32 @!p0 $0x1C05  }
0xb4: {  	[timem:s3], [sflag:s2] =	dma.local @!p0 [hbm:s0], s1  }
0xb5: {  	s0 =	simm.s32 @!p0 $0x5  }
0xb6: {  	_ =	swait.ge @!p0 [sflag:s0], s1  }
0xb7: {  	s1 =	ssub.s32 @!p0 $0x0, s1;
	[sflag:s0] =	ssyncset.done @!p0 $0x0  }
0xb8: {  	[sflag:s0] =	ssyncadd.s32 @!p0 s1  }
0xb9: {  	[bflag:$0x3] =	sbarrier.arrive $0xFFFF  }
0xba: {  	_ =	shalt  }

// kernel: kernel.19.cloned.1.call-start
scs
__scs_entry_jumppad:
0x0: {  	(pc) =	sbr.rel $0x88, $3  }
0x1: {  	(tag) =	ssettag $0x0;
	lr =	simm.s32 $0x1  }
0x2: {  	[smem:$0x3F96] =	sst lr;
	_ =	strace $0xD0000000  }
0x3: {  	_ = 	snop  }
0x4: {  	_ = 	snop  }
0x5: {  	_ = 	snop  }
0x6: {  	_ = 	snop  }
0x7: {  	_ = 	snop  }
__scs_overlays_trampoline_lowered:
0x8: {  	[smem:$0x3FA5] =	sst s0  }
0x9: {  	[smem:$0x3FA6] =	sst s1  }
0xa: {  	[smem:$0x3FA7] =	sst s2  }
0xb: {  	[smem:$0x3FA8] =	sst s3  }
0xc: {  	[smem:$0x3FA9] =	sst s4  }
0xd: {  	[smem:$0x3FAA] =	sst s5  }
0xe: {  	[smem:$0x3FAB] =	sst s6  }
0xf: {  	[smem:$0x3FAC] =	sst s7  }
0x10: {  	[smem:$0x3FAD] =	sst s8  }
0x11: {  	[smem:$0x3FAE] =	sst s9;
	s0 =	simm.s32 @!p0 $0x0  }
0x12: {  	s1 =	sld [smem:$0x3F94];
	s0 =	simm.s32 @p0 $0x1  }
0x13: {  	[smem:$0x3FAF] =	sst s0;
	s0 =	simm.s32 @!p1 $0x0  }
0x14: {  	s2 =	sld [smem:$0x3F93];
	s0 =	simm.s32 @p1 $0x1  }
0x15: {  	[smem:$0x3FB0] =	sst s0;
	s0 =	simm.s32 @!p2 $0x0  }
0x16: {  	s3 =	sld [smem:$0x3FDB];
	s0 =	simm.s32 @p2 $0x1  }
0x17: {  	s4 =	simm.s32 $0x1BF5;
	[smem:$0x3FB2] =	sst s0  }
0x18: {  	s0 =	sld [smem:$0x3F95];
	_ =	swait.ge [sflag:s4], $0x0  }
0x19: {  	s7 =	sld [smem:$0x3F96]  }
0x1a: {  	s8 =	sadd.s32 $0xFFFFE003, lr  }
0x1b: {  	s9 =	sadd.s32 $0xFFFFFEF7, lr;
	s5 =	simm.s32 $0xFFFFFFFF;
	p2 =	slt.u32 s8, $0xFFFFF086  }
0x1c: {  	p1 =	slt.u32 s9, $0xF7A;
	s5 =	simm.s32 @!p2 $0x0  }
0x1d: {  	s5 =	simm.s32 @p1 $0x1;
	p0 =	seq.s32 s7, s2  }
0x1e: {  	s7 =	smul.u32 @!p0 $0xF7A, s2;
	p2 =	seq.s32 @!p0 s5, $0x0  }
0x1f: {  	s9 =	smul.u32 $0xF7A, s1;
	s8 =	simm.s32 @!p0 $0x1BF5;
	p2 =	por !p2, p0  }
0x20: {  	[sflag:s8] =	ssyncset.s32 @!p0 $0xFFFFF086;
	s6 =	sadd.s32 @!p0 s3, s7;
	s7 =	simm.s32 @!p0 $0x108  }
0x21: {  	s3 =	sadd.s32 s3, s9;
	s6 =	sadd.s32 @!p0 $0x88, s6;
	s7 =	simm.s32 @p2 $0x1082  }
0x22: {  	[simem:s7], [sflag:s8] =	dma.local @!p0 [hbm:s6], $0xF7A  }
0x23: {  	s9 =	sor.u32 $0xD0000000, s2;
	s6 =	simm.s32 $0x108;
	_ =	swait.ge @!p0 [sflag:s8], $0x0  }
0x24: {  	s3 =	sadd.s32 $0x88, s3;
	s6 =	simm.s32 @!p1 $0x1082;
	[sflag:s4] =	ssyncset.s32 $0xFFFFF086  }
0x25: {  	[simem:s6], [sflag:s4] =	dma.local [hbm:s3], $0xF7A  }
0x26: {  	[smem:$0x3F96] =	sst s1;
	(tag) =	ssettag s2;
	_ =	strace s9  }
0x27: {  	s1 =	sld [smem:$0x3FA6]  }
0x28: {  	s2 =	sld [smem:$0x3FA7]  }
0x29: {  	s4 =	sld [smem:$0x3FA9]  }
0x2a: {  	p0 =	seq.s32 s5, $0x0;
	s5 =	sld [smem:$0x3FAA]  }
0x2b: {  	s6 =	sld [smem:$0x3FAB]  }
0x2c: {  	s7 =	sld [smem:$0x3FAC]  }
0x2d: {  	s3 =	simm.s32 $0x108;
	s8 =	sld [smem:$0x3FAD]  }
0x2e: {  	s3 =	simm.s32 @!p0 $0x1082;
	s9 =	sld [smem:$0x3FAE]  }
0x2f: {  	lr =	sadd.s32 s0, s3;
	s0 =	sld [smem:$0x3FA5]  }
0x30: {  	s3 =	sld [smem:$0x3FA8]  }
0x31: {  	[smem:$0x3FB1] =	sst s10  }
0x32: {  	s10 =	sld [smem:$0x3FAF];
	_ =	sdelay $0x3  }
0x33: {  	p0 =	seq.s32 s10, $0x1;
	s10 =	sld [smem:$0x3FB1];
	_ =	sdelay $0x3  }
0x34: {  	[smem:$0x3FB1] =	sst s10  }
0x35: {  	s10 =	sld [smem:$0x3FB0];
	_ =	sdelay $0x3  }
0x36: {  	p1 =	seq.s32 s10, $0x1;
	s10 =	sld [smem:$0x3FB1];
	_ =	sdelay $0x3  }
0x37: {  	[smem:$0x3FB1] =	sst s10  }
0x38: {  	s10 =	sld [smem:$0x3FB2]  }
0x39: {  	_ = 	snop;
	(pc) =	sbr.ind lr, $3  }
0x3a: {  	_ = 	snop  }
0x3b: {  	_ = 	snop  }
0x3c: {  	p2 =	seq.s32 s10, $0x1;
	s10 =	sld [smem:$0x3FB1]  }
0x3d: {  	_ =	shalt  }
0x3e: {  	_ =	shalt  }
0x3f: {  	_ =	shalt  }
0x40: {  	_ =	shalt  }
0x41: {  	_ =	shalt  }
0x42: {  	_ =	shalt  }
0x43: {  	_ =	shalt  }
0x44: {  	_ =	shalt  }
0x45: {  	_ =	shalt  }
0x46: {  	_ =	shalt  }
0x47: {  	_ =	shalt  }
0x48: {  	_ =	shalt  }
0x49: {  	_ =	shalt  }
0x4a: {  	_ =	shalt  }
0x4b: {  	_ =	shalt  }
0x4c: {  	_ =	shalt  }
0x4d: {  	_ =	shalt  }
0x4e: {  	_ =	shalt  }
0x4f: {  	_ =	shalt  }
0x50: {  	_ =	shalt  }
0x51: {  	_ =	shalt  }
0x52: {  	_ =	shalt  }
0x53: {  	_ =	shalt  }
0x54: {  	_ =	shalt  }
0x55: {  	_ =	shalt  }
0x56: {  	_ =	shalt  }
0x57: {  	_ =	shalt  }
0x58: {  	_ =	shalt  }
0x59: {  	_ =	shalt  }
0x5a: {  	_ =	shalt  }
0x5b: {  	_ =	shalt  }
0x5c: {  	_ =	shalt  }
0x5d: {  	_ =	shalt  }
0x5e: {  	_ =	shalt  }
0x5f: {  	_ =	shalt  }
0x60: {  	_ =	shalt  }
0x61: {  	_ =	shalt  }
0x62: {  	_ =	shalt  }
0x63: {  	_ =	shalt  }
0x64: {  	_ =	shalt  }
0x65: {  	_ =	shalt  }
0x66: {  	_ =	shalt  }
0x67: {  	_ =	shalt  }
0x68: {  	_ =	shalt  }
0x69: {  	_ =	shalt  }
0x6a: {  	_ =	shalt  }
0x6b: {  	_ =	shalt  }
0x6c: {  	_ =	shalt  }
0x6d: {  	_ =	shalt  }
0x6e: {  	_ =	shalt  }
0x6f: {  	_ =	shalt  }
0x70: {  	_ =	shalt  }
0x71: {  	_ =	shalt  }
0x72: {  	_ =	shalt  }
0x73: {  	_ =	shalt  }
0x74: {  	_ =	shalt  }
0x75: {  	_ =	shalt  }
0x76: {  	_ =	shalt  }
0x77: {  	_ =	shalt  }
0x78: {  	_ =	shalt  }
0x79: {  	_ =	shalt  }
0x7a: {  	_ =	shalt  }
0x7b: {  	_ =	shalt  }
0x7c: {  	_ =	shalt  }
0x7d: {  	_ =	shalt  }
0x7e: {  	_ =	shalt  }
0x7f: {  	_ =	shalt  }
0x80: {  	_ =	shalt  }
0x81: {  	_ =	shalt  }
0x82: {  	_ =	shalt  }
0x83: {  	_ =	shalt  }
0x84: {  	_ =	shalt  }
0x85: {  	_ =	shalt  }
0x86: {  	_ =	shalt  }
0x87: {  	_ =	shalt  }
.Lfunc_end0:
.L_simem_size_0:
called_computation.3_lowered:
.L_overlay_start_0:
0x88: {  	s2 =	sld [smem:$0x3FD9]  }
0x89: {  	s3 =	sld [smem:$0x3FFE];
	_ =	sdelay $0x1  }
0x8a: {  	s1 =	srdreg.scid  }
0x8b: {  	s0 =	sand.u32 $0x1, s1  }
0x8c: {  	s17 =	sshll.u32 s0, $0xA;
	s2 =	sadd.s32 s3, s2  }
0x8d: {  	s2 =	sadd.s32 s2, s17  }
0x8e: {  	[smem:$0x3FBD] =	sst s2  }
0x8f: {  	_ = 	snop  }
0x90: {  	s2 =	sld [smem:$0x3FD0];
	(tm) =	ssettm $0x1  }
0x91: {  	s18 =	sld [smem:$0x3FFB];
	_ =	sdelay $0x3  }
0x92: {  	_ =	strace s18  }
0x93: {  	s3 =	sld [smem:$0x3FFC];
	_ =	sdelay $0x3  }
0x94: {  	_ =	strace s3  }
0x95: {  	s3 =	sld [smem:$0x3FFD];
	_ =	sdelay $0x3  }
0x96: {  	_ =	strace s3  }
0x97: {  	_ =	strace $0x8FFFFFFF  }
0x98: {  	s19 =	sld [smem:$0x3FDB];
	_ =	sdelay $0x1  }
0x99: {  	s4 =	simm.s32 $_scs_section_size  }
0x9a: {  	s5 =	simm.s32 $_size__tile_overlayer_lowered;
	s6 =	simm.s32 $_tile_overlayer_lowered  }
0x9b: {  	s22 =	simm.s32 $0x1BFF;
	s21 =	sshll.u32 s6, $0x1;
	s3 =	sadd.s32 s4, s19  }
0x9c: {  	s7 =	simm.s32 $0x0;
	s20 =	sshll.u32 s5, $0x1;
	s5 =	sadd.s32 s21, s3  }
0x9d: {  	[timem:s7], [sflag:s22] =	dma.local [hbm:s5], s20  }
0x9e: {  	_ =	swait.ge [sflag:s22], s20  }
0x9f: {  	s4 =	ssub.s32 $0x0, s20;
	[sflag:s22] =	ssyncset.done $0x0  }
0xa0: {  	[sflag:s22] =	ssyncadd.s32 s4;
	_ =	sdelay $0x1  }
0xa1: {  	s23 =	simm.s32 $0x1B8B  }
0xa2: {  	_ =	swait.ge [sflag:s23], $0x1  }
0xa3: {  	[sflag:s23] =	ssyncset.done $0x0  }
0xa4: {  	s25 =	simm.s32 $0x1B8E;
	s24 =	sld [smem:$0x3FFE];
	[sflag:s23] =	ssyncadd.s32 $0xFFFFFFFF  }
0xa5: {  	s26 =	simm.s32 $execute0_lowered;
	[smem:$0x3FD2] =	sst s25  }
0xa6: {  	s5 =	sshll.u32 s26, $0x1;
	_ =	strace $0x8000004F;
	[dreg:$0x1] =	wrdreg $0xFFFFFFFF  }
0xa7: {  	s28 =	simm.s32 $_size_execute0_lowered;
	s3 =	sadd.s32 s3, s5;
	[dreg:$0x0] =	wrdreg $0x0  }
0xa8: {  	s5 =	sshll.u32 s28, $0x1;
	[dreg:$0x2] =	wrdreg s3  }
0xa9: {  	[dreg:$0x3] =	wrdreg s5  }
0xaa: {  	[dreg:$0x4] =	wrdreg $0xC0  }
0xab: {  	_ =	task [dreg:s7], $0x5FFFF  }
0xac: {  	[dreg:$0x1] =	wrdreg $0xFFFFFFFF  }
0xad: {  	[dreg:$0x0] =	wrdreg $0x60  }
0xae: {  	[dreg:$0x2] =	wrdreg s24  }
0xaf: {  	[dreg:$0x3] =	wrdreg s2  }
0xb0: {  	[dreg:$0x4] =	wrdreg $0x9  }
0xb1: {  	_ =	task.clear_ibuf [dreg:s7], $0x5FFFF;
	_ =	strace $0x9000004F  }
0xb2: {  	s29 =	simm.s32 $0x9;
	_ =	strace $0x80000051  }
0xb3: {  	_ =	swait.ge [sflag:s29], $0x1  }
0xb4: {  	[sflag:s29] =	ssyncadd.s32 $0xFFFFFFFF  }
0xb5: {  	_ =	strace $0x90000051  }
0xb6: {  	_ =	sfence  }
0xb7: {  	s30 =	sld [smem:$0x0];
	_ =	sdelay $0x2  }
0xb8: {  	s31 =	sshll.u32 s1, $0xD;
	s1 =	sshrl.u32 s1, $0x2  }
0xb9: {  	s3 =	sand.u32 $0x4000, s31;
	s1 =	sadd.s32 s1, s30  }
0xba: {  	s0 =	sor.u32 s3, s0;
	s1 =	sshll.u32 s1, $0x11  }
0xbb: {  	s0 =	sor.u32 s1, s0  }
0xbc: {  	s0 =	sadd.s32 $0x8F2B, s0  }
0xbd: {  	[sflag:s0] =	ssyncadd.remote.s32 $0x1  }
0xbe: {  	_ =	sfence.sel $0xFFFF  }
0xbf: {  	[dreg:$0x0] =	wrdreg $0xFFFFFFFF;
	(pc) =	sbr.abs _section_cstart, $3  }
0xc0: {  	[dreg:$0x1] =	wrdreg $0xFFFFFFFF  }
0xc1: {  	_ =	task.clear_ibuf [dreg:s7], $0x2FFFF;
	_ =	strace $0x9FFFFFFF  }
0xc2: {  	(tm) =	ssettm $0x7FFFFFFF  }
0xc3: {  	_ =	shalt  }
tec
execute0_lowered:
.L_overlay_start_1:
0x0: {  	(tag) =	ssettag $0x1  }
0x1: {  	s5 =	rddreg [dreg:$0x0]  }
0x2: {  	s1 =	rddreg [dreg:$0x1];
	s2 =	srdreg.scid  }
0x3: {  	s0 =	rddreg [dreg:$0x2];
	s3 =	simm.s32 $0x0;
	s10 =	simm.s32 $0x80  }
0x4: {  	s11 =	simm.s32 $0x4880;
	s12 =	simm.s32 $0x0;
	s4 =	sand.u32 $0x1, s2  }
0x5: {  	s2 =	stileid.u32;
	[smem:$0x7FF] =	sst s3;
	s6 =	sshll.u32 s4, $0x4  }
.Ltmp0:
0x6: {  	s7 =	ssub.s32 $0x2, s4;
	_ =	strace $0x80000050;
	(pc) =	sbr.rel .LBB2_1-.Ltmp0, $4  }
0x7: {  	s4 =	sadd.s32 $0x4400, s5;
	s6 =	sor.u32 s2, s6;
	s9 =	sshrl.u32 s7, $0x1  }
0x8: {  	s8 =	sshll.u32 s6, $0x6;
	s7 =	ssub.s32 s7, s9;
	s31 =	sshll.u32 s6, $0x3  }
0x9: {  	s8 =	sadd.s32 s8, s5;
	s7 =	smax.u32 s7, $0x1;
	s9 =	sshrl.u32 s31, $0x2  }
0xa: {  	s5 =	sadd.s32 $0x52600, s8;
	s6 =	sadd.s32 $0x52620, s8;
	s8 =	simm.s32 $0x1  }
.LBB2_21:
0xb: {  	[tilespmem:$0x4880] =	vst v0  }
0xc: {  	[tilespmem:$0x4890] =	vst v15  }
0xd: {  	[tilespmem:$0x48A0] =	vst v14  }
0xe: {  	[tilespmem:$0x48B0] =	vst v6  }
0xf: {  	[tilespmem:$0x48C0] =	vst v8  }
0x10: {  	[tilespmem:$0x48D0] =	vst v5  }
0x11: {  	[tilespmem:$0x48E0] =	vst v3  }
0x12: {  	[tilespmem:$0x48F0] =	vst v4  }
0x13: {  	[tilespmem:$0x4900] =	vst v2  }
0x14: {  	[tilespmem:$0x4910] =	vst v12  }
0x15: {  	[tilespmem:$0x4920] =	vst v13  }
0x16: {  	[tilespmem:$0x4930] =	vst v11  }
0x17: {  	[tilespmem:$0x4940] =	vst v10  }
0x18: {  	[tilespmem:$0x4950] =	vst v9;
	s12 =	sadd.s32 $0x1, s12  }
0x19: {  	[tilespmem:$0x4960] =	vst v7;
	p0 =	sne.s32 s12, s7  }
.Ltmp1:
0x1a: {  	[tilespmem:$0x4970] =	vst v1;
	(pc) =	sbr.rel @!p0 .LBB2_22-.Ltmp1, $4  }
0x1b: {  	[hbm4b:s6+s3] =	stream.linear.scatter [tilespmem:s11], [sflag:$0x1], $0x100, $0x38;
	[tilespmem:$0x4980] =	vst v63  }
0x1c: {  	_ =	swait.ge [sflag:s8], $0x100  }
0x1d: {  	[sflag:s8] =	ssyncset.done $0x0  }
0x1e: {  	[sflag:s8] =	ssyncadd.s32 $0xFFFFFF00  }
.LBB2_1:
0x1f: {  	[tilespmem:s3], [sflag:$0x1] =	stream.linear.gather [hbm4b:s1+s3], $0x80, $0x38;
	[tilespmem:$0x4980] =	vst v63  }
0x20: {  	_ =	swait.ge [sflag:s8], $0x80  }
0x21: {  	[sflag:s8] =	ssyncset.done $0x0  }
0x22: {  	[sflag:s8] =	ssyncadd.s32 $0xFFFFFF80  }
0x23: {  	v0 =	vld [tilespmem:s9+$0x0];
	_ =	sdelay $0x4  }
0x24: {  	(v2sf) =	vpush v0, $0x0  }
0x25: {  	(v2sf) =	vpush v0, $0x1;
	_ =	sdelay $0xd  }
0x26: {  	(v2sf) =	vpush v0, $0x2;
	s15 =	spop (v2sf)  }
0x27: {  	s13 =	spop (v2sf)  }
0x28: {  	s16 =	ssub.s32 s13, s15  }
0x29: {  	s14 =	sadd.s32 $0x3F, s16  }
0x2a: {  	s17 =	sand.u32 $0x3F, s14  }
0x2b: {  	s18 =	sshra.s32 s14, $0x1F;
	p0 =	slt.s32 s14, $0x1;
	p1 =	sne.s32 s17, $0x0  }
0x2c: {  	s31 =	sshrl.u32 s18, $0x1A;
	p0 =	por !p0, !p1  }
0x2d: {  	s17 =	simm.s32 $0x1;
	s14 =	sadd.s32 s31, s14;
	p0 =	por !p0, !p0  }
0x2e: {  	s14 =	sshra.s32 s14, $0x6;
	s17 =	simm.s32 @!p0 $0x0  }
0x2f: {  	s17 =	ssub.s32 s14, s17  }
0x30: {  	v14 =	vimm.f32 $-Inf;
	v16 =	vimm.f32 $-Inf;
	p0 =	slt.s32 s17, $0x1  }
.Ltmp2:
0x31: {  	v15 =	vimm.f32 $-Inf;
	v9 =	vimm.f32 $-Inf;
	v11 =	vimm.f32 $-Inf;
	(pc) =	sbr.rel @p0 .LBB2_11-.Ltmp2, $4  }
0x32: {  	v8 =	vimm.f32 $-Inf;
	v4 =	vimm.f32 $-Inf;
	v3 =	vimm.f32 $-Inf  }
0x33: {  	v2 =	vimm.f32 $-Inf;
	v13 =	vimm.f32 $-Inf;
	v12 =	vimm.f32 $-Inf  }
0x34: {  	v10 =	vimm.f32 $-Inf;
	v7 =	vimm.f32 $-Inf;
	v6 =	vimm.f32 $-Inf  }
0x35: {  	v5 =	vimm.f32 $-Inf;
	v1 =	vimm.f32 $-Inf;
	v0 =	vimm.f32 $-Inf;
	s14 =	spop (v2sf)  }
0x36: {  	v1 =	vimm.f32 $-Inf  }
.Ltmp3:
0x37: {  	v5 =	vimm.f32 $-Inf;
	v6 =	vimm.f32 $-Inf;
	v7 =	vimm.f32 $-Inf;
	(pc) =	sbr.rel .LBB2_3-.Ltmp3, $4  }
0x38: {  	v10 =	vimm.f32 $-Inf;
	v12 =	vimm.f32 $-Inf;
	v13 =	vimm.f32 $-Inf  }
0x39: {  	v2 =	vimm.f32 $-Inf;
	v3 =	vimm.f32 $-Inf;
	v4 =	vimm.f32 $-Inf  }
0x3a: {  	s21 =	sand.u32 $0x7, s15;
	s18 =	sshll.u32 s15, $0x7;
	v8 =	vimm.f32 $-Inf;
	v11 =	vimm.f32 $-Inf;
	v9 =	vimm.f32 $-Inf  }
0x3b: {  	s19 =	sshll.u32 s15, $0x8;
	s20 =	simm.s32 $0x0;
	v15 =	vimm.f32 $-Inf;
	v16 =	vimm.f32 $-Inf;
	v14 =	vimm.f32 $-Inf;
	p0 =	sne.s32 s21, $0x0  }
.LBB2_5:
0x3c: {  	v17 =	vmov v13  }
0x3d: {  	v18 =	vmovc v12;
	v19 =	vmovc v10;
	v20 =	vmov v7;
	v21 =	vmov v6;
	v24 =	vmov v5  }
.LBB2_9:
0x3e: {  	s22 =	sor.u32 s26, s25;
	v28 =	vld @p1 [tilespmem:s21+$0x4E0]  }
0x3f: {  	v29 =	vld [tilespmem:s22+$0x4F0]  }
0x40: {  	v30 =	vld [tilespmem:s22+$0x80]  }
0x41: {  	v31 =	vld [tilespmem:s22+$0x90]  }
0x42: {  	v32 =	vld [tilespmem:s22+$0xA0]  }
0x43: {  	v33 =	vld [tilespmem:s22+$0xB0]  }
0x44: {  	v34 =	vld [tilespmem:s22+$0xC0]  }
0x45: {  	v35 =	vld [tilespmem:s22+$0xD0]  }
0x46: {  	v36 =	vld [tilespmem:s22+$0xE0]  }
0x47: {  	v37 =	vld [tilespmem:s22+$0xF0]  }
0x48: {  	v38 =	vld [tilespmem:s22+$0x480]  }
0x49: {  	v39 =	vld [tilespmem:s22+$0x490]  }
0x4a: {  	v17 =	vmax.f32 @p1 v17, v22;
	v59 =	vld [tilespmem:s22+$0x4A0]  }
0x4b: {  	v18 =	vmax.f32 @p1 v18, v23;
	v19 =	vmax.f32 @p1 v19, v25;
	v20 =	vmax.f32 @p1 v20, v26;
	v60 =	vld [tilespmem:s22+$0x4B0]  }
0x4c: {  	v21 =	vmax.f32 @p1 v21, v27;
	v61 =	vld [tilespmem:s22+$0x4C0];
	v13 =	vpsel p1, v17, v13;
	v12 =	vpsel p1, v18, v12  }
0x4d: {  	v62 =	vld [tilespmem:s22+$0x4D0];
	v10 =	vpsel p1, v19, v10;
	v7 =	vpsel p1, v20, v7;
	v6 =	vpsel p1, v21, v6  }
0x4e: {  	v63 =	vld [tilespmem:s22+$0x4E0];
	v24 =	vmax.f32 @p1 v24, v28;
	v1 =	vmax.f32 v1, v29;
	v14 =	vmax.f32 v14, v30  }
0x4f: {  	v16 =	vmax.f32 v16, v31;
	v15 =	vmax.f32 v15, v32;
	v9 =	vmax.f32 v9, v33  }
0x50: {  	v11 =	vmax.f32 v11, v34;
	v8 =	vmax.f32 v8, v35;
	v4 =	vmax.f32 v4, v36  }
0x51: {  	v3 =	vmax.f32 v3, v37;
	v2 =	vmax.f32 v2, v38;
	v5 =	vpsel p1, v24, v5  }
0x52: {  	v13 =	vmax.f32 v13, v39;
	v12 =	vmax.f32 v12, v59;
	v10 =	vmax.f32 v10, v60  }
0x53: {  	v7 =	vmax.f32 v7, v61;
	v6 =	vmax.f32 v6, v62;
	v5 =	vmax.f32 v5, v63  }
.LBB2_10:
0x54: {  	s20 =	sadd.s32 $0x1, s20  }
0x55: {  	p1 =	sne.s32 s20, s17  }
.Ltmp4:
0x56: {  	_ = 	snop;
	(pc) =	sbr.rel @!p1 .LBB2_11-.Ltmp4, $2  }
0x57: {  	_ =	sdelay $0x2  }
0x58: {  	s16 =	sadd.s32 $0xFFFFFFC0, s16;
	s18 =	sadd.s32 $0x2000, s18;
	s19 =	sadd.s32 $0x4000, s19  }
.LBB2_3:
0x59: {  	s21 =	sshll.u32 s20, $0x6  }
0x5a: {  	s22 =	sadd.s32 s15, s21  }
0x5b: {  	s21 =	sshra.s32 s22, $0x1F;
	p1 =	slt.s32 s22, $0x1  }
0x5c: {  	s21 =	sshrl.u32 s21, $0x1D;
	p1 =	por !p0, !p1  }
0x5d: {  	s23 =	simm.s32 $0x1;
	s21 =	sadd.s32 s21, s22;
	p1 =	por !p1, !p1  }
0x5e: {  	s21 =	sshrl.u32 s21, $0x3;
	s23 =	simm.s32 @!p1 $0x0  }
0x5f: {  	s21 =	ssub.s32 s21, s23  }
0x60: {  	s21 =	sshll.u32 s21, $0x3  }
0x61: {  	p1 =	slt.s32 s21, $0x26C8  }
0x62: {  	s22 =	ssub.s32 s13, s22;
	s21 =	simm.s32 @!p1 $0x26C8  }
0x63: {  	p1 =	slt.s32 s22, $0x1;
	s31 =	sshll.u32 s21, $0x5  }
.Ltmp5:
0x64: {  	s23 =	sadd.s32 s4, s31;
	(pc) =	sbr.rel @p1 .LBB2_10-.Ltmp5, $4  }
0x65: {  	[tilespmem:s10], [sflag:$0x1] =	stream.linear.gather [hbm4b:s23+s3], $0x4800, $0x38;
	[tilespmem:$0x4980] =	vst v63  }
0x66: {  	_ =	swait.ge [sflag:s8], $0x4800  }
0x67: {  	[sflag:s8] =	ssyncset.done $0x0  }
0x68: {  	[sflag:s8] =	ssyncadd.s32 $0xFFFFB800  }
0x69: {  	p1 =	sgt.s32 s16, $0x1;
	s22 =	smov.u32 s16  }
0x6a: {  	s22 =	simm.s32 @!p1 $0x1  }
0x6b: {  	s24 =	smin.u32 s22, $0x40  }
0x6c: {  	p2 =	sne.s32 s24, $0x1  }
.Ltmp6:
0x6d: {  	_ = 	snop;
	(pc) =	sbr.rel @!p2 .LBB2_5-.Ltmp6, $4  }
0x6e: {  	_ = 	snop  }
0x6f: {  	s23 =	sshll.u32 s21, $0x8;
	s31 =	sshll.u32 s21, $0x7  }
0x70: {  	p1 =	por $0x0, $0x0;
	s22 =	ssub.s32 s19, s23;
	s23 =	ssub.s32 s18, s31  }
0x71: {  	s25 =	sand.u32 $0xFFFFF800, s22;
	s26 =	sand.u32 $0x380, s23;
	s24 =	sadd.s32 $0xFFFFFFFF, s24  }
0x72: {  	s21 =	sor.u32 s26, s25  }
0x73: {  	v17 =	vld [tilespmem:s21+$0x4F0]  }
0x74: {  	v18 =	vld [tilespmem:s21+$0x80]  }
0x75: {  	v19 =	vld [tilespmem:s21+$0x90]  }
0x76: {  	v20 =	vld [tilespmem:s21+$0xA0]  }
0x77: {  	v21 =	vld [tilespmem:s21+$0xB0]  }
0x78: {  	v24 =	vld [tilespmem:s21+$0xC0]  }
0x79: {  	v26 =	vld [tilespmem:s21+$0xD0]  }
0x7a: {  	v27 =	vld [tilespmem:s21+$0xE0]  }
0x7b: {  	v28 =	vld [tilespmem:s21+$0xF0]  }
0x7c: {  	v29 =	vld [tilespmem:s21+$0x480]  }
0x7d: {  	p2 =	sne.s32 s24, $0x1  }
.Ltmp7:
0x7e: {  	v22 =	vld [tilespmem:s21+$0x490];
	v1 =	vmax.f32 v1, v17;
	(pc) =	sbr.rel @!p2 .LBB2_7-.Ltmp7, $4  }
0x7f: {  	v23 =	vld [tilespmem:s21+$0x4A0];
	v14 =	vmax.f32 v14, v18;
	v16 =	vmax.f32 v16, v19;
	v15 =	vmax.f32 v15, v20  }
0x80: {  	v25 =	vld [tilespmem:s21+$0x4B0];
	v9 =	vmax.f32 v9, v21;
	v11 =	vmax.f32 v11, v24;
	v8 =	vmax.f32 v8, v26  }
0x81: {  	s22 =	sadd.s32 $0x100, s22;
	s23 =	sadd.s32 $0x80, s23;
	s24 =	sadd.s32 $0xFFFFFFFF, s24;
	v26 =	vld [tilespmem:s21+$0x4C0];
	v4 =	vmax.f32 v4, v27;
	v3 =	vmax.f32 v3, v28;
	v2 =	vmax.f32 v2, v29;
	v17 =	vmovc v13  }
0x82: {  	p1 =	por $0x1, $0x1;
	s25 =	sand.u32 $0xFFFFF800, s22;
	s26 =	sand.u32 $0x380, s23;
	v27 =	vld [tilespmem:s21+$0x4D0];
	v18 =	vmovc v12;
	v19 =	vmovc v10;
	v20 =	vmov v7;
	v21 =	vmov v6;
	v24 =	vmov v5  }
.LBB2_8:
0x83: {  	p2 =	sne.s32 s24, $0x1;
	v17 =	vmax.f32 v17, v22;
	v22 =	vld [tilespmem:s21+$0x4E0];
	s21 =	sor.u32 s26, s25  }
0x84: {  	v18 =	vmax.f32 v18, v23;
	v28 =	vld [tilespmem:s21+$0x4F0]  }
0x85: {  	v19 =	vmax.f32 v19, v25;
	v23 =	vld [tilespmem:s21+$0x80]  }
0x86: {  	v20 =	vmax.f32 v20, v26;
	v25 =	vld [tilespmem:s21+$0x90]  }
0x87: {  	v21 =	vmax.f32 v21, v27;
	v26 =	vld [tilespmem:s21+$0xA0]  }
0x88: {  	v27 =	vld [tilespmem:s21+$0xB0];
	v24 =	vmax.f32 v24, v22  }
0x89: {  	v22 =	vld [tilespmem:s21+$0xC0];
	v1 =	vmax.f32 v1, v28  }
0x8a: {  	v14 =	vmax.f32 v14, v23;
	v23 =	vld [tilespmem:s21+$0xD0]  }
0x8b: {  	v16 =	vmax.f32 v16, v25;
	v25 =	vld [tilespmem:s21+$0xE0]  }
0x8c: {  	v15 =	vmax.f32 v15, v26;
	v26 =	vld [tilespmem:s21+$0xF0]  }
0x8d: {  	v9 =	vmax.f32 v9, v27;
	v27 =	vld [tilespmem:s21+$0x480]  }
.Ltmp8:
0x8e: {  	v11 =	vmax.f32 v11, v22;
	v22 =	vld [tilespmem:s21+$0x490];
	(pc) =	sbr.rel @p2 .LBB2_8-.Ltmp8, $4  }
0x8f: {  	v8 =	vmax.f32 v8, v23;
	v23 =	vld [tilespmem:s21+$0x4A0]  }
0x90: {  	v4 =	vmax.f32 v4, v25;
	v25 =	vld [tilespmem:s21+$0x4B0]  }
0x91: {  	s23 =	sadd.s32 $0x80, s23;
	s22 =	sadd.s32 $0x100, s22;
	v3 =	vmax.f32 v3, v26;
	v26 =	vld [tilespmem:s21+$0x4C0]  }
0x92: {  	s24 =	sadd.s32 $0xFFFFFFFF, s24;
	s25 =	sand.u32 $0xFFFFF800, s22;
	s26 =	sand.u32 $0x380, s23;
	v2 =	vmax.f32 v2, v27;
	v27 =	vld [tilespmem:s21+$0x4D0]  }
.Ltmp9:
0x93: {  	_ = 	snop;
	(pc) =	sbr.rel .LBB2_9-.Ltmp9, $1  }
0x94: {  	_ =	sdelay $0x3  }
.LBB2_7:
.Ltmp10:
0x95: {  	(pc) =	sbr.rel .LBB2_9-.Ltmp10, $3  }
0x96: {  	_ =	sdelay $0x1  }
0x97: {  	v17 =	vmov v13  }
0x98: {  	v18 =	vmovc v12;
	v19 =	vmovc v10;
	v20 =	vmov v7;
	v21 =	vmov v6;
	v24 =	vmov v5  }
.LBB2_11:
0x99: {  	[tilespmem:$0x4880] =	vst v14  }
0x9a: {  	[tilespmem:$0x4890] =	vst v16  }
0x9b: {  	[tilespmem:$0x48A0] =	vst v15  }
0x9c: {  	[tilespmem:$0x48B0] =	vst v9  }
0x9d: {  	[tilespmem:$0x48C0] =	vst v11  }
0x9e: {  	[tilespmem:$0x48D0] =	vst v8  }
0x9f: {  	[tilespmem:$0x48E0] =	vst v4;
	s15 =	ssub.s32 s14, s13  }
0xa0: {  	[tilespmem:$0x48F0] =	vst v3;
	s16 =	sadd.s32 $0x3F, s15  }
0xa1: {  	[tilespmem:$0x4900] =	vst v2;
	s17 =	sand.u32 $0x3F, s16  }
0xa2: {  	[tilespmem:$0x4910] =	vst v13;
	s31 =	sshra.s32 s16, $0x1F;
	p1 =	slt.s32 s16, $0x1;
	p0 =	sne.s32 s17, $0x0  }
0xa3: {  	[tilespmem:$0x4920] =	vst v12;
	s17 =	sshrl.u32 s31, $0x1A;
	p0 =	por !p1, !p0  }
0xa4: {  	[tilespmem:$0x4930] =	vst v10;
	s16 =	sadd.s32 s17, s16;
	s17 =	simm.s32 $0x1;
	p0 =	por !p0, !p0  }
0xa5: {  	[tilespmem:$0x4940] =	vst v7;
	s16 =	sshra.s32 s16, $0x6;
	s17 =	simm.s32 @!p0 $0x0  }
0xa6: {  	[tilespmem:$0x4950] =	vst v6;
	s16 =	ssub.s32 s16, s17  }
0xa7: {  	[tilespmem:$0x4960] =	vst v5;
	p0 =	slt.s32 s16, $0x1  }
.Ltmp11:
0xa8: {  	[tilespmem:$0x4970] =	vst v1;
	v15 =	vimm.f32 $-Inf;
	v14 =	vimm.f32 $-Inf;
	v6 =	vimm.f32 $-Inf;
	(pc) =	sbr.rel @p0 .LBB2_21-.Ltmp11, $4  }
0xa9: {  	v8 =	vimm.f32 $-Inf;
	v5 =	vimm.f32 $-Inf;
	v3 =	vimm.f32 $-Inf;
	[hbm4b:s5+s3] =	stream.linear.scatter [tilespmem:s11], [sflag:$0x1], $0x100, $0x38;
	[tilespmem:$0x4980] =	vst v63  }
0xaa: {  	v4 =	vimm.f32 $-Inf;
	v2 =	vimm.f32 $-Inf;
	v12 =	vimm.f32 $-Inf;
	_ =	swait.ge [sflag:s8], $0x100  }
0xab: {  	v13 =	vimm.f32 $-Inf;
	v11 =	vimm.f32 $-Inf;
	v10 =	vimm.f32 $-Inf;
	[sflag:s8] =	ssyncset.done $0x0  }
0xac: {  	v9 =	vimm.f32 $-Inf;
	v7 =	vimm.f32 $-Inf;
	v1 =	vimm.f32 $-Inf;
	[sflag:s8] =	ssyncadd.s32 $0xFFFFFF00  }
0xad: {  	v1 =	vimm.f32 $-Inf  }
.Ltmp12:
0xae: {  	v7 =	vimm.f32 $-Inf;
	v9 =	vimm.f32 $-Inf;
	v10 =	vimm.f32 $-Inf;
	(pc) =	sbr.rel .LBB2_13-.Ltmp12, $4  }
0xaf: {  	v11 =	vimm.f32 $-Inf;
	v13 =	vimm.f32 $-Inf;
	v12 =	vimm.f32 $-Inf  }
0xb0: {  	v2 =	vimm.f32 $-Inf;
	v4 =	vimm.f32 $-Inf;
	v3 =	vimm.f32 $-Inf  }
0xb1: {  	s20 =	sand.u32 $0x7, s13;
	s17 =	sshll.u32 s13, $0x7;
	v5 =	vimm.f32 $-Inf;
	v8 =	vimm.f32 $-Inf;
	v6 =	vimm.f32 $-Inf  }
0xb2: {  	s18 =	sshll.u32 s13, $0x8;
	s19 =	simm.s32 $0x0;
	v14 =	vimm.f32 $-Inf;
	v15 =	vimm.f32 $-Inf;
	v0 =	vimm.f32 $-Inf;
	p0 =	sne.s32 s20, $0x0  }
.LBB2_15:
0xb3: {  	v16 =	vmov v12  }
0xb4: {  	v17 =	vmovc v13;
	v18 =	vmovc v11;
	v19 =	vmov v10;
	v20 =	vmov v9;
	v23 =	vmov v7  }
.LBB2_19:
0xb5: {  	s21 =	sor.u32 s25, s24;
	v27 =	vld @p1 [tilespmem:s20+$0x4E0]  }
0xb6: {  	v28 =	vld [tilespmem:s21+$0x4F0]  }
0xb7: {  	v29 =	vld [tilespmem:s21+$0x80]  }
0xb8: {  	v30 =	vld [tilespmem:s21+$0x90]  }
0xb9: {  	v31 =	vld [tilespmem:s21+$0xA0]  }
0xba: {  	v32 =	vld [tilespmem:s21+$0xB0]  }
0xbb: {  	v33 =	vld [tilespmem:s21+$0xC0]  }
0xbc: {  	v34 =	vld [tilespmem:s21+$0xD0]  }
0xbd: {  	v35 =	vld [tilespmem:s21+$0xE0]  }
0xbe: {  	v36 =	vld [tilespmem:s21+$0xF0]  }
0xbf: {  	v37 =	vld [tilespmem:s21+$0x480]  }
0xc0: {  	v38 =	vld [tilespmem:s21+$0x490]  }
0xc1: {  	v16 =	vmax.f32 @p1 v16, v21;
	v59 =	vld [tilespmem:s21+$0x4A0]  }
0xc2: {  	v17 =	vmax.f32 @p1 v17, v22;
	v18 =	vmax.f32 @p1 v18, v24;
	v19 =	vmax.f32 @p1 v19, v25;
	v60 =	vld [tilespmem:s21+$0x4B0]  }
0xc3: {  	v20 =	vmax.f32 @p1 v20, v26;
	v61 =	vld [tilespmem:s21+$0x4C0];
	v12 =	vpsel p1, v16, v12;
	v13 =	vpsel p1, v17, v13  }
0xc4: {  	v62 =	vld [tilespmem:s21+$0x4D0];
	v11 =	vpsel p1, v18, v11;
	v10 =	vpsel p1, v19, v10;
	v9 =	vpsel p1, v20, v9  }
0xc5: {  	v63 =	vld [tilespmem:s21+$0x4E0];
	v23 =	vmax.f32 @p1 v23, v27;
	v1 =	vmax.f32 v1, v28;
	v0 =	vmax.f32 v0, v29  }
0xc6: {  	v15 =	vmax.f32 v15, v30;
	v14 =	vmax.f32 v14, v31;
	v6 =	vmax.f32 v6, v32  }
0xc7: {  	v8 =	vmax.f32 v8, v33;
	v5 =	vmax.f32 v5, v34;
	v3 =	vmax.f32 v3, v35  }
0xc8: {  	v4 =	vmax.f32 v4, v36;
	v2 =	vmax.f32 v2, v37;
	v7 =	vpsel p1, v23, v7  }
0xc9: {  	v12 =	vmax.f32 v12, v38;
	v13 =	vmax.f32 v13, v59;
	v11 =	vmax.f32 v11, v60  }
0xca: {  	v10 =	vmax.f32 v10, v61;
	v9 =	vmax.f32 v9, v62;
	v7 =	vmax.f32 v7, v63  }
.LBB2_20:
0xcb: {  	s19 =	sadd.s32 $0x1, s19  }
0xcc: {  	p1 =	sne.s32 s19, s16  }
.Ltmp13:
0xcd: {  	_ = 	snop;
	(pc) =	sbr.rel @!p1 .LBB2_21-.Ltmp13, $2  }
0xce: {  	_ =	sdelay $0x2  }
0xcf: {  	s15 =	sadd.s32 $0xFFFFFFC0, s15;
	s17 =	sadd.s32 $0x2000, s17;
	s18 =	sadd.s32 $0x4000, s18  }
.LBB2_13:
0xd0: {  	s20 =	sshll.u32 s19, $0x6  }
0xd1: {  	s21 =	sadd.s32 s13, s20  }
0xd2: {  	s20 =	sshra.s32 s21, $0x1F;
	p1 =	slt.s32 s21, $0x1  }
0xd3: {  	s20 =	sshrl.u32 s20, $0x1D;
	p1 =	por !p0, !p1  }
0xd4: {  	s22 =	simm.s32 $0x1;
	s20 =	sadd.s32 s20, s21;
	p1 =	por !p1, !p1  }
0xd5: {  	s20 =	sshrl.u32 s20, $0x3;
	s22 =	simm.s32 @!p1 $0x0  }
0xd6: {  	s20 =	ssub.s32 s20, s22  }
0xd7: {  	s20 =	sshll.u32 s20, $0x3  }
0xd8: {  	p1 =	slt.s32 s20, $0x26C8  }
0xd9: {  	s21 =	ssub.s32 s14, s21;
	s20 =	simm.s32 @!p1 $0x26C8  }
0xda: {  	p1 =	slt.s32 s21, $0x1;
	s31 =	sshll.u32 s20, $0x5  }
.Ltmp14:
0xdb: {  	s22 =	sadd.s32 s4, s31;
	(pc) =	sbr.rel @p1 .LBB2_20-.Ltmp14, $4  }
0xdc: {  	[tilespmem:s10], [sflag:$0x1] =	stream.linear.gather [hbm4b:s22+s3], $0x4800, $0x38;
	[tilespmem:$0x4980] =	vst v63  }
0xdd: {  	_ =	swait.ge [sflag:s8], $0x4800  }
0xde: {  	[sflag:s8] =	ssyncset.done $0x0  }
0xdf: {  	[sflag:s8] =	ssyncadd.s32 $0xFFFFB800  }
0xe0: {  	p1 =	sgt.s32 s15, $0x1;
	s21 =	smov.u32 s15  }
0xe1: {  	s21 =	simm.s32 @!p1 $0x1  }
0xe2: {  	s23 =	smin.u32 s21, $0x40  }
0xe3: {  	p2 =	sne.s32 s23, $0x1  }
.Ltmp15:
0xe4: {  	_ = 	snop;
	(pc) =	sbr.rel @!p2 .LBB2_15-.Ltmp15, $4  }
0xe5: {  	_ = 	snop  }
0xe6: {  	s22 =	sshll.u32 s20, $0x8;
	s31 =	sshll.u32 s20, $0x7  }
0xe7: {  	p1 =	por $0x0, $0x0;
	s21 =	ssub.s32 s18, s22;
	s22 =	ssub.s32 s17, s31  }
0xe8: {  	s24 =	sand.u32 $0xFFFFF800, s21;
	s25 =	sand.u32 $0x380, s22;
	s23 =	sadd.s32 $0xFFFFFFFF, s23  }
0xe9: {  	s20 =	sor.u32 s25, s24  }
0xea: {  	v16 =	vld [tilespmem:s20+$0x4F0]  }
0xeb: {  	v17 =	vld [tilespmem:s20+$0x80]  }
0xec: {  	v18 =	vld [tilespmem:s20+$0x90]  }
0xed: {  	v19 =	vld [tilespmem:s20+$0xA0]  }
0xee: {  	v20 =	vld [tilespmem:s20+$0xB0]  }
0xef: {  	v23 =	vld [tilespmem:s20+$0xC0]  }
0xf0: {  	v25 =	vld [tilespmem:s20+$0xD0]  }
0xf1: {  	v26 =	vld [tilespmem:s20+$0xE0]  }
0xf2: {  	v27 =	vld [tilespmem:s20+$0xF0]  }
0xf3: {  	v28 =	vld [tilespmem:s20+$0x480]  }
0xf4: {  	p2 =	sne.s32 s23, $0x1  }
.Ltmp16:
0xf5: {  	v21 =	vld [tilespmem:s20+$0x490];
	v1 =	vmax.f32 v1, v16;
	(pc) =	sbr.rel @!p2 .LBB2_17-.Ltmp16, $4  }
0xf6: {  	v22 =	vld [tilespmem:s20+$0x4A0];
	v0 =	vmax.f32 v0, v17;
	v15 =	vmax.f32 v15, v18;
	v14 =	vmax.f32 v14, v19  }
0xf7: {  	v24 =	vld [tilespmem:s20+$0x4B0];
	v6 =	vmax.f32 v6, v20;
	v8 =	vmax.f32 v8, v23;
	v5 =	vmax.f32 v5, v25  }
0xf8: {  	s21 =	sadd.s32 $0x100, s21;
	s22 =	sadd.s32 $0x80, s22;
	s23 =	sadd.s32 $0xFFFFFFFF, s23;
	v25 =	vld [tilespmem:s20+$0x4C0];
	v3 =	vmax.f32 v3, v26;
	v4 =	vmax.f32 v4, v27;
	v2 =	vmax.f32 v2, v28;
	v16 =	vmovc v12  }
0xf9: {  	p1 =	por $0x1, $0x1;
	s24 =	sand.u32 $0xFFFFF800, s21;
	s25 =	sand.u32 $0x380, s22;
	v26 =	vld [tilespmem:s20+$0x4D0];
	v17 =	vmovc v13;
	v18 =	vmovc v11;
	v19 =	vmov v10;
	v20 =	vmov v9;
	v23 =	vmov v7  }
.LBB2_18:
0xfa: {  	p2 =	sne.s32 s23, $0x1;
	v16 =	vmax.f32 v16, v21;
	v21 =	vld [tilespmem:s20+$0x4E0];
	s20 =	sor.u32 s25, s24  }
0xfb: {  	v17 =	vmax.f32 v17, v22;
	v27 =	vld [tilespmem:s20+$0x4F0]  }
0xfc: {  	v18 =	vmax.f32 v18, v24;
	v22 =	vld [tilespmem:s20+$0x80]  }
0xfd: {  	v19 =	vmax.f32 v19, v25;
	v24 =	vld [tilespmem:s20+$0x90]  }
0xfe: {  	v20 =	vmax.f32 v20, v26;
	v25 =	vld [tilespmem:s20+$0xA0]  }
0xff: {  	v26 =	vld [tilespmem:s20+$0xB0];
	v23 =	vmax.f32 v23, v21  }
0x100: {  	v21 =	vld [tilespmem:s20+$0xC0];
	v1 =	vmax.f32 v1, v27  }
0x101: {  	v0 =	vmax.f32 v0, v22;
	v22 =	vld [tilespmem:s20+$0xD0]  }
0x102: {  	v15 =	vmax.f32 v15, v24;
	v24 =	vld [tilespmem:s20+$0xE0]  }
0x103: {  	v14 =	vmax.f32 v14, v25;
	v25 =	vld [tilespmem:s20+$0xF0]  }
0x104: {  	v6 =	vmax.f32 v6, v26;
	v26 =	vld [tilespmem:s20+$0x480]  }
.Ltmp17:
0x105: {  	v8 =	vmax.f32 v8, v21;
	v21 =	vld [tilespmem:s20+$0x490];
	(pc) =	sbr.rel @p2 .LBB2_18-.Ltmp17, $4  }
0x106: {  	v5 =	vmax.f32 v5, v22;
	v22 =	vld [tilespmem:s20+$0x4A0]  }
0x107: {  	v3 =	vmax.f32 v3, v24;
	v24 =	vld [tilespmem:s20+$0x4B0]  }
0x108: {  	s22 =	sadd.s32 $0x80, s22;
	s21 =	sadd.s32 $0x100, s21;
	v4 =	vmax.f32 v4, v25;
	v25 =	vld [tilespmem:s20+$0x4C0]  }
0x109: {  	s23 =	sadd.s32 $0xFFFFFFFF, s23;
	s24 =	sand.u32 $0xFFFFF800, s21;
	s25 =	sand.u32 $0x380, s22;
	v2 =	vmax.f32 v2, v26;
	v26 =	vld [tilespmem:s20+$0x4D0]  }
.Ltmp18:
0x10a: {  	_ = 	snop;
	(pc) =	sbr.rel .LBB2_19-.Ltmp18, $1  }
0x10b: {  	_ =	sdelay $0x3  }
.LBB2_17:
.Ltmp19:
0x10c: {  	(pc) =	sbr.rel .LBB2_19-.Ltmp19, $3  }
0x10d: {  	_ =	sdelay $0x1  }
0x10e: {  	v16 =	vmov v12  }
0x10f: {  	v17 =	vmovc v13;
	v18 =	vmovc v11;
	v19 =	vmov v10;
	v20 =	vmov v9;
	v23 =	vmov v7  }
.LBB2_22:
0x110: {  	_ =	sfence.sel $0x180000  }
0x111: {  	[bflag:$0x0] =	sbarrier.arrive $0xFFFF  }
0x112: {  	p0 =	sne.s32 s2, $0x0;
	_ =	strace $0x90000050  }
0x113: {  	s0 =	sadd.s32 @!p0 $0x100000, s0;
	[bflag:$0x2] =	sbarrier.arrive $0xFFFF  }
0x114: {  	[sflag:s0] =	ssyncadd.tile.s32 @!p0 $0x1;
	_ =	shalt  }
.Lfunc_end2:
_tile_overlayer_lowered:
.L_overlay_start_2:
0x115: {  	(tag) =	ssettag $0x2  }
0x116: {  	s0 =	rddreg [dreg:$0x0];
	s2 =	stileid.u32  }
0x117: {  	s1 =	rddreg [dreg:$0x1];
	p0 =	sne.s32 s2, $0x0  }
0x118: {  	s3 =	rddreg [dreg:$0x2];
	[bflag:$0x3] =	sbarrier.arrive $0xFFFF;
	s2 =	simm.s32 @!p0 $0x1C01  }
0x119: {  	[timem:s3], [sflag:s2] =	dma.local @!p0 [hbm:s0], s1  }
0x11a: {  	s0 =	simm.s32 @!p0 $0x1  }
0x11b: {  	_ =	swait.ge @!p0 [sflag:s0], s1  }
0x11c: {  	s1 =	ssub.s32 @!p0 $0x0, s1;
	[sflag:s0] =	ssyncset.done @!p0 $0x0  }
0x11d: {  	[sflag:s0] =	ssyncadd.s32 @!p0 s1  }
0x11e: {  	[bflag:$0x3] =	sbarrier.arrive $0xFFFF  }
0x11f: {  	_ =	shalt  }

</sc_bundles>
